<compile_context>
chip_gen: v7x
topology: tpu7x:2x2x1
jax: 0.10.2.dev20260603
libtpu: 0.0.44.dev20260713+nightly
codegen_flags: <defaults>
</compile_context>

<pallas_src>
import jax
import jax.numpy as jnp
from jax import lax
from jax.experimental import pallas as pl
from jax.experimental.pallas import tpu as pltpu
from jax.experimental.pallas import tpu_sc as plsc

_R = 128
_V = 100000
_VP = 100352
_WIN = 6272
_NWIN = _VP // _WIN
_NW = 32
_RPW = _R // _NW
_VREGS_PER_WIN = _WIN // 16
_LANES = 128
_NCHUNK = _V // _LANES
_TAILN = _V - _NCHUNK * _LANES


def _softmax_body(x_ref, p_ref):
    br = x_ref.shape[0]
    x = x_ref[...]
    m = jnp.max(x, axis=-1, keepdims=True)
    u = jnp.exp(x - m)
    p_ref[:, :_V] = u
    p_ref[:, _V:] = jnp.zeros((br, _VP - _V), jnp.float32)
    acc = jnp.zeros((br, _LANES), jnp.float32)

    def step(c, a):
        return a + p_ref[:, pl.ds(c * _LANES, _LANES)]

    acc = lax.fori_loop(0, _NCHUNK + 1, step, acc)
    w = _LANES
    while w > 1:
        w //= 2
        acc = acc[:, :w] + acc[:, w : 2 * w]
    z = acc
    r = 1.0 / z
    p_ref[:, :_V] = p_ref[:, :_V] * r


def _softmax(logits, rows):
    br = 8
    return pl.pallas_call(
        _softmax_body,
        grid=(rows // br,),
        in_specs=[pl.BlockSpec((br, _V), lambda i: (i, 0))],
        out_specs=pl.BlockSpec((br, _VP), lambda i: (i, 0)),
        out_shape=jax.ShapeDtypeStruct((rows, _VP), jnp.float32),
    )(logits)


_NBIT = 11
_NBINS = 1 << _NBIT
_MASKD = _NBINS - 1
_NPASS = 3


def _zero_bins(ref):
    def zstep(i, _):
        ref[pl.ds(i * 16, 16)] = jnp.zeros((16,), jnp.int32)
        return 0

    lax.fori_loop(0, _NBINS // 16, zstep, 0)


def _make_sc_sort_kernel(rpw):
  def _sc_sort_kernel(p_hbm, out_hbm, scr_hbm, rowbuf, inwin0, inwin1, cur,
                      hist, sem):
    cid = lax.axis_index("c")
    sid = lax.axis_index("s")
    wid = cid * 16 + sid

    for j in range(rpw):
        row = wid * rpw + j

        _zero_bins(hist)

        def _histvecs(buf):
            def prevec(v, _):
                k = buf[pl.ds(v * 16, 16)]
                b = plsc.bitcast(k, jnp.int32)
                dig = b & _MASKD
                occ, last = plsc.scan_count(dig)
                plsc.addupdate_scatter(hist, [dig], occ, mask=last)
                return 0

            lax.fori_loop(0, _VREGS_PER_WIN, prevec, 0)

        pltpu.make_async_copy(
            p_hbm.at[row, pl.ds(0, _WIN)], inwin0, sem).start()

        def prewin(w2, _):
            w = w2 * 2
            pltpu.make_async_copy(
                p_hbm.at[row, pl.ds(w * _WIN, _WIN)], inwin0, sem).wait()
            pltpu.make_async_copy(
                p_hbm.at[row, pl.ds((w + 1) * _WIN, _WIN)], inwin1,
                sem).start()
            _histvecs(inwin0)
            pltpu.make_async_copy(
                p_hbm.at[row, pl.ds((w + 1) * _WIN, _WIN)], inwin1,
                sem).wait()

            @pl.when(w + 2 < _NWIN)
            def _():
                pltpu.make_async_copy(
                    p_hbm.at[row, pl.ds((w + 2) * _WIN, _WIN)], inwin0,
                    sem).start()

            _histvecs(inwin1)
            return 0

        lax.fori_loop(0, _NWIN // 2, prewin, 0)

        for d in range(_NPASS):
            def scanstep(i, carry):
                g = hist[pl.ds(i * 16, 16)]
                s = plsc.cumsum(g)
                cur[pl.ds(i * 16, 16)] = s - g + carry
                return carry + jnp.sum(g)

            lax.fori_loop(0, _NBINS // 16, scanstep,
                          jnp.zeros((16,), jnp.int32))
            _zero_bins(hist)

            src = (p_hbm, scr_hbm, out_hbm)[d]
            dst = (scr_hbm, out_hbm, out_hbm)[d]

            def _permvecs(buf, d=d):
                def dovec(v, _):
                    k = buf[pl.ds(v * 16, 16)]
                    b = plsc.bitcast(k, jnp.int32)
                    dig = (b >> (_NBIT * d)) & _MASKD
                    occ, last = plsc.scan_count(dig)
                    base = plsc.load_gather(cur, [dig])
                    plsc.store_scatter(rowbuf, [base + occ - 1], k)
                    plsc.addupdate_scatter(cur, [dig], occ, mask=last)
                    if d < _NPASS - 1:
                        dig2 = (b >> (_NBIT * (d + 1))) & _MASKD
                        occ2, last2 = plsc.scan_count(dig2)
                        plsc.addupdate_scatter(hist, [dig2], occ2, mask=last2)
                    return 0

                lax.fori_loop(0, _VREGS_PER_WIN, dovec, 0)

            pltpu.make_async_copy(
                src.at[row, pl.ds(0, _WIN)], inwin0, sem).start()

            def dowin(w2, _):
                w = w2 * 2
                pltpu.make_async_copy(
                    src.at[row, pl.ds(w * _WIN, _WIN)], inwin0, sem).wait()
                pltpu.make_async_copy(
                    src.at[row, pl.ds((w + 1) * _WIN, _WIN)], inwin1,
                    sem).start()
                _permvecs(inwin0)
                pltpu.make_async_copy(
                    src.at[row, pl.ds((w + 1) * _WIN, _WIN)], inwin1,
                    sem).wait()

                @pl.when(w + 2 < _NWIN)
                def _():
                    pltpu.make_async_copy(
                        src.at[row, pl.ds((w + 2) * _WIN, _WIN)], inwin0,
                        sem).start()

                _permvecs(inwin1)
                return 0

            lax.fori_loop(0, _NWIN // 2, dowin, 0)
            pltpu.sync_copy(rowbuf, dst.at[row])

  return _sc_sort_kernel


def _sc_sort(p_pad, rows):
    mesh = plsc.VectorSubcoreMesh(core_axis_name="c", subcore_axis_name="s")
    out, _scr = pl.kernel(
        _make_sc_sort_kernel(rows // _NW),
        out_type=[jax.ShapeDtypeStruct((rows, _VP), jnp.float32),
                  jax.ShapeDtypeStruct((rows, _VP), jnp.float32)],
        mesh=mesh,
        compiler_params=pltpu.CompilerParams(needs_layout_passes=False),
        scratch_types=[
            pltpu.VMEM((_VP,), jnp.float32),
            pltpu.VMEM((_WIN,), jnp.float32),
            pltpu.VMEM((_WIN,), jnp.float32),
            pltpu.VMEM((_NBINS,), jnp.int32),
            pltpu.VMEM((_NBINS,), jnp.int32),
            pltpu.SemaphoreType.DMA,
        ],
    )(p_pad)
    return out


def _cumsum_lanes(x):
    br, n = x.shape
    s = 1
    while s < n:
        shifted = jnp.concatenate(
            [jnp.zeros((br, s), x.dtype), x[:, : n - s]], axis=1)
        x = x + shifted
        s *= 2
    return x


def _finish_body(p_ref, s_ref, g_ref, o_ref):
    br = p_ref.shape[0]
    s_asc = s_ref[...]
    p = p_ref[...]
    g = g_ref[...]

    iota = lax.broadcasted_iota(jnp.int32, (br, _VP), 1)
    a_inc = _cumsum_lanes(s_asc)
    tot = a_inc[:, _VP - 1 :]
    c_desc = tot - a_inc + s_asc
    kept = c_desc <= jnp.float32(0.9)
    kept = jnp.logical_and(kept, s_asc > 0)
    skept = jnp.sum(jnp.where(kept, s_asc, 0.0), axis=-1, keepdims=True)
    t = jnp.where(kept, s_asc * (1.0 / skept), 0.0)
    w = jnp.log(t + 1e-30) + g
    wmax = jnp.max(w, axis=-1, keepdims=True)
    a_star = jnp.max(jnp.where(w == wmax, iota, -1), axis=-1, keepdims=True)
    i_star = (_VP - 1) - a_star
    p_star = jnp.sum(jnp.where(iota == a_star, s_asc, 0.0), axis=-1,
                     keepdims=True)
    n_greater = jnp.sum(jnp.where(p > p_star, 1, 0), axis=-1, keepdims=True)
    m_rank = i_star - n_greater
    eq = p == p_star
    cnt = _cumsum_lanes(jnp.where(eq, 1, 0).astype(jnp.int32))
    hit = jnp.logical_and(eq, cnt == (m_rank + 1))
    token = jnp.min(jnp.where(hit, iota, _VP), axis=-1, keepdims=True)
    o_ref[...] = token


def _finish(p_pad, s_asc, g_asc):
    br = 8
    rows = p_pad.shape[0]
    return pl.pallas_call(
        _finish_body,
        grid=(rows // br,),
        in_specs=[
            pl.BlockSpec((br, _VP), lambda i: (i, 0)),
            pl.BlockSpec((br, _VP), lambda i: (i, 0)),
            pl.BlockSpec((br, _VP), lambda i: (i, 0)),
        ],
        out_specs=pl.BlockSpec((br, 1), lambda i: (i, 0)),
        out_shape=jax.ShapeDtypeStruct((rows, 1), jnp.int32),
    )(p_pad, s_asc, g_asc)


def kernel(logits):
    skey = jax.random.fold_in(jax.random.key(0), 1)
    g = jax.random.gumbel(skey, (_R, _V), jnp.float32)
    g_asc = jnp.concatenate(
        [jnp.full((_R, _VP - _V), -jnp.inf, jnp.float32), g[:, ::-1]], axis=1)
    h = _R // 4
    toks = []
    for i in range(4):
        li = lax.slice_in_dim(logits, i * h, (i + 1) * h, axis=0)
        gi = lax.slice_in_dim(g_asc, i * h, (i + 1) * h, axis=0)
        p = _softmax(li, h)
        s = _sc_sort(p, h)
        toks.append(_finish(p, s, gi))
    return jnp.concatenate(toks, axis=0)[:, 0]

# --- scband reference (transcript-rebuilt; emitter-appended) ---
"""Pipeline reference for scband-mirostat-sampler-60224031425016 (READ-ONLY COPY).

The authoritative reference and input builder live on the scoring server;
editing this copy changes nothing except your own understanding.
"""

import jax, jax.numpy as jnp
import numpy as np


def setup_inputs(seed: int = 0) -> dict:
    key = jax.random.key(seed)
    logits = jax.random.normal(key, (128, 100000), dtype=jnp.float32)
    return {"logits": logits}


def reference(logits):
    # Mirostat sampler forward pass (initial state: temperature = 1.0)
    temperature = 1.0
    tempered_logits = logits / temperature
    probs = jax.nn.softmax(tempered_logits, axis=-1)
    # descending sort (torch.sort(descending=True))
    sorted_indices = jnp.argsort(-probs, axis=-1)
    sorted_probs = jnp.take_along_axis(probs, sorted_indices, axis=-1)
    cumulative_probs = jnp.cumsum(sorted_probs, axis=-1)
    cutoff_mask = cumulative_probs > 1.0 - 1.0 / (temperature * 10.0)
    # truncate: zero out masked entries, renormalize
    truncated_probs = jnp.where(cutoff_mask, 0.0, sorted_probs)
    truncated_probs = truncated_probs / jnp.sum(truncated_probs, axis=-1, keepdims=True)
    # Categorical sample (deterministic key for reproducibility)
    skey = jax.random.fold_in(jax.random.key(0), 1)
    sample_idx = jax.random.categorical(skey, jnp.log(truncated_probs + 1e-30), axis=-1)
    token_idx = jnp.take_along_axis(sorted_indices, sample_idx[..., None], axis=-1).squeeze(-1)
    return token_idx

if __name__ == "__main__":
    import jax
    _d = setup_inputs()
    print(jax.jit(kernel)(*tuple(_d.values())))

</pallas_src>

<mosaic_0001>
#map = affine_map<(d0, d1) -> (0, 0)>
module attributes {stable_mosaic.version = 14 : i64} {
  func.func @_sc_sort_kernel(%arg0: i32, %arg1: i32, %arg2: memref<32x100352xf32, #tpu.memory_space<hbm>>, %arg3: memref<32x100352xf32, #tpu.memory_space<hbm>>, %arg4: memref<32x100352xf32, #tpu.memory_space<hbm>>, %arg5: memref<100352xf32, #tpu.memory_space<vmem>>, %arg6: memref<6272xf32, #tpu.memory_space<vmem>>, %arg7: memref<6272xf32, #tpu.memory_space<vmem>>, %arg8: memref<2048xi32, #tpu.memory_space<vmem>>, %arg9: memref<2048xi32, #tpu.memory_space<vmem>>, %arg10: memref<!tpu.dma_semaphore, #tpu.memory_space<semaphore_mem>>) attributes {dimension_semantics = [#tpu.dimension_semantics<core_parallel>, #tpu.dimension_semantics<subcore_parallel>], iteration_bounds = array<i64: 2, 16>, scalar_prefetch = 0 : i64, scratch_operands = 6 : i64, tpu.core_type = #tpu.core_type<sc_vector_subcore>, window_params = [{transform_indices = #map}, {transform_indices = #map}, {transform_indices = #map}]} {
    %mul3A = arith.constant 16 : i32
    %mul3A_0 = arith.muli %arg0, %mul3A : i32
    %add3A = arith.addi %mul3A_0, %arg1 : i32
    %mul3A_1 = arith.constant 1 : i32
    %mul3A_2 = arith.muli %add3A, %mul3A_1 : i32
    %add3A_3 = arith.constant 0 : i32
    %add3A_4 = arith.addi %mul3A_2, %add3A_3 : i32
    %scan3A = arith.constant 0 : i32
    %scan3A_5 = arith.constant 0 : i32
    %scan3A_6 = arith.constant 128 : i32
    %scan3A_7 = arith.addi %scan3A_5, %scan3A_6 : i32
    %scan3A_8 = arith.constant 1 : i32
    %scan3A_9 = scf.for %scan3A_106 = %scan3A_5 to %scan3A_7 step %scan3A_8 iter_args(%scan3A_107 = %scan3A) -> (i32)  : i32 {
      %broadcast_in_dim3A_108 = arith.constant 0 : i32
      %broadcast_in_dim3A_109 = vector.broadcast %broadcast_in_dim3A_108 : i32 to vector<16xi32>
      %mul3A_110 = arith.constant 16 : i32
      %mul3A_111 = arith.muli %scan3A_106, %mul3A_110 : i32
      %swap3A = arith.index_cast %mul3A_111 : i32 to index
      %swap3A_112 = tpu.vector_load %arg9[%swap3A] {strides = array<i32>} : memref<2048xi32, #tpu.memory_space<vmem>>, vector<16xi32>,
      tpu.vector_store %arg9[%swap3A], %broadcast_in_dim3A_109 {strides = array<i32>} : memref<2048xi32, #tpu.memory_space<vmem>>, vector<16xi32>,
      %scan3A_113 = arith.constant 0 : i32
      scf.yield %scan3A_113 : i32
    }
    %scan3A_10 = arith.constant 128 : i32
    %dma_start3A = arith.constant 0 : i32
    %dma_start3A_11 = tpu.memref_slice %arg2[%add3A_4, %dma_start3A] : memref<32x100352xf32, #tpu.memory_space<hbm>> -> memref<1x6272xf32, #tpu.memory_space<hbm>>
    %dma_start3A_12 = tpu.memref_squeeze %dma_start3A_11 : memref<1x6272xf32, #tpu.memory_space<hbm>> -> memref<6272xf32, #tpu.memory_space<hbm>>
    %dma_start3A_13 = arith.constant 0 : i32
    %dma_start3A_14 = tpu.memref_slice %arg2[%add3A_4, %dma_start3A_13] : memref<32x100352xf32, #tpu.memory_space<hbm>> -> memref<1x6272xf32, #tpu.memory_space<hbm>>
    %dma_start3A_15 = tpu.memref_squeeze %dma_start3A_14 : memref<1x6272xf32, #tpu.memory_space<hbm>> -> memref<6272xf32, #tpu.memory_space<hbm>>
    tpu.enqueue_dma source(%dma_start3A_15 : memref<6272xf32, #tpu.memory_space<hbm>>) target(%arg6 : memref<6272xf32, #tpu.memory_space<vmem>>) target_semaphore(%arg10 : memref<!tpu.dma_semaphore, #tpu.memory_space<semaphore_mem>>)
    %scan3A_16 = arith.constant 0 : i32
    %scan3A_17 = arith.constant 0 : i32
    %scan3A_18 = arith.constant 8 : i32
    %scan3A_19 = arith.addi %scan3A_17, %scan3A_18 : i32
    %scan3A_20 = arith.constant 1 : i32
    %scan3A_21 = scf.for %scan3A_106 = %scan3A_17 to %scan3A_19 step %scan3A_20 iter_args(%scan3A_107 = %scan3A_16) -> (i32)  : i32 {
      %mul3A_108 = arith.constant 2 : i32
      %mul3A_109 = arith.muli %scan3A_106, %mul3A_108 : i32
      %mul3A_110 = arith.constant 6272 : i32
      %mul3A_111 = arith.muli %mul3A_109, %mul3A_110 : i32
      %dma_wait3A = tpu.memref_slice %arg2[%add3A_4, %mul3A_111] : memref<32x100352xf32, #tpu.memory_space<hbm>> -> memref<1x6272xf32, #tpu.memory_space<hbm>>
      %dma_wait3A_112 = tpu.memref_squeeze %dma_wait3A : memref<1x6272xf32, #tpu.memory_space<hbm>> -> memref<6272xf32, #tpu.memory_space<hbm>>
      %dma_wait3A_113 = tpu.memref_slice %arg2[%add3A_4, %mul3A_111] : memref<32x100352xf32, #tpu.memory_space<hbm>> -> memref<1x6272xf32, #tpu.memory_space<hbm>>
      %dma_wait3A_114 = tpu.memref_squeeze %dma_wait3A_113 : memref<1x6272xf32, #tpu.memory_space<hbm>> -> memref<6272xf32, #tpu.memory_space<hbm>>
      tpu.wait_dma2 semaphore(%arg10 : memref<!tpu.dma_semaphore, #tpu.memory_space<semaphore_mem>>) src(%dma_wait3A_114 : memref<6272xf32, #tpu.memory_space<hbm>>) dst(%arg6 : memref<6272xf32, #tpu.memory_space<vmem>>)
      %add3A_115 = arith.constant 1 : i32
      %add3A_116 = arith.addi %mul3A_109, %add3A_115 : i32
      %mul3A_117 = arith.constant 6272 : i32
      %mul3A_118 = arith.muli %add3A_116, %mul3A_117 : i32
      %dma_start3A_119 = tpu.memref_slice %arg2[%add3A_4, %mul3A_118] : memref<32x100352xf32, #tpu.memory_space<hbm>> -> memref<1x6272xf32, #tpu.memory_space<hbm>>
      %dma_start3A_120 = tpu.memref_squeeze %dma_start3A_119 : memref<1x6272xf32, #tpu.memory_space<hbm>> -> memref<6272xf32, #tpu.memory_space<hbm>>
      %dma_start3A_121 = tpu.memref_slice %arg2[%add3A_4, %mul3A_118] : memref<32x100352xf32, #tpu.memory_space<hbm>> -> memref<1x6272xf32, #tpu.memory_space<hbm>>
      %dma_start3A_122 = tpu.memref_squeeze %dma_start3A_121 : memref<1x6272xf32, #tpu.memory_space<hbm>> -> memref<6272xf32, #tpu.memory_space<hbm>>
      tpu.enqueue_dma source(%dma_start3A_122 : memref<6272xf32, #tpu.memory_space<hbm>>) target(%arg7 : memref<6272xf32, #tpu.memory_space<vmem>>) target_semaphore(%arg10 : memref<!tpu.dma_semaphore, #tpu.memory_space<semaphore_mem>>)
      %scan3A_123 = arith.constant 0 : i32
      %scan3A_124 = arith.constant 0 : i32
      %scan3A_125 = arith.constant 392 : i32
      %scan3A_126 = arith.addi %scan3A_124, %scan3A_125 : i32
      %scan3A_127 = arith.constant 1 : i32
      %scan3A_128 = scf.for %scan3A_150 = %scan3A_124 to %scan3A_126 step %scan3A_127 iter_args(%scan3A_151 = %scan3A_123) -> (i32)  : i32 {
        %mul3A_152 = arith.constant 16 : i32
        %mul3A_153 = arith.muli %scan3A_150, %mul3A_152 : i32
        %get3A = arith.index_cast %mul3A_153 : i32 to index
        %get3A_154 = tpu.vector_load %arg6[%get3A] {strides = array<i32>} : memref<6272xf32, #tpu.memory_space<vmem>>, vector<16xf32>,
        %bitcast3A = vector.bitcast %get3A_154 : vector<16xf32> to vector<16xi32>
        %and3A = arith.constant 2047 : i32
        %and3A_155 = vector.broadcast %and3A : i32 to vector<16xi32>
        %and3A_156 = arith.andi %bitcast3A, %and3A_155 : vector<16xi32>
        %broadcast_in_dim3A_157 = arith.constant true
        %broadcast_in_dim3A_158 = vector.broadcast %broadcast_in_dim3A_157 : i1 to vector<16xi1>
        %unique3A, %unique3A_159 = tpu.scan_count mask(%broadcast_in_dim3A_158 : vector<16xi1>) value(%and3A_156 : vector<16xi32>) : vector<16xi1>, vector<16xi32>
        tpu.vector_store_idx %arg9[%and3A_156], %unique3A_159 masked %unique3A {add = true} : memref<2048xi32, #tpu.memory_space<vmem>>[vector<16xi32>], vector<16xi32>, vector<16xi1>
        %scan3A_160 = arith.constant 0 : i32
        scf.yield %scan3A_160 : i32
      }
      %scan3A_129 = arith.constant 392 : i32
      %add3A_130 = arith.constant 1 : i32
      %add3A_131 = arith.addi %mul3A_109, %add3A_130 : i32
      %mul3A_132 = arith.constant 6272 : i32
      %mul3A_133 = arith.muli %add3A_131, %mul3A_132 : i32
      %dma_wait3A_134 = tpu.memref_slice %arg2[%add3A_4, %mul3A_133] : memref<32x100352xf32, #tpu.memory_space<hbm>> -> memref<1x6272xf32, #tpu.memory_space<hbm>>
      %dma_wait3A_135 = tpu.memref_squeeze %dma_wait3A_134 : memref<1x6272xf32, #tpu.memory_space<hbm>> -> memref<6272xf32, #tpu.memory_space<hbm>>
      %dma_wait3A_136 = tpu.memref_slice %arg2[%add3A_4, %mul3A_133] : memref<32x100352xf32, #tpu.memory_space<hbm>> -> memref<1x6272xf32, #tpu.memory_space<hbm>>
      %dma_wait3A_137 = tpu.memref_squeeze %dma_wait3A_136 : memref<1x6272xf32, #tpu.memory_space<hbm>> -> memref<6272xf32, #tpu.memory_space<hbm>>
      tpu.wait_dma2 semaphore(%arg10 : memref<!tpu.dma_semaphore, #tpu.memory_space<semaphore_mem>>) src(%dma_wait3A_137 : memref<6272xf32, #tpu.memory_space<hbm>>) dst(%arg7 : memref<6272xf32, #tpu.memory_space<vmem>>)
      %add3A_138 = arith.constant 2 : i32
      %add3A_139 = arith.addi %mul3A_109, %add3A_138 : i32
      %lt3A = arith.constant 16 : i32
      %lt3A_140 = arith.cmpi slt, %add3A_139, %lt3A : i32
      %convert_element_type3A = arith.extui %lt3A_140 : i1 to i32
      %cond3A = arith.constant 0 : i32
      %cond3A_141 = arith.cmpi ne, %convert_element_type3A, %cond3A : i32
      scf.if %cond3A_141 {
        %add3A_150 = arith.constant 2 : i32
        %add3A_151 = arith.addi %mul3A_109, %add3A_150 : i32
        %mul3A_152 = arith.constant 6272 : i32
        %mul3A_153 = arith.muli %add3A_151, %mul3A_152 : i32
        %dma_start3A_154 = tpu.memref_slice %arg2[%add3A_4, %mul3A_153] : memref<32x100352xf32, #tpu.memory_space<hbm>> -> memref<1x6272xf32, #tpu.memory_space<hbm>>
        %dma_start3A_155 = tpu.memref_squeeze %dma_start3A_154 : memref<1x6272xf32, #tpu.memory_space<hbm>> -> memref<6272xf32, #tpu.memory_space<hbm>>
        %dma_start3A_156 = tpu.memref_slice %arg2[%add3A_4, %mul3A_153] : memref<32x100352xf32, #tpu.memory_space<hbm>> -> memref<1x6272xf32, #tpu.memory_space<hbm>>
        %dma_start3A_157 = tpu.memref_squeeze %dma_start3A_156 : memref<1x6272xf32, #tpu.memory_space<hbm>> -> memref<6272xf32, #tpu.memory_space<hbm>>
        tpu.enqueue_dma source(%dma_start3A_157 : memref<6272xf32, #tpu.memory_space<hbm>>) target(%arg6 : memref<6272xf32, #tpu.memory_space<vmem>>) target_semaphore(%arg10 : memref<!tpu.dma_semaphore, #tpu.memory_space<semaphore_mem>>)
      } else {
      }
      %scan3A_142 = arith.constant 0 : i32
      %scan3A_143 = arith.constant 0 : i32
      %scan3A_144 = arith.constant 392 : i32
      %scan3A_145 = arith.addi %scan3A_143, %scan3A_144 : i32
      %scan3A_146 = arith.constant 1 : i32
      %scan3A_147 = scf.for %scan3A_150 = %scan3A_143 to %scan3A_145 step %scan3A_146 iter_args(%scan3A_151 = %scan3A_142) -> (i32)  : i32 {
        %mul3A_152 = arith.constant 16 : i32
        %mul3A_153 = arith.muli %scan3A_150, %mul3A_152 : i32
        %get3A = arith.index_cast %mul3A_153 : i32 to index
        %get3A_154 = tpu.vector_load %arg7[%get3A] {strides = array<i32>} : memref<6272xf32, #tpu.memory_space<vmem>>, vector<16xf32>,
        %bitcast3A = vector.bitcast %get3A_154 : vector<16xf32> to vector<16xi32>
        %and3A = arith.constant 2047 : i32
        %and3A_155 = vector.broadcast %and3A : i32 to vector<16xi32>
        %and3A_156 = arith.andi %bitcast3A, %and3A_155 : vector<16xi32>
        %broadcast_in_dim3A_157 = arith.constant true
        %broadcast_in_dim3A_158 = vector.broadcast %broadcast_in_dim3A_157 : i1 to vector<16xi1>
        %unique3A, %unique3A_159 = tpu.scan_count mask(%broadcast_in_dim3A_158 : vector<16xi1>) value(%and3A_156 : vector<16xi32>) : vector<16xi1>, vector<16xi32>
        tpu.vector_store_idx %arg9[%and3A_156], %unique3A_159 masked %unique3A {add = true} : memref<2048xi32, #tpu.memory_space<vmem>>[vector<16xi32>], vector<16xi32>, vector<16xi1>
        %scan3A_160 = arith.constant 0 : i32
        scf.yield %scan3A_160 : i32
      }
      %scan3A_148 = arith.constant 392 : i32
      %scan3A_149 = arith.constant 0 : i32
      scf.yield %scan3A_149 : i32
    }
    %scan3A_22 = arith.constant 8 : i32
    %broadcast_in_dim3A = arith.constant 0 : i32
    %broadcast_in_dim3A_23 = vector.broadcast %broadcast_in_dim3A : i32 to vector<16xi32>
    %scan3A_24 = arith.constant 0 : i32
    %scan3A_25 = arith.constant 128 : i32
    %scan3A_26 = arith.addi %scan3A_24, %scan3A_25 : i32
    %scan3A_27 = arith.constant 1 : i32
    %scan3A_28 = scf.for %scan3A_106 = %scan3A_24 to %scan3A_26 step %scan3A_27 iter_args(%scan3A_107 = %broadcast_in_dim3A_23) -> (vector<16xi32>)  : i32 {
      %mul3A_108 = arith.constant 16 : i32
      %mul3A_109 = arith.muli %scan3A_106, %mul3A_108 : i32
      %get3A = arith.index_cast %mul3A_109 : i32 to index
      %get3A_110 = tpu.vector_load %arg9[%get3A] {strides = array<i32>} : memref<2048xi32, #tpu.memory_space<vmem>>, vector<16xi32>,
      %broadcast_in_dim3A_111 = arith.constant true
      %broadcast_in_dim3A_112 = vector.broadcast %broadcast_in_dim3A_111 : i1 to vector<16xi1>
      %masked_cumsum3A = tpu.scan <sum>, %get3A_110 masked %broadcast_in_dim3A_112 : vector<16xi32>, vector<16xi1> -> vector<16xi32>
      %sub3A = arith.subi %masked_cumsum3A, %get3A_110 : vector<16xi32>
      %add3A_113 = arith.addi %sub3A, %scan3A_107 : vector<16xi32>
      %mul3A_114 = arith.constant 16 : i32
      %mul3A_115 = arith.muli %scan3A_106, %mul3A_114 : i32
      %swap3A = arith.index_cast %mul3A_115 : i32 to index
      %swap3A_116 = tpu.vector_load %arg8[%swap3A] {strides = array<i32>} : memref<2048xi32, #tpu.memory_space<vmem>>, vector<16xi32>,
      tpu.vector_store %arg8[%swap3A], %add3A_113 {strides = array<i32>} : memref<2048xi32, #tpu.memory_space<vmem>>, vector<16xi32>,
      %reduce_sum3A = arith.constant true
      %reduce_sum3A_117 = vector.broadcast %reduce_sum3A : i1 to vector<16xi1>
      %reduce_sum3A_118 = tpu.scan <sum>, %get3A_110 masked %reduce_sum3A_117 : vector<16xi32>, vector<16xi1> -> vector<16xi32>
      %reduce_sum3A_119 = vector.extract %reduce_sum3A_118[15] : i32 from vector<16xi32>
      %add3A_120 = vector.broadcast %reduce_sum3A_119 : i32 to vector<16xi32>
      %add3A_121 = arith.addi %scan3A_107, %add3A_120 : vector<16xi32>
      scf.yield %add3A_121 : vector<16xi32>
    }
    %scan3A_29 = arith.constant 128 : i32
    %scan3A_30 = arith.constant 0 : i32
    %scan3A_31 = arith.constant 0 : i32
    %scan3A_32 = arith.constant 128 : i32
    %scan3A_33 = arith.addi %scan3A_31, %scan3A_32 : i32
    %scan3A_34 = arith.constant 1 : i32
    %scan3A_35 = scf.for %scan3A_106 = %scan3A_31 to %scan3A_33 step %scan3A_34 iter_args(%scan3A_107 = %scan3A_30) -> (i32)  : i32 {
      %broadcast_in_dim3A_108 = arith.constant 0 : i32
      %broadcast_in_dim3A_109 = vector.broadcast %broadcast_in_dim3A_108 : i32 to vector<16xi32>
      %mul3A_110 = arith.constant 16 : i32
      %mul3A_111 = arith.muli %scan3A_106, %mul3A_110 : i32
      %swap3A = arith.index_cast %mul3A_111 : i32 to index
      %swap3A_112 = tpu.vector_load %arg9[%swap3A] {strides = array<i32>} : memref<2048xi32, #tpu.memory_space<vmem>>, vector<16xi32>,
      tpu.vector_store %arg9[%swap3A], %broadcast_in_dim3A_109 {strides = array<i32>} : memref<2048xi32, #tpu.memory_space<vmem>>, vector<16xi32>,
      %scan3A_113 = arith.constant 0 : i32
      scf.yield %scan3A_113 : i32
    }
    %scan3A_36 = arith.constant 128 : i32
    %dma_start3A_37 = arith.constant 0 : i32
    %dma_start3A_38 = tpu.memref_slice %arg2[%add3A_4, %dma_start3A_37] : memref<32x100352xf32, #tpu.memory_space<hbm>> -> memref<1x6272xf32, #tpu.memory_space<hbm>>
    %dma_start3A_39 = tpu.memref_squeeze %dma_start3A_38 : memref<1x6272xf32, #tpu.memory_space<hbm>> -> memref<6272xf32, #tpu.memory_space<hbm>>
    %dma_start3A_40 = arith.constant 0 : i32
    %dma_start3A_41 = tpu.memref_slice %arg2[%add3A_4, %dma_start3A_40] : memref<32x100352xf32, #tpu.memory_space<hbm>> -> memref<1x6272xf32, #tpu.memory_space<hbm>>
    %dma_start3A_42 = tpu.memref_squeeze %dma_start3A_41 : memref<1x6272xf32, #tpu.memory_space<hbm>> -> memref<6272xf32, #tpu.memory_space<hbm>>
    tpu.enqueue_dma source(%dma_start3A_42 : memref<6272xf32, #tpu.memory_space<hbm>>) target(%arg6 : memref<6272xf32, #tpu.memory_space<vmem>>) target_semaphore(%arg10 : memref<!tpu.dma_semaphore, #tpu.memory_space<semaphore_mem>>)
    %scan3A_43 = arith.constant 0 : i32
    %scan3A_44 = arith.constant 0 : i32
    %scan3A_45 = arith.constant 8 : i32
    %scan3A_46 = arith.addi %scan3A_44, %scan3A_45 : i32
    %scan3A_47 = arith.constant 1 : i32
    %scan3A_48 = scf.for %scan3A_106 = %scan3A_44 to %scan3A_46 step %scan3A_47 iter_args(%scan3A_107 = %scan3A_43) -> (i32)  : i32 {
      %mul3A_108 = arith.constant 2 : i32
      %mul3A_109 = arith.muli %scan3A_106, %mul3A_108 : i32
      %mul3A_110 = arith.constant 6272 : i32
      %mul3A_111 = arith.muli %mul3A_109, %mul3A_110 : i32
      %dma_wait3A = tpu.memref_slice %arg2[%add3A_4, %mul3A_111] : memref<32x100352xf32, #tpu.memory_space<hbm>> -> memref<1x6272xf32, #tpu.memory_space<hbm>>
      %dma_wait3A_112 = tpu.memref_squeeze %dma_wait3A : memref<1x6272xf32, #tpu.memory_space<hbm>> -> memref<6272xf32, #tpu.memory_space<hbm>>
      %dma_wait3A_113 = tpu.memref_slice %arg2[%add3A_4, %mul3A_111] : memref<32x100352xf32, #tpu.memory_space<hbm>> -> memref<1x6272xf32, #tpu.memory_space<hbm>>
      %dma_wait3A_114 = tpu.memref_squeeze %dma_wait3A_113 : memref<1x6272xf32, #tpu.memory_space<hbm>> -> memref<6272xf32, #tpu.memory_space<hbm>>
      tpu.wait_dma2 semaphore(%arg10 : memref<!tpu.dma_semaphore, #tpu.memory_space<semaphore_mem>>) src(%dma_wait3A_114 : memref<6272xf32, #tpu.memory_space<hbm>>) dst(%arg6 : memref<6272xf32, #tpu.memory_space<vmem>>)
      %add3A_115 = arith.constant 1 : i32
      %add3A_116 = arith.addi %mul3A_109, %add3A_115 : i32
      %mul3A_117 = arith.constant 6272 : i32
      %mul3A_118 = arith.muli %add3A_116, %mul3A_117 : i32
      %dma_start3A_119 = tpu.memref_slice %arg2[%add3A_4, %mul3A_118] : memref<32x100352xf32, #tpu.memory_space<hbm>> -> memref<1x6272xf32, #tpu.memory_space<hbm>>
      %dma_start3A_120 = tpu.memref_squeeze %dma_start3A_119 : memref<1x6272xf32, #tpu.memory_space<hbm>> -> memref<6272xf32, #tpu.memory_space<hbm>>
      %dma_start3A_121 = tpu.memref_slice %arg2[%add3A_4, %mul3A_118] : memref<32x100352xf32, #tpu.memory_space<hbm>> -> memref<1x6272xf32, #tpu.memory_space<hbm>>
      %dma_start3A_122 = tpu.memref_squeeze %dma_start3A_121 : memref<1x6272xf32, #tpu.memory_space<hbm>> -> memref<6272xf32, #tpu.memory_space<hbm>>
      tpu.enqueue_dma source(%dma_start3A_122 : memref<6272xf32, #tpu.memory_space<hbm>>) target(%arg7 : memref<6272xf32, #tpu.memory_space<vmem>>) target_semaphore(%arg10 : memref<!tpu.dma_semaphore, #tpu.memory_space<semaphore_mem>>)
      %scan3A_123 = arith.constant 0 : i32
      %scan3A_124 = arith.constant 0 : i32
      %scan3A_125 = arith.constant 392 : i32
      %scan3A_126 = arith.addi %scan3A_124, %scan3A_125 : i32
      %scan3A_127 = arith.constant 1 : i32
      %scan3A_128 = scf.for %scan3A_150 = %scan3A_124 to %scan3A_126 step %scan3A_127 iter_args(%scan3A_151 = %scan3A_123) -> (i32)  : i32 {
        %mul3A_152 = arith.constant 16 : i32
        %mul3A_153 = arith.muli %scan3A_150, %mul3A_152 : i32
        %get3A = arith.index_cast %mul3A_153 : i32 to index
        %get3A_154 = tpu.vector_load %arg6[%get3A] {strides = array<i32>} : memref<6272xf32, #tpu.memory_space<vmem>>, vector<16xf32>,
        %bitcast3A = vector.bitcast %get3A_154 : vector<16xf32> to vector<16xi32>
        %shift_right_arithmetic3A = arith.constant 0 : i32
        %shift_right_arithmetic3A_155 = vector.broadcast %shift_right_arithmetic3A : i32 to vector<16xi32>
        %shift_right_arithmetic3A_156 = arith.shrsi %bitcast3A, %shift_right_arithmetic3A_155 : vector<16xi32>
        %and3A = arith.constant 2047 : i32
        %and3A_157 = vector.broadcast %and3A : i32 to vector<16xi32>
        %and3A_158 = arith.andi %shift_right_arithmetic3A_156, %and3A_157 : vector<16xi32>
        %broadcast_in_dim3A_159 = arith.constant true
        %broadcast_in_dim3A_160 = vector.broadcast %broadcast_in_dim3A_159 : i1 to vector<16xi1>
        %unique3A, %unique3A_161 = tpu.scan_count mask(%broadcast_in_dim3A_160 : vector<16xi1>) value(%and3A_158 : vector<16xi32>) : vector<16xi1>, vector<16xi32>
        %gather3A = tpu.vector_load_idx %arg8[%and3A_158] : memref<2048xi32, #tpu.memory_space<vmem>>[vector<16xi32>], vector<16xi32>,
        %add3A_162 = arith.addi %gather3A, %unique3A_161 : vector<16xi32>
        %sub3A = arith.constant 1 : i32
        %sub3A_163 = vector.broadcast %sub3A : i32 to vector<16xi32>
        %sub3A_164 = arith.subi %add3A_162, %sub3A_163 : vector<16xi32>
        tpu.vector_store_idx %arg5[%sub3A_164], %get3A_154 : memref<100352xf32, #tpu.memory_space<vmem>>[vector<16xi32>], vector<16xf32>,
        tpu.vector_store_idx %arg8[%and3A_158], %unique3A_161 masked %unique3A {add = true} : memref<2048xi32, #tpu.memory_space<vmem>>[vector<16xi32>], vector<16xi32>, vector<16xi1>
        %shift_right_arithmetic3A_165 = arith.constant 11 : i32
        %shift_right_arithmetic3A_166 = vector.broadcast %shift_right_arithmetic3A_165 : i32 to vector<16xi32>
        %shift_right_arithmetic3A_167 = arith.shrsi %bitcast3A, %shift_right_arithmetic3A_166 : vector<16xi32>
        %and3A_168 = arith.constant 2047 : i32
        %and3A_169 = vector.broadcast %and3A_168 : i32 to vector<16xi32>
        %and3A_170 = arith.andi %shift_right_arithmetic3A_167, %and3A_169 : vector<16xi32>
        %broadcast_in_dim3A_171 = arith.constant true
        %broadcast_in_dim3A_172 = vector.broadcast %broadcast_in_dim3A_171 : i1 to vector<16xi1>
        %unique3A_173, %unique3A_174 = tpu.scan_count mask(%broadcast_in_dim3A_172 : vector<16xi1>) value(%and3A_170 : vector<16xi32>) : vector<16xi1>, vector<16xi32>
        tpu.vector_store_idx %arg9[%and3A_170], %unique3A_174 masked %unique3A_173 {add = true} : memref<2048xi32, #tpu.memory_space<vmem>>[vector<16xi32>], vector<16xi32>, vector<16xi1>
        %scan3A_175 = arith.constant 0 : i32
        scf.yield %scan3A_175 : i32
      }
      %scan3A_129 = arith.constant 392 : i32
      %add3A_130 = arith.constant 1 : i32
      %add3A_131 = arith.addi %mul3A_109, %add3A_130 : i32
      %mul3A_132 = arith.constant 6272 : i32
      %mul3A_133 = arith.muli %add3A_131, %mul3A_132 : i32
      %dma_wait3A_134 = tpu.memref_slice %arg2[%add3A_4, %mul3A_133] : memref<32x100352xf32, #tpu.memory_space<hbm>> -> memref<1x6272xf32, #tpu.memory_space<hbm>>
      %dma_wait3A_135 = tpu.memref_squeeze %dma_wait3A_134 : memref<1x6272xf32, #tpu.memory_space<hbm>> -> memref<6272xf32, #tpu.memory_space<hbm>>
      %dma_wait3A_136 = tpu.memref_slice %arg2[%add3A_4, %mul3A_133] : memref<32x100352xf32, #tpu.memory_space<hbm>> -> memref<1x6272xf32, #tpu.memory_space<hbm>>
      %dma_wait3A_137 = tpu.memref_squeeze %dma_wait3A_136 : memref<1x6272xf32, #tpu.memory_space<hbm>> -> memref<6272xf32, #tpu.memory_space<hbm>>
      tpu.wait_dma2 semaphore(%arg10 : memref<!tpu.dma_semaphore, #tpu.memory_space<semaphore_mem>>) src(%dma_wait3A_137 : memref<6272xf32, #tpu.memory_space<hbm>>) dst(%arg7 : memref<6272xf32, #tpu.memory_space<vmem>>)
      %add3A_138 = arith.constant 2 : i32
      %add3A_139 = arith.addi %mul3A_109, %add3A_138 : i32
      %lt3A = arith.constant 16 : i32
      %lt3A_140 = arith.cmpi slt, %add3A_139, %lt3A : i32
      %convert_element_type3A = arith.extui %lt3A_140 : i1 to i32
      %cond3A = arith.constant 0 : i32
      %cond3A_141 = arith.cmpi ne, %convert_element_type3A, %cond3A : i32
      scf.if %cond3A_141 {
        %add3A_150 = arith.constant 2 : i32
        %add3A_151 = arith.addi %mul3A_109, %add3A_150 : i32
        %mul3A_152 = arith.constant 6272 : i32
        %mul3A_153 = arith.muli %add3A_151, %mul3A_152 : i32
        %dma_start3A_154 = tpu.memref_slice %arg2[%add3A_4, %mul3A_153] : memref<32x100352xf32, #tpu.memory_space<hbm>> -> memref<1x6272xf32, #tpu.memory_space<hbm>>
        %dma_start3A_155 = tpu.memref_squeeze %dma_start3A_154 : memref<1x6272xf32, #tpu.memory_space<hbm>> -> memref<6272xf32, #tpu.memory_space<hbm>>
        %dma_start3A_156 = tpu.memref_slice %arg2[%add3A_4, %mul3A_153] : memref<32x100352xf32, #tpu.memory_space<hbm>> -> memref<1x6272xf32, #tpu.memory_space<hbm>>
        %dma_start3A_157 = tpu.memref_squeeze %dma_start3A_156 : memref<1x6272xf32, #tpu.memory_space<hbm>> -> memref<6272xf32, #tpu.memory_space<hbm>>
        tpu.enqueue_dma source(%dma_start3A_157 : memref<6272xf32, #tpu.memory_space<hbm>>) target(%arg6 : memref<6272xf32, #tpu.memory_space<vmem>>) target_semaphore(%arg10 : memref<!tpu.dma_semaphore, #tpu.memory_space<semaphore_mem>>)
      } else {
      }
      %scan3A_142 = arith.constant 0 : i32
      %scan3A_143 = arith.constant 0 : i32
      %scan3A_144 = arith.constant 392 : i32
      %scan3A_145 = arith.addi %scan3A_143, %scan3A_144 : i32
      %scan3A_146 = arith.constant 1 : i32
      %scan3A_147 = scf.for %scan3A_150 = %scan3A_143 to %scan3A_145 step %scan3A_146 iter_args(%scan3A_151 = %scan3A_142) -> (i32)  : i32 {
        %mul3A_152 = arith.constant 16 : i32
        %mul3A_153 = arith.muli %scan3A_150, %mul3A_152 : i32
        %get3A = arith.index_cast %mul3A_153 : i32 to index
        %get3A_154 = tpu.vector_load %arg7[%get3A] {strides = array<i32>} : memref<6272xf32, #tpu.memory_space<vmem>>, vector<16xf32>,
        %bitcast3A = vector.bitcast %get3A_154 : vector<16xf32> to vector<16xi32>
        %shift_right_arithmetic3A = arith.constant 0 : i32
        %shift_right_arithmetic3A_155 = vector.broadcast %shift_right_arithmetic3A : i32 to vector<16xi32>
        %shift_right_arithmetic3A_156 = arith.shrsi %bitcast3A, %shift_right_arithmetic3A_155 : vector<16xi32>
        %and3A = arith.constant 2047 : i32
        %and3A_157 = vector.broadcast %and3A : i32 to vector<16xi32>
        %and3A_158 = arith.andi %shift_right_arithmetic3A_156, %and3A_157 : vector<16xi32>
        %broadcast_in_dim3A_159 = arith.constant true
        %broadcast_in_dim3A_160 = vector.broadcast %broadcast_in_dim3A_159 : i1 to vector<16xi1>
        %unique3A, %unique3A_161 = tpu.scan_count mask(%broadcast_in_dim3A_160 : vector<16xi1>) value(%and3A_158 : vector<16xi32>) : vector<16xi1>, vector<16xi32>
        %gather3A = tpu.vector_load_idx %arg8[%and3A_158] : memref<2048xi32, #tpu.memory_space<vmem>>[vector<16xi32>], vector<16xi32>,
        %add3A_162 = arith.addi %gather3A, %unique3A_161 : vector<16xi32>
        %sub3A = arith.constant 1 : i32
        %sub3A_163 = vector.broadcast %sub3A : i32 to vector<16xi32>
        %sub3A_164 = arith.subi %add3A_162, %sub3A_163 : vector<16xi32>
        tpu.vector_store_idx %arg5[%sub3A_164], %get3A_154 : memref<100352xf32, #tpu.memory_space<vmem>>[vector<16xi32>], vector<16xf32>,
        tpu.vector_store_idx %arg8[%and3A_158], %unique3A_161 masked %unique3A {add = true} : memref<2048xi32, #tpu.memory_space<vmem>>[vector<16xi32>], vector<16xi32>, vector<16xi1>
        %shift_right_arithmetic3A_165 = arith.constant 11 : i32
        %shift_right_arithmetic3A_166 = vector.broadcast %shift_right_arithmetic3A_165 : i32 to vector<16xi32>
        %shift_right_arithmetic3A_167 = arith.shrsi %bitcast3A, %shift_right_arithmetic3A_166 : vector<16xi32>
        %and3A_168 = arith.constant 2047 : i32
        %and3A_169 = vector.broadcast %and3A_168 : i32 to vector<16xi32>
        %and3A_170 = arith.andi %shift_right_arithmetic3A_167, %and3A_169 : vector<16xi32>
        %broadcast_in_dim3A_171 = arith.constant true
        %broadcast_in_dim3A_172 = vector.broadcast %broadcast_in_dim3A_171 : i1 to vector<16xi1>
        %unique3A_173, %unique3A_174 = tpu.scan_count mask(%broadcast_in_dim3A_172 : vector<16xi1>) value(%and3A_170 : vector<16xi32>) : vector<16xi1>, vector<16xi32>
        tpu.vector_store_idx %arg9[%and3A_170], %unique3A_174 masked %unique3A_173 {add = true} : memref<2048xi32, #tpu.memory_space<vmem>>[vector<16xi32>], vector<16xi32>, vector<16xi1>
        %scan3A_175 = arith.constant 0 : i32
        scf.yield %scan3A_175 : i32
      }
      %scan3A_148 = arith.constant 392 : i32
      %scan3A_149 = arith.constant 0 : i32
      scf.yield %scan3A_149 : i32
    }
    %scan3A_49 = arith.constant 8 : i32
    "tpu.region"() ({
      %run_scoped3A = tpu.sem_alloc : memref<!tpu.dma_semaphore, #tpu.memory_space<semaphore_mem>>
      %dma_start3A_106 = arith.constant 0 : i32
      %dma_start3A_107 = tpu.memref_slice %arg4[%add3A_4, %dma_start3A_106] : memref<32x100352xf32, #tpu.memory_space<hbm>> -> memref<1x100352xf32, #tpu.memory_space<hbm>>
      %dma_start3A_108 = tpu.memref_squeeze %dma_start3A_107 : memref<1x100352xf32, #tpu.memory_space<hbm>> -> memref<100352xf32, #tpu.memory_space<hbm>>
      %dma_start3A_109 = arith.constant 0 : i32
      %dma_start3A_110 = tpu.memref_slice %arg4[%add3A_4, %dma_start3A_109] : memref<32x100352xf32, #tpu.memory_space<hbm>> -> memref<1x100352xf32, #tpu.memory_space<hbm>>
      %dma_start3A_111 = tpu.memref_squeeze %dma_start3A_110 : memref<1x100352xf32, #tpu.memory_space<hbm>> -> memref<100352xf32, #tpu.memory_space<hbm>>
      tpu.enqueue_dma source(%arg5 : memref<100352xf32, #tpu.memory_space<vmem>>) target(%dma_start3A_111 : memref<100352xf32, #tpu.memory_space<hbm>>) target_semaphore(%run_scoped3A : memref<!tpu.dma_semaphore, #tpu.memory_space<semaphore_mem>>)
      %dma_wait3A = arith.constant 0 : i32
      %dma_wait3A_112 = tpu.memref_slice %arg4[%add3A_4, %dma_wait3A] : memref<32x100352xf32, #tpu.memory_space<hbm>> -> memref<1x100352xf32, #tpu.memory_space<hbm>>
      %dma_wait3A_113 = tpu.memref_squeeze %dma_wait3A_112 : memref<1x100352xf32, #tpu.memory_space<hbm>> -> memref<100352xf32, #tpu.memory_space<hbm>>
      %dma_wait3A_114 = arith.constant 0 : i32
      %dma_wait3A_115 = tpu.memref_slice %arg4[%add3A_4, %dma_wait3A_114] : memref<32x100352xf32, #tpu.memory_space<hbm>> -> memref<1x100352xf32, #tpu.memory_space<hbm>>
      %dma_wait3A_116 = tpu.memref_squeeze %dma_wait3A_115 : memref<1x100352xf32, #tpu.memory_space<hbm>> -> memref<100352xf32, #tpu.memory_space<hbm>>
      tpu.wait_dma2 semaphore(%run_scoped3A : memref<!tpu.dma_semaphore, #tpu.memory_space<semaphore_mem>>) src(%arg5 : memref<100352xf32, #tpu.memory_space<vmem>>) dst(%dma_wait3A_116 : memref<100352xf32, #tpu.memory_space<hbm>>)
      tpu.yield
    }) : () -> ()
    %broadcast_in_dim3A_50 = arith.constant 0 : i32
    %broadcast_in_dim3A_51 = vector.broadcast %broadcast_in_dim3A_50 : i32 to vector<16xi32>
    %scan3A_52 = arith.constant 0 : i32
    %scan3A_53 = arith.constant 128 : i32
    %scan3A_54 = arith.addi %scan3A_52, %scan3A_53 : i32
    %scan3A_55 = arith.constant 1 : i32
    %scan3A_56 = scf.for %scan3A_106 = %scan3A_52 to %scan3A_54 step %scan3A_55 iter_args(%scan3A_107 = %broadcast_in_dim3A_51) -> (vector<16xi32>)  : i32 {
      %mul3A_108 = arith.constant 16 : i32
      %mul3A_109 = arith.muli %scan3A_106, %mul3A_108 : i32
      %get3A = arith.index_cast %mul3A_109 : i32 to index
      %get3A_110 = tpu.vector_load %arg9[%get3A] {strides = array<i32>} : memref<2048xi32, #tpu.memory_space<vmem>>, vector<16xi32>,
      %broadcast_in_dim3A_111 = arith.constant true
      %broadcast_in_dim3A_112 = vector.broadcast %broadcast_in_dim3A_111 : i1 to vector<16xi1>
      %masked_cumsum3A = tpu.scan <sum>, %get3A_110 masked %broadcast_in_dim3A_112 : vector<16xi32>, vector<16xi1> -> vector<16xi32>
      %sub3A = arith.subi %masked_cumsum3A, %get3A_110 : vector<16xi32>
      %add3A_113 = arith.addi %sub3A, %scan3A_107 : vector<16xi32>
      %mul3A_114 = arith.constant 16 : i32
      %mul3A_115 = arith.muli %scan3A_106, %mul3A_114 : i32
      %swap3A = arith.index_cast %mul3A_115 : i32 to index
      %swap3A_116 = tpu.vector_load %arg8[%swap3A] {strides = array<i32>} : memref<2048xi32, #tpu.memory_space<vmem>>, vector<16xi32>,
      tpu.vector_store %arg8[%swap3A], %add3A_113 {strides = array<i32>} : memref<2048xi32, #tpu.memory_space<vmem>>, vector<16xi32>,
      %reduce_sum3A = arith.constant true
      %reduce_sum3A_117 = vector.broadcast %reduce_sum3A : i1 to vector<16xi1>
      %reduce_sum3A_118 = tpu.scan <sum>, %get3A_110 masked %reduce_sum3A_117 : vector<16xi32>, vector<16xi1> -> vector<16xi32>
      %reduce_sum3A_119 = vector.extract %reduce_sum3A_118[15] : i32 from vector<16xi32>
      %add3A_120 = vector.broadcast %reduce_sum3A_119 : i32 to vector<16xi32>
      %add3A_121 = arith.addi %scan3A_107, %add3A_120 : vector<16xi32>
      scf.yield %add3A_121 : vector<16xi32>
    }
    %scan3A_57 = arith.constant 128 : i32
    %scan3A_58 = arith.constant 0 : i32
    %scan3A_59 = arith.constant 0 : i32
    %scan3A_60 = arith.constant 128 : i32
    %scan3A_61 = arith.addi %scan3A_59, %scan3A_60 : i32
    %scan3A_62 = arith.constant 1 : i32
    %scan3A_63 = scf.for %scan3A_106 = %scan3A_59 to %scan3A_61 step %scan3A_62 iter_args(%scan3A_107 = %scan3A_58) -> (i32)  : i32 {
      %broadcast_in_dim3A_108 = arith.constant 0 : i32
      %broadcast_in_dim3A_109 = vector.broadcast %broadcast_in_dim3A_108 : i32 to vector<16xi32>
      %mul3A_110 = arith.constant 16 : i32
      %mul3A_111 = arith.muli %scan3A_106, %mul3A_110 : i32
      %swap3A = arith.index_cast %mul3A_111 : i32 to index
      %swap3A_112 = tpu.vector_load %arg9[%swap3A] {strides = array<i32>} : memref<2048xi32, #tpu.memory_space<vmem>>, vector<16xi32>,
      tpu.vector_store %arg9[%swap3A], %broadcast_in_dim3A_109 {strides = array<i32>} : memref<2048xi32, #tpu.memory_space<vmem>>, vector<16xi32>,
      %scan3A_113 = arith.constant 0 : i32
      scf.yield %scan3A_113 : i32
    }
    %scan3A_64 = arith.constant 128 : i32
    %dma_start3A_65 = arith.constant 0 : i32
    %dma_start3A_66 = tpu.memref_slice %arg4[%add3A_4, %dma_start3A_65] : memref<32x100352xf32, #tpu.memory_space<hbm>> -> memref<1x6272xf32, #tpu.memory_space<hbm>>
    %dma_start3A_67 = tpu.memref_squeeze %dma_start3A_66 : memref<1x6272xf32, #tpu.memory_space<hbm>> -> memref<6272xf32, #tpu.memory_space<hbm>>
    %dma_start3A_68 = arith.constant 0 : i32
    %dma_start3A_69 = tpu.memref_slice %arg4[%add3A_4, %dma_start3A_68] : memref<32x100352xf32, #tpu.memory_space<hbm>> -> memref<1x6272xf32, #tpu.memory_space<hbm>>
    %dma_start3A_70 = tpu.memref_squeeze %dma_start3A_69 : memref<1x6272xf32, #tpu.memory_space<hbm>> -> memref<6272xf32, #tpu.memory_space<hbm>>
    tpu.enqueue_dma source(%dma_start3A_70 : memref<6272xf32, #tpu.memory_space<hbm>>) target(%arg6 : memref<6272xf32, #tpu.memory_space<vmem>>) target_semaphore(%arg10 : memref<!tpu.dma_semaphore, #tpu.memory_space<semaphore_mem>>)
    %scan3A_71 = arith.constant 0 : i32
    %scan3A_72 = arith.constant 0 : i32
    %scan3A_73 = arith.constant 8 : i32
    %scan3A_74 = arith.addi %scan3A_72, %scan3A_73 : i32
    %scan3A_75 = arith.constant 1 : i32
    %scan3A_76 = scf.for %scan3A_106 = %scan3A_72 to %scan3A_74 step %scan3A_75 iter_args(%scan3A_107 = %scan3A_71) -> (i32)  : i32 {
      %mul3A_108 = arith.constant 2 : i32
      %mul3A_109 = arith.muli %scan3A_106, %mul3A_108 : i32
      %mul3A_110 = arith.constant 6272 : i32
      %mul3A_111 = arith.muli %mul3A_109, %mul3A_110 : i32
      %dma_wait3A = tpu.memref_slice %arg4[%add3A_4, %mul3A_111] : memref<32x100352xf32, #tpu.memory_space<hbm>> -> memref<1x6272xf32, #tpu.memory_space<hbm>>
      %dma_wait3A_112 = tpu.memref_squeeze %dma_wait3A : memref<1x6272xf32, #tpu.memory_space<hbm>> -> memref<6272xf32, #tpu.memory_space<hbm>>
      %dma_wait3A_113 = tpu.memref_slice %arg4[%add3A_4, %mul3A_111] : memref<32x100352xf32, #tpu.memory_space<hbm>> -> memref<1x6272xf32, #tpu.memory_space<hbm>>
      %dma_wait3A_114 = tpu.memref_squeeze %dma_wait3A_113 : memref<1x6272xf32, #tpu.memory_space<hbm>> -> memref<6272xf32, #tpu.memory_space<hbm>>
      tpu.wait_dma2 semaphore(%arg10 : memref<!tpu.dma_semaphore, #tpu.memory_space<semaphore_mem>>) src(%dma_wait3A_114 : memref<6272xf32, #tpu.memory_space<hbm>>) dst(%arg6 : memref<6272xf32, #tpu.memory_space<vmem>>)
      %add3A_115 = arith.constant 1 : i32
      %add3A_116 = arith.addi %mul3A_109, %add3A_115 : i32
      %mul3A_117 = arith.constant 6272 : i32
      %mul3A_118 = arith.muli %add3A_116, %mul3A_117 : i32
      %dma_start3A_119 = tpu.memref_slice %arg4[%add3A_4, %mul3A_118] : memref<32x100352xf32, #tpu.memory_space<hbm>> -> memref<1x6272xf32, #tpu.memory_space<hbm>>
      %dma_start3A_120 = tpu.memref_squeeze %dma_start3A_119 : memref<1x6272xf32, #tpu.memory_space<hbm>> -> memref<6272xf32, #tpu.memory_space<hbm>>
      %dma_start3A_121 = tpu.memref_slice %arg4[%add3A_4, %mul3A_118] : memref<32x100352xf32, #tpu.memory_space<hbm>> -> memref<1x6272xf32, #tpu.memory_space<hbm>>
      %dma_start3A_122 = tpu.memref_squeeze %dma_start3A_121 : memref<1x6272xf32, #tpu.memory_space<hbm>> -> memref<6272xf32, #tpu.memory_space<hbm>>
      tpu.enqueue_dma source(%dma_start3A_122 : memref<6272xf32, #tpu.memory_space<hbm>>) target(%arg7 : memref<6272xf32, #tpu.memory_space<vmem>>) target_semaphore(%arg10 : memref<!tpu.dma_semaphore, #tpu.memory_space<semaphore_mem>>)
      %scan3A_123 = arith.constant 0 : i32
      %scan3A_124 = arith.constant 0 : i32
      %scan3A_125 = arith.constant 392 : i32
      %scan3A_126 = arith.addi %scan3A_124, %scan3A_125 : i32
      %scan3A_127 = arith.constant 1 : i32
      %scan3A_128 = scf.for %scan3A_150 = %scan3A_124 to %scan3A_126 step %scan3A_127 iter_args(%scan3A_151 = %scan3A_123) -> (i32)  : i32 {
        %mul3A_152 = arith.constant 16 : i32
        %mul3A_153 = arith.muli %scan3A_150, %mul3A_152 : i32
        %get3A = arith.index_cast %mul3A_153 : i32 to index
        %get3A_154 = tpu.vector_load %arg6[%get3A] {strides = array<i32>} : memref<6272xf32, #tpu.memory_space<vmem>>, vector<16xf32>,
        %bitcast3A = vector.bitcast %get3A_154 : vector<16xf32> to vector<16xi32>
        %shift_right_arithmetic3A = arith.constant 11 : i32
        %shift_right_arithmetic3A_155 = vector.broadcast %shift_right_arithmetic3A : i32 to vector<16xi32>
        %shift_right_arithmetic3A_156 = arith.shrsi %bitcast3A, %shift_right_arithmetic3A_155 : vector<16xi32>
        %and3A = arith.constant 2047 : i32
        %and3A_157 = vector.broadcast %and3A : i32 to vector<16xi32>
        %and3A_158 = arith.andi %shift_right_arithmetic3A_156, %and3A_157 : vector<16xi32>
        %broadcast_in_dim3A_159 = arith.constant true
        %broadcast_in_dim3A_160 = vector.broadcast %broadcast_in_dim3A_159 : i1 to vector<16xi1>
        %unique3A, %unique3A_161 = tpu.scan_count mask(%broadcast_in_dim3A_160 : vector<16xi1>) value(%and3A_158 : vector<16xi32>) : vector<16xi1>, vector<16xi32>
        %gather3A = tpu.vector_load_idx %arg8[%and3A_158] : memref<2048xi32, #tpu.memory_space<vmem>>[vector<16xi32>], vector<16xi32>,
        %add3A_162 = arith.addi %gather3A, %unique3A_161 : vector<16xi32>
        %sub3A = arith.constant 1 : i32
        %sub3A_163 = vector.broadcast %sub3A : i32 to vector<16xi32>
        %sub3A_164 = arith.subi %add3A_162, %sub3A_163 : vector<16xi32>
        tpu.vector_store_idx %arg5[%sub3A_164], %get3A_154 : memref<100352xf32, #tpu.memory_space<vmem>>[vector<16xi32>], vector<16xf32>,
        tpu.vector_store_idx %arg8[%and3A_158], %unique3A_161 masked %unique3A {add = true} : memref<2048xi32, #tpu.memory_space<vmem>>[vector<16xi32>], vector<16xi32>, vector<16xi1>
        %shift_right_arithmetic3A_165 = arith.constant 22 : i32
        %shift_right_arithmetic3A_166 = vector.broadcast %shift_right_arithmetic3A_165 : i32 to vector<16xi32>
        %shift_right_arithmetic3A_167 = arith.shrsi %bitcast3A, %shift_right_arithmetic3A_166 : vector<16xi32>
        %and3A_168 = arith.constant 2047 : i32
        %and3A_169 = vector.broadcast %and3A_168 : i32 to vector<16xi32>
        %and3A_170 = arith.andi %shift_right_arithmetic3A_167, %and3A_169 : vector<16xi32>
        %broadcast_in_dim3A_171 = arith.constant true
        %broadcast_in_dim3A_172 = vector.broadcast %broadcast_in_dim3A_171 : i1 to vector<16xi1>
        %unique3A_173, %unique3A_174 = tpu.scan_count mask(%broadcast_in_dim3A_172 : vector<16xi1>) value(%and3A_170 : vector<16xi32>) : vector<16xi1>, vector<16xi32>
        tpu.vector_store_idx %arg9[%and3A_170], %unique3A_174 masked %unique3A_173 {add = true} : memref<2048xi32, #tpu.memory_space<vmem>>[vector<16xi32>], vector<16xi32>, vector<16xi1>
        %scan3A_175 = arith.constant 0 : i32
        scf.yield %scan3A_175 : i32
      }
      %scan3A_129 = arith.constant 392 : i32
      %add3A_130 = arith.constant 1 : i32
      %add3A_131 = arith.addi %mul3A_109, %add3A_130 : i32
      %mul3A_132 = arith.constant 6272 : i32
      %mul3A_133 = arith.muli %add3A_131, %mul3A_132 : i32
      %dma_wait3A_134 = tpu.memref_slice %arg4[%add3A_4, %mul3A_133] : memref<32x100352xf32, #tpu.memory_space<hbm>> -> memref<1x6272xf32, #tpu.memory_space<hbm>>
      %dma_wait3A_135 = tpu.memref_squeeze %dma_wait3A_134 : memref<1x6272xf32, #tpu.memory_space<hbm>> -> memref<6272xf32, #tpu.memory_space<hbm>>
      %dma_wait3A_136 = tpu.memref_slice %arg4[%add3A_4, %mul3A_133] : memref<32x100352xf32, #tpu.memory_space<hbm>> -> memref<1x6272xf32, #tpu.memory_space<hbm>>
      %dma_wait3A_137 = tpu.memref_squeeze %dma_wait3A_136 : memref<1x6272xf32, #tpu.memory_space<hbm>> -> memref<6272xf32, #tpu.memory_space<hbm>>
      tpu.wait_dma2 semaphore(%arg10 : memref<!tpu.dma_semaphore, #tpu.memory_space<semaphore_mem>>) src(%dma_wait3A_137 : memref<6272xf32, #tpu.memory_space<hbm>>) dst(%arg7 : memref<6272xf32, #tpu.memory_space<vmem>>)
      %add3A_138 = arith.constant 2 : i32
      %add3A_139 = arith.addi %mul3A_109, %add3A_138 : i32
      %lt3A = arith.constant 16 : i32
      %lt3A_140 = arith.cmpi slt, %add3A_139, %lt3A : i32
      %convert_element_type3A = arith.extui %lt3A_140 : i1 to i32
      %cond3A = arith.constant 0 : i32
      %cond3A_141 = arith.cmpi ne, %convert_element_type3A, %cond3A : i32
      scf.if %cond3A_141 {
        %add3A_150 = arith.constant 2 : i32
        %add3A_151 = arith.addi %mul3A_109, %add3A_150 : i32
        %mul3A_152 = arith.constant 6272 : i32
        %mul3A_153 = arith.muli %add3A_151, %mul3A_152 : i32
        %dma_start3A_154 = tpu.memref_slice %arg4[%add3A_4, %mul3A_153] : memref<32x100352xf32, #tpu.memory_space<hbm>> -> memref<1x6272xf32, #tpu.memory_space<hbm>>
        %dma_start3A_155 = tpu.memref_squeeze %dma_start3A_154 : memref<1x6272xf32, #tpu.memory_space<hbm>> -> memref<6272xf32, #tpu.memory_space<hbm>>
        %dma_start3A_156 = tpu.memref_slice %arg4[%add3A_4, %mul3A_153] : memref<32x100352xf32, #tpu.memory_space<hbm>> -> memref<1x6272xf32, #tpu.memory_space<hbm>>
        %dma_start3A_157 = tpu.memref_squeeze %dma_start3A_156 : memref<1x6272xf32, #tpu.memory_space<hbm>> -> memref<6272xf32, #tpu.memory_space<hbm>>
        tpu.enqueue_dma source(%dma_start3A_157 : memref<6272xf32, #tpu.memory_space<hbm>>) target(%arg6 : memref<6272xf32, #tpu.memory_space<vmem>>) target_semaphore(%arg10 : memref<!tpu.dma_semaphore, #tpu.memory_space<semaphore_mem>>)
      } else {
      }
      %scan3A_142 = arith.constant 0 : i32
      %scan3A_143 = arith.constant 0 : i32
      %scan3A_144 = arith.constant 392 : i32
      %scan3A_145 = arith.addi %scan3A_143, %scan3A_144 : i32
      %scan3A_146 = arith.constant 1 : i32
      %scan3A_147 = scf.for %scan3A_150 = %scan3A_143 to %scan3A_145 step %scan3A_146 iter_args(%scan3A_151 = %scan3A_142) -> (i32)  : i32 {
        %mul3A_152 = arith.constant 16 : i32
        %mul3A_153 = arith.muli %scan3A_150, %mul3A_152 : i32
        %get3A = arith.index_cast %mul3A_153 : i32 to index
        %get3A_154 = tpu.vector_load %arg7[%get3A] {strides = array<i32>} : memref<6272xf32, #tpu.memory_space<vmem>>, vector<16xf32>,
        %bitcast3A = vector.bitcast %get3A_154 : vector<16xf32> to vector<16xi32>
        %shift_right_arithmetic3A = arith.constant 11 : i32
        %shift_right_arithmetic3A_155 = vector.broadcast %shift_right_arithmetic3A : i32 to vector<16xi32>
        %shift_right_arithmetic3A_156 = arith.shrsi %bitcast3A, %shift_right_arithmetic3A_155 : vector<16xi32>
        %and3A = arith.constant 2047 : i32
        %and3A_157 = vector.broadcast %and3A : i32 to vector<16xi32>
        %and3A_158 = arith.andi %shift_right_arithmetic3A_156, %and3A_157 : vector<16xi32>
        %broadcast_in_dim3A_159 = arith.constant true
        %broadcast_in_dim3A_160 = vector.broadcast %broadcast_in_dim3A_159 : i1 to vector<16xi1>
        %unique3A, %unique3A_161 = tpu.scan_count mask(%broadcast_in_dim3A_160 : vector<16xi1>) value(%and3A_158 : vector<16xi32>) : vector<16xi1>, vector<16xi32>
        %gather3A = tpu.vector_load_idx %arg8[%and3A_158] : memref<2048xi32, #tpu.memory_space<vmem>>[vector<16xi32>], vector<16xi32>,
        %add3A_162 = arith.addi %gather3A, %unique3A_161 : vector<16xi32>
        %sub3A = arith.constant 1 : i32
        %sub3A_163 = vector.broadcast %sub3A : i32 to vector<16xi32>
        %sub3A_164 = arith.subi %add3A_162, %sub3A_163 : vector<16xi32>
        tpu.vector_store_idx %arg5[%sub3A_164], %get3A_154 : memref<100352xf32, #tpu.memory_space<vmem>>[vector<16xi32>], vector<16xf32>,
        tpu.vector_store_idx %arg8[%and3A_158], %unique3A_161 masked %unique3A {add = true} : memref<2048xi32, #tpu.memory_space<vmem>>[vector<16xi32>], vector<16xi32>, vector<16xi1>
        %shift_right_arithmetic3A_165 = arith.constant 22 : i32
        %shift_right_arithmetic3A_166 = vector.broadcast %shift_right_arithmetic3A_165 : i32 to vector<16xi32>
        %shift_right_arithmetic3A_167 = arith.shrsi %bitcast3A, %shift_right_arithmetic3A_166 : vector<16xi32>
        %and3A_168 = arith.constant 2047 : i32
        %and3A_169 = vector.broadcast %and3A_168 : i32 to vector<16xi32>
        %and3A_170 = arith.andi %shift_right_arithmetic3A_167, %and3A_169 : vector<16xi32>
        %broadcast_in_dim3A_171 = arith.constant true
        %broadcast_in_dim3A_172 = vector.broadcast %broadcast_in_dim3A_171 : i1 to vector<16xi1>
        %unique3A_173, %unique3A_174 = tpu.scan_count mask(%broadcast_in_dim3A_172 : vector<16xi1>) value(%and3A_170 : vector<16xi32>) : vector<16xi1>, vector<16xi32>
        tpu.vector_store_idx %arg9[%and3A_170], %unique3A_174 masked %unique3A_173 {add = true} : memref<2048xi32, #tpu.memory_space<vmem>>[vector<16xi32>], vector<16xi32>, vector<16xi1>
        %scan3A_175 = arith.constant 0 : i32
        scf.yield %scan3A_175 : i32
      }
      %scan3A_148 = arith.constant 392 : i32
      %scan3A_149 = arith.constant 0 : i32
      scf.yield %scan3A_149 : i32
    }
    %scan3A_77 = arith.constant 8 : i32
    "tpu.region"() ({
      %run_scoped3A = tpu.sem_alloc : memref<!tpu.dma_semaphore, #tpu.memory_space<semaphore_mem>>
      %dma_start3A_106 = arith.constant 0 : i32
      %dma_start3A_107 = tpu.memref_slice %arg3[%add3A_4, %dma_start3A_106] : memref<32x100352xf32, #tpu.memory_space<hbm>> -> memref<1x100352xf32, #tpu.memory_space<hbm>>
      %dma_start3A_108 = tpu.memref_squeeze %dma_start3A_107 : memref<1x100352xf32, #tpu.memory_space<hbm>> -> memref<100352xf32, #tpu.memory_space<hbm>>
      %dma_start3A_109 = arith.constant 0 : i32
      %dma_start3A_110 = tpu.memref_slice %arg3[%add3A_4, %dma_start3A_109] : memref<32x100352xf32, #tpu.memory_space<hbm>> -> memref<1x100352xf32, #tpu.memory_space<hbm>>
      %dma_start3A_111 = tpu.memref_squeeze %dma_start3A_110 : memref<1x100352xf32, #tpu.memory_space<hbm>> -> memref<100352xf32, #tpu.memory_space<hbm>>
      tpu.enqueue_dma source(%arg5 : memref<100352xf32, #tpu.memory_space<vmem>>) target(%dma_start3A_111 : memref<100352xf32, #tpu.memory_space<hbm>>) target_semaphore(%run_scoped3A : memref<!tpu.dma_semaphore, #tpu.memory_space<semaphore_mem>>)
      %dma_wait3A = arith.constant 0 : i32
      %dma_wait3A_112 = tpu.memref_slice %arg3[%add3A_4, %dma_wait3A] : memref<32x100352xf32, #tpu.memory_space<hbm>> -> memref<1x100352xf32, #tpu.memory_space<hbm>>
      %dma_wait3A_113 = tpu.memref_squeeze %dma_wait3A_112 : memref<1x100352xf32, #tpu.memory_space<hbm>> -> memref<100352xf32, #tpu.memory_space<hbm>>
      %dma_wait3A_114 = arith.constant 0 : i32
      %dma_wait3A_115 = tpu.memref_slice %arg3[%add3A_4, %dma_wait3A_114] : memref<32x100352xf32, #tpu.memory_space<hbm>> -> memref<1x100352xf32, #tpu.memory_space<hbm>>
      %dma_wait3A_116 = tpu.memref_squeeze %dma_wait3A_115 : memref<1x100352xf32, #tpu.memory_space<hbm>> -> memref<100352xf32, #tpu.memory_space<hbm>>
      tpu.wait_dma2 semaphore(%run_scoped3A : memref<!tpu.dma_semaphore, #tpu.memory_space<semaphore_mem>>) src(%arg5 : memref<100352xf32, #tpu.memory_space<vmem>>) dst(%dma_wait3A_116 : memref<100352xf32, #tpu.memory_space<hbm>>)
      tpu.yield
    }) : () -> ()
    %broadcast_in_dim3A_78 = arith.constant 0 : i32
    %broadcast_in_dim3A_79 = vector.broadcast %broadcast_in_dim3A_78 : i32 to vector<16xi32>
    %scan3A_80 = arith.constant 0 : i32
    %scan3A_81 = arith.constant 128 : i32
    %scan3A_82 = arith.addi %scan3A_80, %scan3A_81 : i32
    %scan3A_83 = arith.constant 1 : i32
    %scan3A_84 = scf.for %scan3A_106 = %scan3A_80 to %scan3A_82 step %scan3A_83 iter_args(%scan3A_107 = %broadcast_in_dim3A_79) -> (vector<16xi32>)  : i32 {
      %mul3A_108 = arith.constant 16 : i32
      %mul3A_109 = arith.muli %scan3A_106, %mul3A_108 : i32
      %get3A = arith.index_cast %mul3A_109 : i32 to index
      %get3A_110 = tpu.vector_load %arg9[%get3A] {strides = array<i32>} : memref<2048xi32, #tpu.memory_space<vmem>>, vector<16xi32>,
      %broadcast_in_dim3A_111 = arith.constant true
      %broadcast_in_dim3A_112 = vector.broadcast %broadcast_in_dim3A_111 : i1 to vector<16xi1>
      %masked_cumsum3A = tpu.scan <sum>, %get3A_110 masked %broadcast_in_dim3A_112 : vector<16xi32>, vector<16xi1> -> vector<16xi32>
      %sub3A = arith.subi %masked_cumsum3A, %get3A_110 : vector<16xi32>
      %add3A_113 = arith.addi %sub3A, %scan3A_107 : vector<16xi32>
      %mul3A_114 = arith.constant 16 : i32
      %mul3A_115 = arith.muli %scan3A_106, %mul3A_114 : i32
      %swap3A = arith.index_cast %mul3A_115 : i32 to index
      %swap3A_116 = tpu.vector_load %arg8[%swap3A] {strides = array<i32>} : memref<2048xi32, #tpu.memory_space<vmem>>, vector<16xi32>,
      tpu.vector_store %arg8[%swap3A], %add3A_113 {strides = array<i32>} : memref<2048xi32, #tpu.memory_space<vmem>>, vector<16xi32>,
      %reduce_sum3A = arith.constant true
      %reduce_sum3A_117 = vector.broadcast %reduce_sum3A : i1 to vector<16xi1>
      %reduce_sum3A_118 = tpu.scan <sum>, %get3A_110 masked %reduce_sum3A_117 : vector<16xi32>, vector<16xi1> -> vector<16xi32>
      %reduce_sum3A_119 = vector.extract %reduce_sum3A_118[15] : i32 from vector<16xi32>
      %add3A_120 = vector.broadcast %reduce_sum3A_119 : i32 to vector<16xi32>
      %add3A_121 = arith.addi %scan3A_107, %add3A_120 : vector<16xi32>
      scf.yield %add3A_121 : vector<16xi32>
    }
    %scan3A_85 = arith.constant 128 : i32
    %scan3A_86 = arith.constant 0 : i32
    %scan3A_87 = arith.constant 0 : i32
    %scan3A_88 = arith.constant 128 : i32
    %scan3A_89 = arith.addi %scan3A_87, %scan3A_88 : i32
    %scan3A_90 = arith.constant 1 : i32
    %scan3A_91 = scf.for %scan3A_106 = %scan3A_87 to %scan3A_89 step %scan3A_90 iter_args(%scan3A_107 = %scan3A_86) -> (i32)  : i32 {
      %broadcast_in_dim3A_108 = arith.constant 0 : i32
      %broadcast_in_dim3A_109 = vector.broadcast %broadcast_in_dim3A_108 : i32 to vector<16xi32>
      %mul3A_110 = arith.constant 16 : i32
      %mul3A_111 = arith.muli %scan3A_106, %mul3A_110 : i32
      %swap3A = arith.index_cast %mul3A_111 : i32 to index
      %swap3A_112 = tpu.vector_load %arg9[%swap3A] {strides = array<i32>} : memref<2048xi32, #tpu.memory_space<vmem>>, vector<16xi32>,
      tpu.vector_store %arg9[%swap3A], %broadcast_in_dim3A_109 {strides = array<i32>} : memref<2048xi32, #tpu.memory_space<vmem>>, vector<16xi32>,
      %scan3A_113 = arith.constant 0 : i32
      scf.yield %scan3A_113 : i32
    }
    %scan3A_92 = arith.constant 128 : i32
    %dma_start3A_93 = arith.constant 0 : i32
    %dma_start3A_94 = tpu.memref_slice %arg3[%add3A_4, %dma_start3A_93] : memref<32x100352xf32, #tpu.memory_space<hbm>> -> memref<1x6272xf32, #tpu.memory_space<hbm>>
    %dma_start3A_95 = tpu.memref_squeeze %dma_start3A_94 : memref<1x6272xf32, #tpu.memory_space<hbm>> -> memref<6272xf32, #tpu.memory_space<hbm>>
    %dma_start3A_96 = arith.constant 0 : i32
    %dma_start3A_97 = tpu.memref_slice %arg3[%add3A_4, %dma_start3A_96] : memref<32x100352xf32, #tpu.memory_space<hbm>> -> memref<1x6272xf32, #tpu.memory_space<hbm>>
    %dma_start3A_98 = tpu.memref_squeeze %dma_start3A_97 : memref<1x6272xf32, #tpu.memory_space<hbm>> -> memref<6272xf32, #tpu.memory_space<hbm>>
    tpu.enqueue_dma source(%dma_start3A_98 : memref<6272xf32, #tpu.memory_space<hbm>>) target(%arg6 : memref<6272xf32, #tpu.memory_space<vmem>>) target_semaphore(%arg10 : memref<!tpu.dma_semaphore, #tpu.memory_space<semaphore_mem>>)
    %scan3A_99 = arith.constant 0 : i32
    %scan3A_100 = arith.constant 0 : i32
    %scan3A_101 = arith.constant 8 : i32
    %scan3A_102 = arith.addi %scan3A_100, %scan3A_101 : i32
    %scan3A_103 = arith.constant 1 : i32
    %scan3A_104 = scf.for %scan3A_106 = %scan3A_100 to %scan3A_102 step %scan3A_103 iter_args(%scan3A_107 = %scan3A_99) -> (i32)  : i32 {
      %mul3A_108 = arith.constant 2 : i32
      %mul3A_109 = arith.muli %scan3A_106, %mul3A_108 : i32
      %mul3A_110 = arith.constant 6272 : i32
      %mul3A_111 = arith.muli %mul3A_109, %mul3A_110 : i32
      %dma_wait3A = tpu.memref_slice %arg3[%add3A_4, %mul3A_111] : memref<32x100352xf32, #tpu.memory_space<hbm>> -> memref<1x6272xf32, #tpu.memory_space<hbm>>
      %dma_wait3A_112 = tpu.memref_squeeze %dma_wait3A : memref<1x6272xf32, #tpu.memory_space<hbm>> -> memref<6272xf32, #tpu.memory_space<hbm>>
      %dma_wait3A_113 = tpu.memref_slice %arg3[%add3A_4, %mul3A_111] : memref<32x100352xf32, #tpu.memory_space<hbm>> -> memref<1x6272xf32, #tpu.memory_space<hbm>>
      %dma_wait3A_114 = tpu.memref_squeeze %dma_wait3A_113 : memref<1x6272xf32, #tpu.memory_space<hbm>> -> memref<6272xf32, #tpu.memory_space<hbm>>
      tpu.wait_dma2 semaphore(%arg10 : memref<!tpu.dma_semaphore, #tpu.memory_space<semaphore_mem>>) src(%dma_wait3A_114 : memref<6272xf32, #tpu.memory_space<hbm>>) dst(%arg6 : memref<6272xf32, #tpu.memory_space<vmem>>)
      %add3A_115 = arith.constant 1 : i32
      %add3A_116 = arith.addi %mul3A_109, %add3A_115 : i32
      %mul3A_117 = arith.constant 6272 : i32
      %mul3A_118 = arith.muli %add3A_116, %mul3A_117 : i32
      %dma_start3A_119 = tpu.memref_slice %arg3[%add3A_4, %mul3A_118] : memref<32x100352xf32, #tpu.memory_space<hbm>> -> memref<1x6272xf32, #tpu.memory_space<hbm>>
      %dma_start3A_120 = tpu.memref_squeeze %dma_start3A_119 : memref<1x6272xf32, #tpu.memory_space<hbm>> -> memref<6272xf32, #tpu.memory_space<hbm>>
      %dma_start3A_121 = tpu.memref_slice %arg3[%add3A_4, %mul3A_118] : memref<32x100352xf32, #tpu.memory_space<hbm>> -> memref<1x6272xf32, #tpu.memory_space<hbm>>
      %dma_start3A_122 = tpu.memref_squeeze %dma_start3A_121 : memref<1x6272xf32, #tpu.memory_space<hbm>> -> memref<6272xf32, #tpu.memory_space<hbm>>
      tpu.enqueue_dma source(%dma_start3A_122 : memref<6272xf32, #tpu.memory_space<hbm>>) target(%arg7 : memref<6272xf32, #tpu.memory_space<vmem>>) target_semaphore(%arg10 : memref<!tpu.dma_semaphore, #tpu.memory_space<semaphore_mem>>)
      %scan3A_123 = arith.constant 0 : i32
      %scan3A_124 = arith.constant 0 : i32
      %scan3A_125 = arith.constant 392 : i32
      %scan3A_126 = arith.addi %scan3A_124, %scan3A_125 : i32
      %scan3A_127 = arith.constant 1 : i32
      %scan3A_128 = scf.for %scan3A_150 = %scan3A_124 to %scan3A_126 step %scan3A_127 iter_args(%scan3A_151 = %scan3A_123) -> (i32)  : i32 {
        %mul3A_152 = arith.constant 16 : i32
        %mul3A_153 = arith.muli %scan3A_150, %mul3A_152 : i32
        %get3A = arith.index_cast %mul3A_153 : i32 to index
        %get3A_154 = tpu.vector_load %arg6[%get3A] {strides = array<i32>} : memref<6272xf32, #tpu.memory_space<vmem>>, vector<16xf32>,
        %bitcast3A = vector.bitcast %get3A_154 : vector<16xf32> to vector<16xi32>
        %shift_right_arithmetic3A = arith.constant 22 : i32
        %shift_right_arithmetic3A_155 = vector.broadcast %shift_right_arithmetic3A : i32 to vector<16xi32>
        %shift_right_arithmetic3A_156 = arith.shrsi %bitcast3A, %shift_right_arithmetic3A_155 : vector<16xi32>
        %and3A = arith.constant 2047 : i32
        %and3A_157 = vector.broadcast %and3A : i32 to vector<16xi32>
        %and3A_158 = arith.andi %shift_right_arithmetic3A_156, %and3A_157 : vector<16xi32>
        %broadcast_in_dim3A_159 = arith.constant true
        %broadcast_in_dim3A_160 = vector.broadcast %broadcast_in_dim3A_159 : i1 to vector<16xi1>
        %unique3A, %unique3A_161 = tpu.scan_count mask(%broadcast_in_dim3A_160 : vector<16xi1>) value(%and3A_158 : vector<16xi32>) : vector<16xi1>, vector<16xi32>
        %gather3A = tpu.vector_load_idx %arg8[%and3A_158] : memref<2048xi32, #tpu.memory_space<vmem>>[vector<16xi32>], vector<16xi32>,
        %add3A_162 = arith.addi %gather3A, %unique3A_161 : vector<16xi32>
        %sub3A = arith.constant 1 : i32
        %sub3A_163 = vector.broadcast %sub3A : i32 to vector<16xi32>
        %sub3A_164 = arith.subi %add3A_162, %sub3A_163 : vector<16xi32>
        tpu.vector_store_idx %arg5[%sub3A_164], %get3A_154 : memref<100352xf32, #tpu.memory_space<vmem>>[vector<16xi32>], vector<16xf32>,
        tpu.vector_store_idx %arg8[%and3A_158], %unique3A_161 masked %unique3A {add = true} : memref<2048xi32, #tpu.memory_space<vmem>>[vector<16xi32>], vector<16xi32>, vector<16xi1>
        %scan3A_165 = arith.constant 0 : i32
        scf.yield %scan3A_165 : i32
      }
      %scan3A_129 = arith.constant 392 : i32
      %add3A_130 = arith.constant 1 : i32
      %add3A_131 = arith.addi %mul3A_109, %add3A_130 : i32
      %mul3A_132 = arith.constant 6272 : i32
      %mul3A_133 = arith.muli %add3A_131, %mul3A_132 : i32
      %dma_wait3A_134 = tpu.memref_slice %arg3[%add3A_4, %mul3A_133] : memref<32x100352xf32, #tpu.memory_space<hbm>> -> memref<1x6272xf32, #tpu.memory_space<hbm>>
      %dma_wait3A_135 = tpu.memref_squeeze %dma_wait3A_134 : memref<1x6272xf32, #tpu.memory_space<hbm>> -> memref<6272xf32, #tpu.memory_space<hbm>>
      %dma_wait3A_136 = tpu.memref_slice %arg3[%add3A_4, %mul3A_133] : memref<32x100352xf32, #tpu.memory_space<hbm>> -> memref<1x6272xf32, #tpu.memory_space<hbm>>
      %dma_wait3A_137 = tpu.memref_squeeze %dma_wait3A_136 : memref<1x6272xf32, #tpu.memory_space<hbm>> -> memref<6272xf32, #tpu.memory_space<hbm>>
      tpu.wait_dma2 semaphore(%arg10 : memref<!tpu.dma_semaphore, #tpu.memory_space<semaphore_mem>>) src(%dma_wait3A_137 : memref<6272xf32, #tpu.memory_space<hbm>>) dst(%arg7 : memref<6272xf32, #tpu.memory_space<vmem>>)
      %add3A_138 = arith.constant 2 : i32
      %add3A_139 = arith.addi %mul3A_109, %add3A_138 : i32
      %lt3A = arith.constant 16 : i32
      %lt3A_140 = arith.cmpi slt, %add3A_139, %lt3A : i32
      %convert_element_type3A = arith.extui %lt3A_140 : i1 to i32
      %cond3A = arith.constant 0 : i32
      %cond3A_141 = arith.cmpi ne, %convert_element_type3A, %cond3A : i32
      scf.if %cond3A_141 {
        %add3A_150 = arith.constant 2 : i32
        %add3A_151 = arith.addi %mul3A_109, %add3A_150 : i32
        %mul3A_152 = arith.constant 6272 : i32
        %mul3A_153 = arith.muli %add3A_151, %mul3A_152 : i32
        %dma_start3A_154 = tpu.memref_slice %arg3[%add3A_4, %mul3A_153] : memref<32x100352xf32, #tpu.memory_space<hbm>> -> memref<1x6272xf32, #tpu.memory_space<hbm>>
        %dma_start3A_155 = tpu.memref_squeeze %dma_start3A_154 : memref<1x6272xf32, #tpu.memory_space<hbm>> -> memref<6272xf32, #tpu.memory_space<hbm>>
        %dma_start3A_156 = tpu.memref_slice %arg3[%add3A_4, %mul3A_153] : memref<32x100352xf32, #tpu.memory_space<hbm>> -> memref<1x6272xf32, #tpu.memory_space<hbm>>
        %dma_start3A_157 = tpu.memref_squeeze %dma_start3A_156 : memref<1x6272xf32, #tpu.memory_space<hbm>> -> memref<6272xf32, #tpu.memory_space<hbm>>
        tpu.enqueue_dma source(%dma_start3A_157 : memref<6272xf32, #tpu.memory_space<hbm>>) target(%arg6 : memref<6272xf32, #tpu.memory_space<vmem>>) target_semaphore(%arg10 : memref<!tpu.dma_semaphore, #tpu.memory_space<semaphore_mem>>)
      } else {
      }
      %scan3A_142 = arith.constant 0 : i32
      %scan3A_143 = arith.constant 0 : i32
      %scan3A_144 = arith.constant 392 : i32
      %scan3A_145 = arith.addi %scan3A_143, %scan3A_144 : i32
      %scan3A_146 = arith.constant 1 : i32
      %scan3A_147 = scf.for %scan3A_150 = %scan3A_143 to %scan3A_145 step %scan3A_146 iter_args(%scan3A_151 = %scan3A_142) -> (i32)  : i32 {
        %mul3A_152 = arith.constant 16 : i32
        %mul3A_153 = arith.muli %scan3A_150, %mul3A_152 : i32
        %get3A = arith.index_cast %mul3A_153 : i32 to index
        %get3A_154 = tpu.vector_load %arg7[%get3A] {strides = array<i32>} : memref<6272xf32, #tpu.memory_space<vmem>>, vector<16xf32>,
        %bitcast3A = vector.bitcast %get3A_154 : vector<16xf32> to vector<16xi32>
        %shift_right_arithmetic3A = arith.constant 22 : i32
        %shift_right_arithmetic3A_155 = vector.broadcast %shift_right_arithmetic3A : i32 to vector<16xi32>
        %shift_right_arithmetic3A_156 = arith.shrsi %bitcast3A, %shift_right_arithmetic3A_155 : vector<16xi32>
        %and3A = arith.constant 2047 : i32
        %and3A_157 = vector.broadcast %and3A : i32 to vector<16xi32>
        %and3A_158 = arith.andi %shift_right_arithmetic3A_156, %and3A_157 : vector<16xi32>
        %broadcast_in_dim3A_159 = arith.constant true
        %broadcast_in_dim3A_160 = vector.broadcast %broadcast_in_dim3A_159 : i1 to vector<16xi1>
        %unique3A, %unique3A_161 = tpu.scan_count mask(%broadcast_in_dim3A_160 : vector<16xi1>) value(%and3A_158 : vector<16xi32>) : vector<16xi1>, vector<16xi32>
        %gather3A = tpu.vector_load_idx %arg8[%and3A_158] : memref<2048xi32, #tpu.memory_space<vmem>>[vector<16xi32>], vector<16xi32>,
        %add3A_162 = arith.addi %gather3A, %unique3A_161 : vector<16xi32>
        %sub3A = arith.constant 1 : i32
        %sub3A_163 = vector.broadcast %sub3A : i32 to vector<16xi32>
        %sub3A_164 = arith.subi %add3A_162, %sub3A_163 : vector<16xi32>
        tpu.vector_store_idx %arg5[%sub3A_164], %get3A_154 : memref<100352xf32, #tpu.memory_space<vmem>>[vector<16xi32>], vector<16xf32>,
        tpu.vector_store_idx %arg8[%and3A_158], %unique3A_161 masked %unique3A {add = true} : memref<2048xi32, #tpu.memory_space<vmem>>[vector<16xi32>], vector<16xi32>, vector<16xi1>
        %scan3A_165 = arith.constant 0 : i32
        scf.yield %scan3A_165 : i32
      }
      %scan3A_148 = arith.constant 392 : i32
      %scan3A_149 = arith.constant 0 : i32
      scf.yield %scan3A_149 : i32
    }
    %scan3A_105 = arith.constant 8 : i32
    "tpu.region"() ({
      %run_scoped3A = tpu.sem_alloc : memref<!tpu.dma_semaphore, #tpu.memory_space<semaphore_mem>>
      %dma_start3A_106 = arith.constant 0 : i32
      %dma_start3A_107 = tpu.memref_slice %arg3[%add3A_4, %dma_start3A_106] : memref<32x100352xf32, #tpu.memory_space<hbm>> -> memref<1x100352xf32, #tpu.memory_space<hbm>>
      %dma_start3A_108 = tpu.memref_squeeze %dma_start3A_107 : memref<1x100352xf32, #tpu.memory_space<hbm>> -> memref<100352xf32, #tpu.memory_space<hbm>>
      %dma_start3A_109 = arith.constant 0 : i32
      %dma_start3A_110 = tpu.memref_slice %arg3[%add3A_4, %dma_start3A_109] : memref<32x100352xf32, #tpu.memory_space<hbm>> -> memref<1x100352xf32, #tpu.memory_space<hbm>>
      %dma_start3A_111 = tpu.memref_squeeze %dma_start3A_110 : memref<1x100352xf32, #tpu.memory_space<hbm>> -> memref<100352xf32, #tpu.memory_space<hbm>>
      tpu.enqueue_dma source(%arg5 : memref<100352xf32, #tpu.memory_space<vmem>>) target(%dma_start3A_111 : memref<100352xf32, #tpu.memory_space<hbm>>) target_semaphore(%run_scoped3A : memref<!tpu.dma_semaphore, #tpu.memory_space<semaphore_mem>>)
      %dma_wait3A = arith.constant 0 : i32
      %dma_wait3A_112 = tpu.memref_slice %arg3[%add3A_4, %dma_wait3A] : memref<32x100352xf32, #tpu.memory_space<hbm>> -> memref<1x100352xf32, #tpu.memory_space<hbm>>
      %dma_wait3A_113 = tpu.memref_squeeze %dma_wait3A_112 : memref<1x100352xf32, #tpu.memory_space<hbm>> -> memref<100352xf32, #tpu.memory_space<hbm>>
      %dma_wait3A_114 = arith.constant 0 : i32
      %dma_wait3A_115 = tpu.memref_slice %arg3[%add3A_4, %dma_wait3A_114] : memref<32x100352xf32, #tpu.memory_space<hbm>> -> memref<1x100352xf32, #tpu.memory_space<hbm>>
      %dma_wait3A_116 = tpu.memref_squeeze %dma_wait3A_115 : memref<1x100352xf32, #tpu.memory_space<hbm>> -> memref<100352xf32, #tpu.memory_space<hbm>>
      tpu.wait_dma2 semaphore(%run_scoped3A : memref<!tpu.dma_semaphore, #tpu.memory_space<semaphore_mem>>) src(%arg5 : memref<100352xf32, #tpu.memory_space<vmem>>) dst(%dma_wait3A_116 : memref<100352xf32, #tpu.memory_space<hbm>>)
      tpu.yield
    }) : () -> ()
    return
  }
}

#map = affine_map<(d0, d1) -> (0, 0)>
module attributes {stable_mosaic.version = 14 : i64} {
  func.func @_sc_sort_kernel(%arg0: i32, %arg1: i32, %arg2: memref<32x100352xf32, #tpu.memory_space<hbm>>, %arg3: memref<32x100352xf32, #tpu.memory_space<hbm>>, %arg4: memref<32x100352xf32, #tpu.memory_space<hbm>>, %arg5: memref<100352xf32, #tpu.memory_space<vmem>>, %arg6: memref<6272xf32, #tpu.memory_space<vmem>>, %arg7: memref<6272xf32, #tpu.memory_space<vmem>>, %arg8: memref<2048xi32, #tpu.memory_space<vmem>>, %arg9: memref<2048xi32, #tpu.memory_space<vmem>>, %arg10: memref<!tpu.dma_semaphore, #tpu.memory_space<semaphore_mem>>) attributes {dimension_semantics = [#tpu.dimension_semantics<core_parallel>, #tpu.dimension_semantics<subcore_parallel>], iteration_bounds = array<i64: 2, 16>, scalar_prefetch = 0 : i64, scratch_operands = 6 : i64, tpu.core_type = #tpu.core_type<sc_vector_subcore>, window_params = [{transform_indices = #map}, {transform_indices = #map}, {transform_indices = #map}]} {
    %mul3A = arith.constant 16 : i32
    %mul3A_0 = arith.muli %arg0, %mul3A : i32
    %add3A = arith.addi %mul3A_0, %arg1 : i32
    %mul3A_1 = arith.constant 1 : i32
    %mul3A_2 = arith.muli %add3A, %mul3A_1 : i32
    %add3A_3 = arith.constant 0 : i32
    %add3A_4 = arith.addi %mul3A_2, %add3A_3 : i32
    %scan3A = arith.constant 0 : i32
    %scan3A_5 = arith.constant 0 : i32
    %scan3A_6 = arith.constant 128 : i32
    %scan3A_7 = arith.addi %scan3A_5, %scan3A_6 : i32
    %scan3A_8 = arith.constant 1 : i32
    %scan3A_9 = scf.for %scan3A_106 = %scan3A_5 to %scan3A_7 step %scan3A_8 iter_args(%scan3A_107 = %scan3A) -> (i32)  : i32 {
      %broadcast_in_dim3A_108 = arith.constant 0 : i32
      %broadcast_in_dim3A_109 = vector.broadcast %broadcast_in_dim3A_108 : i32 to vector<16xi32>
      %mul3A_110 = arith.constant 16 : i32
      %mul3A_111 = arith.muli %scan3A_106, %mul3A_110 : i32
      %swap3A = arith.index_cast %mul3A_111 : i32 to index
      %swap3A_112 = tpu.vector_load %arg9[%swap3A] {strides = array<i32>} : memref<2048xi32, #tpu.memory_space<vmem>>, vector<16xi32>,
      tpu.vector_store %arg9[%swap3A], %broadcast_in_dim3A_109 {strides = array<i32>} : memref<2048xi32, #tpu.memory_space<vmem>>, vector<16xi32>,
      %scan3A_113 = arith.constant 0 : i32
      scf.yield %scan3A_113 : i32
    }
    %scan3A_10 = arith.constant 128 : i32
    %dma_start3A = arith.constant 0 : i32
    %dma_start3A_11 = tpu.memref_slice %arg2[%add3A_4, %dma_start3A] : memref<32x100352xf32, #tpu.memory_space<hbm>> -> memref<1x6272xf32, #tpu.memory_space<hbm>>
    %dma_start3A_12 = tpu.memref_squeeze %dma_start3A_11 : memref<1x6272xf32, #tpu.memory_space<hbm>> -> memref<6272xf32, #tpu.memory_space<hbm>>
    %dma_start3A_13 = arith.constant 0 : i32
    %dma_start3A_14 = tpu.memref_slice %arg2[%add3A_4, %dma_start3A_13] : memref<32x100352xf32, #tpu.memory_space<hbm>> -> memref<1x6272xf32, #tpu.memory_space<hbm>>
    %dma_start3A_15 = tpu.memref_squeeze %dma_start3A_14 : memref<1x6272xf32, #tpu.memory_space<hbm>> -> memref<6272xf32, #tpu.memory_space<hbm>>
    tpu.enqueue_dma source(%dma_start3A_15 : memref<6272xf32, #tpu.memory_space<hbm>>) target(%arg6 : memref<6272xf32, #tpu.memory_space<vmem>>) target_semaphore(%arg10 : memref<!tpu.dma_semaphore, #tpu.memory_space<semaphore_mem>>)
    %scan3A_16 = arith.constant 0 : i32
    %scan3A_17 = arith.constant 0 : i32
    %scan3A_18 = arith.constant 8 : i32
    %scan3A_19 = arith.addi %scan3A_17, %scan3A_18 : i32
    %scan3A_20 = arith.constant 1 : i32
    %scan3A_21 = scf.for %scan3A_106 = %scan3A_17 to %scan3A_19 step %scan3A_20 iter_args(%scan3A_107 = %scan3A_16) -> (i32)  : i32 {
      %mul3A_108 = arith.constant 2 : i32
      %mul3A_109 = arith.muli %scan3A_106, %mul3A_108 : i32
      %mul3A_110 = arith.constant 6272 : i32
      %mul3A_111 = arith.muli %mul3A_109, %mul3A_110 : i32
      %dma_wait3A = tpu.memref_slice %arg2[%add3A_4, %mul3A_111] : memref<32x100352xf32, #tpu.memory_space<hbm>> -> memref<1x6272xf32, #tpu.memory_space<hbm>>
      %dma_wait3A_112 = tpu.memref_squeeze %dma_wait3A : memref<1x6272xf32, #tpu.memory_space<hbm>> -> memref<6272xf32, #tpu.memory_space<hbm>>
      %dma_wait3A_113 = tpu.memref_slice %arg2[%add3A_4, %mul3A_111] : memref<32x100352xf32, #tpu.memory_space<hbm>> -> memref<1x6272xf32, #tpu.memory_space<hbm>>
      %dma_wait3A_114 = tpu.memref_squeeze %dma_wait3A_113 : memref<1x6272xf32, #tpu.memory_space<hbm>> -> memref<6272xf32, #tpu.memory_space<hbm>>
      tpu.wait_dma2 semaphore(%arg10 : memref<!tpu.dma_semaphore, #tpu.memory_space<semaphore_mem>>) src(%dma_wait3A_114 : memref<6272xf32, #tpu.memory_space<hbm>>) dst(%arg6 : memref<6272xf32, #tpu.memory_space<vmem>>)
      %add3A_115 = arith.constant 1 : i32
      %add3A_116 = arith.addi %mul3A_109, %add3A_115 : i32
      %mul3A_117 = arith.constant 6272 : i32
      %mul3A_118 = arith.muli %add3A_116, %mul3A_117 : i32
      %dma_start3A_119 = tpu.memref_slice %arg2[%add3A_4, %mul3A_118] : memref<32x100352xf32, #tpu.memory_space<hbm>> -> memref<1x6272xf32, #tpu.memory_space<hbm>>
      %dma_start3A_120 = tpu.memref_squeeze %dma_start3A_119 : memref<1x6272xf32, #tpu.memory_space<hbm>> -> memref<6272xf32, #tpu.memory_space<hbm>>
      %dma_start3A_121 = tpu.memref_slice %arg2[%add3A_4, %mul3A_118] : memref<32x100352xf32, #tpu.memory_space<hbm>> -> memref<1x6272xf32, #tpu.memory_space<hbm>>
      %dma_start3A_122 = tpu.memref_squeeze %dma_start3A_121 : memref<1x6272xf32, #tpu.memory_space<hbm>> -> memref<6272xf32, #tpu.memory_space<hbm>>
      tpu.enqueue_dma source(%dma_start3A_122 : memref<6272xf32, #tpu.memory_space<hbm>>) target(%arg7 : memref<6272xf32, #tpu.memory_space<vmem>>) target_semaphore(%arg10 : memref<!tpu.dma_semaphore, #tpu.memory_space<semaphore_mem>>)
      %scan3A_123 = arith.constant 0 : i32
      %scan3A_124 = arith.constant 0 : i32
      %scan3A_125 = arith.constant 392 : i32
      %scan3A_126 = arith.addi %scan3A_124, %scan3A_125 : i32
      %scan3A_127 = arith.constant 1 : i32
      %scan3A_128 = scf.for %scan3A_150 = %scan3A_124 to %scan3A_126 step %scan3A_127 iter_args(%scan3A_151 = %scan3A_123) -> (i32)  : i32 {
        %mul3A_152 = arith.constant 16 : i32
        %mul3A_153 = arith.muli %scan3A_150, %mul3A_152 : i32
        %get3A = arith.index_cast %mul3A_153 : i32 to index
        %get3A_154 = tpu.vector_load %arg6[%get3A] {strides = array<i32>} : memref<6272xf32, #tpu.memory_space<vmem>>, vector<16xf32>,
        %bitcast3A = vector.bitcast %get3A_154 : vector<16xf32> to vector<16xi32>
        %and3A = arith.constant 2047 : i32
        %and3A_155 = vector.broadcast %and3A : i32 to vector<16xi32>
        %and3A_156 = arith.andi %bitcast3A, %and3A_155 : vector<16xi32>
        %broadcast_in_dim3A_157 = arith.constant true
        %broadcast_in_dim3A_158 = vector.broadcast %broadcast_in_dim3A_157 : i1 to vector<16xi1>
        %unique3A, %unique3A_159 = tpu.scan_count mask(%broadcast_in_dim3A_158 : vector<16xi1>) value(%and3A_156 : vector<16xi32>) : vector<16xi1>, vector<16xi32>
        tpu.vector_store_idx %arg9[%and3A_156], %unique3A_159 masked %unique3A {add = true} : memref<2048xi32, #tpu.memory_space<vmem>>[vector<16xi32>], vector<16xi32>, vector<16xi1>
        %scan3A_160 = arith.constant 0 : i32
        scf.yield %scan3A_160 : i32
      }
      %scan3A_129 = arith.constant 392 : i32
      %add3A_130 = arith.constant 1 : i32
      %add3A_131 = arith.addi %mul3A_109, %add3A_130 : i32
      %mul3A_132 = arith.constant 6272 : i32
      %mul3A_133 = arith.muli %add3A_131, %mul3A_132 : i32
      %dma_wait3A_134 = tpu.memref_slice %arg2[%add3A_4, %mul3A_133] : memref<32x100352xf32, #tpu.memory_space<hbm>> -> memref<1x6272xf32, #tpu.memory_space<hbm>>
      %dma_wait3A_135 = tpu.memref_squeeze %dma_wait3A_134 : memref<1x6272xf32, #tpu.memory_space<hbm>> -> memref<6272xf32, #tpu.memory_space<hbm>>
      %dma_wait3A_136 = tpu.memref_slice %arg2[%add3A_4, %mul3A_133] : memref<32x100352xf32, #tpu.memory_space<hbm>> -> memref<1x6272xf32, #tpu.memory_space<hbm>>
      %dma_wait3A_137 = tpu.memref_squeeze %dma_wait3A_136 : memref<1x6272xf32, #tpu.memory_space<hbm>> -> memref<6272xf32, #tpu.memory_space<hbm>>
      tpu.wait_dma2 semaphore(%arg10 : memref<!tpu.dma_semaphore, #tpu.memory_space<semaphore_mem>>) src(%dma_wait3A_137 : memref<6272xf32, #tpu.memory_space<hbm>>) dst(%arg7 : memref<6272xf32, #tpu.memory_space<vmem>>)
      %add3A_138 = arith.constant 2 : i32
      %add3A_139 = arith.addi %mul3A_109, %add3A_138 : i32
      %lt3A = arith.constant 16 : i32
      %lt3A_140 = arith.cmpi slt, %add3A_139, %lt3A : i32
      %convert_element_type3A = arith.extui %lt3A_140 : i1 to i32
      %cond3A = arith.constant 0 : i32
      %cond3A_141 = arith.cmpi ne, %convert_element_type3A, %cond3A : i32
      scf.if %cond3A_141 {
        %add3A_150 = arith.constant 2 : i32
        %add3A_151 = arith.addi %mul3A_109, %add3A_150 : i32
        %mul3A_152 = arith.constant 6272 : i32
        %mul3A_153 = arith.muli %add3A_151, %mul3A_152 : i32
        %dma_start3A_154 = tpu.memref_slice %arg2[%add3A_4, %mul3A_153] : memref<32x100352xf32, #tpu.memory_space<hbm>> -> memref<1x6272xf32, #tpu.memory_space<hbm>>
        %dma_start3A_155 = tpu.memref_squeeze %dma_start3A_154 : memref<1x6272xf32, #tpu.memory_space<hbm>> -> memref<6272xf32, #tpu.memory_space<hbm>>
        %dma_start3A_156 = tpu.memref_slice %arg2[%add3A_4, %mul3A_153] : memref<32x100352xf32, #tpu.memory_space<hbm>> -> memref<1x6272xf32, #tpu.memory_space<hbm>>
        %dma_start3A_157 = tpu.memref_squeeze %dma_start3A_156 : memref<1x6272xf32, #tpu.memory_space<hbm>> -> memref<6272xf32, #tpu.memory_space<hbm>>
        tpu.enqueue_dma source(%dma_start3A_157 : memref<6272xf32, #tpu.memory_space<hbm>>) target(%arg6 : memref<6272xf32, #tpu.memory_space<vmem>>) target_semaphore(%arg10 : memref<!tpu.dma_semaphore, #tpu.memory_space<semaphore_mem>>)
      } else {
      }
      %scan3A_142 = arith.constant 0 : i32
      %scan3A_143 = arith.constant 0 : i32
      %scan3A_144 = arith.constant 392 : i32
      %scan3A_145 = arith.addi %scan3A_143, %scan3A_144 : i32
      %scan3A_146 = arith.constant 1 : i32
      %scan3A_147 = scf.for %scan3A_150 = %scan3A_143 to %scan3A_145 step %scan3A_146 iter_args(%scan3A_151 = %scan3A_142) -> (i32)  : i32 {
        %mul3A_152 = arith.constant 16 : i32
        %mul3A_153 = arith.muli %scan3A_150, %mul3A_152 : i32
        %get3A = arith.index_cast %mul3A_153 : i32 to index
        %get3A_154 = tpu.vector_load %arg7[%get3A] {strides = array<i32>} : memref<6272xf32, #tpu.memory_space<vmem>>, vector<16xf32>,
        %bitcast3A = vector.bitcast %get3A_154 : vector<16xf32> to vector<16xi32>
        %and3A = arith.constant 2047 : i32
        %and3A_155 = vector.broadcast %and3A : i32 to vector<16xi32>
        %and3A_156 = arith.andi %bitcast3A, %and3A_155 : vector<16xi32>
        %broadcast_in_dim3A_157 = arith.constant true
        %broadcast_in_dim3A_158 = vector.broadcast %broadcast_in_dim3A_157 : i1 to vector<16xi1>
        %unique3A, %unique3A_159 = tpu.scan_count mask(%broadcast_in_dim3A_158 : vector<16xi1>) value(%and3A_156 : vector<16xi32>) : vector<16xi1>, vector<16xi32>
        tpu.vector_store_idx %arg9[%and3A_156], %unique3A_159 masked %unique3A {add = true} : memref<2048xi32, #tpu.memory_space<vmem>>[vector<16xi32>], vector<16xi32>, vector<16xi1>
        %scan3A_160 = arith.constant 0 : i32
        scf.yield %scan3A_160 : i32
      }
      %scan3A_148 = arith.constant 392 : i32
      %scan3A_149 = arith.constant 0 : i32
      scf.yield %scan3A_149 : i32
    }
    %scan3A_22 = arith.constant 8 : i32
    %broadcast_in_dim3A = arith.constant 0 : i32
    %broadcast_in_dim3A_23 = vector.broadcast %broadcast_in_dim3A : i32 to vector<16xi32>
    %scan3A_24 = arith.constant 0 : i32
    %scan3A_25 = arith.constant 128 : i32
    %scan3A_26 = arith.addi %scan3A_24, %scan3A_25 : i32
    %scan3A_27 = arith.constant 1 : i32
    %scan3A_28 = scf.for %scan3A_106 = %scan3A_24 to %scan3A_26 step %scan3A_27 iter_args(%scan3A_107 = %broadcast_in_dim3A_23) -> (vector<16xi32>)  : i32 {
      %mul3A_108 = arith.constant 16 : i32
      %mul3A_109 = arith.muli %scan3A_106, %mul3A_108 : i32
      %get3A = arith.index_cast %mul3A_109 : i32 to index
      %get3A_110 = tpu.vector_load %arg9[%get3A] {strides = array<i32>} : memref<2048xi32, #tpu.memory_space<vmem>>, vector<16xi32>,
      %broadcast_in_dim3A_111 = arith.constant true
      %broadcast_in_dim3A_112 = vector.broadcast %broadcast_in_dim3A_111 : i1 to vector<16xi1>
      %masked_cumsum3A = tpu.scan <sum>, %get3A_110 masked %broadcast_in_dim3A_112 : vector<16xi32>, vector<16xi1> -> vector<16xi32>
      %sub3A = arith.subi %masked_cumsum3A, %get3A_110 : vector<16xi32>
      %add3A_113 = arith.addi %sub3A, %scan3A_107 : vector<16xi32>
      %mul3A_114 = arith.constant 16 : i32
      %mul3A_115 = arith.muli %scan3A_106, %mul3A_114 : i32
      %swap3A = arith.index_cast %mul3A_115 : i32 to index
      %swap3A_116 = tpu.vector_load %arg8[%swap3A] {strides = array<i32>} : memref<2048xi32, #tpu.memory_space<vmem>>, vector<16xi32>,
      tpu.vector_store %arg8[%swap3A], %add3A_113 {strides = array<i32>} : memref<2048xi32, #tpu.memory_space<vmem>>, vector<16xi32>,
      %reduce_sum3A = arith.constant true
      %reduce_sum3A_117 = vector.broadcast %reduce_sum3A : i1 to vector<16xi1>
      %reduce_sum3A_118 = tpu.scan <sum>, %get3A_110 masked %reduce_sum3A_117 : vector<16xi32>, vector<16xi1> -> vector<16xi32>
      %reduce_sum3A_119 = vector.extract %reduce_sum3A_118[15] : i32 from vector<16xi32>
      %add3A_120 = vector.broadcast %reduce_sum3A_119 : i32 to vector<16xi32>
      %add3A_121 = arith.addi %scan3A_107, %add3A_120 : vector<16xi32>
      scf.yield %add3A_121 : vector<16xi32>
    }
    %scan3A_29 = arith.constant 128 : i32
    %scan3A_30 = arith.constant 0 : i32
    %scan3A_31 = arith.constant 0 : i32
    %scan3A_32 = arith.constant 128 : i32
    %scan3A_33 = arith.addi %scan3A_31, %scan3A_32 : i32
    %scan3A_34 = arith.constant 1 : i32
    %scan3A_35 = scf.for %scan3A_106 = %scan3A_31 to %scan3A_33 step %scan3A_34 iter_args(%scan3A_107 = %scan3A_30) -> (i32)  : i32 {
      %broadcast_in_dim3A_108 = arith.constant 0 : i32
      %broadcast_in_dim3A_109 = vector.broadcast %broadcast_in_dim3A_108 : i32 to vector<16xi32>
      %mul3A_110 = arith.constant 16 : i32
      %mul3A_111 = arith.muli %scan3A_106, %mul3A_110 : i32
      %swap3A = arith.index_cast %mul3A_111 : i32 to index
      %swap3A_112 = tpu.vector_load %arg9[%swap3A] {strides = array<i32>} : memref<2048xi32, #tpu.memory_space<vmem>>, vector<16xi32>,
      tpu.vector_store %arg9[%swap3A], %broadcast_in_dim3A_109 {strides = array<i32>} : memref<2048xi32, #tpu.memory_space<vmem>>, vector<16xi32>,
      %scan3A_113 = arith.constant 0 : i32
      scf.yield %scan3A_113 : i32
    }
    %scan3A_36 = arith.constant 128 : i32
    %dma_start3A_37 = arith.constant 0 : i32
    %dma_start3A_38 = tpu.memref_slice %arg2[%add3A_4, %dma_start3A_37] : memref<32x100352xf32, #tpu.memory_space<hbm>> -> memref<1x6272xf32, #tpu.memory_space<hbm>>
    %dma_start3A_39 = tpu.memref_squeeze %dma_start3A_38 : memref<1x6272xf32, #tpu.memory_space<hbm>> -> memref<6272xf32, #tpu.memory_space<hbm>>
    %dma_start3A_40 = arith.constant 0 : i32
    %dma_start3A_41 = tpu.memref_slice %arg2[%add3A_4, %dma_start3A_40] : memref<32x100352xf32, #tpu.memory_space<hbm>> -> memref<1x6272xf32, #tpu.memory_space<hbm>>
    %dma_start3A_42 = tpu.memref_squeeze %dma_start3A_41 : memref<1x6272xf32, #tpu.memory_space<hbm>> -> memref<6272xf32, #tpu.memory_space<hbm>>
    tpu.enqueue_dma source(%dma_start3A_42 : memref<6272xf32, #tpu.memory_space<hbm>>) target(%arg6 : memref<6272xf32, #tpu.memory_space<vmem>>) target_semaphore(%arg10 : memref<!tpu.dma_semaphore, #tpu.memory_space<semaphore_mem>>)
    %scan3A_43 = arith.constant 0 : i32
    %scan3A_44 = arith.constant 0 : i32
    %scan3A_45 = arith.constant 8 : i32
    %scan3A_46 = arith.addi %scan3A_44, %scan3A_45 : i32
    %scan3A_47 = arith.constant 1 : i32
    %scan3A_48 = scf.for %scan3A_106 = %scan3A_44 to %scan3A_46 step %scan3A_47 iter_args(%scan3A_107 = %scan3A_43) -> (i32)  : i32 {
      %mul3A_108 = arith.constant 2 : i32
      %mul3A_109 = arith.muli %scan3A_106, %mul3A_108 : i32
      %mul3A_110 = arith.constant 6272 : i32
      %mul3A_111 = arith.muli %mul3A_109, %mul3A_110 : i32
      %dma_wait3A = tpu.memref_slice %arg2[%add3A_4, %mul3A_111] : memref<32x100352xf32, #tpu.memory_space<hbm>> -> memref<1x6272xf32, #tpu.memory_space<hbm>>
      %dma_wait3A_112 = tpu.memref_squeeze %dma_wait3A : memref<1x6272xf32, #tpu.memory_space<hbm>> -> memref<6272xf32, #tpu.memory_space<hbm>>
      %dma_wait3A_113 = tpu.memref_slice %arg2[%add3A_4, %mul3A_111] : memref<32x100352xf32, #tpu.memory_space<hbm>> -> memref<1x6272xf32, #tpu.memory_space<hbm>>
      %dma_wait3A_114 = tpu.memref_squeeze %dma_wait3A_113 : memref<1x6272xf32, #tpu.memory_space<hbm>> -> memref<6272xf32, #tpu.memory_space<hbm>>
      tpu.wait_dma2 semaphore(%arg10 : memref<!tpu.dma_semaphore, #tpu.memory_space<semaphore_mem>>) src(%dma_wait3A_114 : memref<6272xf32, #tpu.memory_space<hbm>>) dst(%arg6 : memref<6272xf32, #tpu.memory_space<vmem>>)
      %add3A_115 = arith.constant 1 : i32
      %add3A_116 = arith.addi %mul3A_109, %add3A_115 : i32
      %mul3A_117 = arith.constant 6272 : i32
      %mul3A_118 = arith.muli %add3A_116, %mul3A_117 : i32
      %dma_start3A_119 = tpu.memref_slice %arg2[%add3A_4, %mul3A_118] : memref<32x100352xf32, #tpu.memory_space<hbm>> -> memref<1x6272xf32, #tpu.memory_space<hbm>>
      %dma_start3A_120 = tpu.memref_squeeze %dma_start3A_119 : memref<1x6272xf32, #tpu.memory_space<hbm>> -> memref<6272xf32, #tpu.memory_space<hbm>>
      %dma_start3A_121 = tpu.memref_slice %arg2[%add3A_4, %mul3A_118] : memref<32x100352xf32, #tpu.memory_space<hbm>> -> memref<1x6272xf32, #tpu.memory_space<hbm>>
      %dma_start3A_122 = tpu.memref_squeeze %dma_start3A_121 : memref<1x6272xf32, #tpu.memory_space<hbm>> -> memref<6272xf32, #tpu.memory_space<hbm>>
      tpu.enqueue_dma source(%dma_start3A_122 : memref<6272xf32, #tpu.memory_space<hbm>>) target(%arg7 : memref<6272xf32, #tpu.memory_space<vmem>>) target_semaphore(%arg10 : memref<!tpu.dma_semaphore, #tpu.memory_space<semaphore_mem>>)
      %scan3A_123 = arith.constant 0 : i32
      %scan3A_124 = arith.constant 0 : i32
      %scan3A_125 = arith.constant 392 : i32
      %scan3A_126 = arith.addi %scan3A_124, %scan3A_125 : i32
      %scan3A_127 = arith.constant 1 : i32
      %scan3A_128 = scf.for %scan3A_150 = %scan3A_124 to %scan3A_126 step %scan3A_127 iter_args(%scan3A_151 = %scan3A_123) -> (i32)  : i32 {
        %mul3A_152 = arith.constant 16 : i32
        %mul3A_153 = arith.muli %scan3A_150, %mul3A_152 : i32
        %get3A = arith.index_cast %mul3A_153 : i32 to index
        %get3A_154 = tpu.vector_load %arg6[%get3A] {strides = array<i32>} : memref<6272xf32, #tpu.memory_space<vmem>>, vector<16xf32>,
        %bitcast3A = vector.bitcast %get3A_154 : vector<16xf32> to vector<16xi32>
        %shift_right_arithmetic3A = arith.constant 0 : i32
        %shift_right_arithmetic3A_155 = vector.broadcast %shift_right_arithmetic3A : i32 to vector<16xi32>
        %shift_right_arithmetic3A_156 = arith.shrsi %bitcast3A, %shift_right_arithmetic3A_155 : vector<16xi32>
        %and3A = arith.constant 2047 : i32
        %and3A_157 = vector.broadcast %and3A : i32 to vector<16xi32>
        %and3A_158 = arith.andi %shift_right_arithmetic3A_156, %and3A_157 : vector<16xi32>
        %broadcast_in_dim3A_159 = arith.constant true
        %broadcast_in_dim3A_160 = vector.broadcast %broadcast_in_dim3A_159 : i1 to vector<16xi1>
        %unique3A, %unique3A_161 = tpu.scan_count mask(%broadcast_in_dim3A_160 : vector<16xi1>) value(%and3A_158 : vector<16xi32>) : vector<16xi1>, vector<16xi32>
        %gather3A = tpu.vector_load_idx %arg8[%and3A_158] : memref<2048xi32, #tpu.memory_space<vmem>>[vector<16xi32>], vector<16xi32>,
        %add3A_162 = arith.addi %gather3A, %unique3A_161 : vector<16xi32>
        %sub3A = arith.constant 1 : i32
        %sub3A_163 = vector.broadcast %sub3A : i32 to vector<16xi32>
        %sub3A_164 = arith.subi %add3A_162, %sub3A_163 : vector<16xi32>
        tpu.vector_store_idx %arg5[%sub3A_164], %get3A_154 : memref<100352xf32, #tpu.memory_space<vmem>>[vector<16xi32>], vector<16xf32>,
        tpu.vector_store_idx %arg8[%and3A_158], %unique3A_161 masked %unique3A {add = true} : memref<2048xi32, #tpu.memory_space<vmem>>[vector<16xi32>], vector<16xi32>, vector<16xi1>
        %shift_right_arithmetic3A_165 = arith.constant 11 : i32
        %shift_right_arithmetic3A_166 = vector.broadcast %shift_right_arithmetic3A_165 : i32 to vector<16xi32>
        %shift_right_arithmetic3A_167 = arith.shrsi %bitcast3A, %shift_right_arithmetic3A_166 : vector<16xi32>
        %and3A_168 = arith.constant 2047 : i32
        %and3A_169 = vector.broadcast %and3A_168 : i32 to vector<16xi32>
        %and3A_170 = arith.andi %shift_right_arithmetic3A_167, %and3A_169 : vector<16xi32>
        %broadcast_in_dim3A_171 = arith.constant true
        %broadcast_in_dim3A_172 = vector.broadcast %broadcast_in_dim3A_171 : i1 to vector<16xi1>
        %unique3A_173, %unique3A_174 = tpu.scan_count mask(%broadcast_in_dim3A_172 : vector<16xi1>) value(%and3A_170 : vector<16xi32>) : vector<16xi1>, vector<16xi32>
        tpu.vector_store_idx %arg9[%and3A_170], %unique3A_174 masked %unique3A_173 {add = true} : memref<2048xi32, #tpu.memory_space<vmem>>[vector<16xi32>], vector<16xi32>, vector<16xi1>
        %scan3A_175 = arith.constant 0 : i32
        scf.yield %scan3A_175 : i32
      }
      %scan3A_129 = arith.constant 392 : i32
      %add3A_130 = arith.constant 1 : i32
      %add3A_131 = arith.addi %mul3A_109, %add3A_130 : i32
      %mul3A_132 = arith.constant 6272 : i32
      %mul3A_133 = arith.muli %add3A_131, %mul3A_132 : i32
      %dma_wait3A_134 = tpu.memref_slice %arg2[%add3A_4, %mul3A_133] : memref<32x100352xf32, #tpu.memory_space<hbm>> -> memref<1x6272xf32, #tpu.memory_space<hbm>>
      %dma_wait3A_135 = tpu.memref_squeeze %dma_wait3A_134 : memref<1x6272xf32, #tpu.memory_space<hbm>> -> memref<6272xf32, #tpu.memory_space<hbm>>
      %dma_wait3A_136 = tpu.memref_slice %arg2[%add3A_4, %mul3A_133] : memref<32x100352xf32, #tpu.memory_space<hbm>> -> memref<1x6272xf32, #tpu.memory_space<hbm>>
      %dma_wait3A_137 = tpu.memref_squeeze %dma_wait3A_136 : memref<1x6272xf32, #tpu.memory_space<hbm>> -> memref<6272xf32, #tpu.memory_space<hbm>>
      tpu.wait_dma2 semaphore(%arg10 : memref<!tpu.dma_semaphore, #tpu.memory_space<semaphore_mem>>) src(%dma_wait3A_137 : memref<6272xf32, #tpu.memory_space<hbm>>) dst(%arg7 : memref<6272xf32, #tpu.memory_space<vmem>>)
      %add3A_138 = arith.constant 2 : i32
      %add3A_139 = arith.addi %mul3A_109, %add3A_138 : i32
      %lt3A = arith.constant 16 : i32
      %lt3A_140 = arith.cmpi slt, %add3A_139, %lt3A : i32
      %convert_element_type3A = arith.extui %lt3A_140 : i1 to i32
      %cond3A = arith.constant 0 : i32
      %cond3A_141 = arith.cmpi ne, %convert_element_type3A, %cond3A : i32
      scf.if %cond3A_141 {
        %add3A_150 = arith.constant 2 : i32
        %add3A_151 = arith.addi %mul3A_109, %add3A_150 : i32
        %mul3A_152 = arith.constant 6272 : i32
        %mul3A_153 = arith.muli %add3A_151, %mul3A_152 : i32
        %dma_start3A_154 = tpu.memref_slice %arg2[%add3A_4, %mul3A_153] : memref<32x100352xf32, #tpu.memory_space<hbm>> -> memref<1x6272xf32, #tpu.memory_space<hbm>>
        %dma_start3A_155 = tpu.memref_squeeze %dma_start3A_154 : memref<1x6272xf32, #tpu.memory_space<hbm>> -> memref<6272xf32, #tpu.memory_space<hbm>>
        %dma_start3A_156 = tpu.memref_slice %arg2[%add3A_4, %mul3A_153] : memref<32x100352xf32, #tpu.memory_space<hbm>> -> memref<1x6272xf32, #tpu.memory_space<hbm>>
        %dma_start3A_157 = tpu.memref_squeeze %dma_start3A_156 : memref<1x6272xf32, #tpu.memory_space<hbm>> -> memref<6272xf32, #tpu.memory_space<hbm>>
        tpu.enqueue_dma source(%dma_start3A_157 : memref<6272xf32, #tpu.memory_space<hbm>>) target(%arg6 : memref<6272xf32, #tpu.memory_space<vmem>>) target_semaphore(%arg10 : memref<!tpu.dma_semaphore, #tpu.memory_space<semaphore_mem>>)
      } else {
      }
      %scan3A_142 = arith.constant 0 : i32
      %scan3A_143 = arith.constant 0 : i32
      %scan3A_144 = arith.constant 392 : i32
      %scan3A_145 = arith.addi %scan3A_143, %scan3A_144 : i32
      %scan3A_146 = arith.constant 1 : i32
      %scan3A_147 = scf.for %scan3A_150 = %scan3A_143 to %scan3A_145 step %scan3A_146 iter_args(%scan3A_151 = %scan3A_142) -> (i32)  : i32 {
        %mul3A_152 = arith.constant 16 : i32
        %mul3A_153 = arith.muli %scan3A_150, %mul3A_152 : i32
        %get3A = arith.index_cast %mul3A_153 : i32 to index
        %get3A_154 = tpu.vector_load %arg7[%get3A] {strides = array<i32>} : memref<6272xf32, #tpu.memory_space<vmem>>, vector<16xf32>,
        %bitcast3A = vector.bitcast %get3A_154 : vector<16xf32> to vector<16xi32>
        %shift_right_arithmetic3A = arith.constant 0 : i32
        %shift_right_arithmetic3A_155 = vector.broadcast %shift_right_arithmetic3A : i32 to vector<16xi32>
        %shift_right_arithmetic3A_156 = arith.shrsi %bitcast3A, %shift_right_arithmetic3A_155 : vector<16xi32>
        %and3A = arith.constant 2047 : i32
        %and3A_157 = vector.broadcast %and3A : i32 to vector<16xi32>
        %and3A_158 = arith.andi %shift_right_arithmetic3A_156, %and3A_157 : vector<16xi32>
        %broadcast_in_dim3A_159 = arith.constant true
        %broadcast_in_dim3A_160 = vector.broadcast %broadcast_in_dim3A_159 : i1 to vector<16xi1>
        %unique3A, %unique3A_161 = tpu.scan_count mask(%broadcast_in_dim3A_160 : vector<16xi1>) value(%and3A_158 : vector<16xi32>) : vector<16xi1>, vector<16xi32>
        %gather3A = tpu.vector_load_idx %arg8[%and3A_158] : memref<2048xi32, #tpu.memory_space<vmem>>[vector<16xi32>], vector<16xi32>,
        %add3A_162 = arith.addi %gather3A, %unique3A_161 : vector<16xi32>
        %sub3A = arith.constant 1 : i32
        %sub3A_163 = vector.broadcast %sub3A : i32 to vector<16xi32>
        %sub3A_164 = arith.subi %add3A_162, %sub3A_163 : vector<16xi32>
        tpu.vector_store_idx %arg5[%sub3A_164], %get3A_154 : memref<100352xf32, #tpu.memory_space<vmem>>[vector<16xi32>], vector<16xf32>,
        tpu.vector_store_idx %arg8[%and3A_158], %unique3A_161 masked %unique3A {add = true} : memref<2048xi32, #tpu.memory_space<vmem>>[vector<16xi32>], vector<16xi32>, vector<16xi1>
        %shift_right_arithmetic3A_165 = arith.constant 11 : i32
        %shift_right_arithmetic3A_166 = vector.broadcast %shift_right_arithmetic3A_165 : i32 to vector<16xi32>
        %shift_right_arithmetic3A_167 = arith.shrsi %bitcast3A, %shift_right_arithmetic3A_166 : vector<16xi32>
        %and3A_168 = arith.constant 2047 : i32
        %and3A_169 = vector.broadcast %and3A_168 : i32 to vector<16xi32>
        %and3A_170 = arith.andi %shift_right_arithmetic3A_167, %and3A_169 : vector<16xi32>
        %broadcast_in_dim3A_171 = arith.constant true
        %broadcast_in_dim3A_172 = vector.broadcast %broadcast_in_dim3A_171 : i1 to vector<16xi1>
        %unique3A_173, %unique3A_174 = tpu.scan_count mask(%broadcast_in_dim3A_172 : vector<16xi1>) value(%and3A_170 : vector<16xi32>) : vector<16xi1>, vector<16xi32>
        tpu.vector_store_idx %arg9[%and3A_170], %unique3A_174 masked %unique3A_173 {add = true} : memref<2048xi32, #tpu.memory_space<vmem>>[vector<16xi32>], vector<16xi32>, vector<16xi1>
        %scan3A_175 = arith.constant 0 : i32
        scf.yield %scan3A_175 : i32
      }
      %scan3A_148 = arith.constant 392 : i32
      %scan3A_149 = arith.constant 0 : i32
      scf.yield %scan3A_149 : i32
    }
    %scan3A_49 = arith.constant 8 : i32
    "tpu.region"() ({
      %run_scoped3A = tpu.sem_alloc : memref<!tpu.dma_semaphore, #tpu.memory_space<semaphore_mem>>
      %dma_start3A_106 = arith.constant 0 : i32
      %dma_start3A_107 = tpu.memref_slice %arg4[%add3A_4, %dma_start3A_106] : memref<32x100352xf32, #tpu.memory_space<hbm>> -> memref<1x100352xf32, #tpu.memory_space<hbm>>
      %dma_start3A_108 = tpu.memref_squeeze %dma_start3A_107 : memref<1x100352xf32, #tpu.memory_space<hbm>> -> memref<100352xf32, #tpu.memory_space<hbm>>
      %dma_start3A_109 = arith.constant 0 : i32
      %dma_start3A_110 = tpu.memref_slice %arg4[%add3A_4, %dma_start3A_109] : memref<32x100352xf32, #tpu.memory_space<hbm>> -> memref<1x100352xf32, #tpu.memory_space<hbm>>
      %dma_start3A_111 = tpu.memref_squeeze %dma_start3A_110 : memref<1x100352xf32, #tpu.memory_space<hbm>> -> memref<100352xf32, #tpu.memory_space<hbm>>
      tpu.enqueue_dma source(%arg5 : memref<100352xf32, #tpu.memory_space<vmem>>) target(%dma_start3A_111 : memref<100352xf32, #tpu.memory_space<hbm>>) target_semaphore(%run_scoped3A : memref<!tpu.dma_semaphore, #tpu.memory_space<semaphore_mem>>)
      %dma_wait3A = arith.constant 0 : i32
      %dma_wait3A_112 = tpu.memref_slice %arg4[%add3A_4, %dma_wait3A] : memref<32x100352xf32, #tpu.memory_space<hbm>> -> memref<1x100352xf32, #tpu.memory_space<hbm>>
      %dma_wait3A_113 = tpu.memref_squeeze %dma_wait3A_112 : memref<1x100352xf32, #tpu.memory_space<hbm>> -> memref<100352xf32, #tpu.memory_space<hbm>>
      %dma_wait3A_114 = arith.constant 0 : i32
      %dma_wait3A_115 = tpu.memref_slice %arg4[%add3A_4, %dma_wait3A_114] : memref<32x100352xf32, #tpu.memory_space<hbm>> -> memref<1x100352xf32, #tpu.memory_space<hbm>>
      %dma_wait3A_116 = tpu.memref_squeeze %dma_wait3A_115 : memref<1x100352xf32, #tpu.memory_space<hbm>> -> memref<100352xf32, #tpu.memory_space<hbm>>
      tpu.wait_dma2 semaphore(%run_scoped3A : memref<!tpu.dma_semaphore, #tpu.memory_space<semaphore_mem>>) src(%arg5 : memref<100352xf32, #tpu.memory_space<vmem>>) dst(%dma_wait3A_116 : memref<100352xf32, #tpu.memory_space<hbm>>)
      tpu.yield
    }) : () -> ()
    %broadcast_in_dim3A_50 = arith.constant 0 : i32
    %broadcast_in_dim3A_51 = vector.broadcast %broadcast_in_dim3A_50 : i32 to vector<16xi32>
    %scan3A_52 = arith.constant 0 : i32
    %scan3A_53 = arith.constant 128 : i32
    %scan3A_54 = arith.addi %scan3A_52, %scan3A_53 : i32
    %scan3A_55 = arith.constant 1 : i32
    %scan3A_56 = scf.for %scan3A_106 = %scan3A_52 to %scan3A_54 step %scan3A_55 iter_args(%scan3A_107 = %broadcast_in_dim3A_51) -> (vector<16xi32>)  : i32 {
      %mul3A_108 = arith.constant 16 : i32
      %mul3A_109 = arith.muli %scan3A_106, %mul3A_108 : i32
      %get3A = arith.index_cast %mul3A_109 : i32 to index
      %get3A_110 = tpu.vector_load %arg9[%get3A] {strides = array<i32>} : memref<2048xi32, #tpu.memory_space<vmem>>, vector<16xi32>,
      %broadcast_in_dim3A_111 = arith.constant true
      %broadcast_in_dim3A_112 = vector.broadcast %broadcast_in_dim3A_111 : i1 to vector<16xi1>
      %masked_cumsum3A = tpu.scan <sum>, %get3A_110 masked %broadcast_in_dim3A_112 : vector<16xi32>, vector<16xi1> -> vector<16xi32>
      %sub3A = arith.subi %masked_cumsum3A, %get3A_110 : vector<16xi32>
      %add3A_113 = arith.addi %sub3A, %scan3A_107 : vector<16xi32>
      %mul3A_114 = arith.constant 16 : i32
      %mul3A_115 = arith.muli %scan3A_106, %mul3A_114 : i32
      %swap3A = arith.index_cast %mul3A_115 : i32 to index
      %swap3A_116 = tpu.vector_load %arg8[%swap3A] {strides = array<i32>} : memref<2048xi32, #tpu.memory_space<vmem>>, vector<16xi32>,
      tpu.vector_store %arg8[%swap3A], %add3A_113 {strides = array<i32>} : memref<2048xi32, #tpu.memory_space<vmem>>, vector<16xi32>,
      %reduce_sum3A = arith.constant true
      %reduce_sum3A_117 = vector.broadcast %reduce_sum3A : i1 to vector<16xi1>
      %reduce_sum3A_118 = tpu.scan <sum>, %get3A_110 masked %reduce_sum3A_117 : vector<16xi32>, vector<16xi1> -> vector<16xi32>
      %reduce_sum3A_119 = vector.extract %reduce_sum3A_118[15] : i32 from vector<16xi32>
      %add3A_120 = vector.broadcast %reduce_sum3A_119 : i32 to vector<16xi32>
      %add3A_121 = arith.addi %scan3A_107, %add3A_120 : vector<16xi32>
      scf.yield %add3A_121 : vector<16xi32>
    }
    %scan3A_57 = arith.constant 128 : i32
    %scan3A_58 = arith.constant 0 : i32
    %scan3A_59 = arith.constant 0 : i32
    %scan3A_60 = arith.constant 128 : i32
    %scan3A_61 = arith.addi %scan3A_59, %scan3A_60 : i32
    %scan3A_62 = arith.constant 1 : i32
    %scan3A_63 = scf.for %scan3A_106 = %scan3A_59 to %scan3A_61 step %scan3A_62 iter_args(%scan3A_107 = %scan3A_58) -> (i32)  : i32 {
      %broadcast_in_dim3A_108 = arith.constant 0 : i32
      %broadcast_in_dim3A_109 = vector.broadcast %broadcast_in_dim3A_108 : i32 to vector<16xi32>
      %mul3A_110 = arith.constant 16 : i32
      %mul3A_111 = arith.muli %scan3A_106, %mul3A_110 : i32
      %swap3A = arith.index_cast %mul3A_111 : i32 to index
      %swap3A_112 = tpu.vector_load %arg9[%swap3A] {strides = array<i32>} : memref<2048xi32, #tpu.memory_space<vmem>>, vector<16xi32>,
      tpu.vector_store %arg9[%swap3A], %broadcast_in_dim3A_109 {strides = array<i32>} : memref<2048xi32, #tpu.memory_space<vmem>>, vector<16xi32>,
      %scan3A_113 = arith.constant 0 : i32
      scf.yield %scan3A_113 : i32
    }
    %scan3A_64 = arith.constant 128 : i32
    %dma_start3A_65 = arith.constant 0 : i32
    %dma_start3A_66 = tpu.memref_slice %arg4[%add3A_4, %dma_start3A_65] : memref<32x100352xf32, #tpu.memory_space<hbm>> -> memref<1x6272xf32, #tpu.memory_space<hbm>>
    %dma_start3A_67 = tpu.memref_squeeze %dma_start3A_66 : memref<1x6272xf32, #tpu.memory_space<hbm>> -> memref<6272xf32, #tpu.memory_space<hbm>>
    %dma_start3A_68 = arith.constant 0 : i32
    %dma_start3A_69 = tpu.memref_slice %arg4[%add3A_4, %dma_start3A_68] : memref<32x100352xf32, #tpu.memory_space<hbm>> -> memref<1x6272xf32, #tpu.memory_space<hbm>>
    %dma_start3A_70 = tpu.memref_squeeze %dma_start3A_69 : memref<1x6272xf32, #tpu.memory_space<hbm>> -> memref<6272xf32, #tpu.memory_space<hbm>>
    tpu.enqueue_dma source(%dma_start3A_70 : memref<6272xf32, #tpu.memory_space<hbm>>) target(%arg6 : memref<6272xf32, #tpu.memory_space<vmem>>) target_semaphore(%arg10 : memref<!tpu.dma_semaphore, #tpu.memory_space<semaphore_mem>>)
    %scan3A_71 = arith.constant 0 : i32
    %scan3A_72 = arith.constant 0 : i32
    %scan3A_73 = arith.constant 8 : i32
    %scan3A_74 = arith.addi %scan3A_72, %scan3A_73 : i32
    %scan3A_75 = arith.constant 1 : i32
    %scan3A_76 = scf.for %scan3A_106 = %scan3A_72 to %scan3A_74 step %scan3A_75 iter_args(%scan3A_107 = %scan3A_71) -> (i32)  : i32 {
      %mul3A_108 = arith.constant 2 : i32
      %mul3A_109 = arith.muli %scan3A_106, %mul3A_108 : i32
      %mul3A_110 = arith.constant 6272 : i32
      %mul3A_111 = arith.muli %mul3A_109, %mul3A_110 : i32
      %dma_wait3A = tpu.memref_slice %arg4[%add3A_4, %mul3A_111] : memref<32x100352xf32, #tpu.memory_space<hbm>> -> memref<1x6272xf32, #tpu.memory_space<hbm>>
      %dma_wait3A_112 = tpu.memref_squeeze %dma_wait3A : memref<1x6272xf32, #tpu.memory_space<hbm>> -> memref<6272xf32, #tpu.memory_space<hbm>>
      %dma_wait3A_113 = tpu.memref_slice %arg4[%add3A_4, %mul3A_111] : memref<32x100352xf32, #tpu.memory_space<hbm>> -> memref<1x6272xf32, #tpu.memory_space<hbm>>
      %dma_wait3A_114 = tpu.memref_squeeze %dma_wait3A_113 : memref<1x6272xf32, #tpu.memory_space<hbm>> -> memref<6272xf32, #tpu.memory_space<hbm>>
      tpu.wait_dma2 semaphore(%arg10 : memref<!tpu.dma_semaphore, #tpu.memory_space<semaphore_mem>>) src(%dma_wait3A_114 : memref<6272xf32, #tpu.memory_space<hbm>>) dst(%arg6 : memref<6272xf32, #tpu.memory_space<vmem>>)
      %add3A_115 = arith.constant 1 : i32
      %add3A_116 = arith.addi %mul3A_109, %add3A_115 : i32
      %mul3A_117 = arith.constant 6272 : i32
      %mul3A_118 = arith.muli %add3A_116, %mul3A_117 : i32
      %dma_start3A_119 = tpu.memref_slice %arg4[%add3A_4, %mul3A_118] : memref<32x100352xf32, #tpu.memory_space<hbm>> -> memref<1x6272xf32, #tpu.memory_space<hbm>>
      %dma_start3A_120 = tpu.memref_squeeze %dma_start3A_119 : memref<1x6272xf32, #tpu.memory_space<hbm>> -> memref<6272xf32, #tpu.memory_space<hbm>>
      %dma_start3A_121 = tpu.memref_slice %arg4[%add3A_4, %mul3A_118] : memref<32x100352xf32, #tpu.memory_space<hbm>> -> memref<1x6272xf32, #tpu.memory_space<hbm>>
      %dma_start3A_122 = tpu.memref_squeeze %dma_start3A_121 : memref<1x6272xf32, #tpu.memory_space<hbm>> -> memref<6272xf32, #tpu.memory_space<hbm>>
      tpu.enqueue_dma source(%dma_start3A_122 : memref<6272xf32, #tpu.memory_space<hbm>>) target(%arg7 : memref<6272xf32, #tpu.memory_space<vmem>>) target_semaphore(%arg10 : memref<!tpu.dma_semaphore, #tpu.memory_space<semaphore_mem>>)
      %scan3A_123 = arith.constant 0 : i32
      %scan3A_124 = arith.constant 0 : i32
      %scan3A_125 = arith.constant 392 : i32
      %scan3A_126 = arith.addi %scan3A_124, %scan3A_125 : i32
      %scan3A_127 = arith.constant 1 : i32
      %scan3A_128 = scf.for %scan3A_150 = %scan3A_124 to %scan3A_126 step %scan3A_127 iter_args(%scan3A_151 = %scan3A_123) -> (i32)  : i32 {
        %mul3A_152 = arith.constant 16 : i32
        %mul3A_153 = arith.muli %scan3A_150, %mul3A_152 : i32
        %get3A = arith.index_cast %mul3A_153 : i32 to index
        %get3A_154 = tpu.vector_load %arg6[%get3A] {strides = array<i32>} : memref<6272xf32, #tpu.memory_space<vmem>>, vector<16xf32>,
        %bitcast3A = vector.bitcast %get3A_154 : vector<16xf32> to vector<16xi32>
        %shift_right_arithmetic3A = arith.constant 11 : i32
        %shift_right_arithmetic3A_155 = vector.broadcast %shift_right_arithmetic3A : i32 to vector<16xi32>
        %shift_right_arithmetic3A_156 = arith.shrsi %bitcast3A, %shift_right_arithmetic3A_155 : vector<16xi32>
        %and3A = arith.constant 2047 : i32
        %and3A_157 = vector.broadcast %and3A : i32 to vector<16xi32>
        %and3A_158 = arith.andi %shift_right_arithmetic3A_156, %and3A_157 : vector<16xi32>
        %broadcast_in_dim3A_159 = arith.constant true
        %broadcast_in_dim3A_160 = vector.broadcast %broadcast_in_dim3A_159 : i1 to vector<16xi1>
        %unique3A, %unique3A_161 = tpu.scan_count mask(%broadcast_in_dim3A_160 : vector<16xi1>) value(%and3A_158 : vector<16xi32>) : vector<16xi1>, vector<16xi32>
        %gather3A = tpu.vector_load_idx %arg8[%and3A_158] : memref<2048xi32, #tpu.memory_space<vmem>>[vector<16xi32>], vector<16xi32>,
        %add3A_162 = arith.addi %gather3A, %unique3A_161 : vector<16xi32>
        %sub3A = arith.constant 1 : i32
        %sub3A_163 = vector.broadcast %sub3A : i32 to vector<16xi32>
        %sub3A_164 = arith.subi %add3A_162, %sub3A_163 : vector<16xi32>
        tpu.vector_store_idx %arg5[%sub3A_164], %get3A_154 : memref<100352xf32, #tpu.memory_space<vmem>>[vector<16xi32>], vector<16xf32>,
        tpu.vector_store_idx %arg8[%and3A_158], %unique3A_161 masked %unique3A {add = true} : memref<2048xi32, #tpu.memory_space<vmem>>[vector<16xi32>], vector<16xi32>, vector<16xi1>
        %shift_right_arithmetic3A_165 = arith.constant 22 : i32
        %shift_right_arithmetic3A_166 = vector.broadcast %shift_right_arithmetic3A_165 : i32 to vector<16xi32>
        %shift_right_arithmetic3A_167 = arith.shrsi %bitcast3A, %shift_right_arithmetic3A_166 : vector<16xi32>
        %and3A_168 = arith.constant 2047 : i32
        %and3A_169 = vector.broadcast %and3A_168 : i32 to vector<16xi32>
        %and3A_170 = arith.andi %shift_right_arithmetic3A_167, %and3A_169 : vector<16xi32>
        %broadcast_in_dim3A_171 = arith.constant true
        %broadcast_in_dim3A_172 = vector.broadcast %broadcast_in_dim3A_171 : i1 to vector<16xi1>
        %unique3A_173, %unique3A_174 = tpu.scan_count mask(%broadcast_in_dim3A_172 : vector<16xi1>) value(%and3A_170 : vector<16xi32>) : vector<16xi1>, vector<16xi32>
        tpu.vector_store_idx %arg9[%and3A_170], %unique3A_174 masked %unique3A_173 {add = true} : memref<2048xi32, #tpu.memory_space<vmem>>[vector<16xi32>], vector<16xi32>, vector<16xi1>
        %scan3A_175 = arith.constant 0 : i32
        scf.yield %scan3A_175 : i32
      }
      %scan3A_129 = arith.constant 392 : i32
      %add3A_130 = arith.constant 1 : i32
      %add3A_131 = arith.addi %mul3A_109, %add3A_130 : i32
      %mul3A_132 = arith.constant 6272 : i32
      %mul3A_133 = arith.muli %add3A_131, %mul3A_132 : i32
      %dma_wait3A_134 = tpu.memref_slice %arg4[%add3A_4, %mul3A_133] : memref<32x100352xf32, #tpu.memory_space<hbm>> -> memref<1x6272xf32, #tpu.memory_space<hbm>>
      %dma_wait3A_135 = tpu.memref_squeeze %dma_wait3A_134 : memref<1x6272xf32, #tpu.memory_space<hbm>> -> memref<6272xf32, #tpu.memory_space<hbm>>
      %dma_wait3A_136 = tpu.memref_slice %arg4[%add3A_4, %mul3A_133] : memref<32x100352xf32, #tpu.memory_space<hbm>> -> memref<1x6272xf32, #tpu.memory_space<hbm>>
      %dma_wait3A_137 = tpu.memref_squeeze %dma_wait3A_136 : memref<1x6272xf32, #tpu.memory_space<hbm>> -> memref<6272xf32, #tpu.memory_space<hbm>>
      tpu.wait_dma2 semaphore(%arg10 : memref<!tpu.dma_semaphore, #tpu.memory_space<semaphore_mem>>) src(%dma_wait3A_137 : memref<6272xf32, #tpu.memory_space<hbm>>) dst(%arg7 : memref<6272xf32, #tpu.memory_space<vmem>>)
      %add3A_138 = arith.constant 2 : i32
      %add3A_139 = arith.addi %mul3A_109, %add3A_138 : i32
      %lt3A = arith.constant 16 : i32
      %lt3A_140 = arith.cmpi slt, %add3A_139, %lt3A : i32
      %convert_element_type3A = arith.extui %lt3A_140 : i1 to i32
      %cond3A = arith.constant 0 : i32
      %cond3A_141 = arith.cmpi ne, %convert_element_type3A, %cond3A : i32
      scf.if %cond3A_141 {
        %add3A_150 = arith.constant 2 : i32
        %add3A_151 = arith.addi %mul3A_109, %add3A_150 : i32
        %mul3A_152 = arith.constant 6272 : i32
        %mul3A_153 = arith.muli %add3A_151, %mul3A_152 : i32
        %dma_start3A_154 = tpu.memref_slice %arg4[%add3A_4, %mul3A_153] : memref<32x100352xf32, #tpu.memory_space<hbm>> -> memref<1x6272xf32, #tpu.memory_space<hbm>>
        %dma_start3A_155 = tpu.memref_squeeze %dma_start3A_154 : memref<1x6272xf32, #tpu.memory_space<hbm>> -> memref<6272xf32, #tpu.memory_space<hbm>>
        %dma_start3A_156 = tpu.memref_slice %arg4[%add3A_4, %mul3A_153] : memref<32x100352xf32, #tpu.memory_space<hbm>> -> memref<1x6272xf32, #tpu.memory_space<hbm>>
        %dma_start3A_157 = tpu.memref_squeeze %dma_start3A_156 : memref<1x6272xf32, #tpu.memory_space<hbm>> -> memref<6272xf32, #tpu.memory_space<hbm>>
        tpu.enqueue_dma source(%dma_start3A_157 : memref<6272xf32, #tpu.memory_space<hbm>>) target(%arg6 : memref<6272xf32, #tpu.memory_space<vmem>>) target_semaphore(%arg10 : memref<!tpu.dma_semaphore, #tpu.memory_space<semaphore_mem>>)
      } else {
      }
      %scan3A_142 = arith.constant 0 : i32
      %scan3A_143 = arith.constant 0 : i32
      %scan3A_144 = arith.constant 392 : i32
      %scan3A_145 = arith.addi %scan3A_143, %scan3A_144 : i32
      %scan3A_146 = arith.constant 1 : i32
      %scan3A_147 = scf.for %scan3A_150 = %scan3A_143 to %scan3A_145 step %scan3A_146 iter_args(%scan3A_151 = %scan3A_142) -> (i32)  : i32 {
        %mul3A_152 = arith.constant 16 : i32
        %mul3A_153 = arith.muli %scan3A_150, %mul3A_152 : i32
        %get3A = arith.index_cast %mul3A_153 : i32 to index
        %get3A_154 = tpu.vector_load %arg7[%get3A] {strides = array<i32>} : memref<6272xf32, #tpu.memory_space<vmem>>, vector<16xf32>,
        %bitcast3A = vector.bitcast %get3A_154 : vector<16xf32> to vector<16xi32>
        %shift_right_arithmetic3A = arith.constant 11 : i32
        %shift_right_arithmetic3A_155 = vector.broadcast %shift_right_arithmetic3A : i32 to vector<16xi32>
        %shift_right_arithmetic3A_156 = arith.shrsi %bitcast3A, %shift_right_arithmetic3A_155 : vector<16xi32>
        %and3A = arith.constant 2047 : i32
        %and3A_157 = vector.broadcast %and3A : i32 to vector<16xi32>
        %and3A_158 = arith.andi %shift_right_arithmetic3A_156, %and3A_157 : vector<16xi32>
        %broadcast_in_dim3A_159 = arith.constant true
        %broadcast_in_dim3A_160 = vector.broadcast %broadcast_in_dim3A_159 : i1 to vector<16xi1>
        %unique3A, %unique3A_161 = tpu.scan_count mask(%broadcast_in_dim3A_160 : vector<16xi1>) value(%and3A_158 : vector<16xi32>) : vector<16xi1>, vector<16xi32>
        %gather3A = tpu.vector_load_idx %arg8[%and3A_158] : memref<2048xi32, #tpu.memory_space<vmem>>[vector<16xi32>], vector<16xi32>,
        %add3A_162 = arith.addi %gather3A, %unique3A_161 : vector<16xi32>
        %sub3A = arith.constant 1 : i32
        %sub3A_163 = vector.broadcast %sub3A : i32 to vector<16xi32>
        %sub3A_164 = arith.subi %add3A_162, %sub3A_163 : vector<16xi32>
        tpu.vector_store_idx %arg5[%sub3A_164], %get3A_154 : memref<100352xf32, #tpu.memory_space<vmem>>[vector<16xi32>], vector<16xf32>,
        tpu.vector_store_idx %arg8[%and3A_158], %unique3A_161 masked %unique3A {add = true} : memref<2048xi32, #tpu.memory_space<vmem>>[vector<16xi32>], vector<16xi32>, vector<16xi1>
        %shift_right_arithmetic3A_165 = arith.constant 22 : i32
        %shift_right_arithmetic3A_166 = vector.broadcast %shift_right_arithmetic3A_165 : i32 to vector<16xi32>
        %shift_right_arithmetic3A_167 = arith.shrsi %bitcast3A, %shift_right_arithmetic3A_166 : vector<16xi32>
        %and3A_168 = arith.constant 2047 : i32
        %and3A_169 = vector.broadcast %and3A_168 : i32 to vector<16xi32>
        %and3A_170 = arith.andi %shift_right_arithmetic3A_167, %and3A_169 : vector<16xi32>
        %broadcast_in_dim3A_171 = arith.constant true
        %broadcast_in_dim3A_172 = vector.broadcast %broadcast_in_dim3A_171 : i1 to vector<16xi1>
        %unique3A_173, %unique3A_174 = tpu.scan_count mask(%broadcast_in_dim3A_172 : vector<16xi1>) value(%and3A_170 : vector<16xi32>) : vector<16xi1>, vector<16xi32>
        tpu.vector_store_idx %arg9[%and3A_170], %unique3A_174 masked %unique3A_173 {add = true} : memref<2048xi32, #tpu.memory_space<vmem>>[vector<16xi32>], vector<16xi32>, vector<16xi1>
        %scan3A_175 = arith.constant 0 : i32
        scf.yield %scan3A_175 : i32
      }
      %scan3A_148 = arith.constant 392 : i32
      %scan3A_149 = arith.constant 0 : i32
      scf.yield %scan3A_149 : i32
    }
    %scan3A_77 = arith.constant 8 : i32
    "tpu.region"() ({
      %run_scoped3A = tpu.sem_alloc : memref<!tpu.dma_semaphore, #tpu.memory_space<semaphore_mem>>
      %dma_start3A_106 = arith.constant 0 : i32
      %dma_start3A_107 = tpu.memref_slice %arg3[%add3A_4, %dma_start3A_106] : memref<32x100352xf32, #tpu.memory_space<hbm>> -> memref<1x100352xf32, #tpu.memory_space<hbm>>
      %dma_start3A_108 = tpu.memref_squeeze %dma_start3A_107 : memref<1x100352xf32, #tpu.memory_space<hbm>> -> memref<100352xf32, #tpu.memory_space<hbm>>
      %dma_start3A_109 = arith.constant 0 : i32
      %dma_start3A_110 = tpu.memref_slice %arg3[%add3A_4, %dma_start3A_109] : memref<32x100352xf32, #tpu.memory_space<hbm>> -> memref<1x100352xf32, #tpu.memory_space<hbm>>
      %dma_start3A_111 = tpu.memref_squeeze %dma_start3A_110 : memref<1x100352xf32, #tpu.memory_space<hbm>> -> memref<100352xf32, #tpu.memory_space<hbm>>
      tpu.enqueue_dma source(%arg5 : memref<100352xf32, #tpu.memory_space<vmem>>) target(%dma_start3A_111 : memref<100352xf32, #tpu.memory_space<hbm>>) target_semaphore(%run_scoped3A : memref<!tpu.dma_semaphore, #tpu.memory_space<semaphore_mem>>)
      %dma_wait3A = arith.constant 0 : i32
      %dma_wait3A_112 = tpu.memref_slice %arg3[%add3A_4, %dma_wait3A] : memref<32x100352xf32, #tpu.memory_space<hbm>> -> memref<1x100352xf32, #tpu.memory_space<hbm>>
      %dma_wait3A_113 = tpu.memref_squeeze %dma_wait3A_112 : memref<1x100352xf32, #tpu.memory_space<hbm>> -> memref<100352xf32, #tpu.memory_space<hbm>>
      %dma_wait3A_114 = arith.constant 0 : i32
      %dma_wait3A_115 = tpu.memref_slice %arg3[%add3A_4, %dma_wait3A_114] : memref<32x100352xf32, #tpu.memory_space<hbm>> -> memref<1x100352xf32, #tpu.memory_space<hbm>>
      %dma_wait3A_116 = tpu.memref_squeeze %dma_wait3A_115 : memref<1x100352xf32, #tpu.memory_space<hbm>> -> memref<100352xf32, #tpu.memory_space<hbm>>
      tpu.wait_dma2 semaphore(%run_scoped3A : memref<!tpu.dma_semaphore, #tpu.memory_space<semaphore_mem>>) src(%arg5 : memref<100352xf32, #tpu.memory_space<vmem>>) dst(%dma_wait3A_116 : memref<100352xf32, #tpu.memory_space<hbm>>)
      tpu.yield
    }) : () -> ()
    %broadcast_in_dim3A_78 = arith.constant 0 : i32
    %broadcast_in_dim3A_79 = vector.broadcast %broadcast_in_dim3A_78 : i32 to vector<16xi32>
    %scan3A_80 = arith.constant 0 : i32
    %scan3A_81 = arith.constant 128 : i32
    %scan3A_82 = arith.addi %scan3A_80, %scan3A_81 : i32
    %scan3A_83 = arith.constant 1 : i32
    %scan3A_84 = scf.for %scan3A_106 = %scan3A_80 to %scan3A_82 step %scan3A_83 iter_args(%scan3A_107 = %broadcast_in_dim3A_79) -> (vector<16xi32>)  : i32 {
      %mul3A_108 = arith.constant 16 : i32
      %mul3A_109 = arith.muli %scan3A_106, %mul3A_108 : i32
      %get3A = arith.index_cast %mul3A_109 : i32 to index
      %get3A_110 = tpu.vector_load %arg9[%get3A] {strides = array<i32>} : memref<2048xi32, #tpu.memory_space<vmem>>, vector<16xi32>,
      %broadcast_in_dim3A_111 = arith.constant true
      %broadcast_in_dim3A_112 = vector.broadcast %broadcast_in_dim3A_111 : i1 to vector<16xi1>
      %masked_cumsum3A = tpu.scan <sum>, %get3A_110 masked %broadcast_in_dim3A_112 : vector<16xi32>, vector<16xi1> -> vector<16xi32>
      %sub3A = arith.subi %masked_cumsum3A, %get3A_110 : vector<16xi32>
      %add3A_113 = arith.addi %sub3A, %scan3A_107 : vector<16xi32>
      %mul3A_114 = arith.constant 16 : i32
      %mul3A_115 = arith.muli %scan3A_106, %mul3A_114 : i32
      %swap3A = arith.index_cast %mul3A_115 : i32 to index
      %swap3A_116 = tpu.vector_load %arg8[%swap3A] {strides = array<i32>} : memref<2048xi32, #tpu.memory_space<vmem>>, vector<16xi32>,
      tpu.vector_store %arg8[%swap3A], %add3A_113 {strides = array<i32>} : memref<2048xi32, #tpu.memory_space<vmem>>, vector<16xi32>,
      %reduce_sum3A = arith.constant true
      %reduce_sum3A_117 = vector.broadcast %reduce_sum3A : i1 to vector<16xi1>
      %reduce_sum3A_118 = tpu.scan <sum>, %get3A_110 masked %reduce_sum3A_117 : vector<16xi32>, vector<16xi1> -> vector<16xi32>
      %reduce_sum3A_119 = vector.extract %reduce_sum3A_118[15] : i32 from vector<16xi32>
      %add3A_120 = vector.broadcast %reduce_sum3A_119 : i32 to vector<16xi32>
      %add3A_121 = arith.addi %scan3A_107, %add3A_120 : vector<16xi32>
      scf.yield %add3A_121 : vector<16xi32>
    }
    %scan3A_85 = arith.constant 128 : i32
    %scan3A_86 = arith.constant 0 : i32
    %scan3A_87 = arith.constant 0 : i32
    %scan3A_88 = arith.constant 128 : i32
    %scan3A_89 = arith.addi %scan3A_87, %scan3A_88 : i32
    %scan3A_90 = arith.constant 1 : i32
    %scan3A_91 = scf.for %scan3A_106 = %scan3A_87 to %scan3A_89 step %scan3A_90 iter_args(%scan3A_107 = %scan3A_86) -> (i32)  : i32 {
      %broadcast_in_dim3A_108 = arith.constant 0 : i32
      %broadcast_in_dim3A_109 = vector.broadcast %broadcast_in_dim3A_108 : i32 to vector<16xi32>
      %mul3A_110 = arith.constant 16 : i32
      %mul3A_111 = arith.muli %scan3A_106, %mul3A_110 : i32
      %swap3A = arith.index_cast %mul3A_111 : i32 to index
      %swap3A_112 = tpu.vector_load %arg9[%swap3A] {strides = array<i32>} : memref<2048xi32, #tpu.memory_space<vmem>>, vector<16xi32>,
      tpu.vector_store %arg9[%swap3A], %broadcast_in_dim3A_109 {strides = array<i32>} : memref<2048xi32, #tpu.memory_space<vmem>>, vector<16xi32>,
      %scan3A_113 = arith.constant 0 : i32
      scf.yield %scan3A_113 : i32
    }
    %scan3A_92 = arith.constant 128 : i32
    %dma_start3A_93 = arith.constant 0 : i32
    %dma_start3A_94 = tpu.memref_slice %arg3[%add3A_4, %dma_start3A_93] : memref<32x100352xf32, #tpu.memory_space<hbm>> -> memref<1x6272xf32, #tpu.memory_space<hbm>>
    %dma_start3A_95 = tpu.memref_squeeze %dma_start3A_94 : memref<1x6272xf32, #tpu.memory_space<hbm>> -> memref<6272xf32, #tpu.memory_space<hbm>>
    %dma_start3A_96 = arith.constant 0 : i32
    %dma_start3A_97 = tpu.memref_slice %arg3[%add3A_4, %dma_start3A_96] : memref<32x100352xf32, #tpu.memory_space<hbm>> -> memref<1x6272xf32, #tpu.memory_space<hbm>>
    %dma_start3A_98 = tpu.memref_squeeze %dma_start3A_97 : memref<1x6272xf32, #tpu.memory_space<hbm>> -> memref<6272xf32, #tpu.memory_space<hbm>>
    tpu.enqueue_dma source(%dma_start3A_98 : memref<6272xf32, #tpu.memory_space<hbm>>) target(%arg6 : memref<6272xf32, #tpu.memory_space<vmem>>) target_semaphore(%arg10 : memref<!tpu.dma_semaphore, #tpu.memory_space<semaphore_mem>>)
    %scan3A_99 = arith.constant 0 : i32
    %scan3A_100 = arith.constant 0 : i32
    %scan3A_101 = arith.constant 8 : i32
    %scan3A_102 = arith.addi %scan3A_100, %scan3A_101 : i32
    %scan3A_103 = arith.constant 1 : i32
    %scan3A_104 = scf.for %scan3A_106 = %scan3A_100 to %scan3A_102 step %scan3A_103 iter_args(%scan3A_107 = %scan3A_99) -> (i32)  : i32 {
      %mul3A_108 = arith.constant 2 : i32
      %mul3A_109 = arith.muli %scan3A_106, %mul3A_108 : i32
      %mul3A_110 = arith.constant 6272 : i32
      %mul3A_111 = arith.muli %mul3A_109, %mul3A_110 : i32
      %dma_wait3A = tpu.memref_slice %arg3[%add3A_4, %mul3A_111] : memref<32x100352xf32, #tpu.memory_space<hbm>> -> memref<1x6272xf32, #tpu.memory_space<hbm>>
      %dma_wait3A_112 = tpu.memref_squeeze %dma_wait3A : memref<1x6272xf32, #tpu.memory_space<hbm>> -> memref<6272xf32, #tpu.memory_space<hbm>>
      %dma_wait3A_113 = tpu.memref_slice %arg3[%add3A_4, %mul3A_111] : memref<32x100352xf32, #tpu.memory_space<hbm>> -> memref<1x6272xf32, #tpu.memory_space<hbm>>
      %dma_wait3A_114 = tpu.memref_squeeze %dma_wait3A_113 : memref<1x6272xf32, #tpu.memory_space<hbm>> -> memref<6272xf32, #tpu.memory_space<hbm>>
      tpu.wait_dma2 semaphore(%arg10 : memref<!tpu.dma_semaphore, #tpu.memory_space<semaphore_mem>>) src(%dma_wait3A_114 : memref<6272xf32, #tpu.memory_space<hbm>>) dst(%arg6 : memref<6272xf32, #tpu.memory_space<vmem>>)
      %add3A_115 = arith.constant 1 : i32
      %add3A_116 = arith.addi %mul3A_109, %add3A_115 : i32
      %mul3A_117 = arith.constant 6272 : i32
      %mul3A_118 = arith.muli %add3A_116, %mul3A_117 : i32
      %dma_start3A_119 = tpu.memref_slice %arg3[%add3A_4, %mul3A_118] : memref<32x100352xf32, #tpu.memory_space<hbm>> -> memref<1x6272xf32, #tpu.memory_space<hbm>>
      %dma_start3A_120 = tpu.memref_squeeze %dma_start3A_119 : memref<1x6272xf32, #tpu.memory_space<hbm>> -> memref<6272xf32, #tpu.memory_space<hbm>>
      %dma_start3A_121 = tpu.memref_slice %arg3[%add3A_4, %mul3A_118] : memref<32x100352xf32, #tpu.memory_space<hbm>> -> memref<1x6272xf32, #tpu.memory_space<hbm>>
      %dma_start3A_122 = tpu.memref_squeeze %dma_start3A_121 : memref<1x6272xf32, #tpu.memory_space<hbm>> -> memref<6272xf32, #tpu.memory_space<hbm>>
      tpu.enqueue_dma source(%dma_start3A_122 : memref<6272xf32, #tpu.memory_space<hbm>>) target(%arg7 : memref<6272xf32, #tpu.memory_space<vmem>>) target_semaphore(%arg10 : memref<!tpu.dma_semaphore, #tpu.memory_space<semaphore_mem>>)
      %scan3A_123 = arith.constant 0 : i32
      %scan3A_124 = arith.constant 0 : i32
      %scan3A_125 = arith.constant 392 : i32
      %scan3A_126 = arith.addi %scan3A_124, %scan3A_125 : i32
      %scan3A_127 = arith.constant 1 : i32
      %scan3A_128 = scf.for %scan3A_150 = %scan3A_124 to %scan3A_126 step %scan3A_127 iter_args(%scan3A_151 = %scan3A_123) -> (i32)  : i32 {
        %mul3A_152 = arith.constant 16 : i32
        %mul3A_153 = arith.muli %scan3A_150, %mul3A_152 : i32
        %get3A = arith.index_cast %mul3A_153 : i32 to index
        %get3A_154 = tpu.vector_load %arg6[%get3A] {strides = array<i32>} : memref<6272xf32, #tpu.memory_space<vmem>>, vector<16xf32>,
        %bitcast3A = vector.bitcast %get3A_154 : vector<16xf32> to vector<16xi32>
        %shift_right_arithmetic3A = arith.constant 22 : i32
        %shift_right_arithmetic3A_155 = vector.broadcast %shift_right_arithmetic3A : i32 to vector<16xi32>
        %shift_right_arithmetic3A_156 = arith.shrsi %bitcast3A, %shift_right_arithmetic3A_155 : vector<16xi32>
        %and3A = arith.constant 2047 : i32
        %and3A_157 = vector.broadcast %and3A : i32 to vector<16xi32>
        %and3A_158 = arith.andi %shift_right_arithmetic3A_156, %and3A_157 : vector<16xi32>
        %broadcast_in_dim3A_159 = arith.constant true
        %broadcast_in_dim3A_160 = vector.broadcast %broadcast_in_dim3A_159 : i1 to vector<16xi1>
        %unique3A, %unique3A_161 = tpu.scan_count mask(%broadcast_in_dim3A_160 : vector<16xi1>) value(%and3A_158 : vector<16xi32>) : vector<16xi1>, vector<16xi32>
        %gather3A = tpu.vector_load_idx %arg8[%and3A_158] : memref<2048xi32, #tpu.memory_space<vmem>>[vector<16xi32>], vector<16xi32>,
        %add3A_162 = arith.addi %gather3A, %unique3A_161 : vector<16xi32>
        %sub3A = arith.constant 1 : i32
        %sub3A_163 = vector.broadcast %sub3A : i32 to vector<16xi32>
        %sub3A_164 = arith.subi %add3A_162, %sub3A_163 : vector<16xi32>
        tpu.vector_store_idx %arg5[%sub3A_164], %get3A_154 : memref<100352xf32, #tpu.memory_space<vmem>>[vector<16xi32>], vector<16xf32>,
        tpu.vector_store_idx %arg8[%and3A_158], %unique3A_161 masked %unique3A {add = true} : memref<2048xi32, #tpu.memory_space<vmem>>[vector<16xi32>], vector<16xi32>, vector<16xi1>
        %scan3A_165 = arith.constant 0 : i32
        scf.yield %scan3A_165 : i32
      }
      %scan3A_129 = arith.constant 392 : i32
      %add3A_130 = arith.constant 1 : i32
      %add3A_131 = arith.addi %mul3A_109, %add3A_130 : i32
      %mul3A_132 = arith.constant 6272 : i32
      %mul3A_133 = arith.muli %add3A_131, %mul3A_132 : i32
      %dma_wait3A_134 = tpu.memref_slice %arg3[%add3A_4, %mul3A_133] : memref<32x100352xf32, #tpu.memory_space<hbm>> -> memref<1x6272xf32, #tpu.memory_space<hbm>>
      %dma_wait3A_135 = tpu.memref_squeeze %dma_wait3A_134 : memref<1x6272xf32, #tpu.memory_space<hbm>> -> memref<6272xf32, #tpu.memory_space<hbm>>
      %dma_wait3A_136 = tpu.memref_slice %arg3[%add3A_4, %mul3A_133] : memref<32x100352xf32, #tpu.memory_space<hbm>> -> memref<1x6272xf32, #tpu.memory_space<hbm>>
      %dma_wait3A_137 = tpu.memref_squeeze %dma_wait3A_136 : memref<1x6272xf32, #tpu.memory_space<hbm>> -> memref<6272xf32, #tpu.memory_space<hbm>>
      tpu.wait_dma2 semaphore(%arg10 : memref<!tpu.dma_semaphore, #tpu.memory_space<semaphore_mem>>) src(%dma_wait3A_137 : memref<6272xf32, #tpu.memory_space<hbm>>) dst(%arg7 : memref<6272xf32, #tpu.memory_space<vmem>>)
      %add3A_138 = arith.constant 2 : i32
      %add3A_139 = arith.addi %mul3A_109, %add3A_138 : i32
      %lt3A = arith.constant 16 : i32
      %lt3A_140 = arith.cmpi slt, %add3A_139, %lt3A : i32
      %convert_element_type3A = arith.extui %lt3A_140 : i1 to i32
      %cond3A = arith.constant 0 : i32
      %cond3A_141 = arith.cmpi ne, %convert_element_type3A, %cond3A : i32
      scf.if %cond3A_141 {
        %add3A_150 = arith.constant 2 : i32
        %add3A_151 = arith.addi %mul3A_109, %add3A_150 : i32
        %mul3A_152 = arith.constant 6272 : i32
        %mul3A_153 = arith.muli %add3A_151, %mul3A_152 : i32
        %dma_start3A_154 = tpu.memref_slice %arg3[%add3A_4, %mul3A_153] : memref<32x100352xf32, #tpu.memory_space<hbm>> -> memref<1x6272xf32, #tpu.memory_space<hbm>>
        %dma_start3A_155 = tpu.memref_squeeze %dma_start3A_154 : memref<1x6272xf32, #tpu.memory_space<hbm>> -> memref<6272xf32, #tpu.memory_space<hbm>>
        %dma_start3A_156 = tpu.memref_slice %arg3[%add3A_4, %mul3A_153] : memref<32x100352xf32, #tpu.memory_space<hbm>> -> memref<1x6272xf32, #tpu.memory_space<hbm>>
        %dma_start3A_157 = tpu.memref_squeeze %dma_start3A_156 : memref<1x6272xf32, #tpu.memory_space<hbm>> -> memref<6272xf32, #tpu.memory_space<hbm>>
        tpu.enqueue_dma source(%dma_start3A_157 : memref<6272xf32, #tpu.memory_space<hbm>>) target(%arg6 : memref<6272xf32, #tpu.memory_space<vmem>>) target_semaphore(%arg10 : memref<!tpu.dma_semaphore, #tpu.memory_space<semaphore_mem>>)
      } else {
      }
      %scan3A_142 = arith.constant 0 : i32
      %scan3A_143 = arith.constant 0 : i32
      %scan3A_144 = arith.constant 392 : i32
      %scan3A_145 = arith.addi %scan3A_143, %scan3A_144 : i32
      %scan3A_146 = arith.constant 1 : i32
      %scan3A_147 = scf.for %scan3A_150 = %scan3A_143 to %scan3A_145 step %scan3A_146 iter_args(%scan3A_151 = %scan3A_142) -> (i32)  : i32 {
        %mul3A_152 = arith.constant 16 : i32
        %mul3A_153 = arith.muli %scan3A_150, %mul3A_152 : i32
        %get3A = arith.index_cast %mul3A_153 : i32 to index
        %get3A_154 = tpu.vector_load %arg7[%get3A] {strides = array<i32>} : memref<6272xf32, #tpu.memory_space<vmem>>, vector<16xf32>,
        %bitcast3A = vector.bitcast %get3A_154 : vector<16xf32> to vector<16xi32>
        %shift_right_arithmetic3A = arith.constant 22 : i32
        %shift_right_arithmetic3A_155 = vector.broadcast %shift_right_arithmetic3A : i32 to vector<16xi32>
        %shift_right_arithmetic3A_156 = arith.shrsi %bitcast3A, %shift_right_arithmetic3A_155 : vector<16xi32>
        %and3A = arith.constant 2047 : i32
        %and3A_157 = vector.broadcast %and3A : i32 to vector<16xi32>
        %and3A_158 = arith.andi %shift_right_arithmetic3A_156, %and3A_157 : vector<16xi32>
        %broadcast_in_dim3A_159 = arith.constant true
        %broadcast_in_dim3A_160 = vector.broadcast %broadcast_in_dim3A_159 : i1 to vector<16xi1>
        %unique3A, %unique3A_161 = tpu.scan_count mask(%broadcast_in_dim3A_160 : vector<16xi1>) value(%and3A_158 : vector<16xi32>) : vector<16xi1>, vector<16xi32>
        %gather3A = tpu.vector_load_idx %arg8[%and3A_158] : memref<2048xi32, #tpu.memory_space<vmem>>[vector<16xi32>], vector<16xi32>,
        %add3A_162 = arith.addi %gather3A, %unique3A_161 : vector<16xi32>
        %sub3A = arith.constant 1 : i32
        %sub3A_163 = vector.broadcast %sub3A : i32 to vector<16xi32>
        %sub3A_164 = arith.subi %add3A_162, %sub3A_163 : vector<16xi32>
        tpu.vector_store_idx %arg5[%sub3A_164], %get3A_154 : memref<100352xf32, #tpu.memory_space<vmem>>[vector<16xi32>], vector<16xf32>,
        tpu.vector_store_idx %arg8[%and3A_158], %unique3A_161 masked %unique3A {add = true} : memref<2048xi32, #tpu.memory_space<vmem>>[vector<16xi32>], vector<16xi32>, vector<16xi1>
        %scan3A_165 = arith.constant 0 : i32
        scf.yield %scan3A_165 : i32
      }
      %scan3A_148 = arith.constant 392 : i32
      %scan3A_149 = arith.constant 0 : i32
      scf.yield %scan3A_149 : i32
    }
    %scan3A_105 = arith.constant 8 : i32
    "tpu.region"() ({
      %run_scoped3A = tpu.sem_alloc : memref<!tpu.dma_semaphore, #tpu.memory_space<semaphore_mem>>
      %dma_start3A_106 = arith.constant 0 : i32
      %dma_start3A_107 = tpu.memref_slice %arg3[%add3A_4, %dma_start3A_106] : memref<32x100352xf32, #tpu.memory_space<hbm>> -> memref<1x100352xf32, #tpu.memory_space<hbm>>
      %dma_start3A_108 = tpu.memref_squeeze %dma_start3A_107 : memref<1x100352xf32, #tpu.memory_space<hbm>> -> memref<100352xf32, #tpu.memory_space<hbm>>
      %dma_start3A_109 = arith.constant 0 : i32
      %dma_start3A_110 = tpu.memref_slice %arg3[%add3A_4, %dma_start3A_109] : memref<32x100352xf32, #tpu.memory_space<hbm>> -> memref<1x100352xf32, #tpu.memory_space<hbm>>
      %dma_start3A_111 = tpu.memref_squeeze %dma_start3A_110 : memref<1x100352xf32, #tpu.memory_space<hbm>> -> memref<100352xf32, #tpu.memory_space<hbm>>
      tpu.enqueue_dma source(%arg5 : memref<100352xf32, #tpu.memory_space<vmem>>) target(%dma_start3A_111 : memref<100352xf32, #tpu.memory_space<hbm>>) target_semaphore(%run_scoped3A : memref<!tpu.dma_semaphore, #tpu.memory_space<semaphore_mem>>)
      %dma_wait3A = arith.constant 0 : i32
      %dma_wait3A_112 = tpu.memref_slice %arg3[%add3A_4, %dma_wait3A] : memref<32x100352xf32, #tpu.memory_space<hbm>> -> memref<1x100352xf32, #tpu.memory_space<hbm>>
      %dma_wait3A_113 = tpu.memref_squeeze %dma_wait3A_112 : memref<1x100352xf32, #tpu.memory_space<hbm>> -> memref<100352xf32, #tpu.memory_space<hbm>>
      %dma_wait3A_114 = arith.constant 0 : i32
      %dma_wait3A_115 = tpu.memref_slice %arg3[%add3A_4, %dma_wait3A_114] : memref<32x100352xf32, #tpu.memory_space<hbm>> -> memref<1x100352xf32, #tpu.memory_space<hbm>>
      %dma_wait3A_116 = tpu.memref_squeeze %dma_wait3A_115 : memref<1x100352xf32, #tpu.memory_space<hbm>> -> memref<100352xf32, #tpu.memory_space<hbm>>
      tpu.wait_dma2 semaphore(%run_scoped3A : memref<!tpu.dma_semaphore, #tpu.memory_space<semaphore_mem>>) src(%arg5 : memref<100352xf32, #tpu.memory_space<vmem>>) dst(%dma_wait3A_116 : memref<100352xf32, #tpu.memory_space<hbm>>)
      tpu.yield
    }) : () -> ()
    return
  }
}

#map = affine_map<(d0, d1) -> (0, 0)>
module attributes {stable_mosaic.version = 14 : i64} {
  func.func @_sc_sort_kernel(%arg0: i32, %arg1: i32, %arg2: memref<32x100352xf32, #tpu.memory_space<hbm>>, %arg3: memref<32x100352xf32, #tpu.memory_space<hbm>>, %arg4: memref<32x100352xf32, #tpu.memory_space<hbm>>, %arg5: memref<100352xf32, #tpu.memory_space<vmem>>, %arg6: memref<6272xf32, #tpu.memory_space<vmem>>, %arg7: memref<6272xf32, #tpu.memory_space<vmem>>, %arg8: memref<2048xi32, #tpu.memory_space<vmem>>, %arg9: memref<2048xi32, #tpu.memory_space<vmem>>, %arg10: memref<!tpu.dma_semaphore, #tpu.memory_space<semaphore_mem>>) attributes {dimension_semantics = [#tpu.dimension_semantics<core_parallel>, #tpu.dimension_semantics<subcore_parallel>], iteration_bounds = array<i64: 2, 16>, scalar_prefetch = 0 : i64, scratch_operands = 6 : i64, tpu.core_type = #tpu.core_type<sc_vector_subcore>, window_params = [{transform_indices = #map}, {transform_indices = #map}, {transform_indices = #map}]} {
    %mul3A = arith.constant 16 : i32
    %mul3A_0 = arith.muli %arg0, %mul3A : i32
    %add3A = arith.addi %mul3A_0, %arg1 : i32
    %mul3A_1 = arith.constant 1 : i32
    %mul3A_2 = arith.muli %add3A, %mul3A_1 : i32
    %add3A_3 = arith.constant 0 : i32
    %add3A_4 = arith.addi %mul3A_2, %add3A_3 : i32
    %scan3A = arith.constant 0 : i32
    %scan3A_5 = arith.constant 0 : i32
    %scan3A_6 = arith.constant 128 : i32
    %scan3A_7 = arith.addi %scan3A_5, %scan3A_6 : i32
    %scan3A_8 = arith.constant 1 : i32
    %scan3A_9 = scf.for %scan3A_106 = %scan3A_5 to %scan3A_7 step %scan3A_8 iter_args(%scan3A_107 = %scan3A) -> (i32)  : i32 {
      %broadcast_in_dim3A_108 = arith.constant 0 : i32
      %broadcast_in_dim3A_109 = vector.broadcast %broadcast_in_dim3A_108 : i32 to vector<16xi32>
      %mul3A_110 = arith.constant 16 : i32
      %mul3A_111 = arith.muli %scan3A_106, %mul3A_110 : i32
      %swap3A = arith.index_cast %mul3A_111 : i32 to index
      %swap3A_112 = tpu.vector_load %arg9[%swap3A] {strides = array<i32>} : memref<2048xi32, #tpu.memory_space<vmem>>, vector<16xi32>,
      tpu.vector_store %arg9[%swap3A], %broadcast_in_dim3A_109 {strides = array<i32>} : memref<2048xi32, #tpu.memory_space<vmem>>, vector<16xi32>,
      %scan3A_113 = arith.constant 0 : i32
      scf.yield %scan3A_113 : i32
    }
    %scan3A_10 = arith.constant 128 : i32
    %dma_start3A = arith.constant 0 : i32
    %dma_start3A_11 = tpu.memref_slice %arg2[%add3A_4, %dma_start3A] : memref<32x100352xf32, #tpu.memory_space<hbm>> -> memref<1x6272xf32, #tpu.memory_space<hbm>>
    %dma_start3A_12 = tpu.memref_squeeze %dma_start3A_11 : memref<1x6272xf32, #tpu.memory_space<hbm>> -> memref<6272xf32, #tpu.memory_space<hbm>>
    %dma_start3A_13 = arith.constant 0 : i32
    %dma_start3A_14 = tpu.memref_slice %arg2[%add3A_4, %dma_start3A_13] : memref<32x100352xf32, #tpu.memory_space<hbm>> -> memref<1x6272xf32, #tpu.memory_space<hbm>>
    %dma_start3A_15 = tpu.memref_squeeze %dma_start3A_14 : memref<1x6272xf32, #tpu.memory_space<hbm>> -> memref<6272xf32, #tpu.memory_space<hbm>>
    tpu.enqueue_dma source(%dma_start3A_15 : memref<6272xf32, #tpu.memory_space<hbm>>) target(%arg6 : memref<6272xf32, #tpu.memory_space<vmem>>) target_semaphore(%arg10 : memref<!tpu.dma_semaphore, #tpu.memory_space<semaphore_mem>>)
    %scan3A_16 = arith.constant 0 : i32
    %scan3A_17 = arith.constant 0 : i32
    %scan3A_18 = arith.constant 8 : i32
    %scan3A_19 = arith.addi %scan3A_17, %scan3A_18 : i32
    %scan3A_20 = arith.constant 1 : i32
    %scan3A_21 = scf.for %scan3A_106 = %scan3A_17 to %scan3A_19 step %scan3A_20 iter_args(%scan3A_107 = %scan3A_16) -> (i32)  : i32 {
      %mul3A_108 = arith.constant 2 : i32
      %mul3A_109 = arith.muli %scan3A_106, %mul3A_108 : i32
      %mul3A_110 = arith.constant 6272 : i32
      %mul3A_111 = arith.muli %mul3A_109, %mul3A_110 : i32
      %dma_wait3A = tpu.memref_slice %arg2[%add3A_4, %mul3A_111] : memref<32x100352xf32, #tpu.memory_space<hbm>> -> memref<1x6272xf32, #tpu.memory_space<hbm>>
      %dma_wait3A_112 = tpu.memref_squeeze %dma_wait3A : memref<1x6272xf32, #tpu.memory_space<hbm>> -> memref<6272xf32, #tpu.memory_space<hbm>>
      %dma_wait3A_113 = tpu.memref_slice %arg2[%add3A_4, %mul3A_111] : memref<32x100352xf32, #tpu.memory_space<hbm>> -> memref<1x6272xf32, #tpu.memory_space<hbm>>
      %dma_wait3A_114 = tpu.memref_squeeze %dma_wait3A_113 : memref<1x6272xf32, #tpu.memory_space<hbm>> -> memref<6272xf32, #tpu.memory_space<hbm>>
      tpu.wait_dma2 semaphore(%arg10 : memref<!tpu.dma_semaphore, #tpu.memory_space<semaphore_mem>>) src(%dma_wait3A_114 : memref<6272xf32, #tpu.memory_space<hbm>>) dst(%arg6 : memref<6272xf32, #tpu.memory_space<vmem>>)
      %add3A_115 = arith.constant 1 : i32
      %add3A_116 = arith.addi %mul3A_109, %add3A_115 : i32
      %mul3A_117 = arith.constant 6272 : i32
      %mul3A_118 = arith.muli %add3A_116, %mul3A_117 : i32
      %dma_start3A_119 = tpu.memref_slice %arg2[%add3A_4, %mul3A_118] : memref<32x100352xf32, #tpu.memory_space<hbm>> -> memref<1x6272xf32, #tpu.memory_space<hbm>>
      %dma_start3A_120 = tpu.memref_squeeze %dma_start3A_119 : memref<1x6272xf32, #tpu.memory_space<hbm>> -> memref<6272xf32, #tpu.memory_space<hbm>>
      %dma_start3A_121 = tpu.memref_slice %arg2[%add3A_4, %mul3A_118] : memref<32x100352xf32, #tpu.memory_space<hbm>> -> memref<1x6272xf32, #tpu.memory_space<hbm>>
      %dma_start3A_122 = tpu.memref_squeeze %dma_start3A_121 : memref<1x6272xf32, #tpu.memory_space<hbm>> -> memref<6272xf32, #tpu.memory_space<hbm>>
      tpu.enqueue_dma source(%dma_start3A_122 : memref<6272xf32, #tpu.memory_space<hbm>>) target(%arg7 : memref<6272xf32, #tpu.memory_space<vmem>>) target_semaphore(%arg10 : memref<!tpu.dma_semaphore, #tpu.memory_space<semaphore_mem>>)
      %scan3A_123 = arith.constant 0 : i32
      %scan3A_124 = arith.constant 0 : i32
      %scan3A_125 = arith.constant 392 : i32
      %scan3A_126 = arith.addi %scan3A_124, %scan3A_125 : i32
      %scan3A_127 = arith.constant 1 : i32
      %scan3A_128 = scf.for %scan3A_150 = %scan3A_124 to %scan3A_126 step %scan3A_127 iter_args(%scan3A_151 = %scan3A_123) -> (i32)  : i32 {
        %mul3A_152 = arith.constant 16 : i32
        %mul3A_153 = arith.muli %scan3A_150, %mul3A_152 : i32
        %get3A = arith.index_cast %mul3A_153 : i32 to index
        %get3A_154 = tpu.vector_load %arg6[%get3A] {strides = array<i32>} : memref<6272xf32, #tpu.memory_space<vmem>>, vector<16xf32>,
        %bitcast3A = vector.bitcast %get3A_154 : vector<16xf32> to vector<16xi32>
        %and3A = arith.constant 2047 : i32
        %and3A_155 = vector.broadcast %and3A : i32 to vector<16xi32>
        %and3A_156 = arith.andi %bitcast3A, %and3A_155 : vector<16xi32>
        %broadcast_in_dim3A_157 = arith.constant true
        %broadcast_in_dim3A_158 = vector.broadcast %broadcast_in_dim3A_157 : i1 to vector<16xi1>
        %unique3A, %unique3A_159 = tpu.scan_count mask(%broadcast_in_dim3A_158 : vector<16xi1>) value(%and3A_156 : vector<16xi32>) : vector<16xi1>, vector<16xi32>
        tpu.vector_store_idx %arg9[%and3A_156], %unique3A_159 masked %unique3A {add = true} : memref<2048xi32, #tpu.memory_space<vmem>>[vector<16xi32>], vector<16xi32>, vector<16xi1>
        %scan3A_160 = arith.constant 0 : i32
        scf.yield %scan3A_160 : i32
      }
      %scan3A_129 = arith.constant 392 : i32
      %add3A_130 = arith.constant 1 : i32
      %add3A_131 = arith.addi %mul3A_109, %add3A_130 : i32
      %mul3A_132 = arith.constant 6272 : i32
      %mul3A_133 = arith.muli %add3A_131, %mul3A_132 : i32
      %dma_wait3A_134 = tpu.memref_slice %arg2[%add3A_4, %mul3A_133] : memref<32x100352xf32, #tpu.memory_space<hbm>> -> memref<1x6272xf32, #tpu.memory_space<hbm>>
      %dma_wait3A_135 = tpu.memref_squeeze %dma_wait3A_134 : memref<1x6272xf32, #tpu.memory_space<hbm>> -> memref<6272xf32, #tpu.memory_space<hbm>>
      %dma_wait3A_136 = tpu.memref_slice %arg2[%add3A_4, %mul3A_133] : memref<32x100352xf32, #tpu.memory_space<hbm>> -> memref<1x6272xf32, #tpu.memory_space<hbm>>
      %dma_wait3A_137 = tpu.memref_squeeze %dma_wait3A_136 : memref<1x6272xf32, #tpu.memory_space<hbm>> -> memref<6272xf32, #tpu.memory_space<hbm>>
      tpu.wait_dma2 semaphore(%arg10 : memref<!tpu.dma_semaphore, #tpu.memory_space<semaphore_mem>>) src(%dma_wait3A_137 : memref<6272xf32, #tpu.memory_space<hbm>>) dst(%arg7 : memref<6272xf32, #tpu.memory_space<vmem>>)
      %add3A_138 = arith.constant 2 : i32
      %add3A_139 = arith.addi %mul3A_109, %add3A_138 : i32
      %lt3A = arith.constant 16 : i32
      %lt3A_140 = arith.cmpi slt, %add3A_139, %lt3A : i32
      %convert_element_type3A = arith.extui %lt3A_140 : i1 to i32
      %cond3A = arith.constant 0 : i32
      %cond3A_141 = arith.cmpi ne, %convert_element_type3A, %cond3A : i32
      scf.if %cond3A_141 {
        %add3A_150 = arith.constant 2 : i32
        %add3A_151 = arith.addi %mul3A_109, %add3A_150 : i32
        %mul3A_152 = arith.constant 6272 : i32
        %mul3A_153 = arith.muli %add3A_151, %mul3A_152 : i32
        %dma_start3A_154 = tpu.memref_slice %arg2[%add3A_4, %mul3A_153] : memref<32x100352xf32, #tpu.memory_space<hbm>> -> memref<1x6272xf32, #tpu.memory_space<hbm>>
        %dma_start3A_155 = tpu.memref_squeeze %dma_start3A_154 : memref<1x6272xf32, #tpu.memory_space<hbm>> -> memref<6272xf32, #tpu.memory_space<hbm>>
        %dma_start3A_156 = tpu.memref_slice %arg2[%add3A_4, %mul3A_153] : memref<32x100352xf32, #tpu.memory_space<hbm>> -> memref<1x6272xf32, #tpu.memory_space<hbm>>
        %dma_start3A_157 = tpu.memref_squeeze %dma_start3A_156 : memref<1x6272xf32, #tpu.memory_space<hbm>> -> memref<6272xf32, #tpu.memory_space<hbm>>
        tpu.enqueue_dma source(%dma_start3A_157 : memref<6272xf32, #tpu.memory_space<hbm>>) target(%arg6 : memref<6272xf32, #tpu.memory_space<vmem>>) target_semaphore(%arg10 : memref<!tpu.dma_semaphore, #tpu.memory_space<semaphore_mem>>)
      } else {
      }
      %scan3A_142 = arith.constant 0 : i32
      %scan3A_143 = arith.constant 0 : i32
      %scan3A_144 = arith.constant 392 : i32
      %scan3A_145 = arith.addi %scan3A_143, %scan3A_144 : i32
      %scan3A_146 = arith.constant 1 : i32
      %scan3A_147 = scf.for %scan3A_150 = %scan3A_143 to %scan3A_145 step %scan3A_146 iter_args(%scan3A_151 = %scan3A_142) -> (i32)  : i32 {
        %mul3A_152 = arith.constant 16 : i32
        %mul3A_153 = arith.muli %scan3A_150, %mul3A_152 : i32
        %get3A = arith.index_cast %mul3A_153 : i32 to index
        %get3A_154 = tpu.vector_load %arg7[%get3A] {strides = array<i32>} : memref<6272xf32, #tpu.memory_space<vmem>>, vector<16xf32>,
        %bitcast3A = vector.bitcast %get3A_154 : vector<16xf32> to vector<16xi32>
        %and3A = arith.constant 2047 : i32
        %and3A_155 = vector.broadcast %and3A : i32 to vector<16xi32>
        %and3A_156 = arith.andi %bitcast3A, %and3A_155 : vector<16xi32>
        %broadcast_in_dim3A_157 = arith.constant true
        %broadcast_in_dim3A_158 = vector.broadcast %broadcast_in_dim3A_157 : i1 to vector<16xi1>
        %unique3A, %unique3A_159 = tpu.scan_count mask(%broadcast_in_dim3A_158 : vector<16xi1>) value(%and3A_156 : vector<16xi32>) : vector<16xi1>, vector<16xi32>
        tpu.vector_store_idx %arg9[%and3A_156], %unique3A_159 masked %unique3A {add = true} : memref<2048xi32, #tpu.memory_space<vmem>>[vector<16xi32>], vector<16xi32>, vector<16xi1>
        %scan3A_160 = arith.constant 0 : i32
        scf.yield %scan3A_160 : i32
      }
      %scan3A_148 = arith.constant 392 : i32
      %scan3A_149 = arith.constant 0 : i32
      scf.yield %scan3A_149 : i32
    }
    %scan3A_22 = arith.constant 8 : i32
    %broadcast_in_dim3A = arith.constant 0 : i32
    %broadcast_in_dim3A_23 = vector.broadcast %broadcast_in_dim3A : i32 to vector<16xi32>
    %scan3A_24 = arith.constant 0 : i32
    %scan3A_25 = arith.constant 128 : i32
    %scan3A_26 = arith.addi %scan3A_24, %scan3A_25 : i32
    %scan3A_27 = arith.constant 1 : i32
    %scan3A_28 = scf.for %scan3A_106 = %scan3A_24 to %scan3A_26 step %scan3A_27 iter_args(%scan3A_107 = %broadcast_in_dim3A_23) -> (vector<16xi32>)  : i32 {
      %mul3A_108 = arith.constant 16 : i32
      %mul3A_109 = arith.muli %scan3A_106, %mul3A_108 : i32
      %get3A = arith.index_cast %mul3A_109 : i32 to index
      %get3A_110 = tpu.vector_load %arg9[%get3A] {strides = array<i32>} : memref<2048xi32, #tpu.memory_space<vmem>>, vector<16xi32>,
      %broadcast_in_dim3A_111 = arith.constant true
      %broadcast_in_dim3A_112 = vector.broadcast %broadcast_in_dim3A_111 : i1 to vector<16xi1>
      %masked_cumsum3A = tpu.scan <sum>, %get3A_110 masked %broadcast_in_dim3A_112 : vector<16xi32>, vector<16xi1> -> vector<16xi32>
      %sub3A = arith.subi %masked_cumsum3A, %get3A_110 : vector<16xi32>
      %add3A_113 = arith.addi %sub3A, %scan3A_107 : vector<16xi32>
      %mul3A_114 = arith.constant 16 : i32
      %mul3A_115 = arith.muli %scan3A_106, %mul3A_114 : i32
      %swap3A = arith.index_cast %mul3A_115 : i32 to index
      %swap3A_116 = tpu.vector_load %arg8[%swap3A] {strides = array<i32>} : memref<2048xi32, #tpu.memory_space<vmem>>, vector<16xi32>,
      tpu.vector_store %arg8[%swap3A], %add3A_113 {strides = array<i32>} : memref<2048xi32, #tpu.memory_space<vmem>>, vector<16xi32>,
      %reduce_sum3A = arith.constant true
      %reduce_sum3A_117 = vector.broadcast %reduce_sum3A : i1 to vector<16xi1>
      %reduce_sum3A_118 = tpu.scan <sum>, %get3A_110 masked %reduce_sum3A_117 : vector<16xi32>, vector<16xi1> -> vector<16xi32>
      %reduce_sum3A_119 = vector.extract %reduce_sum3A_118[15] : i32 from vector<16xi32>
      %add3A_120 = vector.broadcast %reduce_sum3A_119 : i32 to vector<16xi32>
      %add3A_121 = arith.addi %scan3A_107, %add3A_120 : vector<16xi32>
      scf.yield %add3A_121 : vector<16xi32>
    }
    %scan3A_29 = arith.constant 128 : i32
    %scan3A_30 = arith.constant 0 : i32
    %scan3A_31 = arith.constant 0 : i32
    %scan3A_32 = arith.constant 128 : i32
    %scan3A_33 = arith.addi %scan3A_31, %scan3A_32 : i32
    %scan3A_34 = arith.constant 1 : i32
    %scan3A_35 = scf.for %scan3A_106 = %scan3A_31 to %scan3A_33 step %scan3A_34 iter_args(%scan3A_107 = %scan3A_30) -> (i32)  : i32 {
      %broadcast_in_dim3A_108 = arith.constant 0 : i32
      %broadcast_in_dim3A_109 = vector.broadcast %broadcast_in_dim3A_108 : i32 to vector<16xi32>
      %mul3A_110 = arith.constant 16 : i32
      %mul3A_111 = arith.muli %scan3A_106, %mul3A_110 : i32
      %swap3A = arith.index_cast %mul3A_111 : i32 to index
      %swap3A_112 = tpu.vector_load %arg9[%swap3A] {strides = array<i32>} : memref<2048xi32, #tpu.memory_space<vmem>>, vector<16xi32>,
      tpu.vector_store %arg9[%swap3A], %broadcast_in_dim3A_109 {strides = array<i32>} : memref<2048xi32, #tpu.memory_space<vmem>>, vector<16xi32>,
      %scan3A_113 = arith.constant 0 : i32
      scf.yield %scan3A_113 : i32
    }
    %scan3A_36 = arith.constant 128 : i32
    %dma_start3A_37 = arith.constant 0 : i32
    %dma_start3A_38 = tpu.memref_slice %arg2[%add3A_4, %dma_start3A_37] : memref<32x100352xf32, #tpu.memory_space<hbm>> -> memref<1x6272xf32, #tpu.memory_space<hbm>>
    %dma_start3A_39 = tpu.memref_squeeze %dma_start3A_38 : memref<1x6272xf32, #tpu.memory_space<hbm>> -> memref<6272xf32, #tpu.memory_space<hbm>>
    %dma_start3A_40 = arith.constant 0 : i32
    %dma_start3A_41 = tpu.memref_slice %arg2[%add3A_4, %dma_start3A_40] : memref<32x100352xf32, #tpu.memory_space<hbm>> -> memref<1x6272xf32, #tpu.memory_space<hbm>>
    %dma_start3A_42 = tpu.memref_squeeze %dma_start3A_41 : memref<1x6272xf32, #tpu.memory_space<hbm>> -> memref<6272xf32, #tpu.memory_space<hbm>>
    tpu.enqueue_dma source(%dma_start3A_42 : memref<6272xf32, #tpu.memory_space<hbm>>) target(%arg6 : memref<6272xf32, #tpu.memory_space<vmem>>) target_semaphore(%arg10 : memref<!tpu.dma_semaphore, #tpu.memory_space<semaphore_mem>>)
    %scan3A_43 = arith.constant 0 : i32
    %scan3A_44 = arith.constant 0 : i32
    %scan3A_45 = arith.constant 8 : i32
    %scan3A_46 = arith.addi %scan3A_44, %scan3A_45 : i32
    %scan3A_47 = arith.constant 1 : i32
    %scan3A_48 = scf.for %scan3A_106 = %scan3A_44 to %scan3A_46 step %scan3A_47 iter_args(%scan3A_107 = %scan3A_43) -> (i32)  : i32 {
      %mul3A_108 = arith.constant 2 : i32
      %mul3A_109 = arith.muli %scan3A_106, %mul3A_108 : i32
      %mul3A_110 = arith.constant 6272 : i32
      %mul3A_111 = arith.muli %mul3A_109, %mul3A_110 : i32
      %dma_wait3A = tpu.memref_slice %arg2[%add3A_4, %mul3A_111] : memref<32x100352xf32, #tpu.memory_space<hbm>> -> memref<1x6272xf32, #tpu.memory_space<hbm>>
      %dma_wait3A_112 = tpu.memref_squeeze %dma_wait3A : memref<1x6272xf32, #tpu.memory_space<hbm>> -> memref<6272xf32, #tpu.memory_space<hbm>>
      %dma_wait3A_113 = tpu.memref_slice %arg2[%add3A_4, %mul3A_111] : memref<32x100352xf32, #tpu.memory_space<hbm>> -> memref<1x6272xf32, #tpu.memory_space<hbm>>
      %dma_wait3A_114 = tpu.memref_squeeze %dma_wait3A_113 : memref<1x6272xf32, #tpu.memory_space<hbm>> -> memref<6272xf32, #tpu.memory_space<hbm>>
      tpu.wait_dma2 semaphore(%arg10 : memref<!tpu.dma_semaphore, #tpu.memory_space<semaphore_mem>>) src(%dma_wait3A_114 : memref<6272xf32, #tpu.memory_space<hbm>>) dst(%arg6 : memref<6272xf32, #tpu.memory_space<vmem>>)
      %add3A_115 = arith.constant 1 : i32
      %add3A_116 = arith.addi %mul3A_109, %add3A_115 : i32
      %mul3A_117 = arith.constant 6272 : i32
      %mul3A_118 = arith.muli %add3A_116, %mul3A_117 : i32
      %dma_start3A_119 = tpu.memref_slice %arg2[%add3A_4, %mul3A_118] : memref<32x100352xf32, #tpu.memory_space<hbm>> -> memref<1x6272xf32, #tpu.memory_space<hbm>>
      %dma_start3A_120 = tpu.memref_squeeze %dma_start3A_119 : memref<1x6272xf32, #tpu.memory_space<hbm>> -> memref<6272xf32, #tpu.memory_space<hbm>>
      %dma_start3A_121 = tpu.memref_slice %arg2[%add3A_4, %mul3A_118] : memref<32x100352xf32, #tpu.memory_space<hbm>> -> memref<1x6272xf32, #tpu.memory_space<hbm>>
      %dma_start3A_122 = tpu.memref_squeeze %dma_start3A_121 : memref<1x6272xf32, #tpu.memory_space<hbm>> -> memref<6272xf32, #tpu.memory_space<hbm>>
      tpu.enqueue_dma source(%dma_start3A_122 : memref<6272xf32, #tpu.memory_space<hbm>>) target(%arg7 : memref<6272xf32, #tpu.memory_space<vmem>>) target_semaphore(%arg10 : memref<!tpu.dma_semaphore, #tpu.memory_space<semaphore_mem>>)
      %scan3A_123 = arith.constant 0 : i32
      %scan3A_124 = arith.constant 0 : i32
      %scan3A_125 = arith.constant 392 : i32
      %scan3A_126 = arith.addi %scan3A_124, %scan3A_125 : i32
      %scan3A_127 = arith.constant 1 : i32
      %scan3A_128 = scf.for %scan3A_150 = %scan3A_124 to %scan3A_126 step %scan3A_127 iter_args(%scan3A_151 = %scan3A_123) -> (i32)  : i32 {
        %mul3A_152 = arith.constant 16 : i32
        %mul3A_153 = arith.muli %scan3A_150, %mul3A_152 : i32
        %get3A = arith.index_cast %mul3A_153 : i32 to index
        %get3A_154 = tpu.vector_load %arg6[%get3A] {strides = array<i32>} : memref<6272xf32, #tpu.memory_space<vmem>>, vector<16xf32>,
        %bitcast3A = vector.bitcast %get3A_154 : vector<16xf32> to vector<16xi32>
        %shift_right_arithmetic3A = arith.constant 0 : i32
        %shift_right_arithmetic3A_155 = vector.broadcast %shift_right_arithmetic3A : i32 to vector<16xi32>
        %shift_right_arithmetic3A_156 = arith.shrsi %bitcast3A, %shift_right_arithmetic3A_155 : vector<16xi32>
        %and3A = arith.constant 2047 : i32
        %and3A_157 = vector.broadcast %and3A : i32 to vector<16xi32>
        %and3A_158 = arith.andi %shift_right_arithmetic3A_156, %and3A_157 : vector<16xi32>
        %broadcast_in_dim3A_159 = arith.constant true
        %broadcast_in_dim3A_160 = vector.broadcast %broadcast_in_dim3A_159 : i1 to vector<16xi1>
        %unique3A, %unique3A_161 = tpu.scan_count mask(%broadcast_in_dim3A_160 : vector<16xi1>) value(%and3A_158 : vector<16xi32>) : vector<16xi1>, vector<16xi32>
        %gather3A = tpu.vector_load_idx %arg8[%and3A_158] : memref<2048xi32, #tpu.memory_space<vmem>>[vector<16xi32>], vector<16xi32>,
        %add3A_162 = arith.addi %gather3A, %unique3A_161 : vector<16xi32>
        %sub3A = arith.constant 1 : i32
        %sub3A_163 = vector.broadcast %sub3A : i32 to vector<16xi32>
        %sub3A_164 = arith.subi %add3A_162, %sub3A_163 : vector<16xi32>
        tpu.vector_store_idx %arg5[%sub3A_164], %get3A_154 : memref<100352xf32, #tpu.memory_space<vmem>>[vector<16xi32>], vector<16xf32>,
        tpu.vector_store_idx %arg8[%and3A_158], %unique3A_161 masked %unique3A {add = true} : memref<2048xi32, #tpu.memory_space<vmem>>[vector<16xi32>], vector<16xi32>, vector<16xi1>
        %shift_right_arithmetic3A_165 = arith.constant 11 : i32
        %shift_right_arithmetic3A_166 = vector.broadcast %shift_right_arithmetic3A_165 : i32 to vector<16xi32>
        %shift_right_arithmetic3A_167 = arith.shrsi %bitcast3A, %shift_right_arithmetic3A_166 : vector<16xi32>
        %and3A_168 = arith.constant 2047 : i32
        %and3A_169 = vector.broadcast %and3A_168 : i32 to vector<16xi32>
        %and3A_170 = arith.andi %shift_right_arithmetic3A_167, %and3A_169 : vector<16xi32>
        %broadcast_in_dim3A_171 = arith.constant true
        %broadcast_in_dim3A_172 = vector.broadcast %broadcast_in_dim3A_171 : i1 to vector<16xi1>
        %unique3A_173, %unique3A_174 = tpu.scan_count mask(%broadcast_in_dim3A_172 : vector<16xi1>) value(%and3A_170 : vector<16xi32>) : vector<16xi1>, vector<16xi32>
        tpu.vector_store_idx %arg9[%and3A_170], %unique3A_174 masked %unique3A_173 {add = true} : memref<2048xi32, #tpu.memory_space<vmem>>[vector<16xi32>], vector<16xi32>, vector<16xi1>
        %scan3A_175 = arith.constant 0 : i32
        scf.yield %scan3A_175 : i32
      }
      %scan3A_129 = arith.constant 392 : i32
      %add3A_130 = arith.constant 1 : i32
      %add3A_131 = arith.addi %mul3A_109, %add3A_130 : i32
      %mul3A_132 = arith.constant 6272 : i32
      %mul3A_133 = arith.muli %add3A_131, %mul3A_132 : i32
      %dma_wait3A_134 = tpu.memref_slice %arg2[%add3A_4, %mul3A_133] : memref<32x100352xf32, #tpu.memory_space<hbm>> -> memref<1x6272xf32, #tpu.memory_space<hbm>>
      %dma_wait3A_135 = tpu.memref_squeeze %dma_wait3A_134 : memref<1x6272xf32, #tpu.memory_space<hbm>> -> memref<6272xf32, #tpu.memory_space<hbm>>
      %dma_wait3A_136 = tpu.memref_slice %arg2[%add3A_4, %mul3A_133] : memref<32x100352xf32, #tpu.memory_space<hbm>> -> memref<1x6272xf32, #tpu.memory_space<hbm>>
      %dma_wait3A_137 = tpu.memref_squeeze %dma_wait3A_136 : memref<1x6272xf32, #tpu.memory_space<hbm>> -> memref<6272xf32, #tpu.memory_space<hbm>>
      tpu.wait_dma2 semaphore(%arg10 : memref<!tpu.dma_semaphore, #tpu.memory_space<semaphore_mem>>) src(%dma_wait3A_137 : memref<6272xf32, #tpu.memory_space<hbm>>) dst(%arg7 : memref<6272xf32, #tpu.memory_space<vmem>>)
      %add3A_138 = arith.constant 2 : i32
      %add3A_139 = arith.addi %mul3A_109, %add3A_138 : i32
      %lt3A = arith.constant 16 : i32
      %lt3A_140 = arith.cmpi slt, %add3A_139, %lt3A : i32
      %convert_element_type3A = arith.extui %lt3A_140 : i1 to i32
      %cond3A = arith.constant 0 : i32
      %cond3A_141 = arith.cmpi ne, %convert_element_type3A, %cond3A : i32
      scf.if %cond3A_141 {
        %add3A_150 = arith.constant 2 : i32
        %add3A_151 = arith.addi %mul3A_109, %add3A_150 : i32
        %mul3A_152 = arith.constant 6272 : i32
        %mul3A_153 = arith.muli %add3A_151, %mul3A_152 : i32
        %dma_start3A_154 = tpu.memref_slice %arg2[%add3A_4, %mul3A_153] : memref<32x100352xf32, #tpu.memory_space<hbm>> -> memref<1x6272xf32, #tpu.memory_space<hbm>>
        %dma_start3A_155 = tpu.memref_squeeze %dma_start3A_154 : memref<1x6272xf32, #tpu.memory_space<hbm>> -> memref<6272xf32, #tpu.memory_space<hbm>>
        %dma_start3A_156 = tpu.memref_slice %arg2[%add3A_4, %mul3A_153] : memref<32x100352xf32, #tpu.memory_space<hbm>> -> memref<1x6272xf32, #tpu.memory_space<hbm>>
        %dma_start3A_157 = tpu.memref_squeeze %dma_start3A_156 : memref<1x6272xf32, #tpu.memory_space<hbm>> -> memref<6272xf32, #tpu.memory_space<hbm>>
        tpu.enqueue_dma source(%dma_start3A_157 : memref<6272xf32, #tpu.memory_space<hbm>>) target(%arg6 : memref<6272xf32, #tpu.memory_space<vmem>>) target_semaphore(%arg10 : memref<!tpu.dma_semaphore, #tpu.memory_space<semaphore_mem>>)
      } else {
      }
      %scan3A_142 = arith.constant 0 : i32
      %scan3A_143 = arith.constant 0 : i32
      %scan3A_144 = arith.constant 392 : i32
      %scan3A_145 = arith.addi %scan3A_143, %scan3A_144 : i32
      %scan3A_146 = arith.constant 1 : i32
      %scan3A_147 = scf.for %scan3A_150 = %scan3A_143 to %scan3A_145 step %scan3A_146 iter_args(%scan3A_151 = %scan3A_142) -> (i32)  : i32 {
        %mul3A_152 = arith.constant 16 : i32
        %mul3A_153 = arith.muli %scan3A_150, %mul3A_152 : i32
        %get3A = arith.index_cast %mul3A_153 : i32 to index
        %get3A_154 = tpu.vector_load %arg7[%get3A] {strides = array<i32>} : memref<6272xf32, #tpu.memory_space<vmem>>, vector<16xf32>,
        %bitcast3A = vector.bitcast %get3A_154 : vector<16xf32> to vector<16xi32>
        %shift_right_arithmetic3A = arith.constant 0 : i32
        %shift_right_arithmetic3A_155 = vector.broadcast %shift_right_arithmetic3A : i32 to vector<16xi32>
        %shift_right_arithmetic3A_156 = arith.shrsi %bitcast3A, %shift_right_arithmetic3A_155 : vector<16xi32>
        %and3A = arith.constant 2047 : i32
        %and3A_157 = vector.broadcast %and3A : i32 to vector<16xi32>
        %and3A_158 = arith.andi %shift_right_arithmetic3A_156, %and3A_157 : vector<16xi32>
        %broadcast_in_dim3A_159 = arith.constant true
        %broadcast_in_dim3A_160 = vector.broadcast %broadcast_in_dim3A_159 : i1 to vector<16xi1>
        %unique3A, %unique3A_161 = tpu.scan_count mask(%broadcast_in_dim3A_160 : vector<16xi1>) value(%and3A_158 : vector<16xi32>) : vector<16xi1>, vector<16xi32>
        %gather3A = tpu.vector_load_idx %arg8[%and3A_158] : memref<2048xi32, #tpu.memory_space<vmem>>[vector<16xi32>], vector<16xi32>,
        %add3A_162 = arith.addi %gather3A, %unique3A_161 : vector<16xi32>
        %sub3A = arith.constant 1 : i32
        %sub3A_163 = vector.broadcast %sub3A : i32 to vector<16xi32>
        %sub3A_164 = arith.subi %add3A_162, %sub3A_163 : vector<16xi32>
        tpu.vector_store_idx %arg5[%sub3A_164], %get3A_154 : memref<100352xf32, #tpu.memory_space<vmem>>[vector<16xi32>], vector<16xf32>,
        tpu.vector_store_idx %arg8[%and3A_158], %unique3A_161 masked %unique3A {add = true} : memref<2048xi32, #tpu.memory_space<vmem>>[vector<16xi32>], vector<16xi32>, vector<16xi1>
        %shift_right_arithmetic3A_165 = arith.constant 11 : i32
        %shift_right_arithmetic3A_166 = vector.broadcast %shift_right_arithmetic3A_165 : i32 to vector<16xi32>
        %shift_right_arithmetic3A_167 = arith.shrsi %bitcast3A, %shift_right_arithmetic3A_166 : vector<16xi32>
        %and3A_168 = arith.constant 2047 : i32
        %and3A_169 = vector.broadcast %and3A_168 : i32 to vector<16xi32>
        %and3A_170 = arith.andi %shift_right_arithmetic3A_167, %and3A_169 : vector<16xi32>
        %broadcast_in_dim3A_171 = arith.constant true
        %broadcast_in_dim3A_172 = vector.broadcast %broadcast_in_dim3A_171 : i1 to vector<16xi1>
        %unique3A_173, %unique3A_174 = tpu.scan_count mask(%broadcast_in_dim3A_172 : vector<16xi1>) value(%and3A_170 : vector<16xi32>) : vector<16xi1>, vector<16xi32>
        tpu.vector_store_idx %arg9[%and3A_170], %unique3A_174 masked %unique3A_173 {add = true} : memref<2048xi32, #tpu.memory_space<vmem>>[vector<16xi32>], vector<16xi32>, vector<16xi1>
        %scan3A_175 = arith.constant 0 : i32
        scf.yield %scan3A_175 : i32
      }
      %scan3A_148 = arith.constant 392 : i32
      %scan3A_149 = arith.constant 0 : i32
      scf.yield %scan3A_149 : i32
    }
    %scan3A_49 = arith.constant 8 : i32
    "tpu.region"() ({
      %run_scoped3A = tpu.sem_alloc : memref<!tpu.dma_semaphore, #tpu.memory_space<semaphore_mem>>
      %dma_start3A_106 = arith.constant 0 : i32
      %dma_start3A_107 = tpu.memref_slice %arg4[%add3A_4, %dma_start3A_106] : memref<32x100352xf32, #tpu.memory_space<hbm>> -> memref<1x100352xf32, #tpu.memory_space<hbm>>
      %dma_start3A_108 = tpu.memref_squeeze %dma_start3A_107 : memref<1x100352xf32, #tpu.memory_space<hbm>> -> memref<100352xf32, #tpu.memory_space<hbm>>
      %dma_start3A_109 = arith.constant 0 : i32
      %dma_start3A_110 = tpu.memref_slice %arg4[%add3A_4, %dma_start3A_109] : memref<32x100352xf32, #tpu.memory_space<hbm>> -> memref<1x100352xf32, #tpu.memory_space<hbm>>
      %dma_start3A_111 = tpu.memref_squeeze %dma_start3A_110 : memref<1x100352xf32, #tpu.memory_space<hbm>> -> memref<100352xf32, #tpu.memory_space<hbm>>
      tpu.enqueue_dma source(%arg5 : memref<100352xf32, #tpu.memory_space<vmem>>) target(%dma_start3A_111 : memref<100352xf32, #tpu.memory_space<hbm>>) target_semaphore(%run_scoped3A : memref<!tpu.dma_semaphore, #tpu.memory_space<semaphore_mem>>)
      %dma_wait3A = arith.constant 0 : i32
      %dma_wait3A_112 = tpu.memref_slice %arg4[%add3A_4, %dma_wait3A] : memref<32x100352xf32, #tpu.memory_space<hbm>> -> memref<1x100352xf32, #tpu.memory_space<hbm>>
      %dma_wait3A_113 = tpu.memref_squeeze %dma_wait3A_112 : memref<1x100352xf32, #tpu.memory_space<hbm>> -> memref<100352xf32, #tpu.memory_space<hbm>>
      %dma_wait3A_114 = arith.constant 0 : i32
      %dma_wait3A_115 = tpu.memref_slice %arg4[%add3A_4, %dma_wait3A_114] : memref<32x100352xf32, #tpu.memory_space<hbm>> -> memref<1x100352xf32, #tpu.memory_space<hbm>>
      %dma_wait3A_116 = tpu.memref_squeeze %dma_wait3A_115 : memref<1x100352xf32, #tpu.memory_space<hbm>> -> memref<100352xf32, #tpu.memory_space<hbm>>
      tpu.wait_dma2 semaphore(%run_scoped3A : memref<!tpu.dma_semaphore, #tpu.memory_space<semaphore_mem>>) src(%arg5 : memref<100352xf32, #tpu.memory_space<vmem>>) dst(%dma_wait3A_116 : memref<100352xf32, #tpu.memory_space<hbm>>)
      tpu.yield
    }) : () -> ()
    %broadcast_in_dim3A_50 = arith.constant 0 : i32
    %broadcast_in_dim3A_51 = vector.broadcast %broadcast_in_dim3A_50 : i32 to vector<16xi32>
    %scan3A_52 = arith.constant 0 : i32
    %scan3A_53 = arith.constant 128 : i32
    %scan3A_54 = arith.addi %scan3A_52, %scan3A_53 : i32
    %scan3A_55 = arith.constant 1 : i32
    %scan3A_56 = scf.for %scan3A_106 = %scan3A_52 to %scan3A_54 step %scan3A_55 iter_args(%scan3A_107 = %broadcast_in_dim3A_51) -> (vector<16xi32>)  : i32 {
      %mul3A_108 = arith.constant 16 : i32
      %mul3A_109 = arith.muli %scan3A_106, %mul3A_108 : i32
      %get3A = arith.index_cast %mul3A_109 : i32 to index
      %get3A_110 = tpu.vector_load %arg9[%get3A] {strides = array<i32>} : memref<2048xi32, #tpu.memory_space<vmem>>, vector<16xi32>,
      %broadcast_in_dim3A_111 = arith.constant true
      %broadcast_in_dim3A_112 = vector.broadcast %broadcast_in_dim3A_111 : i1 to vector<16xi1>
      %masked_cumsum3A = tpu.scan <sum>, %get3A_110 masked %broadcast_in_dim3A_112 : vector<16xi32>, vector<16xi1> -> vector<16xi32>
      %sub3A = arith.subi %masked_cumsum3A, %get3A_110 : vector<16xi32>
      %add3A_113 = arith.addi %sub3A, %scan3A_107 : vector<16xi32>
      %mul3A_114 = arith.constant 16 : i32
      %mul3A_115 = arith.muli %scan3A_106, %mul3A_114 : i32
      %swap3A = arith.index_cast %mul3A_115 : i32 to index
      %swap3A_116 = tpu.vector_load %arg8[%swap3A] {strides = array<i32>} : memref<2048xi32, #tpu.memory_space<vmem>>, vector<16xi32>,
      tpu.vector_store %arg8[%swap3A], %add3A_113 {strides = array<i32>} : memref<2048xi32, #tpu.memory_space<vmem>>, vector<16xi32>,
      %reduce_sum3A = arith.constant true
      %reduce_sum3A_117 = vector.broadcast %reduce_sum3A : i1 to vector<16xi1>
      %reduce_sum3A_118 = tpu.scan <sum>, %get3A_110 masked %reduce_sum3A_117 : vector<16xi32>, vector<16xi1> -> vector<16xi32>
      %reduce_sum3A_119 = vector.extract %reduce_sum3A_118[15] : i32 from vector<16xi32>
      %add3A_120 = vector.broadcast %reduce_sum3A_119 : i32 to vector<16xi32>
      %add3A_121 = arith.addi %scan3A_107, %add3A_120 : vector<16xi32>
      scf.yield %add3A_121 : vector<16xi32>
    }
    %scan3A_57 = arith.constant 128 : i32
    %scan3A_58 = arith.constant 0 : i32
    %scan3A_59 = arith.constant 0 : i32
    %scan3A_60 = arith.constant 128 : i32
    %scan3A_61 = arith.addi %scan3A_59, %scan3A_60 : i32
    %scan3A_62 = arith.constant 1 : i32
    %scan3A_63 = scf.for %scan3A_106 = %scan3A_59 to %scan3A_61 step %scan3A_62 iter_args(%scan3A_107 = %scan3A_58) -> (i32)  : i32 {
      %broadcast_in_dim3A_108 = arith.constant 0 : i32
      %broadcast_in_dim3A_109 = vector.broadcast %broadcast_in_dim3A_108 : i32 to vector<16xi32>
      %mul3A_110 = arith.constant 16 : i32
      %mul3A_111 = arith.muli %scan3A_106, %mul3A_110 : i32
      %swap3A = arith.index_cast %mul3A_111 : i32 to index
      %swap3A_112 = tpu.vector_load %arg9[%swap3A] {strides = array<i32>} : memref<2048xi32, #tpu.memory_space<vmem>>, vector<16xi32>,
      tpu.vector_store %arg9[%swap3A], %broadcast_in_dim3A_109 {strides = array<i32>} : memref<2048xi32, #tpu.memory_space<vmem>>, vector<16xi32>,
      %scan3A_113 = arith.constant 0 : i32
      scf.yield %scan3A_113 : i32
    }
    %scan3A_64 = arith.constant 128 : i32
    %dma_start3A_65 = arith.constant 0 : i32
    %dma_start3A_66 = tpu.memref_slice %arg4[%add3A_4, %dma_start3A_65] : memref<32x100352xf32, #tpu.memory_space<hbm>> -> memref<1x6272xf32, #tpu.memory_space<hbm>>
    %dma_start3A_67 = tpu.memref_squeeze %dma_start3A_66 : memref<1x6272xf32, #tpu.memory_space<hbm>> -> memref<6272xf32, #tpu.memory_space<hbm>>
    %dma_start3A_68 = arith.constant 0 : i32
    %dma_start3A_69 = tpu.memref_slice %arg4[%add3A_4, %dma_start3A_68] : memref<32x100352xf32, #tpu.memory_space<hbm>> -> memref<1x6272xf32, #tpu.memory_space<hbm>>
    %dma_start3A_70 = tpu.memref_squeeze %dma_start3A_69 : memref<1x6272xf32, #tpu.memory_space<hbm>> -> memref<6272xf32, #tpu.memory_space<hbm>>
    tpu.enqueue_dma source(%dma_start3A_70 : memref<6272xf32, #tpu.memory_space<hbm>>) target(%arg6 : memref<6272xf32, #tpu.memory_space<vmem>>) target_semaphore(%arg10 : memref<!tpu.dma_semaphore, #tpu.memory_space<semaphore_mem>>)
    %scan3A_71 = arith.constant 0 : i32
    %scan3A_72 = arith.constant 0 : i32
    %scan3A_73 = arith.constant 8 : i32
    %scan3A_74 = arith.addi %scan3A_72, %scan3A_73 : i32
    %scan3A_75 = arith.constant 1 : i32
    %scan3A_76 = scf.for %scan3A_106 = %scan3A_72 to %scan3A_74 step %scan3A_75 iter_args(%scan3A_107 = %scan3A_71) -> (i32)  : i32 {
      %mul3A_108 = arith.constant 2 : i32
      %mul3A_109 = arith.muli %scan3A_106, %mul3A_108 : i32
      %mul3A_110 = arith.constant 6272 : i32
      %mul3A_111 = arith.muli %mul3A_109, %mul3A_110 : i32
      %dma_wait3A = tpu.memref_slice %arg4[%add3A_4, %mul3A_111] : memref<32x100352xf32, #tpu.memory_space<hbm>> -> memref<1x6272xf32, #tpu.memory_space<hbm>>
      %dma_wait3A_112 = tpu.memref_squeeze %dma_wait3A : memref<1x6272xf32, #tpu.memory_space<hbm>> -> memref<6272xf32, #tpu.memory_space<hbm>>
      %dma_wait3A_113 = tpu.memref_slice %arg4[%add3A_4, %mul3A_111] : memref<32x100352xf32, #tpu.memory_space<hbm>> -> memref<1x6272xf32, #tpu.memory_space<hbm>>
      %dma_wait3A_114 = tpu.memref_squeeze %dma_wait3A_113 : memref<1x6272xf32, #tpu.memory_space<hbm>> -> memref<6272xf32, #tpu.memory_space<hbm>>
      tpu.wait_dma2 semaphore(%arg10 : memref<!tpu.dma_semaphore, #tpu.memory_space<semaphore_mem>>) src(%dma_wait3A_114 : memref<6272xf32, #tpu.memory_space<hbm>>) dst(%arg6 : memref<6272xf32, #tpu.memory_space<vmem>>)
      %add3A_115 = arith.constant 1 : i32
      %add3A_116 = arith.addi %mul3A_109, %add3A_115 : i32
      %mul3A_117 = arith.constant 6272 : i32
      %mul3A_118 = arith.muli %add3A_116, %mul3A_117 : i32
      %dma_start3A_119 = tpu.memref_slice %arg4[%add3A_4, %mul3A_118] : memref<32x100352xf32, #tpu.memory_space<hbm>> -> memref<1x6272xf32, #tpu.memory_space<hbm>>
      %dma_start3A_120 = tpu.memref_squeeze %dma_start3A_119 : memref<1x6272xf32, #tpu.memory_space<hbm>> -> memref<6272xf32, #tpu.memory_space<hbm>>
      %dma_start3A_121 = tpu.memref_slice %arg4[%add3A_4, %mul3A_118] : memref<32x100352xf32, #tpu.memory_space<hbm>> -> memref<1x6272xf32, #tpu.memory_space<hbm>>
      %dma_start3A_122 = tpu.memref_squeeze %dma_start3A_121 : memref<1x6272xf32, #tpu.memory_space<hbm>> -> memref<6272xf32, #tpu.memory_space<hbm>>
      tpu.enqueue_dma source(%dma_start3A_122 : memref<6272xf32, #tpu.memory_space<hbm>>) target(%arg7 : memref<6272xf32, #tpu.memory_space<vmem>>) target_semaphore(%arg10 : memref<!tpu.dma_semaphore, #tpu.memory_space<semaphore_mem>>)
      %scan3A_123 = arith.constant 0 : i32
      %scan3A_124 = arith.constant 0 : i32
      %scan3A_125 = arith.constant 392 : i32
      %scan3A_126 = arith.addi %scan3A_124, %scan3A_125 : i32
      %scan3A_127 = arith.constant 1 : i32
      %scan3A_128 = scf.for %scan3A_150 = %scan3A_124 to %scan3A_126 step %scan3A_127 iter_args(%scan3A_151 = %scan3A_123) -> (i32)  : i32 {
        %mul3A_152 = arith.constant 16 : i32
        %mul3A_153 = arith.muli %scan3A_150, %mul3A_152 : i32
        %get3A = arith.index_cast %mul3A_153 : i32 to index
        %get3A_154 = tpu.vector_load %arg6[%get3A] {strides = array<i32>} : memref<6272xf32, #tpu.memory_space<vmem>>, vector<16xf32>,
        %bitcast3A = vector.bitcast %get3A_154 : vector<16xf32> to vector<16xi32>
        %shift_right_arithmetic3A = arith.constant 11 : i32
        %shift_right_arithmetic3A_155 = vector.broadcast %shift_right_arithmetic3A : i32 to vector<16xi32>
        %shift_right_arithmetic3A_156 = arith.shrsi %bitcast3A, %shift_right_arithmetic3A_155 : vector<16xi32>
        %and3A = arith.constant 2047 : i32
        %and3A_157 = vector.broadcast %and3A : i32 to vector<16xi32>
        %and3A_158 = arith.andi %shift_right_arithmetic3A_156, %and3A_157 : vector<16xi32>
        %broadcast_in_dim3A_159 = arith.constant true
        %broadcast_in_dim3A_160 = vector.broadcast %broadcast_in_dim3A_159 : i1 to vector<16xi1>
        %unique3A, %unique3A_161 = tpu.scan_count mask(%broadcast_in_dim3A_160 : vector<16xi1>) value(%and3A_158 : vector<16xi32>) : vector<16xi1>, vector<16xi32>
        %gather3A = tpu.vector_load_idx %arg8[%and3A_158] : memref<2048xi32, #tpu.memory_space<vmem>>[vector<16xi32>], vector<16xi32>,
        %add3A_162 = arith.addi %gather3A, %unique3A_161 : vector<16xi32>
        %sub3A = arith.constant 1 : i32
        %sub3A_163 = vector.broadcast %sub3A : i32 to vector<16xi32>
        %sub3A_164 = arith.subi %add3A_162, %sub3A_163 : vector<16xi32>
        tpu.vector_store_idx %arg5[%sub3A_164], %get3A_154 : memref<100352xf32, #tpu.memory_space<vmem>>[vector<16xi32>], vector<16xf32>,
        tpu.vector_store_idx %arg8[%and3A_158], %unique3A_161 masked %unique3A {add = true} : memref<2048xi32, #tpu.memory_space<vmem>>[vector<16xi32>], vector<16xi32>, vector<16xi1>
        %shift_right_arithmetic3A_165 = arith.constant 22 : i32
        %shift_right_arithmetic3A_166 = vector.broadcast %shift_right_arithmetic3A_165 : i32 to vector<16xi32>
        %shift_right_arithmetic3A_167 = arith.shrsi %bitcast3A, %shift_right_arithmetic3A_166 : vector<16xi32>
        %and3A_168 = arith.constant 2047 : i32
        %and3A_169 = vector.broadcast %and3A_168 : i32 to vector<16xi32>
        %and3A_170 = arith.andi %shift_right_arithmetic3A_167, %and3A_169 : vector<16xi32>
        %broadcast_in_dim3A_171 = arith.constant true
        %broadcast_in_dim3A_172 = vector.broadcast %broadcast_in_dim3A_171 : i1 to vector<16xi1>
        %unique3A_173, %unique3A_174 = tpu.scan_count mask(%broadcast_in_dim3A_172 : vector<16xi1>) value(%and3A_170 : vector<16xi32>) : vector<16xi1>, vector<16xi32>
        tpu.vector_store_idx %arg9[%and3A_170], %unique3A_174 masked %unique3A_173 {add = true} : memref<2048xi32, #tpu.memory_space<vmem>>[vector<16xi32>], vector<16xi32>, vector<16xi1>
        %scan3A_175 = arith.constant 0 : i32
        scf.yield %scan3A_175 : i32
      }
      %scan3A_129 = arith.constant 392 : i32
      %add3A_130 = arith.constant 1 : i32
      %add3A_131 = arith.addi %mul3A_109, %add3A_130 : i32
      %mul3A_132 = arith.constant 6272 : i32
      %mul3A_133 = arith.muli %add3A_131, %mul3A_132 : i32
      %dma_wait3A_134 = tpu.memref_slice %arg4[%add3A_4, %mul3A_133] : memref<32x100352xf32, #tpu.memory_space<hbm>> -> memref<1x6272xf32, #tpu.memory_space<hbm>>
      %dma_wait3A_135 = tpu.memref_squeeze %dma_wait3A_134 : memref<1x6272xf32, #tpu.memory_space<hbm>> -> memref<6272xf32, #tpu.memory_space<hbm>>
      %dma_wait3A_136 = tpu.memref_slice %arg4[%add3A_4, %mul3A_133] : memref<32x100352xf32, #tpu.memory_space<hbm>> -> memref<1x6272xf32, #tpu.memory_space<hbm>>
      %dma_wait3A_137 = tpu.memref_squeeze %dma_wait3A_136 : memref<1x6272xf32, #tpu.memory_space<hbm>> -> memref<6272xf32, #tpu.memory_space<hbm>>
      tpu.wait_dma2 semaphore(%arg10 : memref<!tpu.dma_semaphore, #tpu.memory_space<semaphore_mem>>) src(%dma_wait3A_137 : memref<6272xf32, #tpu.memory_space<hbm>>) dst(%arg7 : memref<6272xf32, #tpu.memory_space<vmem>>)
      %add3A_138 = arith.constant 2 : i32
      %add3A_139 = arith.addi %mul3A_109, %add3A_138 : i32
      %lt3A = arith.constant 16 : i32
      %lt3A_140 = arith.cmpi slt, %add3A_139, %lt3A : i32
      %convert_element_type3A = arith.extui %lt3A_140 : i1 to i32
      %cond3A = arith.constant 0 : i32
      %cond3A_141 = arith.cmpi ne, %convert_element_type3A, %cond3A : i32
      scf.if %cond3A_141 {
        %add3A_150 = arith.constant 2 : i32
        %add3A_151 = arith.addi %mul3A_109, %add3A_150 : i32
        %mul3A_152 = arith.constant 6272 : i32
        %mul3A_153 = arith.muli %add3A_151, %mul3A_152 : i32
        %dma_start3A_154 = tpu.memref_slice %arg4[%add3A_4, %mul3A_153] : memref<32x100352xf32, #tpu.memory_space<hbm>> -> memref<1x6272xf32, #tpu.memory_space<hbm>>
        %dma_start3A_155 = tpu.memref_squeeze %dma_start3A_154 : memref<1x6272xf32, #tpu.memory_space<hbm>> -> memref<6272xf32, #tpu.memory_space<hbm>>
        %dma_start3A_156 = tpu.memref_slice %arg4[%add3A_4, %mul3A_153] : memref<32x100352xf32, #tpu.memory_space<hbm>> -> memref<1x6272xf32, #tpu.memory_space<hbm>>
        %dma_start3A_157 = tpu.memref_squeeze %dma_start3A_156 : memref<1x6272xf32, #tpu.memory_space<hbm>> -> memref<6272xf32, #tpu.memory_space<hbm>>
        tpu.enqueue_dma source(%dma_start3A_157 : memref<6272xf32, #tpu.memory_space<hbm>>) target(%arg6 : memref<6272xf32, #tpu.memory_space<vmem>>) target_semaphore(%arg10 : memref<!tpu.dma_semaphore, #tpu.memory_space<semaphore_mem>>)
      } else {
      }
      %scan3A_142 = arith.constant 0 : i32
      %scan3A_143 = arith.constant 0 : i32
      %scan3A_144 = arith.constant 392 : i32
      %scan3A_145 = arith.addi %scan3A_143, %scan3A_144 : i32
      %scan3A_146 = arith.constant 1 : i32
      %scan3A_147 = scf.for %scan3A_150 = %scan3A_143 to %scan3A_145 step %scan3A_146 iter_args(%scan3A_151 = %scan3A_142) -> (i32)  : i32 {
        %mul3A_152 = arith.constant 16 : i32
        %mul3A_153 = arith.muli %scan3A_150, %mul3A_152 : i32
        %get3A = arith.index_cast %mul3A_153 : i32 to index
        %get3A_154 = tpu.vector_load %arg7[%get3A] {strides = array<i32>} : memref<6272xf32, #tpu.memory_space<vmem>>, vector<16xf32>,
        %bitcast3A = vector.bitcast %get3A_154 : vector<16xf32> to vector<16xi32>
        %shift_right_arithmetic3A = arith.constant 11 : i32
        %shift_right_arithmetic3A_155 = vector.broadcast %shift_right_arithmetic3A : i32 to vector<16xi32>
        %shift_right_arithmetic3A_156 = arith.shrsi %bitcast3A, %shift_right_arithmetic3A_155 : vector<16xi32>
        %and3A = arith.constant 2047 : i32
        %and3A_157 = vector.broadcast %and3A : i32 to vector<16xi32>
        %and3A_158 = arith.andi %shift_right_arithmetic3A_156, %and3A_157 : vector<16xi32>
        %broadcast_in_dim3A_159 = arith.constant true
        %broadcast_in_dim3A_160 = vector.broadcast %broadcast_in_dim3A_159 : i1 to vector<16xi1>
        %unique3A, %unique3A_161 = tpu.scan_count mask(%broadcast_in_dim3A_160 : vector<16xi1>) value(%and3A_158 : vector<16xi32>) : vector<16xi1>, vector<16xi32>
        %gather3A = tpu.vector_load_idx %arg8[%and3A_158] : memref<2048xi32, #tpu.memory_space<vmem>>[vector<16xi32>], vector<16xi32>,
        %add3A_162 = arith.addi %gather3A, %unique3A_161 : vector<16xi32>
        %sub3A = arith.constant 1 : i32
        %sub3A_163 = vector.broadcast %sub3A : i32 to vector<16xi32>
        %sub3A_164 = arith.subi %add3A_162, %sub3A_163 : vector<16xi32>
        tpu.vector_store_idx %arg5[%sub3A_164], %get3A_154 : memref<100352xf32, #tpu.memory_space<vmem>>[vector<16xi32>], vector<16xf32>,
        tpu.vector_store_idx %arg8[%and3A_158], %unique3A_161 masked %unique3A {add = true} : memref<2048xi32, #tpu.memory_space<vmem>>[vector<16xi32>], vector<16xi32>, vector<16xi1>
        %shift_right_arithmetic3A_165 = arith.constant 22 : i32
        %shift_right_arithmetic3A_166 = vector.broadcast %shift_right_arithmetic3A_165 : i32 to vector<16xi32>
        %shift_right_arithmetic3A_167 = arith.shrsi %bitcast3A, %shift_right_arithmetic3A_166 : vector<16xi32>
        %and3A_168 = arith.constant 2047 : i32
        %and3A_169 = vector.broadcast %and3A_168 : i32 to vector<16xi32>
        %and3A_170 = arith.andi %shift_right_arithmetic3A_167, %and3A_169 : vector<16xi32>
        %broadcast_in_dim3A_171 = arith.constant true
        %broadcast_in_dim3A_172 = vector.broadcast %broadcast_in_dim3A_171 : i1 to vector<16xi1>
        %unique3A_173, %unique3A_174 = tpu.scan_count mask(%broadcast_in_dim3A_172 : vector<16xi1>) value(%and3A_170 : vector<16xi32>) : vector<16xi1>, vector<16xi32>
        tpu.vector_store_idx %arg9[%and3A_170], %unique3A_174 masked %unique3A_173 {add = true} : memref<2048xi32, #tpu.memory_space<vmem>>[vector<16xi32>], vector<16xi32>, vector<16xi1>
        %scan3A_175 = arith.constant 0 : i32
        scf.yield %scan3A_175 : i32
      }
      %scan3A_148 = arith.constant 392 : i32
      %scan3A_149 = arith.constant 0 : i32
      scf.yield %scan3A_149 : i32
    }
    %scan3A_77 = arith.constant 8 : i32
    "tpu.region"() ({
      %run_scoped3A = tpu.sem_alloc : memref<!tpu.dma_semaphore, #tpu.memory_space<semaphore_mem>>
      %dma_start3A_106 = arith.constant 0 : i32
      %dma_start3A_107 = tpu.memref_slice %arg3[%add3A_4, %dma_start3A_106] : memref<32x100352xf32, #tpu.memory_space<hbm>> -> memref<1x100352xf32, #tpu.memory_space<hbm>>
      %dma_start3A_108 = tpu.memref_squeeze %dma_start3A_107 : memref<1x100352xf32, #tpu.memory_space<hbm>> -> memref<100352xf32, #tpu.memory_space<hbm>>
      %dma_start3A_109 = arith.constant 0 : i32
      %dma_start3A_110 = tpu.memref_slice %arg3[%add3A_4, %dma_start3A_109] : memref<32x100352xf32, #tpu.memory_space<hbm>> -> memref<1x100352xf32, #tpu.memory_space<hbm>>
      %dma_start3A_111 = tpu.memref_squeeze %dma_start3A_110 : memref<1x100352xf32, #tpu.memory_space<hbm>> -> memref<100352xf32, #tpu.memory_space<hbm>>
      tpu.enqueue_dma source(%arg5 : memref<100352xf32, #tpu.memory_space<vmem>>) target(%dma_start3A_111 : memref<100352xf32, #tpu.memory_space<hbm>>) target_semaphore(%run_scoped3A : memref<!tpu.dma_semaphore, #tpu.memory_space<semaphore_mem>>)
      %dma_wait3A = arith.constant 0 : i32
      %dma_wait3A_112 = tpu.memref_slice %arg3[%add3A_4, %dma_wait3A] : memref<32x100352xf32, #tpu.memory_space<hbm>> -> memref<1x100352xf32, #tpu.memory_space<hbm>>
      %dma_wait3A_113 = tpu.memref_squeeze %dma_wait3A_112 : memref<1x100352xf32, #tpu.memory_space<hbm>> -> memref<100352xf32, #tpu.memory_space<hbm>>
      %dma_wait3A_114 = arith.constant 0 : i32
      %dma_wait3A_115 = tpu.memref_slice %arg3[%add3A_4, %dma_wait3A_114] : memref<32x100352xf32, #tpu.memory_space<hbm>> -> memref<1x100352xf32, #tpu.memory_space<hbm>>
      %dma_wait3A_116 = tpu.memref_squeeze %dma_wait3A_115 : memref<1x100352xf32, #tpu.memory_space<hbm>> -> memref<100352xf32, #tpu.memory_space<hbm>>
      tpu.wait_dma2 semaphore(%run_scoped3A : memref<!tpu.dma_semaphore, #tpu.memory_space<semaphore_mem>>) src(%arg5 : memref<100352xf32, #tpu.memory_space<vmem>>) dst(%dma_wait3A_116 : memref<100352xf32, #tpu.memory_space<hbm>>)
      tpu.yield
    }) : () -> ()
    %broadcast_in_dim3A_78 = arith.constant 0 : i32
    %broadcast_in_dim3A_79 = vector.broadcast %broadcast_in_dim3A_78 : i32 to vector<16xi32>
    %scan3A_80 = arith.constant 0 : i32
    %scan3A_81 = arith.constant 128 : i32
    %scan3A_82 = arith.addi %scan3A_80, %scan3A_81 : i32
    %scan3A_83 = arith.constant 1 : i32
    %scan3A_84 = scf.for %scan3A_106 = %scan3A_80 to %scan3A_82 step %scan3A_83 iter_args(%scan3A_107 = %broadcast_in_dim3A_79) -> (vector<16xi32>)  : i32 {
      %mul3A_108 = arith.constant 16 : i32
      %mul3A_109 = arith.muli %scan3A_106, %mul3A_108 : i32
      %get3A = arith.index_cast %mul3A_109 : i32 to index
      %get3A_110 = tpu.vector_load %arg9[%get3A] {strides = array<i32>} : memref<2048xi32, #tpu.memory_space<vmem>>, vector<16xi32>,
      %broadcast_in_dim3A_111 = arith.constant true
      %broadcast_in_dim3A_112 = vector.broadcast %broadcast_in_dim3A_111 : i1 to vector<16xi1>
      %masked_cumsum3A = tpu.scan <sum>, %get3A_110 masked %broadcast_in_dim3A_112 : vector<16xi32>, vector<16xi1> -> vector<16xi32>
      %sub3A = arith.subi %masked_cumsum3A, %get3A_110 : vector<16xi32>
      %add3A_113 = arith.addi %sub3A, %scan3A_107 : vector<16xi32>
      %mul3A_114 = arith.constant 16 : i32
      %mul3A_115 = arith.muli %scan3A_106, %mul3A_114 : i32
      %swap3A = arith.index_cast %mul3A_115 : i32 to index
      %swap3A_116 = tpu.vector_load %arg8[%swap3A] {strides = array<i32>} : memref<2048xi32, #tpu.memory_space<vmem>>, vector<16xi32>,
      tpu.vector_store %arg8[%swap3A], %add3A_113 {strides = array<i32>} : memref<2048xi32, #tpu.memory_space<vmem>>, vector<16xi32>,
      %reduce_sum3A = arith.constant true
      %reduce_sum3A_117 = vector.broadcast %reduce_sum3A : i1 to vector<16xi1>
      %reduce_sum3A_118 = tpu.scan <sum>, %get3A_110 masked %reduce_sum3A_117 : vector<16xi32>, vector<16xi1> -> vector<16xi32>
      %reduce_sum3A_119 = vector.extract %reduce_sum3A_118[15] : i32 from vector<16xi32>
      %add3A_120 = vector.broadcast %reduce_sum3A_119 : i32 to vector<16xi32>
      %add3A_121 = arith.addi %scan3A_107, %add3A_120 : vector<16xi32>
      scf.yield %add3A_121 : vector<16xi32>
    }
    %scan3A_85 = arith.constant 128 : i32
    %scan3A_86 = arith.constant 0 : i32
    %scan3A_87 = arith.constant 0 : i32
    %scan3A_88 = arith.constant 128 : i32
    %scan3A_89 = arith.addi %scan3A_87, %scan3A_88 : i32
    %scan3A_90 = arith.constant 1 : i32
    %scan3A_91 = scf.for %scan3A_106 = %scan3A_87 to %scan3A_89 step %scan3A_90 iter_args(%scan3A_107 = %scan3A_86) -> (i32)  : i32 {
      %broadcast_in_dim3A_108 = arith.constant 0 : i32
      %broadcast_in_dim3A_109 = vector.broadcast %broadcast_in_dim3A_108 : i32 to vector<16xi32>
      %mul3A_110 = arith.constant 16 : i32
      %mul3A_111 = arith.muli %scan3A_106, %mul3A_110 : i32
      %swap3A = arith.index_cast %mul3A_111 : i32 to index
      %swap3A_112 = tpu.vector_load %arg9[%swap3A] {strides = array<i32>} : memref<2048xi32, #tpu.memory_space<vmem>>, vector<16xi32>,
      tpu.vector_store %arg9[%swap3A], %broadcast_in_dim3A_109 {strides = array<i32>} : memref<2048xi32, #tpu.memory_space<vmem>>, vector<16xi32>,
      %scan3A_113 = arith.constant 0 : i32
      scf.yield %scan3A_113 : i32
    }
    %scan3A_92 = arith.constant 128 : i32
    %dma_start3A_93 = arith.constant 0 : i32
    %dma_start3A_94 = tpu.memref_slice %arg3[%add3A_4, %dma_start3A_93] : memref<32x100352xf32, #tpu.memory_space<hbm>> -> memref<1x6272xf32, #tpu.memory_space<hbm>>
    %dma_start3A_95 = tpu.memref_squeeze %dma_start3A_94 : memref<1x6272xf32, #tpu.memory_space<hbm>> -> memref<6272xf32, #tpu.memory_space<hbm>>
    %dma_start3A_96 = arith.constant 0 : i32
    %dma_start3A_97 = tpu.memref_slice %arg3[%add3A_4, %dma_start3A_96] : memref<32x100352xf32, #tpu.memory_space<hbm>> -> memref<1x6272xf32, #tpu.memory_space<hbm>>
    %dma_start3A_98 = tpu.memref_squeeze %dma_start3A_97 : memref<1x6272xf32, #tpu.memory_space<hbm>> -> memref<6272xf32, #tpu.memory_space<hbm>>
    tpu.enqueue_dma source(%dma_start3A_98 : memref<6272xf32, #tpu.memory_space<hbm>>) target(%arg6 : memref<6272xf32, #tpu.memory_space<vmem>>) target_semaphore(%arg10 : memref<!tpu.dma_semaphore, #tpu.memory_space<semaphore_mem>>)
    %scan3A_99 = arith.constant 0 : i32
    %scan3A_100 = arith.constant 0 : i32
    %scan3A_101 = arith.constant 8 : i32
    %scan3A_102 = arith.addi %scan3A_100, %scan3A_101 : i32
    %scan3A_103 = arith.constant 1 : i32
    %scan3A_104 = scf.for %scan3A_106 = %scan3A_100 to %scan3A_102 step %scan3A_103 iter_args(%scan3A_107 = %scan3A_99) -> (i32)  : i32 {
      %mul3A_108 = arith.constant 2 : i32
      %mul3A_109 = arith.muli %scan3A_106, %mul3A_108 : i32
      %mul3A_110 = arith.constant 6272 : i32
      %mul3A_111 = arith.muli %mul3A_109, %mul3A_110 : i32
      %dma_wait3A = tpu.memref_slice %arg3[%add3A_4, %mul3A_111] : memref<32x100352xf32, #tpu.memory_space<hbm>> -> memref<1x6272xf32, #tpu.memory_space<hbm>>
      %dma_wait3A_112 = tpu.memref_squeeze %dma_wait3A : memref<1x6272xf32, #tpu.memory_space<hbm>> -> memref<6272xf32, #tpu.memory_space<hbm>>
      %dma_wait3A_113 = tpu.memref_slice %arg3[%add3A_4, %mul3A_111] : memref<32x100352xf32, #tpu.memory_space<hbm>> -> memref<1x6272xf32, #tpu.memory_space<hbm>>
      %dma_wait3A_114 = tpu.memref_squeeze %dma_wait3A_113 : memref<1x6272xf32, #tpu.memory_space<hbm>> -> memref<6272xf32, #tpu.memory_space<hbm>>
      tpu.wait_dma2 semaphore(%arg10 : memref<!tpu.dma_semaphore, #tpu.memory_space<semaphore_mem>>) src(%dma_wait3A_114 : memref<6272xf32, #tpu.memory_space<hbm>>) dst(%arg6 : memref<6272xf32, #tpu.memory_space<vmem>>)
      %add3A_115 = arith.constant 1 : i32
      %add3A_116 = arith.addi %mul3A_109, %add3A_115 : i32
      %mul3A_117 = arith.constant 6272 : i32
      %mul3A_118 = arith.muli %add3A_116, %mul3A_117 : i32
      %dma_start3A_119 = tpu.memref_slice %arg3[%add3A_4, %mul3A_118] : memref<32x100352xf32, #tpu.memory_space<hbm>> -> memref<1x6272xf32, #tpu.memory_space<hbm>>
      %dma_start3A_120 = tpu.memref_squeeze %dma_start3A_119 : memref<1x6272xf32, #tpu.memory_space<hbm>> -> memref<6272xf32, #tpu.memory_space<hbm>>
      %dma_start3A_121 = tpu.memref_slice %arg3[%add3A_4, %mul3A_118] : memref<32x100352xf32, #tpu.memory_space<hbm>> -> memref<1x6272xf32, #tpu.memory_space<hbm>>
      %dma_start3A_122 = tpu.memref_squeeze %dma_start3A_121 : memref<1x6272xf32, #tpu.memory_space<hbm>> -> memref<6272xf32, #tpu.memory_space<hbm>>
      tpu.enqueue_dma source(%dma_start3A_122 : memref<6272xf32, #tpu.memory_space<hbm>>) target(%arg7 : memref<6272xf32, #tpu.memory_space<vmem>>) target_semaphore(%arg10 : memref<!tpu.dma_semaphore, #tpu.memory_space<semaphore_mem>>)
      %scan3A_123 = arith.constant 0 : i32
      %scan3A_124 = arith.constant 0 : i32
      %scan3A_125 = arith.constant 392 : i32
      %scan3A_126 = arith.addi %scan3A_124, %scan3A_125 : i32
      %scan3A_127 = arith.constant 1 : i32
      %scan3A_128 = scf.for %scan3A_150 = %scan3A_124 to %scan3A_126 step %scan3A_127 iter_args(%scan3A_151 = %scan3A_123) -> (i32)  : i32 {
        %mul3A_152 = arith.constant 16 : i32
        %mul3A_153 = arith.muli %scan3A_150, %mul3A_152 : i32
        %get3A = arith.index_cast %mul3A_153 : i32 to index
        %get3A_154 = tpu.vector_load %arg6[%get3A] {strides = array<i32>} : memref<6272xf32, #tpu.memory_space<vmem>>, vector<16xf32>,
        %bitcast3A = vector.bitcast %get3A_154 : vector<16xf32> to vector<16xi32>
        %shift_right_arithmetic3A = arith.constant 22 : i32
        %shift_right_arithmetic3A_155 = vector.broadcast %shift_right_arithmetic3A : i32 to vector<16xi32>
        %shift_right_arithmetic3A_156 = arith.shrsi %bitcast3A, %shift_right_arithmetic3A_155 : vector<16xi32>
        %and3A = arith.constant 2047 : i32
        %and3A_157 = vector.broadcast %and3A : i32 to vector<16xi32>
        %and3A_158 = arith.andi %shift_right_arithmetic3A_156, %and3A_157 : vector<16xi32>
        %broadcast_in_dim3A_159 = arith.constant true
        %broadcast_in_dim3A_160 = vector.broadcast %broadcast_in_dim3A_159 : i1 to vector<16xi1>
        %unique3A, %unique3A_161 = tpu.scan_count mask(%broadcast_in_dim3A_160 : vector<16xi1>) value(%and3A_158 : vector<16xi32>) : vector<16xi1>, vector<16xi32>
        %gather3A = tpu.vector_load_idx %arg8[%and3A_158] : memref<2048xi32, #tpu.memory_space<vmem>>[vector<16xi32>], vector<16xi32>,
        %add3A_162 = arith.addi %gather3A, %unique3A_161 : vector<16xi32>
        %sub3A = arith.constant 1 : i32
        %sub3A_163 = vector.broadcast %sub3A : i32 to vector<16xi32>
        %sub3A_164 = arith.subi %add3A_162, %sub3A_163 : vector<16xi32>
        tpu.vector_store_idx %arg5[%sub3A_164], %get3A_154 : memref<100352xf32, #tpu.memory_space<vmem>>[vector<16xi32>], vector<16xf32>,
        tpu.vector_store_idx %arg8[%and3A_158], %unique3A_161 masked %unique3A {add = true} : memref<2048xi32, #tpu.memory_space<vmem>>[vector<16xi32>], vector<16xi32>, vector<16xi1>
        %scan3A_165 = arith.constant 0 : i32
        scf.yield %scan3A_165 : i32
      }
      %scan3A_129 = arith.constant 392 : i32
      %add3A_130 = arith.constant 1 : i32
      %add3A_131 = arith.addi %mul3A_109, %add3A_130 : i32
      %mul3A_132 = arith.constant 6272 : i32
      %mul3A_133 = arith.muli %add3A_131, %mul3A_132 : i32
      %dma_wait3A_134 = tpu.memref_slice %arg3[%add3A_4, %mul3A_133] : memref<32x100352xf32, #tpu.memory_space<hbm>> -> memref<1x6272xf32, #tpu.memory_space<hbm>>
      %dma_wait3A_135 = tpu.memref_squeeze %dma_wait3A_134 : memref<1x6272xf32, #tpu.memory_space<hbm>> -> memref<6272xf32, #tpu.memory_space<hbm>>
      %dma_wait3A_136 = tpu.memref_slice %arg3[%add3A_4, %mul3A_133] : memref<32x100352xf32, #tpu.memory_space<hbm>> -> memref<1x6272xf32, #tpu.memory_space<hbm>>
      %dma_wait3A_137 = tpu.memref_squeeze %dma_wait3A_136 : memref<1x6272xf32, #tpu.memory_space<hbm>> -> memref<6272xf32, #tpu.memory_space<hbm>>
      tpu.wait_dma2 semaphore(%arg10 : memref<!tpu.dma_semaphore, #tpu.memory_space<semaphore_mem>>) src(%dma_wait3A_137 : memref<6272xf32, #tpu.memory_space<hbm>>) dst(%arg7 : memref<6272xf32, #tpu.memory_space<vmem>>)
      %add3A_138 = arith.constant 2 : i32
      %add3A_139 = arith.addi %mul3A_109, %add3A_138 : i32
      %lt3A = arith.constant 16 : i32
      %lt3A_140 = arith.cmpi slt, %add3A_139, %lt3A : i32
      %convert_element_type3A = arith.extui %lt3A_140 : i1 to i32
      %cond3A = arith.constant 0 : i32
      %cond3A_141 = arith.cmpi ne, %convert_element_type3A, %cond3A : i32
      scf.if %cond3A_141 {
        %add3A_150 = arith.constant 2 : i32
        %add3A_151 = arith.addi %mul3A_109, %add3A_150 : i32
        %mul3A_152 = arith.constant 6272 : i32
        %mul3A_153 = arith.muli %add3A_151, %mul3A_152 : i32
        %dma_start3A_154 = tpu.memref_slice %arg3[%add3A_4, %mul3A_153] : memref<32x100352xf32, #tpu.memory_space<hbm>> -> memref<1x6272xf32, #tpu.memory_space<hbm>>
        %dma_start3A_155 = tpu.memref_squeeze %dma_start3A_154 : memref<1x6272xf32, #tpu.memory_space<hbm>> -> memref<6272xf32, #tpu.memory_space<hbm>>
        %dma_start3A_156 = tpu.memref_slice %arg3[%add3A_4, %mul3A_153] : memref<32x100352xf32, #tpu.memory_space<hbm>> -> memref<1x6272xf32, #tpu.memory_space<hbm>>
        %dma_start3A_157 = tpu.memref_squeeze %dma_start3A_156 : memref<1x6272xf32, #tpu.memory_space<hbm>> -> memref<6272xf32, #tpu.memory_space<hbm>>
        tpu.enqueue_dma source(%dma_start3A_157 : memref<6272xf32, #tpu.memory_space<hbm>>) target(%arg6 : memref<6272xf32, #tpu.memory_space<vmem>>) target_semaphore(%arg10 : memref<!tpu.dma_semaphore, #tpu.memory_space<semaphore_mem>>)
      } else {
      }
      %scan3A_142 = arith.constant 0 : i32
      %scan3A_143 = arith.constant 0 : i32
      %scan3A_144 = arith.constant 392 : i32
      %scan3A_145 = arith.addi %scan3A_143, %scan3A_144 : i32
      %scan3A_146 = arith.constant 1 : i32
      %scan3A_147 = scf.for %scan3A_150 = %scan3A_143 to %scan3A_145 step %scan3A_146 iter_args(%scan3A_151 = %scan3A_142) -> (i32)  : i32 {
        %mul3A_152 = arith.constant 16 : i32
        %mul3A_153 = arith.muli %scan3A_150, %mul3A_152 : i32
        %get3A = arith.index_cast %mul3A_153 : i32 to index
        %get3A_154 = tpu.vector_load %arg7[%get3A] {strides = array<i32>} : memref<6272xf32, #tpu.memory_space<vmem>>, vector<16xf32>,
        %bitcast3A = vector.bitcast %get3A_154 : vector<16xf32> to vector<16xi32>
        %shift_right_arithmetic3A = arith.constant 22 : i32
        %shift_right_arithmetic3A_155 = vector.broadcast %shift_right_arithmetic3A : i32 to vector<16xi32>
        %shift_right_arithmetic3A_156 = arith.shrsi %bitcast3A, %shift_right_arithmetic3A_155 : vector<16xi32>
        %and3A = arith.constant 2047 : i32
        %and3A_157 = vector.broadcast %and3A : i32 to vector<16xi32>
        %and3A_158 = arith.andi %shift_right_arithmetic3A_156, %and3A_157 : vector<16xi32>
        %broadcast_in_dim3A_159 = arith.constant true
        %broadcast_in_dim3A_160 = vector.broadcast %broadcast_in_dim3A_159 : i1 to vector<16xi1>
        %unique3A, %unique3A_161 = tpu.scan_count mask(%broadcast_in_dim3A_160 : vector<16xi1>) value(%and3A_158 : vector<16xi32>) : vector<16xi1>, vector<16xi32>
        %gather3A = tpu.vector_load_idx %arg8[%and3A_158] : memref<2048xi32, #tpu.memory_space<vmem>>[vector<16xi32>], vector<16xi32>,
        %add3A_162 = arith.addi %gather3A, %unique3A_161 : vector<16xi32>
        %sub3A = arith.constant 1 : i32
        %sub3A_163 = vector.broadcast %sub3A : i32 to vector<16xi32>
        %sub3A_164 = arith.subi %add3A_162, %sub3A_163 : vector<16xi32>
        tpu.vector_store_idx %arg5[%sub3A_164], %get3A_154 : memref<100352xf32, #tpu.memory_space<vmem>>[vector<16xi32>], vector<16xf32>,
        tpu.vector_store_idx %arg8[%and3A_158], %unique3A_161 masked %unique3A {add = true} : memref<2048xi32, #tpu.memory_space<vmem>>[vector<16xi32>], vector<16xi32>, vector<16xi1>
        %scan3A_165 = arith.constant 0 : i32
        scf.yield %scan3A_165 : i32
      }
      %scan3A_148 = arith.constant 392 : i32
      %scan3A_149 = arith.constant 0 : i32
      scf.yield %scan3A_149 : i32
    }
    %scan3A_105 = arith.constant 8 : i32
    "tpu.region"() ({
      %run_scoped3A = tpu.sem_alloc : memref<!tpu.dma_semaphore, #tpu.memory_space<semaphore_mem>>
      %dma_start3A_106 = arith.constant 0 : i32
      %dma_start3A_107 = tpu.memref_slice %arg3[%add3A_4, %dma_start3A_106] : memref<32x100352xf32, #tpu.memory_space<hbm>> -> memref<1x100352xf32, #tpu.memory_space<hbm>>
      %dma_start3A_108 = tpu.memref_squeeze %dma_start3A_107 : memref<1x100352xf32, #tpu.memory_space<hbm>> -> memref<100352xf32, #tpu.memory_space<hbm>>
      %dma_start3A_109 = arith.constant 0 : i32
      %dma_start3A_110 = tpu.memref_slice %arg3[%add3A_4, %dma_start3A_109] : memref<32x100352xf32, #tpu.memory_space<hbm>> -> memref<1x100352xf32, #tpu.memory_space<hbm>>
      %dma_start3A_111 = tpu.memref_squeeze %dma_start3A_110 : memref<1x100352xf32, #tpu.memory_space<hbm>> -> memref<100352xf32, #tpu.memory_space<hbm>>
      tpu.enqueue_dma source(%arg5 : memref<100352xf32, #tpu.memory_space<vmem>>) target(%dma_start3A_111 : memref<100352xf32, #tpu.memory_space<hbm>>) target_semaphore(%run_scoped3A : memref<!tpu.dma_semaphore, #tpu.memory_space<semaphore_mem>>)
      %dma_wait3A = arith.constant 0 : i32
      %dma_wait3A_112 = tpu.memref_slice %arg3[%add3A_4, %dma_wait3A] : memref<32x100352xf32, #tpu.memory_space<hbm>> -> memref<1x100352xf32, #tpu.memory_space<hbm>>
      %dma_wait3A_113 = tpu.memref_squeeze %dma_wait3A_112 : memref<1x100352xf32, #tpu.memory_space<hbm>> -> memref<100352xf32, #tpu.memory_space<hbm>>
      %dma_wait3A_114 = arith.constant 0 : i32
      %dma_wait3A_115 = tpu.memref_slice %arg3[%add3A_4, %dma_wait3A_114] : memref<32x100352xf32, #tpu.memory_space<hbm>> -> memref<1x100352xf32, #tpu.memory_space<hbm>>
      %dma_wait3A_116 = tpu.memref_squeeze %dma_wait3A_115 : memref<1x100352xf32, #tpu.memory_space<hbm>> -> memref<100352xf32, #tpu.memory_space<hbm>>
      tpu.wait_dma2 semaphore(%run_scoped3A : memref<!tpu.dma_semaphore, #tpu.memory_space<semaphore_mem>>) src(%arg5 : memref<100352xf32, #tpu.memory_space<vmem>>) dst(%dma_wait3A_116 : memref<100352xf32, #tpu.memory_space<hbm>>)
      tpu.yield
    }) : () -> ()
    return
  }
}

#map = affine_map<(d0, d1) -> (0, 0)>
module attributes {stable_mosaic.version = 14 : i64} {
  func.func @_sc_sort_kernel(%arg0: i32, %arg1: i32, %arg2: memref<32x100352xf32, #tpu.memory_space<hbm>>, %arg3: memref<32x100352xf32, #tpu.memory_space<hbm>>, %arg4: memref<32x100352xf32, #tpu.memory_space<hbm>>, %arg5: memref<100352xf32, #tpu.memory_space<vmem>>, %arg6: memref<6272xf32, #tpu.memory_space<vmem>>, %arg7: memref<6272xf32, #tpu.memory_space<vmem>>, %arg8: memref<2048xi32, #tpu.memory_space<vmem>>, %arg9: memref<2048xi32, #tpu.memory_space<vmem>>, %arg10: memref<!tpu.dma_semaphore, #tpu.memory_space<semaphore_mem>>) attributes {dimension_semantics = [#tpu.dimension_semantics<core_parallel>, #tpu.dimension_semantics<subcore_parallel>], iteration_bounds = array<i64: 2, 16>, scalar_prefetch = 0 : i64, scratch_operands = 6 : i64, tpu.core_type = #tpu.core_type<sc_vector_subcore>, window_params = [{transform_indices = #map}, {transform_indices = #map}, {transform_indices = #map}]} {
    %mul3A = arith.constant 16 : i32
    %mul3A_0 = arith.muli %arg0, %mul3A : i32
    %add3A = arith.addi %mul3A_0, %arg1 : i32
    %mul3A_1 = arith.constant 1 : i32
    %mul3A_2 = arith.muli %add3A, %mul3A_1 : i32
    %add3A_3 = arith.constant 0 : i32
    %add3A_4 = arith.addi %mul3A_2, %add3A_3 : i32
    %scan3A = arith.constant 0 : i32
    %scan3A_5 = arith.constant 0 : i32
    %scan3A_6 = arith.constant 128 : i32
    %scan3A_7 = arith.addi %scan3A_5, %scan3A_6 : i32
    %scan3A_8 = arith.constant 1 : i32
    %scan3A_9 = scf.for %scan3A_106 = %scan3A_5 to %scan3A_7 step %scan3A_8 iter_args(%scan3A_107 = %scan3A) -> (i32)  : i32 {
      %broadcast_in_dim3A_108 = arith.constant 0 : i32
      %broadcast_in_dim3A_109 = vector.broadcast %broadcast_in_dim3A_108 : i32 to vector<16xi32>
      %mul3A_110 = arith.constant 16 : i32
      %mul3A_111 = arith.muli %scan3A_106, %mul3A_110 : i32
      %swap3A = arith.index_cast %mul3A_111 : i32 to index
      %swap3A_112 = tpu.vector_load %arg9[%swap3A] {strides = array<i32>} : memref<2048xi32, #tpu.memory_space<vmem>>, vector<16xi32>,
      tpu.vector_store %arg9[%swap3A], %broadcast_in_dim3A_109 {strides = array<i32>} : memref<2048xi32, #tpu.memory_space<vmem>>, vector<16xi32>,
      %scan3A_113 = arith.constant 0 : i32
      scf.yield %scan3A_113 : i32
    }
    %scan3A_10 = arith.constant 128 : i32
    %dma_start3A = arith.constant 0 : i32
    %dma_start3A_11 = tpu.memref_slice %arg2[%add3A_4, %dma_start3A] : memref<32x100352xf32, #tpu.memory_space<hbm>> -> memref<1x6272xf32, #tpu.memory_space<hbm>>
    %dma_start3A_12 = tpu.memref_squeeze %dma_start3A_11 : memref<1x6272xf32, #tpu.memory_space<hbm>> -> memref<6272xf32, #tpu.memory_space<hbm>>
    %dma_start3A_13 = arith.constant 0 : i32
    %dma_start3A_14 = tpu.memref_slice %arg2[%add3A_4, %dma_start3A_13] : memref<32x100352xf32, #tpu.memory_space<hbm>> -> memref<1x6272xf32, #tpu.memory_space<hbm>>
    %dma_start3A_15 = tpu.memref_squeeze %dma_start3A_14 : memref<1x6272xf32, #tpu.memory_space<hbm>> -> memref<6272xf32, #tpu.memory_space<hbm>>
    tpu.enqueue_dma source(%dma_start3A_15 : memref<6272xf32, #tpu.memory_space<hbm>>) target(%arg6 : memref<6272xf32, #tpu.memory_space<vmem>>) target_semaphore(%arg10 : memref<!tpu.dma_semaphore, #tpu.memory_space<semaphore_mem>>)
    %scan3A_16 = arith.constant 0 : i32
    %scan3A_17 = arith.constant 0 : i32
    %scan3A_18 = arith.constant 8 : i32
    %scan3A_19 = arith.addi %scan3A_17, %scan3A_18 : i32
    %scan3A_20 = arith.constant 1 : i32
    %scan3A_21 = scf.for %scan3A_106 = %scan3A_17 to %scan3A_19 step %scan3A_20 iter_args(%scan3A_107 = %scan3A_16) -> (i32)  : i32 {
      %mul3A_108 = arith.constant 2 : i32
      %mul3A_109 = arith.muli %scan3A_106, %mul3A_108 : i32
      %mul3A_110 = arith.constant 6272 : i32
      %mul3A_111 = arith.muli %mul3A_109, %mul3A_110 : i32
      %dma_wait3A = tpu.memref_slice %arg2[%add3A_4, %mul3A_111] : memref<32x100352xf32, #tpu.memory_space<hbm>> -> memref<1x6272xf32, #tpu.memory_space<hbm>>
      %dma_wait3A_112 = tpu.memref_squeeze %dma_wait3A : memref<1x6272xf32, #tpu.memory_space<hbm>> -> memref<6272xf32, #tpu.memory_space<hbm>>
      %dma_wait3A_113 = tpu.memref_slice %arg2[%add3A_4, %mul3A_111] : memref<32x100352xf32, #tpu.memory_space<hbm>> -> memref<1x6272xf32, #tpu.memory_space<hbm>>
      %dma_wait3A_114 = tpu.memref_squeeze %dma_wait3A_113 : memref<1x6272xf32, #tpu.memory_space<hbm>> -> memref<6272xf32, #tpu.memory_space<hbm>>
      tpu.wait_dma2 semaphore(%arg10 : memref<!tpu.dma_semaphore, #tpu.memory_space<semaphore_mem>>) src(%dma_wait3A_114 : memref<6272xf32, #tpu.memory_space<hbm>>) dst(%arg6 : memref<6272xf32, #tpu.memory_space<vmem>>)
      %add3A_115 = arith.constant 1 : i32
      %add3A_116 = arith.addi %mul3A_109, %add3A_115 : i32
      %mul3A_117 = arith.constant 6272 : i32
      %mul3A_118 = arith.muli %add3A_116, %mul3A_117 : i32
      %dma_start3A_119 = tpu.memref_slice %arg2[%add3A_4, %mul3A_118] : memref<32x100352xf32, #tpu.memory_space<hbm>> -> memref<1x6272xf32, #tpu.memory_space<hbm>>
      %dma_start3A_120 = tpu.memref_squeeze %dma_start3A_119 : memref<1x6272xf32, #tpu.memory_space<hbm>> -> memref<6272xf32, #tpu.memory_space<hbm>>
      %dma_start3A_121 = tpu.memref_slice %arg2[%add3A_4, %mul3A_118] : memref<32x100352xf32, #tpu.memory_space<hbm>> -> memref<1x6272xf32, #tpu.memory_space<hbm>>
      %dma_start3A_122 = tpu.memref_squeeze %dma_start3A_121 : memref<1x6272xf32, #tpu.memory_space<hbm>> -> memref<6272xf32, #tpu.memory_space<hbm>>
      tpu.enqueue_dma source(%dma_start3A_122 : memref<6272xf32, #tpu.memory_space<hbm>>) target(%arg7 : memref<6272xf32, #tpu.memory_space<vmem>>) target_semaphore(%arg10 : memref<!tpu.dma_semaphore, #tpu.memory_space<semaphore_mem>>)
      %scan3A_123 = arith.constant 0 : i32
      %scan3A_124 = arith.constant 0 : i32
      %scan3A_125 = arith.constant 392 : i32
      %scan3A_126 = arith.addi %scan3A_124, %scan3A_125 : i32
      %scan3A_127 = arith.constant 1 : i32
      %scan3A_128 = scf.for %scan3A_150 = %scan3A_124 to %scan3A_126 step %scan3A_127 iter_args(%scan3A_151 = %scan3A_123) -> (i32)  : i32 {
        %mul3A_152 = arith.constant 16 : i32
        %mul3A_153 = arith.muli %scan3A_150, %mul3A_152 : i32
        %get3A = arith.index_cast %mul3A_153 : i32 to index
        %get3A_154 = tpu.vector_load %arg6[%get3A] {strides = array<i32>} : memref<6272xf32, #tpu.memory_space<vmem>>, vector<16xf32>,
        %bitcast3A = vector.bitcast %get3A_154 : vector<16xf32> to vector<16xi32>
        %and3A = arith.constant 2047 : i32
        %and3A_155 = vector.broadcast %and3A : i32 to vector<16xi32>
        %and3A_156 = arith.andi %bitcast3A, %and3A_155 : vector<16xi32>
        %broadcast_in_dim3A_157 = arith.constant true
        %broadcast_in_dim3A_158 = vector.broadcast %broadcast_in_dim3A_157 : i1 to vector<16xi1>
        %unique3A, %unique3A_159 = tpu.scan_count mask(%broadcast_in_dim3A_158 : vector<16xi1>) value(%and3A_156 : vector<16xi32>) : vector<16xi1>, vector<16xi32>
        tpu.vector_store_idx %arg9[%and3A_156], %unique3A_159 masked %unique3A {add = true} : memref<2048xi32, #tpu.memory_space<vmem>>[vector<16xi32>], vector<16xi32>, vector<16xi1>
        %scan3A_160 = arith.constant 0 : i32
        scf.yield %scan3A_160 : i32
      }
      %scan3A_129 = arith.constant 392 : i32
      %add3A_130 = arith.constant 1 : i32
      %add3A_131 = arith.addi %mul3A_109, %add3A_130 : i32
      %mul3A_132 = arith.constant 6272 : i32
      %mul3A_133 = arith.muli %add3A_131, %mul3A_132 : i32
      %dma_wait3A_134 = tpu.memref_slice %arg2[%add3A_4, %mul3A_133] : memref<32x100352xf32, #tpu.memory_space<hbm>> -> memref<1x6272xf32, #tpu.memory_space<hbm>>
      %dma_wait3A_135 = tpu.memref_squeeze %dma_wait3A_134 : memref<1x6272xf32, #tpu.memory_space<hbm>> -> memref<6272xf32, #tpu.memory_space<hbm>>
      %dma_wait3A_136 = tpu.memref_slice %arg2[%add3A_4, %mul3A_133] : memref<32x100352xf32, #tpu.memory_space<hbm>> -> memref<1x6272xf32, #tpu.memory_space<hbm>>
      %dma_wait3A_137 = tpu.memref_squeeze %dma_wait3A_136 : memref<1x6272xf32, #tpu.memory_space<hbm>> -> memref<6272xf32, #tpu.memory_space<hbm>>
      tpu.wait_dma2 semaphore(%arg10 : memref<!tpu.dma_semaphore, #tpu.memory_space<semaphore_mem>>) src(%dma_wait3A_137 : memref<6272xf32, #tpu.memory_space<hbm>>) dst(%arg7 : memref<6272xf32, #tpu.memory_space<vmem>>)
      %add3A_138 = arith.constant 2 : i32
      %add3A_139 = arith.addi %mul3A_109, %add3A_138 : i32
      %lt3A = arith.constant 16 : i32
      %lt3A_140 = arith.cmpi slt, %add3A_139, %lt3A : i32
      %convert_element_type3A = arith.extui %lt3A_140 : i1 to i32
      %cond3A = arith.constant 0 : i32
      %cond3A_141 = arith.cmpi ne, %convert_element_type3A, %cond3A : i32
      scf.if %cond3A_141 {
        %add3A_150 = arith.constant 2 : i32
        %add3A_151 = arith.addi %mul3A_109, %add3A_150 : i32
        %mul3A_152 = arith.constant 6272 : i32
        %mul3A_153 = arith.muli %add3A_151, %mul3A_152 : i32
        %dma_start3A_154 = tpu.memref_slice %arg2[%add3A_4, %mul3A_153] : memref<32x100352xf32, #tpu.memory_space<hbm>> -> memref<1x6272xf32, #tpu.memory_space<hbm>>
        %dma_start3A_155 = tpu.memref_squeeze %dma_start3A_154 : memref<1x6272xf32, #tpu.memory_space<hbm>> -> memref<6272xf32, #tpu.memory_space<hbm>>
        %dma_start3A_156 = tpu.memref_slice %arg2[%add3A_4, %mul3A_153] : memref<32x100352xf32, #tpu.memory_space<hbm>> -> memref<1x6272xf32, #tpu.memory_space<hbm>>
        %dma_start3A_157 = tpu.memref_squeeze %dma_start3A_156 : memref<1x6272xf32, #tpu.memory_space<hbm>> -> memref<6272xf32, #tpu.memory_space<hbm>>
        tpu.enqueue_dma source(%dma_start3A_157 : memref<6272xf32, #tpu.memory_space<hbm>>) target(%arg6 : memref<6272xf32, #tpu.memory_space<vmem>>) target_semaphore(%arg10 : memref<!tpu.dma_semaphore, #tpu.memory_space<semaphore_mem>>)
      } else {
      }
      %scan3A_142 = arith.constant 0 : i32
      %scan3A_143 = arith.constant 0 : i32
      %scan3A_144 = arith.constant 392 : i32
      %scan3A_145 = arith.addi %scan3A_143, %scan3A_144 : i32
      %scan3A_146 = arith.constant 1 : i32
      %scan3A_147 = scf.for %scan3A_150 = %scan3A_143 to %scan3A_145 step %scan3A_146 iter_args(%scan3A_151 = %scan3A_142) -> (i32)  : i32 {
        %mul3A_152 = arith.constant 16 : i32
        %mul3A_153 = arith.muli %scan3A_150, %mul3A_152 : i32
        %get3A = arith.index_cast %mul3A_153 : i32 to index
        %get3A_154 = tpu.vector_load %arg7[%get3A] {strides = array<i32>} : memref<6272xf32, #tpu.memory_space<vmem>>, vector<16xf32>,
        %bitcast3A = vector.bitcast %get3A_154 : vector<16xf32> to vector<16xi32>
        %and3A = arith.constant 2047 : i32
        %and3A_155 = vector.broadcast %and3A : i32 to vector<16xi32>
        %and3A_156 = arith.andi %bitcast3A, %and3A_155 : vector<16xi32>
        %broadcast_in_dim3A_157 = arith.constant true
        %broadcast_in_dim3A_158 = vector.broadcast %broadcast_in_dim3A_157 : i1 to vector<16xi1>
        %unique3A, %unique3A_159 = tpu.scan_count mask(%broadcast_in_dim3A_158 : vector<16xi1>) value(%and3A_156 : vector<16xi32>) : vector<16xi1>, vector<16xi32>
        tpu.vector_store_idx %arg9[%and3A_156], %unique3A_159 masked %unique3A {add = true} : memref<2048xi32, #tpu.memory_space<vmem>>[vector<16xi32>], vector<16xi32>, vector<16xi1>
        %scan3A_160 = arith.constant 0 : i32
        scf.yield %scan3A_160 : i32
      }
      %scan3A_148 = arith.constant 392 : i32
      %scan3A_149 = arith.constant 0 : i32
      scf.yield %scan3A_149 : i32
    }
    %scan3A_22 = arith.constant 8 : i32
    %broadcast_in_dim3A = arith.constant 0 : i32
    %broadcast_in_dim3A_23 = vector.broadcast %broadcast_in_dim3A : i32 to vector<16xi32>
    %scan3A_24 = arith.constant 0 : i32
    %scan3A_25 = arith.constant 128 : i32
    %scan3A_26 = arith.addi %scan3A_24, %scan3A_25 : i32
    %scan3A_27 = arith.constant 1 : i32
    %scan3A_28 = scf.for %scan3A_106 = %scan3A_24 to %scan3A_26 step %scan3A_27 iter_args(%scan3A_107 = %broadcast_in_dim3A_23) -> (vector<16xi32>)  : i32 {
      %mul3A_108 = arith.constant 16 : i32
      %mul3A_109 = arith.muli %scan3A_106, %mul3A_108 : i32
      %get3A = arith.index_cast %mul3A_109 : i32 to index
      %get3A_110 = tpu.vector_load %arg9[%get3A] {strides = array<i32>} : memref<2048xi32, #tpu.memory_space<vmem>>, vector<16xi32>,
      %broadcast_in_dim3A_111 = arith.constant true
      %broadcast_in_dim3A_112 = vector.broadcast %broadcast_in_dim3A_111 : i1 to vector<16xi1>
      %masked_cumsum3A = tpu.scan <sum>, %get3A_110 masked %broadcast_in_dim3A_112 : vector<16xi32>, vector<16xi1> -> vector<16xi32>
      %sub3A = arith.subi %masked_cumsum3A, %get3A_110 : vector<16xi32>
      %add3A_113 = arith.addi %sub3A, %scan3A_107 : vector<16xi32>
      %mul3A_114 = arith.constant 16 : i32
      %mul3A_115 = arith.muli %scan3A_106, %mul3A_114 : i32
      %swap3A = arith.index_cast %mul3A_115 : i32 to index
      %swap3A_116 = tpu.vector_load %arg8[%swap3A] {strides = array<i32>} : memref<2048xi32, #tpu.memory_space<vmem>>, vector<16xi32>,
      tpu.vector_store %arg8[%swap3A], %add3A_113 {strides = array<i32>} : memref<2048xi32, #tpu.memory_space<vmem>>, vector<16xi32>,
      %reduce_sum3A = arith.constant true
      %reduce_sum3A_117 = vector.broadcast %reduce_sum3A : i1 to vector<16xi1>
      %reduce_sum3A_118 = tpu.scan <sum>, %get3A_110 masked %reduce_sum3A_117 : vector<16xi32>, vector<16xi1> -> vector<16xi32>
      %reduce_sum3A_119 = vector.extract %reduce_sum3A_118[15] : i32 from vector<16xi32>
      %add3A_120 = vector.broadcast %reduce_sum3A_119 : i32 to vector<16xi32>
      %add3A_121 = arith.addi %scan3A_107, %add3A_120 : vector<16xi32>
      scf.yield %add3A_121 : vector<16xi32>
    }
    %scan3A_29 = arith.constant 128 : i32
    %scan3A_30 = arith.constant 0 : i32
    %scan3A_31 = arith.constant 0 : i32
    %scan3A_32 = arith.constant 128 : i32
    %scan3A_33 = arith.addi %scan3A_31, %scan3A_32 : i32
    %scan3A_34 = arith.constant 1 : i32
    %scan3A_35 = scf.for %scan3A_106 = %scan3A_31 to %scan3A_33 step %scan3A_34 iter_args(%scan3A_107 = %scan3A_30) -> (i32)  : i32 {
      %broadcast_in_dim3A_108 = arith.constant 0 : i32
      %broadcast_in_dim3A_109 = vector.broadcast %broadcast_in_dim3A_108 : i32 to vector<16xi32>
      %mul3A_110 = arith.constant 16 : i32
      %mul3A_111 = arith.muli %scan3A_106, %mul3A_110 : i32
      %swap3A = arith.index_cast %mul3A_111 : i32 to index
      %swap3A_112 = tpu.vector_load %arg9[%swap3A] {strides = array<i32>} : memref<2048xi32, #tpu.memory_space<vmem>>, vector<16xi32>,
      tpu.vector_store %arg9[%swap3A], %broadcast_in_dim3A_109 {strides = array<i32>} : memref<2048xi32, #tpu.memory_space<vmem>>, vector<16xi32>,
      %scan3A_113 = arith.constant 0 : i32
      scf.yield %scan3A_113 : i32
    }
    %scan3A_36 = arith.constant 128 : i32
    %dma_start3A_37 = arith.constant 0 : i32
    %dma_start3A_38 = tpu.memref_slice %arg2[%add3A_4, %dma_start3A_37] : memref<32x100352xf32, #tpu.memory_space<hbm>> -> memref<1x6272xf32, #tpu.memory_space<hbm>>
    %dma_start3A_39 = tpu.memref_squeeze %dma_start3A_38 : memref<1x6272xf32, #tpu.memory_space<hbm>> -> memref<6272xf32, #tpu.memory_space<hbm>>
    %dma_start3A_40 = arith.constant 0 : i32
    %dma_start3A_41 = tpu.memref_slice %arg2[%add3A_4, %dma_start3A_40] : memref<32x100352xf32, #tpu.memory_space<hbm>> -> memref<1x6272xf32, #tpu.memory_space<hbm>>
    %dma_start3A_42 = tpu.memref_squeeze %dma_start3A_41 : memref<1x6272xf32, #tpu.memory_space<hbm>> -> memref<6272xf32, #tpu.memory_space<hbm>>
    tpu.enqueue_dma source(%dma_start3A_42 : memref<6272xf32, #tpu.memory_space<hbm>>) target(%arg6 : memref<6272xf32, #tpu.memory_space<vmem>>) target_semaphore(%arg10 : memref<!tpu.dma_semaphore, #tpu.memory_space<semaphore_mem>>)
    %scan3A_43 = arith.constant 0 : i32
    %scan3A_44 = arith.constant 0 : i32
    %scan3A_45 = arith.constant 8 : i32
    %scan3A_46 = arith.addi %scan3A_44, %scan3A_45 : i32
    %scan3A_47 = arith.constant 1 : i32
    %scan3A_48 = scf.for %scan3A_106 = %scan3A_44 to %scan3A_46 step %scan3A_47 iter_args(%scan3A_107 = %scan3A_43) -> (i32)  : i32 {
      %mul3A_108 = arith.constant 2 : i32
      %mul3A_109 = arith.muli %scan3A_106, %mul3A_108 : i32
      %mul3A_110 = arith.constant 6272 : i32
      %mul3A_111 = arith.muli %mul3A_109, %mul3A_110 : i32
      %dma_wait3A = tpu.memref_slice %arg2[%add3A_4, %mul3A_111] : memref<32x100352xf32, #tpu.memory_space<hbm>> -> memref<1x6272xf32, #tpu.memory_space<hbm>>
      %dma_wait3A_112 = tpu.memref_squeeze %dma_wait3A : memref<1x6272xf32, #tpu.memory_space<hbm>> -> memref<6272xf32, #tpu.memory_space<hbm>>
      %dma_wait3A_113 = tpu.memref_slice %arg2[%add3A_4, %mul3A_111] : memref<32x100352xf32, #tpu.memory_space<hbm>> -> memref<1x6272xf32, #tpu.memory_space<hbm>>
      %dma_wait3A_114 = tpu.memref_squeeze %dma_wait3A_113 : memref<1x6272xf32, #tpu.memory_space<hbm>> -> memref<6272xf32, #tpu.memory_space<hbm>>
      tpu.wait_dma2 semaphore(%arg10 : memref<!tpu.dma_semaphore, #tpu.memory_space<semaphore_mem>>) src(%dma_wait3A_114 : memref<6272xf32, #tpu.memory_space<hbm>>) dst(%arg6 : memref<6272xf32, #tpu.memory_space<vmem>>)
      %add3A_115 = arith.constant 1 : i32
      %add3A_116 = arith.addi %mul3A_109, %add3A_115 : i32
      %mul3A_117 = arith.constant 6272 : i32
      %mul3A_118 = arith.muli %add3A_116, %mul3A_117 : i32
      %dma_start3A_119 = tpu.memref_slice %arg2[%add3A_4, %mul3A_118] : memref<32x100352xf32, #tpu.memory_space<hbm>> -> memref<1x6272xf32, #tpu.memory_space<hbm>>
      %dma_start3A_120 = tpu.memref_squeeze %dma_start3A_119 : memref<1x6272xf32, #tpu.memory_space<hbm>> -> memref<6272xf32, #tpu.memory_space<hbm>>
      %dma_start3A_121 = tpu.memref_slice %arg2[%add3A_4, %mul3A_118] : memref<32x100352xf32, #tpu.memory_space<hbm>> -> memref<1x6272xf32, #tpu.memory_space<hbm>>
      %dma_start3A_122 = tpu.memref_squeeze %dma_start3A_121 : memref<1x6272xf32, #tpu.memory_space<hbm>> -> memref<6272xf32, #tpu.memory_space<hbm>>
      tpu.enqueue_dma source(%dma_start3A_122 : memref<6272xf32, #tpu.memory_space<hbm>>) target(%arg7 : memref<6272xf32, #tpu.memory_space<vmem>>) target_semaphore(%arg10 : memref<!tpu.dma_semaphore, #tpu.memory_space<semaphore_mem>>)
      %scan3A_123 = arith.constant 0 : i32
      %scan3A_124 = arith.constant 0 : i32
      %scan3A_125 = arith.constant 392 : i32
      %scan3A_126 = arith.addi %scan3A_124, %scan3A_125 : i32
      %scan3A_127 = arith.constant 1 : i32
      %scan3A_128 = scf.for %scan3A_150 = %scan3A_124 to %scan3A_126 step %scan3A_127 iter_args(%scan3A_151 = %scan3A_123) -> (i32)  : i32 {
        %mul3A_152 = arith.constant 16 : i32
        %mul3A_153 = arith.muli %scan3A_150, %mul3A_152 : i32
        %get3A = arith.index_cast %mul3A_153 : i32 to index
        %get3A_154 = tpu.vector_load %arg6[%get3A] {strides = array<i32>} : memref<6272xf32, #tpu.memory_space<vmem>>, vector<16xf32>,
        %bitcast3A = vector.bitcast %get3A_154 : vector<16xf32> to vector<16xi32>
        %shift_right_arithmetic3A = arith.constant 0 : i32
        %shift_right_arithmetic3A_155 = vector.broadcast %shift_right_arithmetic3A : i32 to vector<16xi32>
        %shift_right_arithmetic3A_156 = arith.shrsi %bitcast3A, %shift_right_arithmetic3A_155 : vector<16xi32>
        %and3A = arith.constant 2047 : i32
        %and3A_157 = vector.broadcast %and3A : i32 to vector<16xi32>
        %and3A_158 = arith.andi %shift_right_arithmetic3A_156, %and3A_157 : vector<16xi32>
        %broadcast_in_dim3A_159 = arith.constant true
        %broadcast_in_dim3A_160 = vector.broadcast %broadcast_in_dim3A_159 : i1 to vector<16xi1>
        %unique3A, %unique3A_161 = tpu.scan_count mask(%broadcast_in_dim3A_160 : vector<16xi1>) value(%and3A_158 : vector<16xi32>) : vector<16xi1>, vector<16xi32>
        %gather3A = tpu.vector_load_idx %arg8[%and3A_158] : memref<2048xi32, #tpu.memory_space<vmem>>[vector<16xi32>], vector<16xi32>,
        %add3A_162 = arith.addi %gather3A, %unique3A_161 : vector<16xi32>
        %sub3A = arith.constant 1 : i32
        %sub3A_163 = vector.broadcast %sub3A : i32 to vector<16xi32>
        %sub3A_164 = arith.subi %add3A_162, %sub3A_163 : vector<16xi32>
        tpu.vector_store_idx %arg5[%sub3A_164], %get3A_154 : memref<100352xf32, #tpu.memory_space<vmem>>[vector<16xi32>], vector<16xf32>,
        tpu.vector_store_idx %arg8[%and3A_158], %unique3A_161 masked %unique3A {add = true} : memref<2048xi32, #tpu.memory_space<vmem>>[vector<16xi32>], vector<16xi32>, vector<16xi1>
        %shift_right_arithmetic3A_165 = arith.constant 11 : i32
        %shift_right_arithmetic3A_166 = vector.broadcast %shift_right_arithmetic3A_165 : i32 to vector<16xi32>
        %shift_right_arithmetic3A_167 = arith.shrsi %bitcast3A, %shift_right_arithmetic3A_166 : vector<16xi32>
        %and3A_168 = arith.constant 2047 : i32
        %and3A_169 = vector.broadcast %and3A_168 : i32 to vector<16xi32>
        %and3A_170 = arith.andi %shift_right_arithmetic3A_167, %and3A_169 : vector<16xi32>
        %broadcast_in_dim3A_171 = arith.constant true
        %broadcast_in_dim3A_172 = vector.broadcast %broadcast_in_dim3A_171 : i1 to vector<16xi1>
        %unique3A_173, %unique3A_174 = tpu.scan_count mask(%broadcast_in_dim3A_172 : vector<16xi1>) value(%and3A_170 : vector<16xi32>) : vector<16xi1>, vector<16xi32>
        tpu.vector_store_idx %arg9[%and3A_170], %unique3A_174 masked %unique3A_173 {add = true} : memref<2048xi32, #tpu.memory_space<vmem>>[vector<16xi32>], vector<16xi32>, vector<16xi1>
        %scan3A_175 = arith.constant 0 : i32
        scf.yield %scan3A_175 : i32
      }
      %scan3A_129 = arith.constant 392 : i32
      %add3A_130 = arith.constant 1 : i32
      %add3A_131 = arith.addi %mul3A_109, %add3A_130 : i32
      %mul3A_132 = arith.constant 6272 : i32
      %mul3A_133 = arith.muli %add3A_131, %mul3A_132 : i32
      %dma_wait3A_134 = tpu.memref_slice %arg2[%add3A_4, %mul3A_133] : memref<32x100352xf32, #tpu.memory_space<hbm>> -> memref<1x6272xf32, #tpu.memory_space<hbm>>
      %dma_wait3A_135 = tpu.memref_squeeze %dma_wait3A_134 : memref<1x6272xf32, #tpu.memory_space<hbm>> -> memref<6272xf32, #tpu.memory_space<hbm>>
      %dma_wait3A_136 = tpu.memref_slice %arg2[%add3A_4, %mul3A_133] : memref<32x100352xf32, #tpu.memory_space<hbm>> -> memref<1x6272xf32, #tpu.memory_space<hbm>>
      %dma_wait3A_137 = tpu.memref_squeeze %dma_wait3A_136 : memref<1x6272xf32, #tpu.memory_space<hbm>> -> memref<6272xf32, #tpu.memory_space<hbm>>
      tpu.wait_dma2 semaphore(%arg10 : memref<!tpu.dma_semaphore, #tpu.memory_space<semaphore_mem>>) src(%dma_wait3A_137 : memref<6272xf32, #tpu.memory_space<hbm>>) dst(%arg7 : memref<6272xf32, #tpu.memory_space<vmem>>)
      %add3A_138 = arith.constant 2 : i32
      %add3A_139 = arith.addi %mul3A_109, %add3A_138 : i32
      %lt3A = arith.constant 16 : i32
      %lt3A_140 = arith.cmpi slt, %add3A_139, %lt3A : i32
      %convert_element_type3A = arith.extui %lt3A_140 : i1 to i32
      %cond3A = arith.constant 0 : i32
      %cond3A_141 = arith.cmpi ne, %convert_element_type3A, %cond3A : i32
      scf.if %cond3A_141 {
        %add3A_150 = arith.constant 2 : i32
        %add3A_151 = arith.addi %mul3A_109, %add3A_150 : i32
        %mul3A_152 = arith.constant 6272 : i32
        %mul3A_153 = arith.muli %add3A_151, %mul3A_152 : i32
        %dma_start3A_154 = tpu.memref_slice %arg2[%add3A_4, %mul3A_153] : memref<32x100352xf32, #tpu.memory_space<hbm>> -> memref<1x6272xf32, #tpu.memory_space<hbm>>
        %dma_start3A_155 = tpu.memref_squeeze %dma_start3A_154 : memref<1x6272xf32, #tpu.memory_space<hbm>> -> memref<6272xf32, #tpu.memory_space<hbm>>
        %dma_start3A_156 = tpu.memref_slice %arg2[%add3A_4, %mul3A_153] : memref<32x100352xf32, #tpu.memory_space<hbm>> -> memref<1x6272xf32, #tpu.memory_space<hbm>>
        %dma_start3A_157 = tpu.memref_squeeze %dma_start3A_156 : memref<1x6272xf32, #tpu.memory_space<hbm>> -> memref<6272xf32, #tpu.memory_space<hbm>>
        tpu.enqueue_dma source(%dma_start3A_157 : memref<6272xf32, #tpu.memory_space<hbm>>) target(%arg6 : memref<6272xf32, #tpu.memory_space<vmem>>) target_semaphore(%arg10 : memref<!tpu.dma_semaphore, #tpu.memory_space<semaphore_mem>>)
      } else {
      }
      %scan3A_142 = arith.constant 0 : i32
      %scan3A_143 = arith.constant 0 : i32
      %scan3A_144 = arith.constant 392 : i32
      %scan3A_145 = arith.addi %scan3A_143, %scan3A_144 : i32
      %scan3A_146 = arith.constant 1 : i32
      %scan3A_147 = scf.for %scan3A_150 = %scan3A_143 to %scan3A_145 step %scan3A_146 iter_args(%scan3A_151 = %scan3A_142) -> (i32)  : i32 {
        %mul3A_152 = arith.constant 16 : i32
        %mul3A_153 = arith.muli %scan3A_150, %mul3A_152 : i32
        %get3A = arith.index_cast %mul3A_153 : i32 to index
        %get3A_154 = tpu.vector_load %arg7[%get3A] {strides = array<i32>} : memref<6272xf32, #tpu.memory_space<vmem>>, vector<16xf32>,
        %bitcast3A = vector.bitcast %get3A_154 : vector<16xf32> to vector<16xi32>
        %shift_right_arithmetic3A = arith.constant 0 : i32
        %shift_right_arithmetic3A_155 = vector.broadcast %shift_right_arithmetic3A : i32 to vector<16xi32>
        %shift_right_arithmetic3A_156 = arith.shrsi %bitcast3A, %shift_right_arithmetic3A_155 : vector<16xi32>
        %and3A = arith.constant 2047 : i32
        %and3A_157 = vector.broadcast %and3A : i32 to vector<16xi32>
        %and3A_158 = arith.andi %shift_right_arithmetic3A_156, %and3A_157 : vector<16xi32>
        %broadcast_in_dim3A_159 = arith.constant true
        %broadcast_in_dim3A_160 = vector.broadcast %broadcast_in_dim3A_159 : i1 to vector<16xi1>
        %unique3A, %unique3A_161 = tpu.scan_count mask(%broadcast_in_dim3A_160 : vector<16xi1>) value(%and3A_158 : vector<16xi32>) : vector<16xi1>, vector<16xi32>
        %gather3A = tpu.vector_load_idx %arg8[%and3A_158] : memref<2048xi32, #tpu.memory_space<vmem>>[vector<16xi32>], vector<16xi32>,
        %add3A_162 = arith.addi %gather3A, %unique3A_161 : vector<16xi32>
        %sub3A = arith.constant 1 : i32
        %sub3A_163 = vector.broadcast %sub3A : i32 to vector<16xi32>
        %sub3A_164 = arith.subi %add3A_162, %sub3A_163 : vector<16xi32>
        tpu.vector_store_idx %arg5[%sub3A_164], %get3A_154 : memref<100352xf32, #tpu.memory_space<vmem>>[vector<16xi32>], vector<16xf32>,
        tpu.vector_store_idx %arg8[%and3A_158], %unique3A_161 masked %unique3A {add = true} : memref<2048xi32, #tpu.memory_space<vmem>>[vector<16xi32>], vector<16xi32>, vector<16xi1>
        %shift_right_arithmetic3A_165 = arith.constant 11 : i32
        %shift_right_arithmetic3A_166 = vector.broadcast %shift_right_arithmetic3A_165 : i32 to vector<16xi32>
        %shift_right_arithmetic3A_167 = arith.shrsi %bitcast3A, %shift_right_arithmetic3A_166 : vector<16xi32>
        %and3A_168 = arith.constant 2047 : i32
        %and3A_169 = vector.broadcast %and3A_168 : i32 to vector<16xi32>
        %and3A_170 = arith.andi %shift_right_arithmetic3A_167, %and3A_169 : vector<16xi32>
        %broadcast_in_dim3A_171 = arith.constant true
        %broadcast_in_dim3A_172 = vector.broadcast %broadcast_in_dim3A_171 : i1 to vector<16xi1>
        %unique3A_173, %unique3A_174 = tpu.scan_count mask(%broadcast_in_dim3A_172 : vector<16xi1>) value(%and3A_170 : vector<16xi32>) : vector<16xi1>, vector<16xi32>
        tpu.vector_store_idx %arg9[%and3A_170], %unique3A_174 masked %unique3A_173 {add = true} : memref<2048xi32, #tpu.memory_space<vmem>>[vector<16xi32>], vector<16xi32>, vector<16xi1>
        %scan3A_175 = arith.constant 0 : i32
        scf.yield %scan3A_175 : i32
      }
      %scan3A_148 = arith.constant 392 : i32
      %scan3A_149 = arith.constant 0 : i32
      scf.yield %scan3A_149 : i32
    }
    %scan3A_49 = arith.constant 8 : i32
    "tpu.region"() ({
      %run_scoped3A = tpu.sem_alloc : memref<!tpu.dma_semaphore, #tpu.memory_space<semaphore_mem>>
      %dma_start3A_106 = arith.constant 0 : i32
      %dma_start3A_107 = tpu.memref_slice %arg4[%add3A_4, %dma_start3A_106] : memref<32x100352xf32, #tpu.memory_space<hbm>> -> memref<1x100352xf32, #tpu.memory_space<hbm>>
      %dma_start3A_108 = tpu.memref_squeeze %dma_start3A_107 : memref<1x100352xf32, #tpu.memory_space<hbm>> -> memref<100352xf32, #tpu.memory_space<hbm>>
      %dma_start3A_109 = arith.constant 0 : i32
      %dma_start3A_110 = tpu.memref_slice %arg4[%add3A_4, %dma_start3A_109] : memref<32x100352xf32, #tpu.memory_space<hbm>> -> memref<1x100352xf32, #tpu.memory_space<hbm>>
      %dma_start3A_111 = tpu.memref_squeeze %dma_start3A_110 : memref<1x100352xf32, #tpu.memory_space<hbm>> -> memref<100352xf32, #tpu.memory_space<hbm>>
      tpu.enqueue_dma source(%arg5 : memref<100352xf32, #tpu.memory_space<vmem>>) target(%dma_start3A_111 : memref<100352xf32, #tpu.memory_space<hbm>>) target_semaphore(%run_scoped3A : memref<!tpu.dma_semaphore, #tpu.memory_space<semaphore_mem>>)
      %dma_wait3A = arith.constant 0 : i32
      %dma_wait3A_112 = tpu.memref_slice %arg4[%add3A_4, %dma_wait3A] : memref<32x100352xf32, #tpu.memory_space<hbm>> -> memref<1x100352xf32, #tpu.memory_space<hbm>>
      %dma_wait3A_113 = tpu.memref_squeeze %dma_wait3A_112 : memref<1x100352xf32, #tpu.memory_space<hbm>> -> memref<100352xf32, #tpu.memory_space<hbm>>
      %dma_wait3A_114 = arith.constant 0 : i32
      %dma_wait3A_115 = tpu.memref_slice %arg4[%add3A_4, %dma_wait3A_114] : memref<32x100352xf32, #tpu.memory_space<hbm>> -> memref<1x100352xf32, #tpu.memory_space<hbm>>
      %dma_wait3A_116 = tpu.memref_squeeze %dma_wait3A_115 : memref<1x100352xf32, #tpu.memory_space<hbm>> -> memref<100352xf32, #tpu.memory_space<hbm>>
      tpu.wait_dma2 semaphore(%run_scoped3A : memref<!tpu.dma_semaphore, #tpu.memory_space<semaphore_mem>>) src(%arg5 : memref<100352xf32, #tpu.memory_space<vmem>>) dst(%dma_wait3A_116 : memref<100352xf32, #tpu.memory_space<hbm>>)
      tpu.yield
    }) : () -> ()
    %broadcast_in_dim3A_50 = arith.constant 0 : i32
    %broadcast_in_dim3A_51 = vector.broadcast %broadcast_in_dim3A_50 : i32 to vector<16xi32>
    %scan3A_52 = arith.constant 0 : i32
    %scan3A_53 = arith.constant 128 : i32
    %scan3A_54 = arith.addi %scan3A_52, %scan3A_53 : i32
    %scan3A_55 = arith.constant 1 : i32
    %scan3A_56 = scf.for %scan3A_106 = %scan3A_52 to %scan3A_54 step %scan3A_55 iter_args(%scan3A_107 = %broadcast_in_dim3A_51) -> (vector<16xi32>)  : i32 {
      %mul3A_108 = arith.constant 16 : i32
      %mul3A_109 = arith.muli %scan3A_106, %mul3A_108 : i32
      %get3A = arith.index_cast %mul3A_109 : i32 to index
      %get3A_110 = tpu.vector_load %arg9[%get3A] {strides = array<i32>} : memref<2048xi32, #tpu.memory_space<vmem>>, vector<16xi32>,
      %broadcast_in_dim3A_111 = arith.constant true
      %broadcast_in_dim3A_112 = vector.broadcast %broadcast_in_dim3A_111 : i1 to vector<16xi1>
      %masked_cumsum3A = tpu.scan <sum>, %get3A_110 masked %broadcast_in_dim3A_112 : vector<16xi32>, vector<16xi1> -> vector<16xi32>
      %sub3A = arith.subi %masked_cumsum3A, %get3A_110 : vector<16xi32>
      %add3A_113 = arith.addi %sub3A, %scan3A_107 : vector<16xi32>
      %mul3A_114 = arith.constant 16 : i32
      %mul3A_115 = arith.muli %scan3A_106, %mul3A_114 : i32
      %swap3A = arith.index_cast %mul3A_115 : i32 to index
      %swap3A_116 = tpu.vector_load %arg8[%swap3A] {strides = array<i32>} : memref<2048xi32, #tpu.memory_space<vmem>>, vector<16xi32>,
      tpu.vector_store %arg8[%swap3A], %add3A_113 {strides = array<i32>} : memref<2048xi32, #tpu.memory_space<vmem>>, vector<16xi32>,
      %reduce_sum3A = arith.constant true
      %reduce_sum3A_117 = vector.broadcast %reduce_sum3A : i1 to vector<16xi1>
      %reduce_sum3A_118 = tpu.scan <sum>, %get3A_110 masked %reduce_sum3A_117 : vector<16xi32>, vector<16xi1> -> vector<16xi32>
      %reduce_sum3A_119 = vector.extract %reduce_sum3A_118[15] : i32 from vector<16xi32>
      %add3A_120 = vector.broadcast %reduce_sum3A_119 : i32 to vector<16xi32>
      %add3A_121 = arith.addi %scan3A_107, %add3A_120 : vector<16xi32>
      scf.yield %add3A_121 : vector<16xi32>
    }
    %scan3A_57 = arith.constant 128 : i32
    %scan3A_58 = arith.constant 0 : i32
    %scan3A_59 = arith.constant 0 : i32
    %scan3A_60 = arith.constant 128 : i32
    %scan3A_61 = arith.addi %scan3A_59, %scan3A_60 : i32
    %scan3A_62 = arith.constant 1 : i32
    %scan3A_63 = scf.for %scan3A_106 = %scan3A_59 to %scan3A_61 step %scan3A_62 iter_args(%scan3A_107 = %scan3A_58) -> (i32)  : i32 {
      %broadcast_in_dim3A_108 = arith.constant 0 : i32
      %broadcast_in_dim3A_109 = vector.broadcast %broadcast_in_dim3A_108 : i32 to vector<16xi32>
      %mul3A_110 = arith.constant 16 : i32
      %mul3A_111 = arith.muli %scan3A_106, %mul3A_110 : i32
      %swap3A = arith.index_cast %mul3A_111 : i32 to index
      %swap3A_112 = tpu.vector_load %arg9[%swap3A] {strides = array<i32>} : memref<2048xi32, #tpu.memory_space<vmem>>, vector<16xi32>,
      tpu.vector_store %arg9[%swap3A], %broadcast_in_dim3A_109 {strides = array<i32>} : memref<2048xi32, #tpu.memory_space<vmem>>, vector<16xi32>,
      %scan3A_113 = arith.constant 0 : i32
      scf.yield %scan3A_113 : i32
    }
    %scan3A_64 = arith.constant 128 : i32
    %dma_start3A_65 = arith.constant 0 : i32
    %dma_start3A_66 = tpu.memref_slice %arg4[%add3A_4, %dma_start3A_65] : memref<32x100352xf32, #tpu.memory_space<hbm>> -> memref<1x6272xf32, #tpu.memory_space<hbm>>
    %dma_start3A_67 = tpu.memref_squeeze %dma_start3A_66 : memref<1x6272xf32, #tpu.memory_space<hbm>> -> memref<6272xf32, #tpu.memory_space<hbm>>
    %dma_start3A_68 = arith.constant 0 : i32
    %dma_start3A_69 = tpu.memref_slice %arg4[%add3A_4, %dma_start3A_68] : memref<32x100352xf32, #tpu.memory_space<hbm>> -> memref<1x6272xf32, #tpu.memory_space<hbm>>
    %dma_start3A_70 = tpu.memref_squeeze %dma_start3A_69 : memref<1x6272xf32, #tpu.memory_space<hbm>> -> memref<6272xf32, #tpu.memory_space<hbm>>
    tpu.enqueue_dma source(%dma_start3A_70 : memref<6272xf32, #tpu.memory_space<hbm>>) target(%arg6 : memref<6272xf32, #tpu.memory_space<vmem>>) target_semaphore(%arg10 : memref<!tpu.dma_semaphore, #tpu.memory_space<semaphore_mem>>)
    %scan3A_71 = arith.constant 0 : i32
    %scan3A_72 = arith.constant 0 : i32
    %scan3A_73 = arith.constant 8 : i32
    %scan3A_74 = arith.addi %scan3A_72, %scan3A_73 : i32
    %scan3A_75 = arith.constant 1 : i32
    %scan3A_76 = scf.for %scan3A_106 = %scan3A_72 to %scan3A_74 step %scan3A_75 iter_args(%scan3A_107 = %scan3A_71) -> (i32)  : i32 {
      %mul3A_108 = arith.constant 2 : i32
      %mul3A_109 = arith.muli %scan3A_106, %mul3A_108 : i32
      %mul3A_110 = arith.constant 6272 : i32
      %mul3A_111 = arith.muli %mul3A_109, %mul3A_110 : i32
      %dma_wait3A = tpu.memref_slice %arg4[%add3A_4, %mul3A_111] : memref<32x100352xf32, #tpu.memory_space<hbm>> -> memref<1x6272xf32, #tpu.memory_space<hbm>>
      %dma_wait3A_112 = tpu.memref_squeeze %dma_wait3A : memref<1x6272xf32, #tpu.memory_space<hbm>> -> memref<6272xf32, #tpu.memory_space<hbm>>
      %dma_wait3A_113 = tpu.memref_slice %arg4[%add3A_4, %mul3A_111] : memref<32x100352xf32, #tpu.memory_space<hbm>> -> memref<1x6272xf32, #tpu.memory_space<hbm>>
      %dma_wait3A_114 = tpu.memref_squeeze %dma_wait3A_113 : memref<1x6272xf32, #tpu.memory_space<hbm>> -> memref<6272xf32, #tpu.memory_space<hbm>>
      tpu.wait_dma2 semaphore(%arg10 : memref<!tpu.dma_semaphore, #tpu.memory_space<semaphore_mem>>) src(%dma_wait3A_114 : memref<6272xf32, #tpu.memory_space<hbm>>) dst(%arg6 : memref<6272xf32, #tpu.memory_space<vmem>>)
      %add3A_115 = arith.constant 1 : i32
      %add3A_116 = arith.addi %mul3A_109, %add3A_115 : i32
      %mul3A_117 = arith.constant 6272 : i32
      %mul3A_118 = arith.muli %add3A_116, %mul3A_117 : i32
      %dma_start3A_119 = tpu.memref_slice %arg4[%add3A_4, %mul3A_118] : memref<32x100352xf32, #tpu.memory_space<hbm>> -> memref<1x6272xf32, #tpu.memory_space<hbm>>
      %dma_start3A_120 = tpu.memref_squeeze %dma_start3A_119 : memref<1x6272xf32, #tpu.memory_space<hbm>> -> memref<6272xf32, #tpu.memory_space<hbm>>
      %dma_start3A_121 = tpu.memref_slice %arg4[%add3A_4, %mul3A_118] : memref<32x100352xf32, #tpu.memory_space<hbm>> -> memref<1x6272xf32, #tpu.memory_space<hbm>>
      %dma_start3A_122 = tpu.memref_squeeze %dma_start3A_121 : memref<1x6272xf32, #tpu.memory_space<hbm>> -> memref<6272xf32, #tpu.memory_space<hbm>>
      tpu.enqueue_dma source(%dma_start3A_122 : memref<6272xf32, #tpu.memory_space<hbm>>) target(%arg7 : memref<6272xf32, #tpu.memory_space<vmem>>) target_semaphore(%arg10 : memref<!tpu.dma_semaphore, #tpu.memory_space<semaphore_mem>>)
      %scan3A_123 = arith.constant 0 : i32
      %scan3A_124 = arith.constant 0 : i32
      %scan3A_125 = arith.constant 392 : i32
      %scan3A_126 = arith.addi %scan3A_124, %scan3A_125 : i32
      %scan3A_127 = arith.constant 1 : i32
      %scan3A_128 = scf.for %scan3A_150 = %scan3A_124 to %scan3A_126 step %scan3A_127 iter_args(%scan3A_151 = %scan3A_123) -> (i32)  : i32 {
        %mul3A_152 = arith.constant 16 : i32
        %mul3A_153 = arith.muli %scan3A_150, %mul3A_152 : i32
        %get3A = arith.index_cast %mul3A_153 : i32 to index
        %get3A_154 = tpu.vector_load %arg6[%get3A] {strides = array<i32>} : memref<6272xf32, #tpu.memory_space<vmem>>, vector<16xf32>,
        %bitcast3A = vector.bitcast %get3A_154 : vector<16xf32> to vector<16xi32>
        %shift_right_arithmetic3A = arith.constant 11 : i32
        %shift_right_arithmetic3A_155 = vector.broadcast %shift_right_arithmetic3A : i32 to vector<16xi32>
        %shift_right_arithmetic3A_156 = arith.shrsi %bitcast3A, %shift_right_arithmetic3A_155 : vector<16xi32>
        %and3A = arith.constant 2047 : i32
        %and3A_157 = vector.broadcast %and3A : i32 to vector<16xi32>
        %and3A_158 = arith.andi %shift_right_arithmetic3A_156, %and3A_157 : vector<16xi32>
        %broadcast_in_dim3A_159 = arith.constant true
        %broadcast_in_dim3A_160 = vector.broadcast %broadcast_in_dim3A_159 : i1 to vector<16xi1>
        %unique3A, %unique3A_161 = tpu.scan_count mask(%broadcast_in_dim3A_160 : vector<16xi1>) value(%and3A_158 : vector<16xi32>) : vector<16xi1>, vector<16xi32>
        %gather3A = tpu.vector_load_idx %arg8[%and3A_158] : memref<2048xi32, #tpu.memory_space<vmem>>[vector<16xi32>], vector<16xi32>,
        %add3A_162 = arith.addi %gather3A, %unique3A_161 : vector<16xi32>
        %sub3A = arith.constant 1 : i32
        %sub3A_163 = vector.broadcast %sub3A : i32 to vector<16xi32>
        %sub3A_164 = arith.subi %add3A_162, %sub3A_163 : vector<16xi32>
        tpu.vector_store_idx %arg5[%sub3A_164], %get3A_154 : memref<100352xf32, #tpu.memory_space<vmem>>[vector<16xi32>], vector<16xf32>,
        tpu.vector_store_idx %arg8[%and3A_158], %unique3A_161 masked %unique3A {add = true} : memref<2048xi32, #tpu.memory_space<vmem>>[vector<16xi32>], vector<16xi32>, vector<16xi1>
        %shift_right_arithmetic3A_165 = arith.constant 22 : i32
        %shift_right_arithmetic3A_166 = vector.broadcast %shift_right_arithmetic3A_165 : i32 to vector<16xi32>
        %shift_right_arithmetic3A_167 = arith.shrsi %bitcast3A, %shift_right_arithmetic3A_166 : vector<16xi32>
        %and3A_168 = arith.constant 2047 : i32
        %and3A_169 = vector.broadcast %and3A_168 : i32 to vector<16xi32>
        %and3A_170 = arith.andi %shift_right_arithmetic3A_167, %and3A_169 : vector<16xi32>
        %broadcast_in_dim3A_171 = arith.constant true
        %broadcast_in_dim3A_172 = vector.broadcast %broadcast_in_dim3A_171 : i1 to vector<16xi1>
        %unique3A_173, %unique3A_174 = tpu.scan_count mask(%broadcast_in_dim3A_172 : vector<16xi1>) value(%and3A_170 : vector<16xi32>) : vector<16xi1>, vector<16xi32>
        tpu.vector_store_idx %arg9[%and3A_170], %unique3A_174 masked %unique3A_173 {add = true} : memref<2048xi32, #tpu.memory_space<vmem>>[vector<16xi32>], vector<16xi32>, vector<16xi1>
        %scan3A_175 = arith.constant 0 : i32
        scf.yield %scan3A_175 : i32
      }
      %scan3A_129 = arith.constant 392 : i32
      %add3A_130 = arith.constant 1 : i32
      %add3A_131 = arith.addi %mul3A_109, %add3A_130 : i32
      %mul3A_132 = arith.constant 6272 : i32
      %mul3A_133 = arith.muli %add3A_131, %mul3A_132 : i32
      %dma_wait3A_134 = tpu.memref_slice %arg4[%add3A_4, %mul3A_133] : memref<32x100352xf32, #tpu.memory_space<hbm>> -> memref<1x6272xf32, #tpu.memory_space<hbm>>
      %dma_wait3A_135 = tpu.memref_squeeze %dma_wait3A_134 : memref<1x6272xf32, #tpu.memory_space<hbm>> -> memref<6272xf32, #tpu.memory_space<hbm>>
      %dma_wait3A_136 = tpu.memref_slice %arg4[%add3A_4, %mul3A_133] : memref<32x100352xf32, #tpu.memory_space<hbm>> -> memref<1x6272xf32, #tpu.memory_space<hbm>>
      %dma_wait3A_137 = tpu.memref_squeeze %dma_wait3A_136 : memref<1x6272xf32, #tpu.memory_space<hbm>> -> memref<6272xf32, #tpu.memory_space<hbm>>
      tpu.wait_dma2 semaphore(%arg10 : memref<!tpu.dma_semaphore, #tpu.memory_space<semaphore_mem>>) src(%dma_wait3A_137 : memref<6272xf32, #tpu.memory_space<hbm>>) dst(%arg7 : memref<6272xf32, #tpu.memory_space<vmem>>)
      %add3A_138 = arith.constant 2 : i32
      %add3A_139 = arith.addi %mul3A_109, %add3A_138 : i32
      %lt3A = arith.constant 16 : i32
      %lt3A_140 = arith.cmpi slt, %add3A_139, %lt3A : i32
      %convert_element_type3A = arith.extui %lt3A_140 : i1 to i32
      %cond3A = arith.constant 0 : i32
      %cond3A_141 = arith.cmpi ne, %convert_element_type3A, %cond3A : i32
      scf.if %cond3A_141 {
        %add3A_150 = arith.constant 2 : i32
        %add3A_151 = arith.addi %mul3A_109, %add3A_150 : i32
        %mul3A_152 = arith.constant 6272 : i32
        %mul3A_153 = arith.muli %add3A_151, %mul3A_152 : i32
        %dma_start3A_154 = tpu.memref_slice %arg4[%add3A_4, %mul3A_153] : memref<32x100352xf32, #tpu.memory_space<hbm>> -> memref<1x6272xf32, #tpu.memory_space<hbm>>
        %dma_start3A_155 = tpu.memref_squeeze %dma_start3A_154 : memref<1x6272xf32, #tpu.memory_space<hbm>> -> memref<6272xf32, #tpu.memory_space<hbm>>
        %dma_start3A_156 = tpu.memref_slice %arg4[%add3A_4, %mul3A_153] : memref<32x100352xf32, #tpu.memory_space<hbm>> -> memref<1x6272xf32, #tpu.memory_space<hbm>>
        %dma_start3A_157 = tpu.memref_squeeze %dma_start3A_156 : memref<1x6272xf32, #tpu.memory_space<hbm>> -> memref<6272xf32, #tpu.memory_space<hbm>>
        tpu.enqueue_dma source(%dma_start3A_157 : memref<6272xf32, #tpu.memory_space<hbm>>) target(%arg6 : memref<6272xf32, #tpu.memory_space<vmem>>) target_semaphore(%arg10 : memref<!tpu.dma_semaphore, #tpu.memory_space<semaphore_mem>>)
      } else {
      }
      %scan3A_142 = arith.constant 0 : i32
      %scan3A_143 = arith.constant 0 : i32
      %scan3A_144 = arith.constant 392 : i32
      %scan3A_145 = arith.addi %scan3A_143, %scan3A_144 : i32
      %scan3A_146 = arith.constant 1 : i32
      %scan3A_147 = scf.for %scan3A_150 = %scan3A_143 to %scan3A_145 step %scan3A_146 iter_args(%scan3A_151 = %scan3A_142) -> (i32)  : i32 {
        %mul3A_152 = arith.constant 16 : i32
        %mul3A_153 = arith.muli %scan3A_150, %mul3A_152 : i32
        %get3A = arith.index_cast %mul3A_153 : i32 to index
        %get3A_154 = tpu.vector_load %arg7[%get3A] {strides = array<i32>} : memref<6272xf32, #tpu.memory_space<vmem>>, vector<16xf32>,
        %bitcast3A = vector.bitcast %get3A_154 : vector<16xf32> to vector<16xi32>
        %shift_right_arithmetic3A = arith.constant 11 : i32
        %shift_right_arithmetic3A_155 = vector.broadcast %shift_right_arithmetic3A : i32 to vector<16xi32>
        %shift_right_arithmetic3A_156 = arith.shrsi %bitcast3A, %shift_right_arithmetic3A_155 : vector<16xi32>
        %and3A = arith.constant 2047 : i32
        %and3A_157 = vector.broadcast %and3A : i32 to vector<16xi32>
        %and3A_158 = arith.andi %shift_right_arithmetic3A_156, %and3A_157 : vector<16xi32>
        %broadcast_in_dim3A_159 = arith.constant true
        %broadcast_in_dim3A_160 = vector.broadcast %broadcast_in_dim3A_159 : i1 to vector<16xi1>
        %unique3A, %unique3A_161 = tpu.scan_count mask(%broadcast_in_dim3A_160 : vector<16xi1>) value(%and3A_158 : vector<16xi32>) : vector<16xi1>, vector<16xi32>
        %gather3A = tpu.vector_load_idx %arg8[%and3A_158] : memref<2048xi32, #tpu.memory_space<vmem>>[vector<16xi32>], vector<16xi32>,
        %add3A_162 = arith.addi %gather3A, %unique3A_161 : vector<16xi32>
        %sub3A = arith.constant 1 : i32
        %sub3A_163 = vector.broadcast %sub3A : i32 to vector<16xi32>
        %sub3A_164 = arith.subi %add3A_162, %sub3A_163 : vector<16xi32>
        tpu.vector_store_idx %arg5[%sub3A_164], %get3A_154 : memref<100352xf32, #tpu.memory_space<vmem>>[vector<16xi32>], vector<16xf32>,
        tpu.vector_store_idx %arg8[%and3A_158], %unique3A_161 masked %unique3A {add = true} : memref<2048xi32, #tpu.memory_space<vmem>>[vector<16xi32>], vector<16xi32>, vector<16xi1>
        %shift_right_arithmetic3A_165 = arith.constant 22 : i32
        %shift_right_arithmetic3A_166 = vector.broadcast %shift_right_arithmetic3A_165 : i32 to vector<16xi32>
        %shift_right_arithmetic3A_167 = arith.shrsi %bitcast3A, %shift_right_arithmetic3A_166 : vector<16xi32>
        %and3A_168 = arith.constant 2047 : i32
        %and3A_169 = vector.broadcast %and3A_168 : i32 to vector<16xi32>
        %and3A_170 = arith.andi %shift_right_arithmetic3A_167, %and3A_169 : vector<16xi32>
        %broadcast_in_dim3A_171 = arith.constant true
        %broadcast_in_dim3A_172 = vector.broadcast %broadcast_in_dim3A_171 : i1 to vector<16xi1>
        %unique3A_173, %unique3A_174 = tpu.scan_count mask(%broadcast_in_dim3A_172 : vector<16xi1>) value(%and3A_170 : vector<16xi32>) : vector<16xi1>, vector<16xi32>
        tpu.vector_store_idx %arg9[%and3A_170], %unique3A_174 masked %unique3A_173 {add = true} : memref<2048xi32, #tpu.memory_space<vmem>>[vector<16xi32>], vector<16xi32>, vector<16xi1>
        %scan3A_175 = arith.constant 0 : i32
        scf.yield %scan3A_175 : i32
      }
      %scan3A_148 = arith.constant 392 : i32
      %scan3A_149 = arith.constant 0 : i32
      scf.yield %scan3A_149 : i32
    }
    %scan3A_77 = arith.constant 8 : i32
    "tpu.region"() ({
      %run_scoped3A = tpu.sem_alloc : memref<!tpu.dma_semaphore, #tpu.memory_space<semaphore_mem>>
      %dma_start3A_106 = arith.constant 0 : i32
      %dma_start3A_107 = tpu.memref_slice %arg3[%add3A_4, %dma_start3A_106] : memref<32x100352xf32, #tpu.memory_space<hbm>> -> memref<1x100352xf32, #tpu.memory_space<hbm>>
      %dma_start3A_108 = tpu.memref_squeeze %dma_start3A_107 : memref<1x100352xf32, #tpu.memory_space<hbm>> -> memref<100352xf32, #tpu.memory_space<hbm>>
      %dma_start3A_109 = arith.constant 0 : i32
      %dma_start3A_110 = tpu.memref_slice %arg3[%add3A_4, %dma_start3A_109] : memref<32x100352xf32, #tpu.memory_space<hbm>> -> memref<1x100352xf32, #tpu.memory_space<hbm>>
      %dma_start3A_111 = tpu.memref_squeeze %dma_start3A_110 : memref<1x100352xf32, #tpu.memory_space<hbm>> -> memref<100352xf32, #tpu.memory_space<hbm>>
      tpu.enqueue_dma source(%arg5 : memref<100352xf32, #tpu.memory_space<vmem>>) target(%dma_start3A_111 : memref<100352xf32, #tpu.memory_space<hbm>>) target_semaphore(%run_scoped3A : memref<!tpu.dma_semaphore, #tpu.memory_space<semaphore_mem>>)
      %dma_wait3A = arith.constant 0 : i32
      %dma_wait3A_112 = tpu.memref_slice %arg3[%add3A_4, %dma_wait3A] : memref<32x100352xf32, #tpu.memory_space<hbm>> -> memref<1x100352xf32, #tpu.memory_space<hbm>>
      %dma_wait3A_113 = tpu.memref_squeeze %dma_wait3A_112 : memref<1x100352xf32, #tpu.memory_space<hbm>> -> memref<100352xf32, #tpu.memory_space<hbm>>
      %dma_wait3A_114 = arith.constant 0 : i32
      %dma_wait3A_115 = tpu.memref_slice %arg3[%add3A_4, %dma_wait3A_114] : memref<32x100352xf32, #tpu.memory_space<hbm>> -> memref<1x100352xf32, #tpu.memory_space<hbm>>
      %dma_wait3A_116 = tpu.memref_squeeze %dma_wait3A_115 : memref<1x100352xf32, #tpu.memory_space<hbm>> -> memref<100352xf32, #tpu.memory_space<hbm>>
      tpu.wait_dma2 semaphore(%run_scoped3A : memref<!tpu.dma_semaphore, #tpu.memory_space<semaphore_mem>>) src(%arg5 : memref<100352xf32, #tpu.memory_space<vmem>>) dst(%dma_wait3A_116 : memref<100352xf32, #tpu.memory_space<hbm>>)
      tpu.yield
    }) : () -> ()
    %broadcast_in_dim3A_78 = arith.constant 0 : i32
    %broadcast_in_dim3A_79 = vector.broadcast %broadcast_in_dim3A_78 : i32 to vector<16xi32>
    %scan3A_80 = arith.constant 0 : i32
    %scan3A_81 = arith.constant 128 : i32
    %scan3A_82 = arith.addi %scan3A_80, %scan3A_81 : i32
    %scan3A_83 = arith.constant 1 : i32
    %scan3A_84 = scf.for %scan3A_106 = %scan3A_80 to %scan3A_82 step %scan3A_83 iter_args(%scan3A_107 = %broadcast_in_dim3A_79) -> (vector<16xi32>)  : i32 {
      %mul3A_108 = arith.constant 16 : i32
      %mul3A_109 = arith.muli %scan3A_106, %mul3A_108 : i32
      %get3A = arith.index_cast %mul3A_109 : i32 to index
      %get3A_110 = tpu.vector_load %arg9[%get3A] {strides = array<i32>} : memref<2048xi32, #tpu.memory_space<vmem>>, vector<16xi32>,
      %broadcast_in_dim3A_111 = arith.constant true
      %broadcast_in_dim3A_112 = vector.broadcast %broadcast_in_dim3A_111 : i1 to vector<16xi1>
      %masked_cumsum3A = tpu.scan <sum>, %get3A_110 masked %broadcast_in_dim3A_112 : vector<16xi32>, vector<16xi1> -> vector<16xi32>
      %sub3A = arith.subi %masked_cumsum3A, %get3A_110 : vector<16xi32>
      %add3A_113 = arith.addi %sub3A, %scan3A_107 : vector<16xi32>
      %mul3A_114 = arith.constant 16 : i32
      %mul3A_115 = arith.muli %scan3A_106, %mul3A_114 : i32
      %swap3A = arith.index_cast %mul3A_115 : i32 to index
      %swap3A_116 = tpu.vector_load %arg8[%swap3A] {strides = array<i32>} : memref<2048xi32, #tpu.memory_space<vmem>>, vector<16xi32>,
      tpu.vector_store %arg8[%swap3A], %add3A_113 {strides = array<i32>} : memref<2048xi32, #tpu.memory_space<vmem>>, vector<16xi32>,
      %reduce_sum3A = arith.constant true
      %reduce_sum3A_117 = vector.broadcast %reduce_sum3A : i1 to vector<16xi1>
      %reduce_sum3A_118 = tpu.scan <sum>, %get3A_110 masked %reduce_sum3A_117 : vector<16xi32>, vector<16xi1> -> vector<16xi32>
      %reduce_sum3A_119 = vector.extract %reduce_sum3A_118[15] : i32 from vector<16xi32>
      %add3A_120 = vector.broadcast %reduce_sum3A_119 : i32 to vector<16xi32>
      %add3A_121 = arith.addi %scan3A_107, %add3A_120 : vector<16xi32>
      scf.yield %add3A_121 : vector<16xi32>
    }
    %scan3A_85 = arith.constant 128 : i32
    %scan3A_86 = arith.constant 0 : i32
    %scan3A_87 = arith.constant 0 : i32
    %scan3A_88 = arith.constant 128 : i32
    %scan3A_89 = arith.addi %scan3A_87, %scan3A_88 : i32
    %scan3A_90 = arith.constant 1 : i32
    %scan3A_91 = scf.for %scan3A_106 = %scan3A_87 to %scan3A_89 step %scan3A_90 iter_args(%scan3A_107 = %scan3A_86) -> (i32)  : i32 {
      %broadcast_in_dim3A_108 = arith.constant 0 : i32
      %broadcast_in_dim3A_109 = vector.broadcast %broadcast_in_dim3A_108 : i32 to vector<16xi32>
      %mul3A_110 = arith.constant 16 : i32
      %mul3A_111 = arith.muli %scan3A_106, %mul3A_110 : i32
      %swap3A = arith.index_cast %mul3A_111 : i32 to index
      %swap3A_112 = tpu.vector_load %arg9[%swap3A] {strides = array<i32>} : memref<2048xi32, #tpu.memory_space<vmem>>, vector<16xi32>,
      tpu.vector_store %arg9[%swap3A], %broadcast_in_dim3A_109 {strides = array<i32>} : memref<2048xi32, #tpu.memory_space<vmem>>, vector<16xi32>,
      %scan3A_113 = arith.constant 0 : i32
      scf.yield %scan3A_113 : i32
    }
    %scan3A_92 = arith.constant 128 : i32
    %dma_start3A_93 = arith.constant 0 : i32
    %dma_start3A_94 = tpu.memref_slice %arg3[%add3A_4, %dma_start3A_93] : memref<32x100352xf32, #tpu.memory_space<hbm>> -> memref<1x6272xf32, #tpu.memory_space<hbm>>
    %dma_start3A_95 = tpu.memref_squeeze %dma_start3A_94 : memref<1x6272xf32, #tpu.memory_space<hbm>> -> memref<6272xf32, #tpu.memory_space<hbm>>
    %dma_start3A_96 = arith.constant 0 : i32
    %dma_start3A_97 = tpu.memref_slice %arg3[%add3A_4, %dma_start3A_96] : memref<32x100352xf32, #tpu.memory_space<hbm>> -> memref<1x6272xf32, #tpu.memory_space<hbm>>
    %dma_start3A_98 = tpu.memref_squeeze %dma_start3A_97 : memref<1x6272xf32, #tpu.memory_space<hbm>> -> memref<6272xf32, #tpu.memory_space<hbm>>
    tpu.enqueue_dma source(%dma_start3A_98 : memref<6272xf32, #tpu.memory_space<hbm>>) target(%arg6 : memref<6272xf32, #tpu.memory_space<vmem>>) target_semaphore(%arg10 : memref<!tpu.dma_semaphore, #tpu.memory_space<semaphore_mem>>)
    %scan3A_99 = arith.constant 0 : i32
    %scan3A_100 = arith.constant 0 : i32
    %scan3A_101 = arith.constant 8 : i32
    %scan3A_102 = arith.addi %scan3A_100, %scan3A_101 : i32
    %scan3A_103 = arith.constant 1 : i32
    %scan3A_104 = scf.for %scan3A_106 = %scan3A_100 to %scan3A_102 step %scan3A_103 iter_args(%scan3A_107 = %scan3A_99) -> (i32)  : i32 {
      %mul3A_108 = arith.constant 2 : i32
      %mul3A_109 = arith.muli %scan3A_106, %mul3A_108 : i32
      %mul3A_110 = arith.constant 6272 : i32
      %mul3A_111 = arith.muli %mul3A_109, %mul3A_110 : i32
      %dma_wait3A = tpu.memref_slice %arg3[%add3A_4, %mul3A_111] : memref<32x100352xf32, #tpu.memory_space<hbm>> -> memref<1x6272xf32, #tpu.memory_space<hbm>>
      %dma_wait3A_112 = tpu.memref_squeeze %dma_wait3A : memref<1x6272xf32, #tpu.memory_space<hbm>> -> memref<6272xf32, #tpu.memory_space<hbm>>
      %dma_wait3A_113 = tpu.memref_slice %arg3[%add3A_4, %mul3A_111] : memref<32x100352xf32, #tpu.memory_space<hbm>> -> memref<1x6272xf32, #tpu.memory_space<hbm>>
      %dma_wait3A_114 = tpu.memref_squeeze %dma_wait3A_113 : memref<1x6272xf32, #tpu.memory_space<hbm>> -> memref<6272xf32, #tpu.memory_space<hbm>>
      tpu.wait_dma2 semaphore(%arg10 : memref<!tpu.dma_semaphore, #tpu.memory_space<semaphore_mem>>) src(%dma_wait3A_114 : memref<6272xf32, #tpu.memory_space<hbm>>) dst(%arg6 : memref<6272xf32, #tpu.memory_space<vmem>>)
      %add3A_115 = arith.constant 1 : i32
      %add3A_116 = arith.addi %mul3A_109, %add3A_115 : i32
      %mul3A_117 = arith.constant 6272 : i32
      %mul3A_118 = arith.muli %add3A_116, %mul3A_117 : i32
      %dma_start3A_119 = tpu.memref_slice %arg3[%add3A_4, %mul3A_118] : memref<32x100352xf32, #tpu.memory_space<hbm>> -> memref<1x6272xf32, #tpu.memory_space<hbm>>
      %dma_start3A_120 = tpu.memref_squeeze %dma_start3A_119 : memref<1x6272xf32, #tpu.memory_space<hbm>> -> memref<6272xf32, #tpu.memory_space<hbm>>
      %dma_start3A_121 = tpu.memref_slice %arg3[%add3A_4, %mul3A_118] : memref<32x100352xf32, #tpu.memory_space<hbm>> -> memref<1x6272xf32, #tpu.memory_space<hbm>>
      %dma_start3A_122 = tpu.memref_squeeze %dma_start3A_121 : memref<1x6272xf32, #tpu.memory_space<hbm>> -> memref<6272xf32, #tpu.memory_space<hbm>>
      tpu.enqueue_dma source(%dma_start3A_122 : memref<6272xf32, #tpu.memory_space<hbm>>) target(%arg7 : memref<6272xf32, #tpu.memory_space<vmem>>) target_semaphore(%arg10 : memref<!tpu.dma_semaphore, #tpu.memory_space<semaphore_mem>>)
      %scan3A_123 = arith.constant 0 : i32
      %scan3A_124 = arith.constant 0 : i32
      %scan3A_125 = arith.constant 392 : i32
      %scan3A_126 = arith.addi %scan3A_124, %scan3A_125 : i32
      %scan3A_127 = arith.constant 1 : i32
      %scan3A_128 = scf.for %scan3A_150 = %scan3A_124 to %scan3A_126 step %scan3A_127 iter_args(%scan3A_151 = %scan3A_123) -> (i32)  : i32 {
        %mul3A_152 = arith.constant 16 : i32
        %mul3A_153 = arith.muli %scan3A_150, %mul3A_152 : i32
        %get3A = arith.index_cast %mul3A_153 : i32 to index
        %get3A_154 = tpu.vector_load %arg6[%get3A] {strides = array<i32>} : memref<6272xf32, #tpu.memory_space<vmem>>, vector<16xf32>,
        %bitcast3A = vector.bitcast %get3A_154 : vector<16xf32> to vector<16xi32>
        %shift_right_arithmetic3A = arith.constant 22 : i32
        %shift_right_arithmetic3A_155 = vector.broadcast %shift_right_arithmetic3A : i32 to vector<16xi32>
        %shift_right_arithmetic3A_156 = arith.shrsi %bitcast3A, %shift_right_arithmetic3A_155 : vector<16xi32>
        %and3A = arith.constant 2047 : i32
        %and3A_157 = vector.broadcast %and3A : i32 to vector<16xi32>
        %and3A_158 = arith.andi %shift_right_arithmetic3A_156, %and3A_157 : vector<16xi32>
        %broadcast_in_dim3A_159 = arith.constant true
        %broadcast_in_dim3A_160 = vector.broadcast %broadcast_in_dim3A_159 : i1 to vector<16xi1>
        %unique3A, %unique3A_161 = tpu.scan_count mask(%broadcast_in_dim3A_160 : vector<16xi1>) value(%and3A_158 : vector<16xi32>) : vector<16xi1>, vector<16xi32>
        %gather3A = tpu.vector_load_idx %arg8[%and3A_158] : memref<2048xi32, #tpu.memory_space<vmem>>[vector<16xi32>], vector<16xi32>,
        %add3A_162 = arith.addi %gather3A, %unique3A_161 : vector<16xi32>
        %sub3A = arith.constant 1 : i32
        %sub3A_163 = vector.broadcast %sub3A : i32 to vector<16xi32>
        %sub3A_164 = arith.subi %add3A_162, %sub3A_163 : vector<16xi32>
        tpu.vector_store_idx %arg5[%sub3A_164], %get3A_154 : memref<100352xf32, #tpu.memory_space<vmem>>[vector<16xi32>], vector<16xf32>,
        tpu.vector_store_idx %arg8[%and3A_158], %unique3A_161 masked %unique3A {add = true} : memref<2048xi32, #tpu.memory_space<vmem>>[vector<16xi32>], vector<16xi32>, vector<16xi1>
        %scan3A_165 = arith.constant 0 : i32
        scf.yield %scan3A_165 : i32
      }
      %scan3A_129 = arith.constant 392 : i32
      %add3A_130 = arith.constant 1 : i32
      %add3A_131 = arith.addi %mul3A_109, %add3A_130 : i32
      %mul3A_132 = arith.constant 6272 : i32
      %mul3A_133 = arith.muli %add3A_131, %mul3A_132 : i32
      %dma_wait3A_134 = tpu.memref_slice %arg3[%add3A_4, %mul3A_133] : memref<32x100352xf32, #tpu.memory_space<hbm>> -> memref<1x6272xf32, #tpu.memory_space<hbm>>
      %dma_wait3A_135 = tpu.memref_squeeze %dma_wait3A_134 : memref<1x6272xf32, #tpu.memory_space<hbm>> -> memref<6272xf32, #tpu.memory_space<hbm>>
      %dma_wait3A_136 = tpu.memref_slice %arg3[%add3A_4, %mul3A_133] : memref<32x100352xf32, #tpu.memory_space<hbm>> -> memref<1x6272xf32, #tpu.memory_space<hbm>>
      %dma_wait3A_137 = tpu.memref_squeeze %dma_wait3A_136 : memref<1x6272xf32, #tpu.memory_space<hbm>> -> memref<6272xf32, #tpu.memory_space<hbm>>
      tpu.wait_dma2 semaphore(%arg10 : memref<!tpu.dma_semaphore, #tpu.memory_space<semaphore_mem>>) src(%dma_wait3A_137 : memref<6272xf32, #tpu.memory_space<hbm>>) dst(%arg7 : memref<6272xf32, #tpu.memory_space<vmem>>)
      %add3A_138 = arith.constant 2 : i32
      %add3A_139 = arith.addi %mul3A_109, %add3A_138 : i32
      %lt3A = arith.constant 16 : i32
      %lt3A_140 = arith.cmpi slt, %add3A_139, %lt3A : i32
      %convert_element_type3A = arith.extui %lt3A_140 : i1 to i32
      %cond3A = arith.constant 0 : i32
      %cond3A_141 = arith.cmpi ne, %convert_element_type3A, %cond3A : i32
      scf.if %cond3A_141 {
        %add3A_150 = arith.constant 2 : i32
        %add3A_151 = arith.addi %mul3A_109, %add3A_150 : i32
        %mul3A_152 = arith.constant 6272 : i32
        %mul3A_153 = arith.muli %add3A_151, %mul3A_152 : i32
        %dma_start3A_154 = tpu.memref_slice %arg3[%add3A_4, %mul3A_153] : memref<32x100352xf32, #tpu.memory_space<hbm>> -> memref<1x6272xf32, #tpu.memory_space<hbm>>
        %dma_start3A_155 = tpu.memref_squeeze %dma_start3A_154 : memref<1x6272xf32, #tpu.memory_space<hbm>> -> memref<6272xf32, #tpu.memory_space<hbm>>
        %dma_start3A_156 = tpu.memref_slice %arg3[%add3A_4, %mul3A_153] : memref<32x100352xf32, #tpu.memory_space<hbm>> -> memref<1x6272xf32, #tpu.memory_space<hbm>>
        %dma_start3A_157 = tpu.memref_squeeze %dma_start3A_156 : memref<1x6272xf32, #tpu.memory_space<hbm>> -> memref<6272xf32, #tpu.memory_space<hbm>>
        tpu.enqueue_dma source(%dma_start3A_157 : memref<6272xf32, #tpu.memory_space<hbm>>) target(%arg6 : memref<6272xf32, #tpu.memory_space<vmem>>) target_semaphore(%arg10 : memref<!tpu.dma_semaphore, #tpu.memory_space<semaphore_mem>>)
      } else {
      }
      %scan3A_142 = arith.constant 0 : i32
      %scan3A_143 = arith.constant 0 : i32
      %scan3A_144 = arith.constant 392 : i32
      %scan3A_145 = arith.addi %scan3A_143, %scan3A_144 : i32
      %scan3A_146 = arith.constant 1 : i32
      %scan3A_147 = scf.for %scan3A_150 = %scan3A_143 to %scan3A_145 step %scan3A_146 iter_args(%scan3A_151 = %scan3A_142) -> (i32)  : i32 {
        %mul3A_152 = arith.constant 16 : i32
        %mul3A_153 = arith.muli %scan3A_150, %mul3A_152 : i32
        %get3A = arith.index_cast %mul3A_153 : i32 to index
        %get3A_154 = tpu.vector_load %arg7[%get3A] {strides = array<i32>} : memref<6272xf32, #tpu.memory_space<vmem>>, vector<16xf32>,
        %bitcast3A = vector.bitcast %get3A_154 : vector<16xf32> to vector<16xi32>
        %shift_right_arithmetic3A = arith.constant 22 : i32
        %shift_right_arithmetic3A_155 = vector.broadcast %shift_right_arithmetic3A : i32 to vector<16xi32>
        %shift_right_arithmetic3A_156 = arith.shrsi %bitcast3A, %shift_right_arithmetic3A_155 : vector<16xi32>
        %and3A = arith.constant 2047 : i32
        %and3A_157 = vector.broadcast %and3A : i32 to vector<16xi32>
        %and3A_158 = arith.andi %shift_right_arithmetic3A_156, %and3A_157 : vector<16xi32>
        %broadcast_in_dim3A_159 = arith.constant true
        %broadcast_in_dim3A_160 = vector.broadcast %broadcast_in_dim3A_159 : i1 to vector<16xi1>
        %unique3A, %unique3A_161 = tpu.scan_count mask(%broadcast_in_dim3A_160 : vector<16xi1>) value(%and3A_158 : vector<16xi32>) : vector<16xi1>, vector<16xi32>
        %gather3A = tpu.vector_load_idx %arg8[%and3A_158] : memref<2048xi32, #tpu.memory_space<vmem>>[vector<16xi32>], vector<16xi32>,
        %add3A_162 = arith.addi %gather3A, %unique3A_161 : vector<16xi32>
        %sub3A = arith.constant 1 : i32
        %sub3A_163 = vector.broadcast %sub3A : i32 to vector<16xi32>
        %sub3A_164 = arith.subi %add3A_162, %sub3A_163 : vector<16xi32>
        tpu.vector_store_idx %arg5[%sub3A_164], %get3A_154 : memref<100352xf32, #tpu.memory_space<vmem>>[vector<16xi32>], vector<16xf32>,
        tpu.vector_store_idx %arg8[%and3A_158], %unique3A_161 masked %unique3A {add = true} : memref<2048xi32, #tpu.memory_space<vmem>>[vector<16xi32>], vector<16xi32>, vector<16xi1>
        %scan3A_165 = arith.constant 0 : i32
        scf.yield %scan3A_165 : i32
      }
      %scan3A_148 = arith.constant 392 : i32
      %scan3A_149 = arith.constant 0 : i32
      scf.yield %scan3A_149 : i32
    }
    %scan3A_105 = arith.constant 8 : i32
    "tpu.region"() ({
      %run_scoped3A = tpu.sem_alloc : memref<!tpu.dma_semaphore, #tpu.memory_space<semaphore_mem>>
      %dma_start3A_106 = arith.constant 0 : i32
      %dma_start3A_107 = tpu.memref_slice %arg3[%add3A_4, %dma_start3A_106] : memref<32x100352xf32, #tpu.memory_space<hbm>> -> memref<1x100352xf32, #tpu.memory_space<hbm>>
      %dma_start3A_108 = tpu.memref_squeeze %dma_start3A_107 : memref<1x100352xf32, #tpu.memory_space<hbm>> -> memref<100352xf32, #tpu.memory_space<hbm>>
      %dma_start3A_109 = arith.constant 0 : i32
      %dma_start3A_110 = tpu.memref_slice %arg3[%add3A_4, %dma_start3A_109] : memref<32x100352xf32, #tpu.memory_space<hbm>> -> memref<1x100352xf32, #tpu.memory_space<hbm>>
      %dma_start3A_111 = tpu.memref_squeeze %dma_start3A_110 : memref<1x100352xf32, #tpu.memory_space<hbm>> -> memref<100352xf32, #tpu.memory_space<hbm>>
      tpu.enqueue_dma source(%arg5 : memref<100352xf32, #tpu.memory_space<vmem>>) target(%dma_start3A_111 : memref<100352xf32, #tpu.memory_space<hbm>>) target_semaphore(%run_scoped3A : memref<!tpu.dma_semaphore, #tpu.memory_space<semaphore_mem>>)
      %dma_wait3A = arith.constant 0 : i32
      %dma_wait3A_112 = tpu.memref_slice %arg3[%add3A_4, %dma_wait3A] : memref<32x100352xf32, #tpu.memory_space<hbm>> -> memref<1x100352xf32, #tpu.memory_space<hbm>>
      %dma_wait3A_113 = tpu.memref_squeeze %dma_wait3A_112 : memref<1x100352xf32, #tpu.memory_space<hbm>> -> memref<100352xf32, #tpu.memory_space<hbm>>
      %dma_wait3A_114 = arith.constant 0 : i32
      %dma_wait3A_115 = tpu.memref_slice %arg3[%add3A_4, %dma_wait3A_114] : memref<32x100352xf32, #tpu.memory_space<hbm>> -> memref<1x100352xf32, #tpu.memory_space<hbm>>
      %dma_wait3A_116 = tpu.memref_squeeze %dma_wait3A_115 : memref<1x100352xf32, #tpu.memory_space<hbm>> -> memref<100352xf32, #tpu.memory_space<hbm>>
      tpu.wait_dma2 semaphore(%run_scoped3A : memref<!tpu.dma_semaphore, #tpu.memory_space<semaphore_mem>>) src(%arg5 : memref<100352xf32, #tpu.memory_space<vmem>>) dst(%dma_wait3A_116 : memref<100352xf32, #tpu.memory_space<hbm>>)
      tpu.yield
    }) : () -> ()
    return
  }
}

module attributes {stable_mosaic.version = 14 : i64} {
  func.func @_softmax_body(%arg0: i32, %arg1: memref<8x100000xf32, #tpu.memory_space<vmem>>, %arg2: memref<8x100352xf32, #tpu.memory_space<vmem>>) attributes {dimension_semantics = [#tpu.dimension_semantics<arbitrary>], iteration_bounds = array<i64: 4>, scalar_prefetch = 0 : i64, scratch_operands = 0 : i64, tpu.core_type = #tpu.core_type<tc>, window_params = [{transform_indices = @transform_0, window_bounds = array<i64: 8, 100000>}, {transform_indices = @transform_1, window_bounds = array<i64: 8, 100352>}]} {
    %get3A = arith.constant 0 : index
    %get3A_0 = arith.constant 0 : index
    %get3A_1 = vector.load %arg1[%get3A, %get3A_0] : memref<8x100000xf32, #tpu.memory_space<vmem>>, vector<8x100000xf32>
    %reduce_max3A = arith.constant dense<0xFF800000> : vector<8xf32>
    %reduce_max3A_2 = vector.multi_reduction <maximumf>, %get3A_1, %reduce_max3A [1] : vector<8x100000xf32> to vector<8xf32>
    %broadcast_in_dim3A = vector.shape_cast %reduce_max3A_2 : vector<8xf32> to vector<8x1xf32>
    %sub3A = vector.broadcast %broadcast_in_dim3A : vector<8x1xf32> to vector<8x100000xf32>
    %sub3A_3 = arith.subf %get3A_1, %sub3A : vector<8x100000xf32>
    %exp3A = math.exp %sub3A_3 : vector<8x100000xf32>
    %swap3A = arith.constant 0 : index
    %swap3A_4 = arith.constant 0 : index
    %swap3A_5 = vector.load %arg2[%swap3A, %swap3A_4] : memref<8x100352xf32, #tpu.memory_space<vmem>>, vector<8x100000xf32>
    tpu.vector_store %arg2[%swap3A, %swap3A_4], %exp3A {strides = array<i32>} : memref<8x100352xf32, #tpu.memory_space<vmem>>, vector<8x100000xf32>,
    %broadcast_in_dim3A_6 = arith.constant 0.000000e+00 : f32
    %broadcast_in_dim3A_7 = vector.broadcast %broadcast_in_dim3A_6 : f32 to vector<8x352xf32>
    %swap3A_8 = arith.constant 0 : index
    %swap3A_9 = arith.constant 100000 : index
    %swap3A_10 = vector.load %arg2[%swap3A_8, %swap3A_9] : memref<8x100352xf32, #tpu.memory_space<vmem>>, vector<8x352xf32>
    tpu.vector_store %arg2[%swap3A_8, %swap3A_9], %broadcast_in_dim3A_7 {strides = array<i32>} : memref<8x100352xf32, #tpu.memory_space<vmem>>, vector<8x352xf32>,
    %broadcast_in_dim3A_11 = arith.constant 0.000000e+00 : f32
    %broadcast_in_dim3A_12 = vector.broadcast %broadcast_in_dim3A_11 : f32 to vector<8x128xf32>
    %scan3A = arith.constant 0 : i32
    %scan3A_13 = arith.constant 782 : i32
    %scan3A_14 = arith.addi %scan3A, %scan3A_13 : i32
    %scan3A_15 = arith.constant 1 : i32
    %scan3A_16 = scf.for %scan3A_46 = %scan3A to %scan3A_14 step %scan3A_15 iter_args(%scan3A_47 = %broadcast_in_dim3A_12) -> (vector<8x128xf32>)  : i32 {
      %mul3A_48 = arith.constant 128 : i32
      %mul3A_49 = arith.muli %scan3A_46, %mul3A_48 : i32
      %get3A_50 = arith.constant 0 : index
      %get3A_51 = arith.index_cast %mul3A_49 : i32 to index
      %get3A_52 = vector.load %arg2[%get3A_50, %get3A_51] : memref<8x100352xf32, #tpu.memory_space<vmem>>, vector<8x128xf32>
      %add3A_53 = arith.addf %scan3A_47, %get3A_52 : vector<8x128xf32>
      scf.yield %add3A_53 : vector<8x128xf32>
    }
    %scan3A_17 = arith.constant 782 : i32
    %slice3A = vector.extract_strided_slice %scan3A_16 {offsets = [0, 0], sizes = [8, 64], strides = [1, 1]} : vector<8x128xf32> to vector<8x64xf32>
    %slice3A_18 = vector.extract_strided_slice %scan3A_16 {offsets = [0, 64], sizes = [8, 64], strides = [1, 1]} : vector<8x128xf32> to vector<8x64xf32>
    %add3A = arith.addf %slice3A, %slice3A_18 : vector<8x64xf32>
    %slice3A_19 = vector.extract_strided_slice %add3A {offsets = [0, 0], sizes = [8, 32], strides = [1, 1]} : vector<8x64xf32> to vector<8x32xf32>
    %slice3A_20 = vector.extract_strided_slice %add3A {offsets = [0, 32], sizes = [8, 32], strides = [1, 1]} : vector<8x64xf32> to vector<8x32xf32>
    %add3A_21 = arith.addf %slice3A_19, %slice3A_20 : vector<8x32xf32>
    %slice3A_22 = vector.extract_strided_slice %add3A_21 {offsets = [0, 0], sizes = [8, 16], strides = [1, 1]} : vector<8x32xf32> to vector<8x16xf32>
    %slice3A_23 = vector.extract_strided_slice %add3A_21 {offsets = [0, 16], sizes = [8, 16], strides = [1, 1]} : vector<8x32xf32> to vector<8x16xf32>
    %add3A_24 = arith.addf %slice3A_22, %slice3A_23 : vector<8x16xf32>
    %slice3A_25 = vector.extract_strided_slice %add3A_24 {offsets = [0, 0], sizes = [8, 8], strides = [1, 1]} : vector<8x16xf32> to vector<8x8xf32>
    %slice3A_26 = vector.extract_strided_slice %add3A_24 {offsets = [0, 8], sizes = [8, 8], strides = [1, 1]} : vector<8x16xf32> to vector<8x8xf32>
    %add3A_27 = arith.addf %slice3A_25, %slice3A_26 : vector<8x8xf32>
    %slice3A_28 = vector.extract_strided_slice %add3A_27 {offsets = [0, 0], sizes = [8, 4], strides = [1, 1]} : vector<8x8xf32> to vector<8x4xf32>
    %slice3A_29 = vector.extract_strided_slice %add3A_27 {offsets = [0, 4], sizes = [8, 4], strides = [1, 1]} : vector<8x8xf32> to vector<8x4xf32>
    %add3A_30 = arith.addf %slice3A_28, %slice3A_29 : vector<8x4xf32>
    %slice3A_31 = vector.extract_strided_slice %add3A_30 {offsets = [0, 0], sizes = [8, 2], strides = [1, 1]} : vector<8x4xf32> to vector<8x2xf32>
    %slice3A_32 = vector.extract_strided_slice %add3A_30 {offsets = [0, 2], sizes = [8, 2], strides = [1, 1]} : vector<8x4xf32> to vector<8x2xf32>
    %add3A_33 = arith.addf %slice3A_31, %slice3A_32 : vector<8x2xf32>
    %slice3A_34 = vector.extract_strided_slice %add3A_33 {offsets = [0, 0], sizes = [8, 1], strides = [1, 1]} : vector<8x2xf32> to vector<8x1xf32>
    %slice3A_35 = vector.extract_strided_slice %add3A_33 {offsets = [0, 1], sizes = [8, 1], strides = [1, 1]} : vector<8x2xf32> to vector<8x1xf32>
    %add3A_36 = arith.addf %slice3A_34, %slice3A_35 : vector<8x1xf32>
    %div3A = arith.constant 1.000000e+00 : f32
    %div3A_37 = vector.broadcast %div3A : f32 to vector<8x1xf32>
    %div3A_38 = arith.divf %div3A_37, %add3A_36 : vector<8x1xf32>
    %get3A_39 = arith.constant 0 : index
    %get3A_40 = arith.constant 0 : index
    %get3A_41 = vector.load %arg2[%get3A_39, %get3A_40] : memref<8x100352xf32, #tpu.memory_space<vmem>>, vector<8x100000xf32>
    %mul3A = vector.broadcast %div3A_38 : vector<8x1xf32> to vector<8x100000xf32>
    %mul3A_42 = arith.mulf %get3A_41, %mul3A : vector<8x100000xf32>
    %swap3A_43 = arith.constant 0 : index
    %swap3A_44 = arith.constant 0 : index
    %swap3A_45 = vector.load %arg2[%swap3A_43, %swap3A_44] : memref<8x100352xf32, #tpu.memory_space<vmem>>, vector<8x100000xf32>
    tpu.vector_store %arg2[%swap3A_43, %swap3A_44], %mul3A_42 {strides = array<i32>} : memref<8x100352xf32, #tpu.memory_space<vmem>>, vector<8x100000xf32>,
    return
  }
  func.func @transform_0(%arg0: i32) -> (i32, i32) {
    %c0_i32 = arith.constant 0 : i32
    %c0_i32_0 = arith.constant 0 : i32
    return %arg0, %c0_i32 : i32, i32
  }
  func.func @transform_1(%arg0: i32) -> (i32, i32) {
    %c0_i32 = arith.constant 0 : i32
    %c0_i32_0 = arith.constant 0 : i32
    return %arg0, %c0_i32 : i32, i32
  }
}

module attributes {stable_mosaic.version = 14 : i64} {
  func.func @_finish_body(%arg0: i32, %arg1: memref<8x100352xf32, #tpu.memory_space<vmem>>, %arg2: memref<8x100352xf32, #tpu.memory_space<vmem>>, %arg3: memref<8x100352xf32, #tpu.memory_space<vmem>>, %arg4: memref<8x1xi32, #tpu.memory_space<vmem>>) attributes {dimension_semantics = [#tpu.dimension_semantics<arbitrary>], iteration_bounds = array<i64: 4>, scalar_prefetch = 0 : i64, scratch_operands = 0 : i64, tpu.core_type = #tpu.core_type<tc>, window_params = [{transform_indices = @transform_0, window_bounds = array<i64: 8, 100352>}, {transform_indices = @transform_1, window_bounds = array<i64: 8, 100352>}, {transform_indices = @transform_2, window_bounds = array<i64: 8, 100352>}, {transform_indices = @transform_3, window_bounds = array<i64: 8, 1>}]} {
    %get3A = arith.constant 0 : index
    %get3A_0 = arith.constant 0 : index
    %get3A_1 = vector.load %arg2[%get3A, %get3A_0] : memref<8x100352xf32, #tpu.memory_space<vmem>>, vector<8x100352xf32>
    %get3A_2 = arith.constant 0 : index
    %get3A_3 = arith.constant 0 : index
    %get3A_4 = vector.load %arg1[%get3A_2, %get3A_3] : memref<8x100352xf32, #tpu.memory_space<vmem>>, vector<8x100352xf32>
    %get3A_5 = arith.constant 0 : index
    %get3A_6 = arith.constant 0 : index
    %get3A_7 = vector.load %arg3[%get3A_5, %get3A_6] : memref<8x100352xf32, #tpu.memory_space<vmem>>, vector<8x100352xf32>
    %iota3A = tpu.iota {dimensions = array<i32: 1>} : vector<8x100352xi32>
    %broadcast_in_dim3A = arith.constant 0.000000e+00 : f32
    %broadcast_in_dim3A_8 = vector.broadcast %broadcast_in_dim3A : f32 to vector<8x1xf32>
    %slice3A = vector.extract_strided_slice %get3A_1 {offsets = [0, 0], sizes = [8, 100351], strides = [1, 1]} : vector<8x100352xf32> to vector<8x100351xf32>
    %concatenate3A = tpu.concatenate %broadcast_in_dim3A_8, %slice3A in 1 : vector<8x1xf32>, vector<8x100351xf32> -> vector<8x100352xf32>
    %add3A = arith.addf %get3A_1, %concatenate3A : vector<8x100352xf32>
    %broadcast_in_dim3A_9 = arith.constant 0.000000e+00 : f32
    %broadcast_in_dim3A_10 = vector.broadcast %broadcast_in_dim3A_9 : f32 to vector<8x2xf32>
    %slice3A_11 = vector.extract_strided_slice %add3A {offsets = [0, 0], sizes = [8, 100350], strides = [1, 1]} : vector<8x100352xf32> to vector<8x100350xf32>
    %concatenate3A_12 = tpu.concatenate %broadcast_in_dim3A_10, %slice3A_11 in 1 : vector<8x2xf32>, vector<8x100350xf32> -> vector<8x100352xf32>
    %add3A_13 = arith.addf %add3A, %concatenate3A_12 : vector<8x100352xf32>
    %broadcast_in_dim3A_14 = arith.constant 0.000000e+00 : f32
    %broadcast_in_dim3A_15 = vector.broadcast %broadcast_in_dim3A_14 : f32 to vector<8x4xf32>
    %slice3A_16 = vector.extract_strided_slice %add3A_13 {offsets = [0, 0], sizes = [8, 100348], strides = [1, 1]} : vector<8x100352xf32> to vector<8x100348xf32>
    %concatenate3A_17 = tpu.concatenate %broadcast_in_dim3A_15, %slice3A_16 in 1 : vector<8x4xf32>, vector<8x100348xf32> -> vector<8x100352xf32>
    %add3A_18 = arith.addf %add3A_13, %concatenate3A_17 : vector<8x100352xf32>
    %broadcast_in_dim3A_19 = arith.constant 0.000000e+00 : f32
    %broadcast_in_dim3A_20 = vector.broadcast %broadcast_in_dim3A_19 : f32 to vector<8x8xf32>
    %slice3A_21 = vector.extract_strided_slice %add3A_18 {offsets = [0, 0], sizes = [8, 100344], strides = [1, 1]} : vector<8x100352xf32> to vector<8x100344xf32>
    %concatenate3A_22 = tpu.concatenate %broadcast_in_dim3A_20, %slice3A_21 in 1 : vector<8x8xf32>, vector<8x100344xf32> -> vector<8x100352xf32>
    %add3A_23 = arith.addf %add3A_18, %concatenate3A_22 : vector<8x100352xf32>
    %broadcast_in_dim3A_24 = arith.constant 0.000000e+00 : f32
    %broadcast_in_dim3A_25 = vector.broadcast %broadcast_in_dim3A_24 : f32 to vector<8x16xf32>
    %slice3A_26 = vector.extract_strided_slice %add3A_23 {offsets = [0, 0], sizes = [8, 100336], strides = [1, 1]} : vector<8x100352xf32> to vector<8x100336xf32>
    %concatenate3A_27 = tpu.concatenate %broadcast_in_dim3A_25, %slice3A_26 in 1 : vector<8x16xf32>, vector<8x100336xf32> -> vector<8x100352xf32>
    %add3A_28 = arith.addf %add3A_23, %concatenate3A_27 : vector<8x100352xf32>
    %broadcast_in_dim3A_29 = arith.constant 0.000000e+00 : f32
    %broadcast_in_dim3A_30 = vector.broadcast %broadcast_in_dim3A_29 : f32 to vector<8x32xf32>
    %slice3A_31 = vector.extract_strided_slice %add3A_28 {offsets = [0, 0], sizes = [8, 100320], strides = [1, 1]} : vector<8x100352xf32> to vector<8x100320xf32>
    %concatenate3A_32 = tpu.concatenate %broadcast_in_dim3A_30, %slice3A_31 in 1 : vector<8x32xf32>, vector<8x100320xf32> -> vector<8x100352xf32>
    %add3A_33 = arith.addf %add3A_28, %concatenate3A_32 : vector<8x100352xf32>
    %broadcast_in_dim3A_34 = arith.constant 0.000000e+00 : f32
    %broadcast_in_dim3A_35 = vector.broadcast %broadcast_in_dim3A_34 : f32 to vector<8x64xf32>
    %slice3A_36 = vector.extract_strided_slice %add3A_33 {offsets = [0, 0], sizes = [8, 100288], strides = [1, 1]} : vector<8x100352xf32> to vector<8x100288xf32>
    %concatenate3A_37 = tpu.concatenate %broadcast_in_dim3A_35, %slice3A_36 in 1 : vector<8x64xf32>, vector<8x100288xf32> -> vector<8x100352xf32>
    %add3A_38 = arith.addf %add3A_33, %concatenate3A_37 : vector<8x100352xf32>
    %broadcast_in_dim3A_39 = arith.constant 0.000000e+00 : f32
    %broadcast_in_dim3A_40 = vector.broadcast %broadcast_in_dim3A_39 : f32 to vector<8x128xf32>
    %slice3A_41 = vector.extract_strided_slice %add3A_38 {offsets = [0, 0], sizes = [8, 100224], strides = [1, 1]} : vector<8x100352xf32> to vector<8x100224xf32>
    %concatenate3A_42 = tpu.concatenate %broadcast_in_dim3A_40, %slice3A_41 in 1 : vector<8x128xf32>, vector<8x100224xf32> -> vector<8x100352xf32>
    %add3A_43 = arith.addf %add3A_38, %concatenate3A_42 : vector<8x100352xf32>
    %broadcast_in_dim3A_44 = arith.constant 0.000000e+00 : f32
    %broadcast_in_dim3A_45 = vector.broadcast %broadcast_in_dim3A_44 : f32 to vector<8x256xf32>
    %slice3A_46 = vector.extract_strided_slice %add3A_43 {offsets = [0, 0], sizes = [8, 100096], strides = [1, 1]} : vector<8x100352xf32> to vector<8x100096xf32>
    %concatenate3A_47 = tpu.concatenate %broadcast_in_dim3A_45, %slice3A_46 in 1 : vector<8x256xf32>, vector<8x100096xf32> -> vector<8x100352xf32>
    %add3A_48 = arith.addf %add3A_43, %concatenate3A_47 : vector<8x100352xf32>
    %broadcast_in_dim3A_49 = arith.constant 0.000000e+00 : f32
    %broadcast_in_dim3A_50 = vector.broadcast %broadcast_in_dim3A_49 : f32 to vector<8x512xf32>
    %slice3A_51 = vector.extract_strided_slice %add3A_48 {offsets = [0, 0], sizes = [8, 99840], strides = [1, 1]} : vector<8x100352xf32> to vector<8x99840xf32>
    %concatenate3A_52 = tpu.concatenate %broadcast_in_dim3A_50, %slice3A_51 in 1 : vector<8x512xf32>, vector<8x99840xf32> -> vector<8x100352xf32>
    %add3A_53 = arith.addf %add3A_48, %concatenate3A_52 : vector<8x100352xf32>
    %broadcast_in_dim3A_54 = arith.constant 0.000000e+00 : f32
    %broadcast_in_dim3A_55 = vector.broadcast %broadcast_in_dim3A_54 : f32 to vector<8x1024xf32>
    %slice3A_56 = vector.extract_strided_slice %add3A_53 {offsets = [0, 0], sizes = [8, 99328], strides = [1, 1]} : vector<8x100352xf32> to vector<8x99328xf32>
    %concatenate3A_57 = tpu.concatenate %broadcast_in_dim3A_55, %slice3A_56 in 1 : vector<8x1024xf32>, vector<8x99328xf32> -> vector<8x100352xf32>
    %add3A_58 = arith.addf %add3A_53, %concatenate3A_57 : vector<8x100352xf32>
    %broadcast_in_dim3A_59 = arith.constant 0.000000e+00 : f32
    %broadcast_in_dim3A_60 = vector.broadcast %broadcast_in_dim3A_59 : f32 to vector<8x2048xf32>
    %slice3A_61 = vector.extract_strided_slice %add3A_58 {offsets = [0, 0], sizes = [8, 98304], strides = [1, 1]} : vector<8x100352xf32> to vector<8x98304xf32>
    %concatenate3A_62 = tpu.concatenate %broadcast_in_dim3A_60, %slice3A_61 in 1 : vector<8x2048xf32>, vector<8x98304xf32> -> vector<8x100352xf32>
    %add3A_63 = arith.addf %add3A_58, %concatenate3A_62 : vector<8x100352xf32>
    %broadcast_in_dim3A_64 = arith.constant 0.000000e+00 : f32
    %broadcast_in_dim3A_65 = vector.broadcast %broadcast_in_dim3A_64 : f32 to vector<8x4096xf32>
    %slice3A_66 = vector.extract_strided_slice %add3A_63 {offsets = [0, 0], sizes = [8, 96256], strides = [1, 1]} : vector<8x100352xf32> to vector<8x96256xf32>
    %concatenate3A_67 = tpu.concatenate %broadcast_in_dim3A_65, %slice3A_66 in 1 : vector<8x4096xf32>, vector<8x96256xf32> -> vector<8x100352xf32>
    %add3A_68 = arith.addf %add3A_63, %concatenate3A_67 : vector<8x100352xf32>
    %broadcast_in_dim3A_69 = arith.constant 0.000000e+00 : f32
    %broadcast_in_dim3A_70 = vector.broadcast %broadcast_in_dim3A_69 : f32 to vector<8x8192xf32>
    %slice3A_71 = vector.extract_strided_slice %add3A_68 {offsets = [0, 0], sizes = [8, 92160], strides = [1, 1]} : vector<8x100352xf32> to vector<8x92160xf32>
    %concatenate3A_72 = tpu.concatenate %broadcast_in_dim3A_70, %slice3A_71 in 1 : vector<8x8192xf32>, vector<8x92160xf32> -> vector<8x100352xf32>
    %add3A_73 = arith.addf %add3A_68, %concatenate3A_72 : vector<8x100352xf32>
    %broadcast_in_dim3A_74 = arith.constant 0.000000e+00 : f32
    %broadcast_in_dim3A_75 = vector.broadcast %broadcast_in_dim3A_74 : f32 to vector<8x16384xf32>
    %slice3A_76 = vector.extract_strided_slice %add3A_73 {offsets = [0, 0], sizes = [8, 83968], strides = [1, 1]} : vector<8x100352xf32> to vector<8x83968xf32>
    %concatenate3A_77 = tpu.concatenate %broadcast_in_dim3A_75, %slice3A_76 in 1 : vector<8x16384xf32>, vector<8x83968xf32> -> vector<8x100352xf32>
    %add3A_78 = arith.addf %add3A_73, %concatenate3A_77 : vector<8x100352xf32>
    %broadcast_in_dim3A_79 = arith.constant 0.000000e+00 : f32
    %broadcast_in_dim3A_80 = vector.broadcast %broadcast_in_dim3A_79 : f32 to vector<8x32768xf32>
    %slice3A_81 = vector.extract_strided_slice %add3A_78 {offsets = [0, 0], sizes = [8, 67584], strides = [1, 1]} : vector<8x100352xf32> to vector<8x67584xf32>
    %concatenate3A_82 = tpu.concatenate %broadcast_in_dim3A_80, %slice3A_81 in 1 : vector<8x32768xf32>, vector<8x67584xf32> -> vector<8x100352xf32>
    %add3A_83 = arith.addf %add3A_78, %concatenate3A_82 : vector<8x100352xf32>
    %broadcast_in_dim3A_84 = arith.constant 0.000000e+00 : f32
    %broadcast_in_dim3A_85 = vector.broadcast %broadcast_in_dim3A_84 : f32 to vector<8x65536xf32>
    %slice3A_86 = vector.extract_strided_slice %add3A_83 {offsets = [0, 0], sizes = [8, 34816], strides = [1, 1]} : vector<8x100352xf32> to vector<8x34816xf32>
    %concatenate3A_87 = tpu.concatenate %broadcast_in_dim3A_85, %slice3A_86 in 1 : vector<8x65536xf32>, vector<8x34816xf32> -> vector<8x100352xf32>
    %add3A_88 = arith.addf %add3A_83, %concatenate3A_87 : vector<8x100352xf32>
    %slice3A_89 = vector.extract_strided_slice %add3A_88 {offsets = [0, 100351], sizes = [8, 1], strides = [1, 1]} : vector<8x100352xf32> to vector<8x1xf32>
    %sub3A = vector.broadcast %slice3A_89 : vector<8x1xf32> to vector<8x100352xf32>
    %sub3A_90 = arith.subf %sub3A, %add3A_88 : vector<8x100352xf32>
    %add3A_91 = arith.addf %sub3A_90, %get3A_1 : vector<8x100352xf32>
    %le3A = arith.constant 0.899999976 : f32
    %le3A_92 = vector.broadcast %le3A : f32 to vector<8x100352xf32>
    %le3A_93 = arith.cmpf ole, %add3A_91, %le3A_92 : vector<8x100352xf32>
    %gt3A = arith.constant 0.000000e+00 : f32
    %gt3A_94 = vector.broadcast %gt3A : f32 to vector<8x100352xf32>
    %gt3A_95 = arith.cmpf ogt, %get3A_1, %gt3A_94 : vector<8x100352xf32>
    %and3A = arith.andi %le3A_93, %gt3A_95 : vector<8x100352xi1>
    %jit3A = arith.constant 0.000000e+00 : f32
    %broadcast_in_dim3A_96 = vector.broadcast %jit3A : f32 to vector<8x100352xf32>
    %select_n3A = arith.select %and3A, %get3A_1, %broadcast_in_dim3A_96 : vector<8x100352xi1>, vector<8x100352xf32>
    %reduce_sum3A = arith.constant dense<0.000000e+00> : vector<8xf32>
    %reduce_sum3A_97 = vector.multi_reduction <add>, %select_n3A, %reduce_sum3A [1] : vector<8x100352xf32> to vector<8xf32>
    %broadcast_in_dim3A_98 = vector.shape_cast %reduce_sum3A_97 : vector<8xf32> to vector<8x1xf32>
    %div3A = arith.constant 1.000000e+00 : f32
    %div3A_99 = vector.broadcast %div3A : f32 to vector<8x1xf32>
    %div3A_100 = arith.divf %div3A_99, %broadcast_in_dim3A_98 : vector<8x1xf32>
    %mul3A = vector.broadcast %div3A_100 : vector<8x1xf32> to vector<8x100352xf32>
    %mul3A_101 = arith.mulf %get3A_1, %mul3A : vector<8x100352xf32>
    %jit3A_102 = arith.constant 0.000000e+00 : f32
    %broadcast_in_dim3A_103 = vector.broadcast %jit3A_102 : f32 to vector<8x100352xf32>
    %select_n3A_104 = arith.select %and3A, %mul3A_101, %broadcast_in_dim3A_103 : vector<8x100352xi1>, vector<8x100352xf32>
    %add3A_105 = arith.constant 1.000000e-30 : f32
    %add3A_106 = vector.broadcast %add3A_105 : f32 to vector<8x100352xf32>
    %add3A_107 = arith.addf %select_n3A_104, %add3A_106 : vector<8x100352xf32>
    %log3A = math.log %add3A_107 : vector<8x100352xf32>
    %add3A_108 = arith.addf %log3A, %get3A_7 : vector<8x100352xf32>
    %reduce_max3A = arith.constant dense<0xFF800000> : vector<8xf32>
    %reduce_max3A_109 = vector.multi_reduction <maximumf>, %add3A_108, %reduce_max3A [1] : vector<8x100352xf32> to vector<8xf32>
    %broadcast_in_dim3A_110 = vector.shape_cast %reduce_max3A_109 : vector<8xf32> to vector<8x1xf32>
    %eq3A = vector.broadcast %broadcast_in_dim3A_110 : vector<8x1xf32> to vector<8x100352xf32>
    %eq3A_111 = arith.cmpf oeq, %add3A_108, %eq3A : vector<8x100352xf32>
    %jit3A_112 = arith.constant -1 : i32
    %broadcast_in_dim3A_113 = vector.broadcast %jit3A_112 : i32 to vector<8x100352xi32>
    %select_n3A_114 = arith.select %eq3A_111, %iota3A, %broadcast_in_dim3A_113 : vector<8x100352xi1>, vector<8x100352xi32>
    %reduce_max3A_115 = arith.constant dense<-2147483648> : vector<8xi32>
    %reduce_max3A_116 = vector.multi_reduction <maxsi>, %select_n3A_114, %reduce_max3A_115 [1] : vector<8x100352xi32> to vector<8xi32>
    %broadcast_in_dim3A_117 = vector.shape_cast %reduce_max3A_116 : vector<8xi32> to vector<8x1xi32>
    %sub3A_118 = arith.constant 100351 : i32
    %sub3A_119 = vector.broadcast %sub3A_118 : i32 to vector<8x1xi32>
    %sub3A_120 = arith.subi %sub3A_119, %broadcast_in_dim3A_117 : vector<8x1xi32>
    %eq3A_121 = vector.broadcast %broadcast_in_dim3A_117 : vector<8x1xi32> to vector<8x100352xi32>
    %eq3A_122 = arith.cmpi eq, %iota3A, %eq3A_121 : vector<8x100352xi32>
    %jit3A_123 = arith.constant 0.000000e+00 : f32
    %broadcast_in_dim3A_124 = vector.broadcast %jit3A_123 : f32 to vector<8x100352xf32>
    %select_n3A_125 = arith.select %eq3A_122, %get3A_1, %broadcast_in_dim3A_124 : vector<8x100352xi1>, vector<8x100352xf32>
    %reduce_sum3A_126 = arith.constant dense<0.000000e+00> : vector<8xf32>
    %reduce_sum3A_127 = vector.multi_reduction <add>, %select_n3A_125, %reduce_sum3A_126 [1] : vector<8x100352xf32> to vector<8xf32>
    %broadcast_in_dim3A_128 = vector.shape_cast %reduce_sum3A_127 : vector<8xf32> to vector<8x1xf32>
    %gt3A_129 = vector.broadcast %broadcast_in_dim3A_128 : vector<8x1xf32> to vector<8x100352xf32>
    %gt3A_130 = arith.cmpf ogt, %get3A_4, %gt3A_129 : vector<8x100352xf32>
    %jit3A_131 = arith.constant 1 : i32
    %jit3A_132 = arith.constant 0 : i32
    %broadcast_in_dim3A_133 = vector.broadcast %jit3A_131 : i32 to vector<8x100352xi32>
    %broadcast_in_dim3A_134 = vector.broadcast %jit3A_132 : i32 to vector<8x100352xi32>
    %select_n3A_135 = arith.select %gt3A_130, %broadcast_in_dim3A_133, %broadcast_in_dim3A_134 : vector<8x100352xi1>, vector<8x100352xi32>
    %reduce_sum3A_136 = arith.constant dense<0> : vector<8xi32>
    %reduce_sum3A_137 = vector.multi_reduction <add>, %select_n3A_135, %reduce_sum3A_136 [1] : vector<8x100352xi32> to vector<8xi32>
    %broadcast_in_dim3A_138 = vector.shape_cast %reduce_sum3A_137 : vector<8xi32> to vector<8x1xi32>
    %sub3A_139 = arith.subi %sub3A_120, %broadcast_in_dim3A_138 : vector<8x1xi32>
    %eq3A_140 = vector.broadcast %broadcast_in_dim3A_128 : vector<8x1xf32> to vector<8x100352xf32>
    %eq3A_141 = arith.cmpf oeq, %get3A_4, %eq3A_140 : vector<8x100352xf32>
    %jit3A_142 = arith.constant 1 : i32
    %jit3A_143 = arith.constant 0 : i32
    %broadcast_in_dim3A_144 = vector.broadcast %jit3A_142 : i32 to vector<8x100352xi32>
    %broadcast_in_dim3A_145 = vector.broadcast %jit3A_143 : i32 to vector<8x100352xi32>
    %select_n3A_146 = arith.select %eq3A_141, %broadcast_in_dim3A_144, %broadcast_in_dim3A_145 : vector<8x100352xi1>, vector<8x100352xi32>
    %broadcast_in_dim3A_147 = arith.constant 0 : i32
    %broadcast_in_dim3A_148 = vector.broadcast %broadcast_in_dim3A_147 : i32 to vector<8x1xi32>
    %slice3A_149 = vector.extract_strided_slice %select_n3A_146 {offsets = [0, 0], sizes = [8, 100351], strides = [1, 1]} : vector<8x100352xi32> to vector<8x100351xi32>
    %concatenate3A_150 = tpu.concatenate %broadcast_in_dim3A_148, %slice3A_149 in 1 : vector<8x1xi32>, vector<8x100351xi32> -> vector<8x100352xi32>
    %add3A_151 = arith.addi %select_n3A_146, %concatenate3A_150 : vector<8x100352xi32>
    %broadcast_in_dim3A_152 = arith.constant 0 : i32
    %broadcast_in_dim3A_153 = vector.broadcast %broadcast_in_dim3A_152 : i32 to vector<8x2xi32>
    %slice3A_154 = vector.extract_strided_slice %add3A_151 {offsets = [0, 0], sizes = [8, 100350], strides = [1, 1]} : vector<8x100352xi32> to vector<8x100350xi32>
    %concatenate3A_155 = tpu.concatenate %broadcast_in_dim3A_153, %slice3A_154 in 1 : vector<8x2xi32>, vector<8x100350xi32> -> vector<8x100352xi32>
    %add3A_156 = arith.addi %add3A_151, %concatenate3A_155 : vector<8x100352xi32>
    %broadcast_in_dim3A_157 = arith.constant 0 : i32
    %broadcast_in_dim3A_158 = vector.broadcast %broadcast_in_dim3A_157 : i32 to vector<8x4xi32>
    %slice3A_159 = vector.extract_strided_slice %add3A_156 {offsets = [0, 0], sizes = [8, 100348], strides = [1, 1]} : vector<8x100352xi32> to vector<8x100348xi32>
    %concatenate3A_160 = tpu.concatenate %broadcast_in_dim3A_158, %slice3A_159 in 1 : vector<8x4xi32>, vector<8x100348xi32> -> vector<8x100352xi32>
    %add3A_161 = arith.addi %add3A_156, %concatenate3A_160 : vector<8x100352xi32>
    %broadcast_in_dim3A_162 = arith.constant 0 : i32
    %broadcast_in_dim3A_163 = vector.broadcast %broadcast_in_dim3A_162 : i32 to vector<8x8xi32>
    %slice3A_164 = vector.extract_strided_slice %add3A_161 {offsets = [0, 0], sizes = [8, 100344], strides = [1, 1]} : vector<8x100352xi32> to vector<8x100344xi32>
    %concatenate3A_165 = tpu.concatenate %broadcast_in_dim3A_163, %slice3A_164 in 1 : vector<8x8xi32>, vector<8x100344xi32> -> vector<8x100352xi32>
    %add3A_166 = arith.addi %add3A_161, %concatenate3A_165 : vector<8x100352xi32>
    %broadcast_in_dim3A_167 = arith.constant 0 : i32
    %broadcast_in_dim3A_168 = vector.broadcast %broadcast_in_dim3A_167 : i32 to vector<8x16xi32>
    %slice3A_169 = vector.extract_strided_slice %add3A_166 {offsets = [0, 0], sizes = [8, 100336], strides = [1, 1]} : vector<8x100352xi32> to vector<8x100336xi32>
    %concatenate3A_170 = tpu.concatenate %broadcast_in_dim3A_168, %slice3A_169 in 1 : vector<8x16xi32>, vector<8x100336xi32> -> vector<8x100352xi32>
    %add3A_171 = arith.addi %add3A_166, %concatenate3A_170 : vector<8x100352xi32>
    %broadcast_in_dim3A_172 = arith.constant 0 : i32
    %broadcast_in_dim3A_173 = vector.broadcast %broadcast_in_dim3A_172 : i32 to vector<8x32xi32>
    %slice3A_174 = vector.extract_strided_slice %add3A_171 {offsets = [0, 0], sizes = [8, 100320], strides = [1, 1]} : vector<8x100352xi32> to vector<8x100320xi32>
    %concatenate3A_175 = tpu.concatenate %broadcast_in_dim3A_173, %slice3A_174 in 1 : vector<8x32xi32>, vector<8x100320xi32> -> vector<8x100352xi32>
    %add3A_176 = arith.addi %add3A_171, %concatenate3A_175 : vector<8x100352xi32>
    %broadcast_in_dim3A_177 = arith.constant 0 : i32
    %broadcast_in_dim3A_178 = vector.broadcast %broadcast_in_dim3A_177 : i32 to vector<8x64xi32>
    %slice3A_179 = vector.extract_strided_slice %add3A_176 {offsets = [0, 0], sizes = [8, 100288], strides = [1, 1]} : vector<8x100352xi32> to vector<8x100288xi32>
    %concatenate3A_180 = tpu.concatenate %broadcast_in_dim3A_178, %slice3A_179 in 1 : vector<8x64xi32>, vector<8x100288xi32> -> vector<8x100352xi32>
    %add3A_181 = arith.addi %add3A_176, %concatenate3A_180 : vector<8x100352xi32>
    %broadcast_in_dim3A_182 = arith.constant 0 : i32
    %broadcast_in_dim3A_183 = vector.broadcast %broadcast_in_dim3A_182 : i32 to vector<8x128xi32>
    %slice3A_184 = vector.extract_strided_slice %add3A_181 {offsets = [0, 0], sizes = [8, 100224], strides = [1, 1]} : vector<8x100352xi32> to vector<8x100224xi32>
    %concatenate3A_185 = tpu.concatenate %broadcast_in_dim3A_183, %slice3A_184 in 1 : vector<8x128xi32>, vector<8x100224xi32> -> vector<8x100352xi32>
    %add3A_186 = arith.addi %add3A_181, %concatenate3A_185 : vector<8x100352xi32>
    %broadcast_in_dim3A_187 = arith.constant 0 : i32
    %broadcast_in_dim3A_188 = vector.broadcast %broadcast_in_dim3A_187 : i32 to vector<8x256xi32>
    %slice3A_189 = vector.extract_strided_slice %add3A_186 {offsets = [0, 0], sizes = [8, 100096], strides = [1, 1]} : vector<8x100352xi32> to vector<8x100096xi32>
    %concatenate3A_190 = tpu.concatenate %broadcast_in_dim3A_188, %slice3A_189 in 1 : vector<8x256xi32>, vector<8x100096xi32> -> vector<8x100352xi32>
    %add3A_191 = arith.addi %add3A_186, %concatenate3A_190 : vector<8x100352xi32>
    %broadcast_in_dim3A_192 = arith.constant 0 : i32
    %broadcast_in_dim3A_193 = vector.broadcast %broadcast_in_dim3A_192 : i32 to vector<8x512xi32>
    %slice3A_194 = vector.extract_strided_slice %add3A_191 {offsets = [0, 0], sizes = [8, 99840], strides = [1, 1]} : vector<8x100352xi32> to vector<8x99840xi32>
    %concatenate3A_195 = tpu.concatenate %broadcast_in_dim3A_193, %slice3A_194 in 1 : vector<8x512xi32>, vector<8x99840xi32> -> vector<8x100352xi32>
    %add3A_196 = arith.addi %add3A_191, %concatenate3A_195 : vector<8x100352xi32>
    %broadcast_in_dim3A_197 = arith.constant 0 : i32
    %broadcast_in_dim3A_198 = vector.broadcast %broadcast_in_dim3A_197 : i32 to vector<8x1024xi32>
    %slice3A_199 = vector.extract_strided_slice %add3A_196 {offsets = [0, 0], sizes = [8, 99328], strides = [1, 1]} : vector<8x100352xi32> to vector<8x99328xi32>
    %concatenate3A_200 = tpu.concatenate %broadcast_in_dim3A_198, %slice3A_199 in 1 : vector<8x1024xi32>, vector<8x99328xi32> -> vector<8x100352xi32>
    %add3A_201 = arith.addi %add3A_196, %concatenate3A_200 : vector<8x100352xi32>
    %broadcast_in_dim3A_202 = arith.constant 0 : i32
    %broadcast_in_dim3A_203 = vector.broadcast %broadcast_in_dim3A_202 : i32 to vector<8x2048xi32>
    %slice3A_204 = vector.extract_strided_slice %add3A_201 {offsets = [0, 0], sizes = [8, 98304], strides = [1, 1]} : vector<8x100352xi32> to vector<8x98304xi32>
    %concatenate3A_205 = tpu.concatenate %broadcast_in_dim3A_203, %slice3A_204 in 1 : vector<8x2048xi32>, vector<8x98304xi32> -> vector<8x100352xi32>
    %add3A_206 = arith.addi %add3A_201, %concatenate3A_205 : vector<8x100352xi32>
    %broadcast_in_dim3A_207 = arith.constant 0 : i32
    %broadcast_in_dim3A_208 = vector.broadcast %broadcast_in_dim3A_207 : i32 to vector<8x4096xi32>
    %slice3A_209 = vector.extract_strided_slice %add3A_206 {offsets = [0, 0], sizes = [8, 96256], strides = [1, 1]} : vector<8x100352xi32> to vector<8x96256xi32>
    %concatenate3A_210 = tpu.concatenate %broadcast_in_dim3A_208, %slice3A_209 in 1 : vector<8x4096xi32>, vector<8x96256xi32> -> vector<8x100352xi32>
    %add3A_211 = arith.addi %add3A_206, %concatenate3A_210 : vector<8x100352xi32>
    %broadcast_in_dim3A_212 = arith.constant 0 : i32
    %broadcast_in_dim3A_213 = vector.broadcast %broadcast_in_dim3A_212 : i32 to vector<8x8192xi32>
    %slice3A_214 = vector.extract_strided_slice %add3A_211 {offsets = [0, 0], sizes = [8, 92160], strides = [1, 1]} : vector<8x100352xi32> to vector<8x92160xi32>
    %concatenate3A_215 = tpu.concatenate %broadcast_in_dim3A_213, %slice3A_214 in 1 : vector<8x8192xi32>, vector<8x92160xi32> -> vector<8x100352xi32>
    %add3A_216 = arith.addi %add3A_211, %concatenate3A_215 : vector<8x100352xi32>
    %broadcast_in_dim3A_217 = arith.constant 0 : i32
    %broadcast_in_dim3A_218 = vector.broadcast %broadcast_in_dim3A_217 : i32 to vector<8x16384xi32>
    %slice3A_219 = vector.extract_strided_slice %add3A_216 {offsets = [0, 0], sizes = [8, 83968], strides = [1, 1]} : vector<8x100352xi32> to vector<8x83968xi32>
    %concatenate3A_220 = tpu.concatenate %broadcast_in_dim3A_218, %slice3A_219 in 1 : vector<8x16384xi32>, vector<8x83968xi32> -> vector<8x100352xi32>
    %add3A_221 = arith.addi %add3A_216, %concatenate3A_220 : vector<8x100352xi32>
    %broadcast_in_dim3A_222 = arith.constant 0 : i32
    %broadcast_in_dim3A_223 = vector.broadcast %broadcast_in_dim3A_222 : i32 to vector<8x32768xi32>
    %slice3A_224 = vector.extract_strided_slice %add3A_221 {offsets = [0, 0], sizes = [8, 67584], strides = [1, 1]} : vector<8x100352xi32> to vector<8x67584xi32>
    %concatenate3A_225 = tpu.concatenate %broadcast_in_dim3A_223, %slice3A_224 in 1 : vector<8x32768xi32>, vector<8x67584xi32> -> vector<8x100352xi32>
    %add3A_226 = arith.addi %add3A_221, %concatenate3A_225 : vector<8x100352xi32>
    %broadcast_in_dim3A_227 = arith.constant 0 : i32
    %broadcast_in_dim3A_228 = vector.broadcast %broadcast_in_dim3A_227 : i32 to vector<8x65536xi32>
    %slice3A_229 = vector.extract_strided_slice %add3A_226 {offsets = [0, 0], sizes = [8, 34816], strides = [1, 1]} : vector<8x100352xi32> to vector<8x34816xi32>
    %concatenate3A_230 = tpu.concatenate %broadcast_in_dim3A_228, %slice3A_229 in 1 : vector<8x65536xi32>, vector<8x34816xi32> -> vector<8x100352xi32>
    %add3A_231 = arith.addi %add3A_226, %concatenate3A_230 : vector<8x100352xi32>
    %add3A_232 = arith.constant 1 : i32
    %add3A_233 = vector.broadcast %add3A_232 : i32 to vector<8x1xi32>
    %add3A_234 = arith.addi %sub3A_139, %add3A_233 : vector<8x1xi32>
    %eq3A_235 = vector.broadcast %add3A_234 : vector<8x1xi32> to vector<8x100352xi32>
    %eq3A_236 = arith.cmpi eq, %add3A_231, %eq3A_235 : vector<8x100352xi32>
    %and3A_237 = arith.andi %eq3A_141, %eq3A_236 : vector<8x100352xi1>
    %jit3A_238 = arith.constant 100352 : i32
    %broadcast_in_dim3A_239 = vector.broadcast %jit3A_238 : i32 to vector<8x100352xi32>
    %select_n3A_240 = arith.select %and3A_237, %iota3A, %broadcast_in_dim3A_239 : vector<8x100352xi1>, vector<8x100352xi32>
    %reduce_min3A = arith.constant dense<2147483647> : vector<8xi32>
    %reduce_min3A_241 = vector.multi_reduction <minsi>, %select_n3A_240, %reduce_min3A [1] : vector<8x100352xi32> to vector<8xi32>
    %broadcast_in_dim3A_242 = vector.shape_cast %reduce_min3A_241 : vector<8xi32> to vector<8x1xi32>
    %swap3A = arith.constant 0 : index
    %swap3A_243 = arith.constant 0 : index
    %swap3A_244 = vector.load %arg4[%swap3A, %swap3A_243] : memref<8x1xi32, #tpu.memory_space<vmem>>, vector<8x1xi32>
    tpu.vector_store %arg4[%swap3A, %swap3A_243], %broadcast_in_dim3A_242 {strides = array<i32>} : memref<8x1xi32, #tpu.memory_space<vmem>>, vector<8x1xi32>,
    return
  }
  func.func @transform_0(%arg0: i32) -> (i32, i32) {
    %c0_i32 = arith.constant 0 : i32
    %c0_i32_0 = arith.constant 0 : i32
    return %arg0, %c0_i32 : i32, i32
  }
  func.func @transform_1(%arg0: i32) -> (i32, i32) {
    %c0_i32 = arith.constant 0 : i32
    %c0_i32_0 = arith.constant 0 : i32
    return %arg0, %c0_i32 : i32, i32
  }
  func.func @transform_2(%arg0: i32) -> (i32, i32) {
    %c0_i32 = arith.constant 0 : i32
    %c0_i32_0 = arith.constant 0 : i32
    return %arg0, %c0_i32 : i32, i32
  }
  func.func @transform_3(%arg0: i32) -> (i32, i32) {
    %c0_i32 = arith.constant 0 : i32
    %c0_i32_0 = arith.constant 0 : i32
    return %arg0, %c0_i32 : i32, i32
  }
}

</mosaic_0001>

<sc_bundles>
// kernel: kernel.16.cloned.1.call-start
scs
__scs_entry_jumppad:
0x0: {  	(pc) =	sbr.rel $0x88, $3  }
0x1: {  	(tag) =	ssettag $0x0;
	lr =	simm.s32 $0x1  }
0x2: {  	[smem:$0x3FA0] =	sst lr;
	_ =	strace $0xD0000000  }
0x3: {  	_ = 	snop  }
0x4: {  	_ = 	snop  }
0x5: {  	_ = 	snop  }
0x6: {  	_ = 	snop  }
0x7: {  	_ = 	snop  }
__scs_overlays_trampoline_lowered:
0x8: {  	[smem:$0x3FAF] =	sst s0  }
0x9: {  	[smem:$0x3FB0] =	sst s1  }
0xa: {  	[smem:$0x3FB1] =	sst s2  }
0xb: {  	[smem:$0x3FB2] =	sst s3  }
0xc: {  	[smem:$0x3FB3] =	sst s4  }
0xd: {  	[smem:$0x3FB4] =	sst s5  }
0xe: {  	[smem:$0x3FB5] =	sst s6  }
0xf: {  	[smem:$0x3FB6] =	sst s7  }
0x10: {  	[smem:$0x3FB7] =	sst s8  }
0x11: {  	[smem:$0x3FB8] =	sst s9;
	s0 =	simm.s32 @!p0 $0x0  }
0x12: {  	s1 =	sld [smem:$0x3F9E];
	s0 =	simm.s32 @p0 $0x1  }
0x13: {  	[smem:$0x3FB9] =	sst s0;
	s0 =	simm.s32 @!p1 $0x0  }
0x14: {  	s2 =	sld [smem:$0x3F9D];
	s0 =	simm.s32 @p1 $0x1  }
0x15: {  	[smem:$0x3FBA] =	sst s0;
	s0 =	simm.s32 @!p2 $0x0  }
0x16: {  	s3 =	sld [smem:$0x3FDB];
	s0 =	simm.s32 @p2 $0x1  }
0x17: {  	s4 =	simm.s32 $0x1BF5;
	[smem:$0x3FBC] =	sst s0  }
0x18: {  	s0 =	sld [smem:$0x3F9F];
	_ =	swait.ge [sflag:s4], $0x0  }
0x19: {  	s7 =	sld [smem:$0x3FA0]  }
0x1a: {  	s8 =	sadd.s32 $0xFFFFE003, lr  }
0x1b: {  	s9 =	sadd.s32 $0xFFFFFEF7, lr;
	s5 =	simm.s32 $0xFFFFFFFF;
	p2 =	slt.u32 s8, $0xFFFFF086  }
0x1c: {  	p1 =	slt.u32 s9, $0xF7A;
	s5 =	simm.s32 @!p2 $0x0  }
0x1d: {  	s5 =	simm.s32 @p1 $0x1;
	p0 =	seq.s32 s7, s2  }
0x1e: {  	s7 =	smul.u32 @!p0 $0xF7A, s2;
	p2 =	seq.s32 @!p0 s5, $0x0  }
0x1f: {  	s9 =	smul.u32 $0xF7A, s1;
	s8 =	simm.s32 @!p0 $0x1BF5;
	p2 =	por !p2, p0  }
0x20: {  	[sflag:s8] =	ssyncset.s32 @!p0 $0xFFFFF086;
	s6 =	sadd.s32 @!p0 s3, s7;
	s7 =	simm.s32 @!p0 $0x108  }
0x21: {  	s3 =	sadd.s32 s3, s9;
	s6 =	sadd.s32 @!p0 $0x88, s6;
	s7 =	simm.s32 @p2 $0x1082  }
0x22: {  	[simem:s7], [sflag:s8] =	dma.local @!p0 [hbm:s6], $0xF7A  }
0x23: {  	s9 =	sor.u32 $0xD0000000, s2;
	s6 =	simm.s32 $0x108;
	_ =	swait.ge @!p0 [sflag:s8], $0x0  }
0x24: {  	s3 =	sadd.s32 $0x88, s3;
	s6 =	simm.s32 @!p1 $0x1082;
	[sflag:s4] =	ssyncset.s32 $0xFFFFF086  }
0x25: {  	[simem:s6], [sflag:s4] =	dma.local [hbm:s3], $0xF7A  }
0x26: {  	[smem:$0x3FA0] =	sst s1;
	(tag) =	ssettag s2;
	_ =	strace s9  }
0x27: {  	s1 =	sld [smem:$0x3FB0]  }
0x28: {  	s2 =	sld [smem:$0x3FB1]  }
0x29: {  	s4 =	sld [smem:$0x3FB3]  }
0x2a: {  	p0 =	seq.s32 s5, $0x0;
	s5 =	sld [smem:$0x3FB4]  }
0x2b: {  	s6 =	sld [smem:$0x3FB5]  }
0x2c: {  	s7 =	sld [smem:$0x3FB6]  }
0x2d: {  	s3 =	simm.s32 $0x108;
	s8 =	sld [smem:$0x3FB7]  }
0x2e: {  	s3 =	simm.s32 @!p0 $0x1082;
	s9 =	sld [smem:$0x3FB8]  }
0x2f: {  	lr =	sadd.s32 s0, s3;
	s0 =	sld [smem:$0x3FAF]  }
0x30: {  	s3 =	sld [smem:$0x3FB2]  }
0x31: {  	[smem:$0x3FBB] =	sst s10  }
0x32: {  	s10 =	sld [smem:$0x3FB9];
	_ =	sdelay $0x3  }
0x33: {  	p0 =	seq.s32 s10, $0x1;
	s10 =	sld [smem:$0x3FBB];
	_ =	sdelay $0x3  }
0x34: {  	[smem:$0x3FBB] =	sst s10  }
0x35: {  	s10 =	sld [smem:$0x3FBA];
	_ =	sdelay $0x3  }
0x36: {  	p1 =	seq.s32 s10, $0x1;
	s10 =	sld [smem:$0x3FBB];
	_ =	sdelay $0x3  }
0x37: {  	[smem:$0x3FBB] =	sst s10  }
0x38: {  	s10 =	sld [smem:$0x3FBC]  }
0x39: {  	_ = 	snop;
	(pc) =	sbr.ind lr, $3  }
0x3a: {  	_ = 	snop  }
0x3b: {  	_ = 	snop  }
0x3c: {  	p2 =	seq.s32 s10, $0x1;
	s10 =	sld [smem:$0x3FBB]  }
0x3d: {  	_ =	shalt  }
0x3e: {  	_ =	shalt  }
0x3f: {  	_ =	shalt  }
0x40: {  	_ =	shalt  }
0x41: {  	_ =	shalt  }
0x42: {  	_ =	shalt  }
0x43: {  	_ =	shalt  }
0x44: {  	_ =	shalt  }
0x45: {  	_ =	shalt  }
0x46: {  	_ =	shalt  }
0x47: {  	_ =	shalt  }
0x48: {  	_ =	shalt  }
0x49: {  	_ =	shalt  }
0x4a: {  	_ =	shalt  }
0x4b: {  	_ =	shalt  }
0x4c: {  	_ =	shalt  }
0x4d: {  	_ =	shalt  }
0x4e: {  	_ =	shalt  }
0x4f: {  	_ =	shalt  }
0x50: {  	_ =	shalt  }
0x51: {  	_ =	shalt  }
0x52: {  	_ =	shalt  }
0x53: {  	_ =	shalt  }
0x54: {  	_ =	shalt  }
0x55: {  	_ =	shalt  }
0x56: {  	_ =	shalt  }
0x57: {  	_ =	shalt  }
0x58: {  	_ =	shalt  }
0x59: {  	_ =	shalt  }
0x5a: {  	_ =	shalt  }
0x5b: {  	_ =	shalt  }
0x5c: {  	_ =	shalt  }
0x5d: {  	_ =	shalt  }
0x5e: {  	_ =	shalt  }
0x5f: {  	_ =	shalt  }
0x60: {  	_ =	shalt  }
0x61: {  	_ =	shalt  }
0x62: {  	_ =	shalt  }
0x63: {  	_ =	shalt  }
0x64: {  	_ =	shalt  }
0x65: {  	_ =	shalt  }
0x66: {  	_ =	shalt  }
0x67: {  	_ =	shalt  }
0x68: {  	_ =	shalt  }
0x69: {  	_ =	shalt  }
0x6a: {  	_ =	shalt  }
0x6b: {  	_ =	shalt  }
0x6c: {  	_ =	shalt  }
0x6d: {  	_ =	shalt  }
0x6e: {  	_ =	shalt  }
0x6f: {  	_ =	shalt  }
0x70: {  	_ =	shalt  }
0x71: {  	_ =	shalt  }
0x72: {  	_ =	shalt  }
0x73: {  	_ =	shalt  }
0x74: {  	_ =	shalt  }
0x75: {  	_ =	shalt  }
0x76: {  	_ =	shalt  }
0x77: {  	_ =	shalt  }
0x78: {  	_ =	shalt  }
0x79: {  	_ =	shalt  }
0x7a: {  	_ =	shalt  }
0x7b: {  	_ =	shalt  }
0x7c: {  	_ =	shalt  }
0x7d: {  	_ =	shalt  }
0x7e: {  	_ =	shalt  }
0x7f: {  	_ =	shalt  }
0x80: {  	_ =	shalt  }
0x81: {  	_ =	shalt  }
0x82: {  	_ =	shalt  }
0x83: {  	_ =	shalt  }
0x84: {  	_ =	shalt  }
0x85: {  	_ =	shalt  }
0x86: {  	_ =	shalt  }
0x87: {  	_ =	shalt  }
.Lfunc_end0:
.L_simem_size_0:
called_computation_lowered:
.L_overlay_start_0:
0x88: {  	s2 =	sld [smem:$0x3FD9]  }
0x89: {  	s3 =	sld [smem:$0x3FFE];
	_ =	sdelay $0x1  }
0x8a: {  	s1 =	srdreg.scid  }
0x8b: {  	s0 =	sand.u32 $0x1, s1  }
0x8c: {  	s17 =	sshll.u32 s0, $0xA;
	s2 =	sadd.s32 s3, s2  }
0x8d: {  	s2 =	sadd.s32 s2, s17  }
0x8e: {  	[smem:$0x3FC7] =	sst s2  }
0x8f: {  	_ = 	snop  }
0x90: {  	(tm) =	ssettm $0x1  }
0x91: {  	s18 =	sld [smem:$0x3FFB];
	_ =	sdelay $0x3  }
0x92: {  	_ =	strace s18  }
0x93: {  	s2 =	sld [smem:$0x3FFC];
	_ =	sdelay $0x3  }
0x94: {  	_ =	strace s2  }
0x95: {  	s2 =	sld [smem:$0x3FFD];
	_ =	sdelay $0x3  }
0x96: {  	_ =	strace s2  }
0x97: {  	_ =	strace $0x8FFFFFFF  }
0x98: {  	s19 =	sld [smem:$0x3FDB];
	_ =	sdelay $0x1  }
0x99: {  	s20 =	simm.s32 $_scs_section_size  }
0x9a: {  	s4 =	simm.s32 $_size__tile_overlayer_lowered;
	s5 =	simm.s32 $_tile_overlayer_lowered  }
0x9b: {  	s6 =	simm.s32 $0x1BFF;
	s21 =	sshll.u32 s5, $0x1;
	s3 =	sadd.s32 s20, s19  }
0x9c: {  	s22 =	simm.s32 $0x0;
	s4 =	sshll.u32 s4, $0x1;
	s5 =	sadd.s32 s21, s3  }
0x9d: {  	[timem:s22], [sflag:s6] =	dma.local [hbm:s5], s4  }
0x9e: {  	_ =	swait.ge [sflag:s6], s4  }
0x9f: {  	s4 =	ssub.s32 $0x0, s4;
	[sflag:s6] =	ssyncset.done $0x0  }
0xa0: {  	[sflag:s6] =	ssyncadd.s32 s4;
	_ =	sdelay $0x1  }
0xa1: {  	s23 =	simm.s32 $0x1B8B  }
0xa2: {  	_ =	swait.ge [sflag:s23], $0x1  }
0xa3: {  	[sflag:s23] =	ssyncset.done $0x0  }
0xa4: {  	[sflag:s23] =	ssyncadd.s32 $0xFFFFFFFF  }
0xa5: {  	s4 =	sld [smem:$0x0]  }
0xa6: {  	s5 =	sand.u32 $0xFFFFFFFE, s1  }
0xa7: {  	p0 =	sne.s32 s1, s5  }
0xa8: {  	s5 =	sshll.u32 @p0 s5, $0xE  }
0xa9: {  	s5 =	sadd.s32 @p0 $0x11B8D, s5;
	s6 =	sshll.u32 @p0 s4, $0x11  }
0xaa: {  	s5 =	sor.u32 @p0 s6, s5  }
0xab: {  	[sflag:s5] =	ssyncadd.remote.s32 @p0 $0x1;
	_ =	sdelay $0x1  }
0xac: {  	s5 =	simm.s32 @p0 $0x1B8D  }
0xad: {  	_ =	swait.eq @p0 [sflag:s5], $0x1  }
0xae: {  	[sflag:s5] =	ssyncadd.s32 @p0 $0xFFFFFFFF  }
0xaf: {  	s6 =	sshll.u32 @!p0 s1, $0xE  }
0xb0: {  	s6 =	sor.u32 @!p0 $0x4000, s6;
	s5 =	simm.s32 @!p0 $0x1B8D  }
0xb1: {  	s4 =	sshll.u32 @!p0 s4, $0x11;
	s6 =	sadd.s32 @!p0 $0x11B8D, s6;
	_ =	swait.eq @!p0 [sflag:s5], $0x1  }
0xb2: {  	s4 =	sor.u32 @!p0 s4, s6;
	[sflag:s5] =	ssyncadd.s32 @!p0 $0xFFFFFFFF  }
0xb3: {  	s25 =	simm.s32 $0x1B8E;
	s24 =	sld [smem:$0x3FFE];
	[sflag:s4] =	ssyncadd.remote.s32 @!p0 $0x1  }
0xb4: {  	s26 =	simm.s32 $execute0_lowered;
	[smem:$0x3FD2] =	sst s25  }
0xb5: {  	s5 =	sshll.u32 s26, $0x1;
	_ =	strace $0x8000004F;
	[dreg:$0x1] =	wrdreg $0xFFFFFFFF  }
0xb6: {  	s28 =	simm.s32 $_size_execute0_lowered;
	s3 =	sadd.s32 s3, s5;
	[dreg:$0x0] =	wrdreg $0x0  }
0xb7: {  	s5 =	sshll.u32 s28, $0x1;
	[dreg:$0x2] =	wrdreg s3  }
0xb8: {  	[dreg:$0x3] =	wrdreg s5  }
0xb9: {  	[dreg:$0x4] =	wrdreg $0xC0  }
0xba: {  	_ =	task [dreg:s22], $0x5FFFF  }
0xbb: {  	[dreg:$0x1] =	wrdreg $0xFFFFFFFF  }
0xbc: {  	[dreg:$0x0] =	wrdreg $0x60  }
0xbd: {  	[dreg:$0x2] =	wrdreg s24  }
0xbe: {  	[dreg:$0x3] =	wrdreg $0x9  }
0xbf: {  	_ =	task.clear_ibuf [dreg:s22], $0x4FFFF;
	_ =	strace $0x9000004F  }
0xc0: {  	s29 =	simm.s32 $0x9;
	_ =	strace $0x80000051  }
0xc1: {  	_ =	swait.ge [sflag:s29], $0x1  }
0xc2: {  	[sflag:s29] =	ssyncadd.s32 $0xFFFFFFFF  }
0xc3: {  	_ =	strace $0x90000051  }
0xc4: {  	_ =	sfence  }
0xc5: {  	s30 =	sld [smem:$0x0];
	_ =	sdelay $0x2  }
0xc6: {  	s31 =	sshll.u32 s1, $0xD;
	s1 =	sshrl.u32 s1, $0x2  }
0xc7: {  	s4 =	sand.u32 $0x4000, s31;
	s1 =	sadd.s32 s1, s30  }
0xc8: {  	s0 =	sor.u32 s4, s0;
	s1 =	sshll.u32 s1, $0x11  }
0xc9: {  	s0 =	sor.u32 s1, s0  }
0xca: {  	s0 =	sadd.s32 $0x8F2B, s0  }
0xcb: {  	[sflag:s0] =	ssyncadd.remote.s32 $0x1  }
0xcc: {  	_ =	sfence.sel $0xFFFF  }
0xcd: {  	[dreg:$0x0] =	wrdreg $0xFFFFFFFF;
	(pc) =	sbr.abs _section_cstart, $3  }
0xce: {  	[dreg:$0x1] =	wrdreg $0xFFFFFFFF  }
0xcf: {  	_ =	task.clear_ibuf [dreg:s22], $0x2FFFF;
	_ =	strace $0x9FFFFFFF  }
0xd0: {  	(tm) =	ssettm $0x7FFFFFFF  }
0xd1: {  	_ =	shalt  }
tec
execute0_lowered:
.L_overlay_start_1:
0x0: {  	(tag) =	ssettag $0x1  }
0x1: {  	s0 =	srdreg.scid  }
0x2: {  	s5 =	rddreg [dreg:$0x0];
	s1 =	stileid.u32;
	s2 =	simm.s32 $0x0  }
0x3: {  	s13 =	simm.s32 $0x400;
	s14 =	simm.s32 $0x18800;
	s15 =	simm.s32 $0x1  }
0x4: {  	s16 =	simm.s32 $0x1A080;
	s17 =	simm.s32 $0x1C100;
	s4 =	sand.u32 $0x1, s0  }
0x5: {  	s18 =	simm.s32 $0x1B900;
	s19 =	simm.s32 $0x2;
	s3 =	sshll.u32 s4, $0x4  }
0x6: {  	s20 =	simm.s32 $0x0;
	s0 =	rddreg [dreg:$0x1];
	s3 =	sor.u32 s1, s3  }
0x7: {  	[smem:$0x7FF] =	sst s2;
	s7 =	sshll.u32 s1, $0x7;
	s3 =	sshrl.u32 s3, $0x3  }
0x8: {  	_ =	strace $0x80000050;
	s8 =	ssub.s32 $0x2, s4;
	s6 =	smul.u32 $0xC4000, s3  }
0x9: {  	s7 =	sand.u32 $0x380, s7;
	s4 =	sadd.s32 $0x43AA00, s5;
	s9 =	sshrl.u32 s8, $0x1  }
0xa: {  	s11 =	ssub.s32 s8, s9;
	s3 =	sadd.s32 $0x376A00, s5;
	s10 =	sor.u32 s7, s6  }
0xb: {  	s5 =	sadd.s32 $0x3D8A00, s5;
	s11 =	smax.u32 s11, $0x1;
	s12 =	sshrl.u32 s10, $0x3  }
0xc: {  	s7 =	sadd.s32 $0xC400, s10;
	s8 =	sadd.s32 $0x18800, s10;
	s6 =	sadd.s32 s3, s12  }
0xd: {  	v0 =	vimm.s32 $0x0;
	s9 =	sadd.s32 s5, s12;
	s10 =	sadd.s32 s4, s12;
	s12 =	simm.s32 $0x80  }
.LBB2_1:
0xe: {  	s21 =	simm.s32 $0x40;
	s22 =	simm.s32 $0x0  }
.LBB2_2:
0xf: {  	p0 =	sne.s32 s21, $0x1FC0;
	[tilespmem:s22+$0x1C100] =	vst v0;
	s22 =	smov.u32 s21;
	s21 =	sadd.s32 $0x40, s21  }
.Ltmp0:
0x10: {  	(pc) =	sbr.rel @p0 .LBB2_2-.Ltmp0, $2  }
0x11: {  	_ =	sdelay $0x2  }
0x12: {  	s22 =	sshra.s32 s22, $0x2  }
0x13: {  	[tilespmem:s22+$0x1C100] =	vst v0;
	s21 =	simm.s32 $0x0  }
0x14: {  	[tilespmem:s14], [sflag:$0x1] =	stream.strided.gather [hbm4b:s6+s12], $0x1880, s13, s12, $0x38;
	[tilespmem:$0x1C900] =	vst v63  }
.LBB2_4:
0x15: {  	s22 =	smul.u32 $0x18800, s21;
	_ =	sdelay $0x1  }
0x16: {  	_ =	swait.ge [sflag:s15], $0x1880;
	s23 =	sadd.s32 s22, s7  }
0x17: {  	[sflag:s15] =	ssyncset.done $0x0;
	s23 =	sshrl.u32 s23, $0x3  }
0x18: {  	[sflag:s15] =	ssyncadd.s32 $0xFFFFE780;
	s23 =	sadd.s32 s3, s23  }
0x19: {  	[tilespmem:s16], [sflag:$0x1] =	stream.strided.gather [hbm4b:s23+s12], $0x1880, s13, s12, $0x38;
	[tilespmem:$0x1C900] =	vst v63  }
0x1a: {  	s24 =	simm.s32 $0x0;
	s23 =	simm.s32 $0x40  }
.LBB2_5:
0x1b: {  	p0 =	sne.s32 s23, $0x61C0;
	v1 =	vld [tilespmem:s24+$0x18800];
	_ =	sdelay $0x4  }
0x1c: {  	v1 =	vand.u32 $0x7FF, v1  }
0x1d: {  	(xrf1) =	vunique.msk.u32 $0xffff, v1;
	_ =	sdelay $0xd  }
0x1e: {  	_, v2, vm0 =	vpop (xrf1);
	_ =	sdelay $0x1  }
.Ltmp1:
0x1f: {  	(pc) =	sbr.rel @p0 .LBB2_5-.Ltmp1, $2  }
0x20: {  	_ =	sdelay $0x2  }
0x21: {  	s24 =	sshra.s32 s23, $0x2;
	s23 =	sadd.s32 $0x40, s23;
	[tilespmem:v1+s17+$0x0] =	vst.idx.add.s32.msk vm0, v2  }
0x22: {  	v1 =	vld [tilespmem:s24+$0x18800];
	_ =	sdelay $0x4  }
0x23: {  	v1 =	vand.u32 $0x7FF, v1  }
0x24: {  	(xrf1) =	vunique.msk.u32 $0xffff, v1;
	_ =	sdelay $0xd  }
0x25: {  	_, v2, vm0 =	vpop (xrf1);
	_ =	sdelay $0x5  }
0x26: {  	p0 =	seq.s32 s21, $0x7;
	[tilespmem:v1+s17+$0x0] =	vst.idx.add.s32.msk vm0, v2  }
0x27: {  	s22 =	sadd.s32 @!p0 s22, s8;
	s23 =	simm.s32 @!p0 $0x80;
	_ =	swait.ge [sflag:s15], $0x1880  }
0x28: {  	s24 =	simm.s32 @!p0 $0x400;
	s22 =	sshrl.u32 @!p0 s22, $0x3;
	[sflag:s15] =	ssyncset.done $0x0  }
0x29: {  	s25 =	simm.s32 @!p0 $0x18800;
	s22 =	sadd.s32 @!p0 s3, s22;
	[sflag:s15] =	ssyncadd.s32 $0xFFFFE780  }
0x2a: {  	[tilespmem:s25], [sflag:$0x1] =	stream.strided.gather @!p0 [hbm4b:s22+s23], $0x1880, s24, s23, $0x38;
	[tilespmem:$0x1C900] =	vst v63  }
0x2b: {  	s23 =	simm.s32 $0x0;
	s22 =	simm.s32 $0x40  }
.LBB2_7:
0x2c: {  	p0 =	sne.s32 s22, $0x61C0;
	v1 =	vld [tilespmem:s23+$0x1A080];
	_ =	sdelay $0x4  }
0x2d: {  	v1 =	vand.u32 $0x7FF, v1  }
0x2e: {  	(xrf1) =	vunique.msk.u32 $0xffff, v1;
	_ =	sdelay $0xd  }
0x2f: {  	_, v2, vm0 =	vpop (xrf1);
	_ =	sdelay $0x1  }
.Ltmp2:
0x30: {  	(pc) =	sbr.rel @p0 .LBB2_7-.Ltmp2, $2  }
0x31: {  	_ =	sdelay $0x2  }
0x32: {  	s23 =	sshra.s32 s22, $0x2;
	s22 =	sadd.s32 $0x40, s22;
	[tilespmem:v1+s17+$0x0] =	vst.idx.add.s32.msk vm0, v2  }
0x33: {  	v1 =	vld [tilespmem:s23+$0x1A080];
	_ =	sdelay $0x4  }
0x34: {  	v1 =	vand.u32 $0x7FF, v1  }
0x35: {  	(xrf1) =	vunique.msk.u32 $0xffff, v1;
	_ =	sdelay $0xd  }
0x36: {  	s21 =	sadd.s32 $0x1, s21;
	_, v2, vm0 =	vpop (xrf1)  }
0x37: {  	p0 =	sne.s32 s21, $0x8  }
.Ltmp3:
0x38: {  	_ = 	snop;
	(pc) =	sbr.rel @p0 .LBB2_4-.Ltmp3, $2  }
0x39: {  	_ =	sdelay $0x2  }
0x3a: {  	[tilespmem:v1+s17+$0x0] =	vst.idx.add.s32.msk vm0, v2  }
0x3b: {  	s22 =	simm.s32 $0x0  }
0x3c: {  	v3 =	vld [tilespmem:s22+$0x1C100];
	_ =	sdelay $0x4  }
0x3d: {  	s23 =	simm.s32 $0x10;
	(xrf0) =	vadd.scan.msk.s32 $0xffff, v3  }
0x3e: {  	v2 =	vld [tilespmem:s23+$0x1C100];
	_ =	sdelay $0x1  }
0x3f: {  	v1 =	vimm.s32 $0x0  }
0x40: {  	s21 =	simm.s32 $0x40;
	s24 =	simm.s32 $0x80;
	v3 =	vsub.s32 v1, v3  }
.LBB2_10:
0x41: {  	p0 =	sne.s32 s24, $0x1FC0  }
.Ltmp4:
0x42: {  	s25 =	sshra.s32 s24, $0x2;
	s24 =	sadd.s32 $0x40, s24;
	(xrf0) =	vadd.scan.msk.s32 $0xffff, v2;
	v4, _, _ =	vpop (xrf0);
	v5 =	vmov v2;
	(pc) =	sbr.rel @p0 .LBB2_10-.Ltmp4, $4  }
0x43: {  	v2 =	vld [tilespmem:s25+$0x1C100];
	v3 =	vadd.s32 v4, v3;
	v4 =	vbroadcast v4, $0xF  }
0x44: {  	[tilespmem:s22+$0x1B900] =	vst v3;
	s22 =	smov.u32 s23;
	s23 =	smov.u32 s25  }
0x45: {  	v1 =	vadd.s32 v1, v4  }
0x46: {  	v3 =	vsub.s32 v1, v5  }
0x47: {  	_ = 	snop  }
0x48: {  	(xrf0) =	vadd.scan.msk.s32 $0xffff, v2;
	_ =	sdelay $0x1  }
0x49: {  	v4, _, _ =	vpop (xrf0)  }
0x4a: {  	v5 =	vbroadcast v4, $0xF;
	_ =	sdelay $0x1  }
0x4b: {  	v1 =	vadd.s32 v1, v5  }
0x4c: {  	v3 =	vadd.s32 v4, v3;
	v1 =	vsub.s32 v1, v2;
	v2, _, _ =	vpop (xrf0)  }
0x4d: {  	[tilespmem:s22+$0x1B900] =	vst v3;
	v1 =	vadd.s32 v2, v1  }
0x4e: {  	s22 =	simm.s32 $0x0;
	[tilespmem:s23+$0x1B900] =	vst v1  }
.LBB2_12:
0x4f: {  	p0 =	sne.s32 s21, $0x1FC0;
	[tilespmem:s22+$0x1C100] =	vst v0;
	s22 =	smov.u32 s21;
	s21 =	sadd.s32 $0x40, s21  }
.Ltmp5:
0x50: {  	(pc) =	sbr.rel @p0 .LBB2_12-.Ltmp5, $2  }
0x51: {  	_ =	sdelay $0x2  }
0x52: {  	s22 =	sshra.s32 s22, $0x2  }
0x53: {  	[tilespmem:s22+$0x1C100] =	vst v0;
	s21 =	simm.s32 $0x0  }
0x54: {  	[tilespmem:s14], [sflag:$0x1] =	stream.strided.gather [hbm4b:s6+s12], $0x1880, s13, s12, $0x38;
	[tilespmem:$0x1C900] =	vst v63  }
.LBB2_14:
0x55: {  	s22 =	smul.u32 $0x18800, s21;
	_ =	sdelay $0x1  }
0x56: {  	_ =	swait.ge [sflag:s15], $0x1880;
	s23 =	sadd.s32 s22, s7  }
0x57: {  	[sflag:s15] =	ssyncset.done $0x0;
	s23 =	sshrl.u32 s23, $0x3  }
0x58: {  	s31 =	simm.s32 $0x0;
	[sflag:s15] =	ssyncadd.s32 $0xFFFFE780;
	s23 =	sadd.s32 s3, s23  }
0x59: {  	[tilespmem:s16], [sflag:$0x1] =	stream.strided.gather [hbm4b:s23+s12], $0x1880, s13, s12, $0x38;
	[tilespmem:$0x1C900] =	vst v63  }
0x5a: {  	v1 =	vld [tilespmem:s31+$0x18800]  }
0x5b: {  	s23 =	simm.s32 $0x40  }
.LBB2_15:
0x5c: {  	p0 =	sne.s32 s23, $0x61C0;
	_ =	sdelay $0x2  }
0x5d: {  	v2 =	vand.u32 $0x7FF, v1  }
0x5e: {  	(xrf1) =	vunique.msk.u32 $0xffff, v2  }
0x5f: {  	v3 =	vshrl.u32 v1, $0xB  }
0x60: {  	v3 =	vand.u32 $0x7FF, v3  }
0x61: {  	(xrf1) =	vunique.msk.u32 $0xffff, v3;
	_ =	sdelay $0x5  }
0x62: {  	v4 =	vld.idx.msk [tilespmem:v2+s18+$0x0], $0xffff;
	_ =	sdelay $0x4  }
0x63: {  	_, v5, vm0 =	vpop (xrf1)  }
0x64: {  	v4 =	vadd.s32 v5, v4  }
0x65: {  	v4 =	vadd.s32 $0xFFFFFFFF, v4  }
0x66: {  	_, v6, vm1 =	vpop (xrf1);
	_ =	sdelay $0x3  }
.Ltmp6:
0x67: {  	[tilespmem:v4+s2+$0x0] =	vst.idx.msk $0xffff, v1;
	(pc) =	sbr.rel @p0 .LBB2_15-.Ltmp6, $4  }
0x68: {  	[tilespmem:v2+s18+$0x0] =	vst.idx.add.s32.msk vm0, v5  }
0x69: {  	s24 =	sshra.s32 s23, $0x2;
	[tilespmem:v3+s17+$0x0] =	vst.idx.add.s32.msk vm1, v6  }
0x6a: {  	v1 =	vld [tilespmem:s24+$0x18800]  }
0x6b: {  	s23 =	sadd.s32 $0x40, s23  }
0x6c: {  	_ =	sdelay $0x2  }
0x6d: {  	v2 =	vand.u32 $0x7FF, v1  }
0x6e: {  	(xrf1) =	vunique.msk.u32 $0xffff, v2  }
0x6f: {  	v3 =	vshrl.u32 v1, $0xB  }
0x70: {  	v3 =	vand.u32 $0x7FF, v3  }
0x71: {  	(xrf1) =	vunique.msk.u32 $0xffff, v3;
	_ =	sdelay $0x6  }
0x72: {  	v4 =	vld.idx.msk [tilespmem:v2+s18+$0x0], $0xffff;
	_ =	sdelay $0x3  }
0x73: {  	_, v5, vm0 =	vpop (xrf1)  }
0x74: {  	v4 =	vadd.s32 v5, v4  }
0x75: {  	v4 =	vadd.s32 $0xFFFFFFFF, v4  }
0x76: {  	_, v6, vm1 =	vpop (xrf1);
	_ =	sdelay $0x3  }
0x77: {  	[tilespmem:v4+s2+$0x0] =	vst.idx.msk $0xffff, v1  }
0x78: {  	[tilespmem:v2+s18+$0x0] =	vst.idx.add.s32.msk vm0, v5  }
0x79: {  	p0 =	seq.s32 s21, $0x7;
	s31 =	simm.s32 $0x0;
	[tilespmem:v3+s17+$0x0] =	vst.idx.add.s32.msk vm1, v6  }
0x7a: {  	s22 =	sadd.s32 @!p0 s22, s8;
	s23 =	simm.s32 @!p0 $0x80;
	_ =	swait.ge [sflag:s15], $0x1880  }
0x7b: {  	s24 =	simm.s32 @!p0 $0x400;
	s22 =	sshrl.u32 @!p0 s22, $0x3;
	[sflag:s15] =	ssyncset.done $0x0  }
0x7c: {  	s25 =	simm.s32 @!p0 $0x18800;
	s22 =	sadd.s32 @!p0 s3, s22;
	[sflag:s15] =	ssyncadd.s32 $0xFFFFE780  }
0x7d: {  	[tilespmem:s25], [sflag:$0x1] =	stream.strided.gather @!p0 [hbm4b:s22+s23], $0x1880, s24, s23, $0x38;
	[tilespmem:$0x1C900] =	vst v63  }
0x7e: {  	v1 =	vld [tilespmem:s31+$0x1A080]  }
0x7f: {  	s22 =	simm.s32 $0x40  }
.LBB2_17:
0x80: {  	p0 =	sne.s32 s22, $0x61C0;
	_ =	sdelay $0x2  }
0x81: {  	v2 =	vand.u32 $0x7FF, v1  }
0x82: {  	(xrf1) =	vunique.msk.u32 $0xffff, v2  }
0x83: {  	v3 =	vshrl.u32 v1, $0xB  }
0x84: {  	v3 =	vand.u32 $0x7FF, v3  }
0x85: {  	(xrf1) =	vunique.msk.u32 $0xffff, v3;
	_ =	sdelay $0x5  }
0x86: {  	v4 =	vld.idx.msk [tilespmem:v2+s18+$0x0], $0xffff;
	_ =	sdelay $0x4  }
0x87: {  	_, v5, vm0 =	vpop (xrf1)  }
0x88: {  	v4 =	vadd.s32 v5, v4  }
0x89: {  	v4 =	vadd.s32 $0xFFFFFFFF, v4  }
0x8a: {  	_, v6, vm1 =	vpop (xrf1);
	_ =	sdelay $0x3  }
.Ltmp7:
0x8b: {  	[tilespmem:v4+s2+$0x0] =	vst.idx.msk $0xffff, v1;
	(pc) =	sbr.rel @p0 .LBB2_17-.Ltmp7, $4  }
0x8c: {  	[tilespmem:v2+s18+$0x0] =	vst.idx.add.s32.msk vm0, v5  }
0x8d: {  	s23 =	sshra.s32 s22, $0x2;
	[tilespmem:v3+s17+$0x0] =	vst.idx.add.s32.msk vm1, v6  }
0x8e: {  	v1 =	vld [tilespmem:s23+$0x1A080]  }
0x8f: {  	s22 =	sadd.s32 $0x40, s22  }
0x90: {  	_ =	sdelay $0x2  }
0x91: {  	v2 =	vand.u32 $0x7FF, v1  }
0x92: {  	(xrf1) =	vunique.msk.u32 $0xffff, v2  }
0x93: {  	v3 =	vshrl.u32 v1, $0xB  }
0x94: {  	v3 =	vand.u32 $0x7FF, v3  }
0x95: {  	(xrf1) =	vunique.msk.u32 $0xffff, v3;
	_ =	sdelay $0x6  }
0x96: {  	v4 =	vld.idx.msk [tilespmem:v2+s18+$0x0], $0xffff;
	_ =	sdelay $0x3  }
0x97: {  	_, v5, vm0 =	vpop (xrf1)  }
0x98: {  	v4 =	vadd.s32 v5, v4  }
0x99: {  	v4 =	vadd.s32 $0xFFFFFFFF, v4  }
0x9a: {  	s21 =	sadd.s32 $0x1, s21;
	_, v6, vm1 =	vpop (xrf1)  }
0x9b: {  	p0 =	sne.s32 s21, $0x8  }
.Ltmp8:
0x9c: {  	_ = 	snop;
	(pc) =	sbr.rel @p0 .LBB2_14-.Ltmp8, $4  }
0x9d: {  	_ = 	snop  }
0x9e: {  	[tilespmem:v4+s2+$0x0] =	vst.idx.msk $0xffff, v1  }
0x9f: {  	[tilespmem:v2+s18+$0x0] =	vst.idx.add.s32.msk vm0, v5  }
0xa0: {  	[tilespmem:v3+s17+$0x0] =	vst.idx.add.s32.msk vm1, v6  }
0xa1: {  	s21 =	simm.s32 $0x0  }
0xa2: {  	[hbm4b:s9+s12] =	stream.strided.scatter [tilespmem:s21], [sflag:$0x2], $0x18800, s13, s12, $0x38;
	[tilespmem:$0x1C900] =	vst v63  }
0xa3: {  	_ =	swait.ge [sflag:s19], $0x18800  }
0xa4: {  	[sflag:s19] =	ssyncset.done $0x0  }
0xa5: {  	s22 =	simm.s32 $0x0;
	[sflag:s19] =	ssyncadd.s32 $0xFFFE7800  }
0xa6: {  	v3 =	vld [tilespmem:s22+$0x1C100];
	_ =	sdelay $0x4  }
0xa7: {  	s23 =	simm.s32 $0x10;
	(xrf0) =	vadd.scan.msk.s32 $0xffff, v3  }
0xa8: {  	v2 =	vld [tilespmem:s23+$0x1C100];
	_ =	sdelay $0x1  }
0xa9: {  	v1 =	vimm.s32 $0x0  }
0xaa: {  	s24 =	simm.s32 $0x80;
	s21 =	simm.s32 $0x40;
	v3 =	vsub.s32 v1, v3  }
.LBB2_20:
0xab: {  	p0 =	sne.s32 s24, $0x1FC0  }
.Ltmp9:
0xac: {  	s25 =	sshra.s32 s24, $0x2;
	s24 =	sadd.s32 $0x40, s24;
	(xrf0) =	vadd.scan.msk.s32 $0xffff, v2;
	v4, _, _ =	vpop (xrf0);
	v5 =	vmov v2;
	(pc) =	sbr.rel @p0 .LBB2_20-.Ltmp9, $4  }
0xad: {  	v2 =	vld [tilespmem:s25+$0x1C100];
	v3 =	vadd.s32 v4, v3;
	v4 =	vbroadcast v4, $0xF  }
0xae: {  	[tilespmem:s22+$0x1B900] =	vst v3;
	s22 =	smov.u32 s23;
	s23 =	smov.u32 s25  }
0xaf: {  	v1 =	vadd.s32 v1, v4  }
0xb0: {  	v3 =	vsub.s32 v1, v5  }
0xb1: {  	_ = 	snop  }
0xb2: {  	(xrf0) =	vadd.scan.msk.s32 $0xffff, v2;
	_ =	sdelay $0x1  }
0xb3: {  	v4, _, _ =	vpop (xrf0)  }
0xb4: {  	v5 =	vbroadcast v4, $0xF;
	_ =	sdelay $0x1  }
0xb5: {  	v1 =	vadd.s32 v1, v5  }
0xb6: {  	v3 =	vadd.s32 v4, v3;
	v1 =	vsub.s32 v1, v2;
	v2, _, _ =	vpop (xrf0)  }
0xb7: {  	[tilespmem:s22+$0x1B900] =	vst v3;
	v1 =	vadd.s32 v2, v1  }
0xb8: {  	s22 =	simm.s32 $0x0;
	[tilespmem:s23+$0x1B900] =	vst v1  }
.LBB2_22:
0xb9: {  	p0 =	sne.s32 s21, $0x1FC0;
	[tilespmem:s22+$0x1C100] =	vst v0;
	s22 =	smov.u32 s21;
	s21 =	sadd.s32 $0x40, s21  }
.Ltmp10:
0xba: {  	(pc) =	sbr.rel @p0 .LBB2_22-.Ltmp10, $2  }
0xbb: {  	_ =	sdelay $0x2  }
0xbc: {  	s22 =	sshra.s32 s22, $0x2  }
0xbd: {  	[tilespmem:s22+$0x1C100] =	vst v0;
	s21 =	simm.s32 $0x0  }
0xbe: {  	[tilespmem:s14], [sflag:$0x1] =	stream.strided.gather [hbm4b:s9+s12], $0x1880, s13, s12, $0x38;
	[tilespmem:$0x1C900] =	vst v63  }
.LBB2_24:
0xbf: {  	s22 =	smul.u32 $0x18800, s21;
	_ =	sdelay $0x1  }
0xc0: {  	_ =	swait.ge [sflag:s15], $0x1880;
	s23 =	sadd.s32 s22, s7  }
0xc1: {  	[sflag:s15] =	ssyncset.done $0x0;
	s23 =	sshrl.u32 s23, $0x3  }
0xc2: {  	s31 =	simm.s32 $0x0;
	[sflag:s15] =	ssyncadd.s32 $0xFFFFE780;
	s23 =	sadd.s32 s5, s23  }
0xc3: {  	[tilespmem:s16], [sflag:$0x1] =	stream.strided.gather [hbm4b:s23+s12], $0x1880, s13, s12, $0x38;
	[tilespmem:$0x1C900] =	vst v63  }
0xc4: {  	v1 =	vld [tilespmem:s31+$0x18800]  }
0xc5: {  	s23 =	simm.s32 $0x40  }
.LBB2_25:
0xc6: {  	p0 =	sne.s32 s23, $0x61C0;
	_ =	sdelay $0x2  }
0xc7: {  	v2 =	vshrl.u32 v1, $0xB  }
0xc8: {  	v2 =	vand.u32 $0x7FF, v2  }
0xc9: {  	(xrf1) =	vunique.msk.u32 $0xffff, v2  }
0xca: {  	v3 =	vshra.s32 v1, $0x16  }
0xcb: {  	v3 =	vand.u32 $0x7FF, v3  }
0xcc: {  	(xrf1) =	vunique.msk.u32 $0xffff, v3;
	_ =	sdelay $0x5  }
0xcd: {  	v4 =	vld.idx.msk [tilespmem:v2+s18+$0x0], $0xffff;
	_ =	sdelay $0x4  }
0xce: {  	_, v5, vm0 =	vpop (xrf1)  }
0xcf: {  	v4 =	vadd.s32 v5, v4  }
0xd0: {  	v4 =	vadd.s32 $0xFFFFFFFF, v4  }
0xd1: {  	_, v6, vm1 =	vpop (xrf1);
	_ =	sdelay $0x3  }
.Ltmp11:
0xd2: {  	[tilespmem:v4+s2+$0x0] =	vst.idx.msk $0xffff, v1;
	(pc) =	sbr.rel @p0 .LBB2_25-.Ltmp11, $4  }
0xd3: {  	[tilespmem:v2+s18+$0x0] =	vst.idx.add.s32.msk vm0, v5  }
0xd4: {  	s24 =	sshra.s32 s23, $0x2;
	[tilespmem:v3+s17+$0x0] =	vst.idx.add.s32.msk vm1, v6  }
0xd5: {  	v1 =	vld [tilespmem:s24+$0x18800]  }
0xd6: {  	s23 =	sadd.s32 $0x40, s23  }
0xd7: {  	_ =	sdelay $0x2  }
0xd8: {  	v2 =	vshrl.u32 v1, $0xB  }
0xd9: {  	v2 =	vand.u32 $0x7FF, v2  }
0xda: {  	(xrf1) =	vunique.msk.u32 $0xffff, v2  }
0xdb: {  	v3 =	vshra.s32 v1, $0x16  }
0xdc: {  	v3 =	vand.u32 $0x7FF, v3  }
0xdd: {  	(xrf1) =	vunique.msk.u32 $0xffff, v3;
	_ =	sdelay $0x6  }
0xde: {  	v4 =	vld.idx.msk [tilespmem:v2+s18+$0x0], $0xffff;
	_ =	sdelay $0x3  }
0xdf: {  	_, v5, vm0 =	vpop (xrf1)  }
0xe0: {  	v4 =	vadd.s32 v5, v4  }
0xe1: {  	v4 =	vadd.s32 $0xFFFFFFFF, v4  }
0xe2: {  	_, v6, vm1 =	vpop (xrf1);
	_ =	sdelay $0x3  }
0xe3: {  	[tilespmem:v4+s2+$0x0] =	vst.idx.msk $0xffff, v1  }
0xe4: {  	[tilespmem:v2+s18+$0x0] =	vst.idx.add.s32.msk vm0, v5  }
0xe5: {  	p0 =	seq.s32 s21, $0x7;
	s31 =	simm.s32 $0x0;
	[tilespmem:v3+s17+$0x0] =	vst.idx.add.s32.msk vm1, v6  }
0xe6: {  	s22 =	sadd.s32 @!p0 s22, s8;
	s23 =	simm.s32 @!p0 $0x80;
	_ =	swait.ge [sflag:s15], $0x1880  }
0xe7: {  	s24 =	simm.s32 @!p0 $0x400;
	s22 =	sshrl.u32 @!p0 s22, $0x3;
	[sflag:s15] =	ssyncset.done $0x0  }
0xe8: {  	s25 =	simm.s32 @!p0 $0x18800;
	s22 =	sadd.s32 @!p0 s5, s22;
	[sflag:s15] =	ssyncadd.s32 $0xFFFFE780  }
0xe9: {  	[tilespmem:s25], [sflag:$0x1] =	stream.strided.gather @!p0 [hbm4b:s22+s23], $0x1880, s24, s23, $0x38;
	[tilespmem:$0x1C900] =	vst v63  }
0xea: {  	v1 =	vld [tilespmem:s31+$0x1A080]  }
0xeb: {  	s22 =	simm.s32 $0x40  }
.LBB2_27:
0xec: {  	p0 =	sne.s32 s22, $0x61C0;
	_ =	sdelay $0x2  }
0xed: {  	v2 =	vshrl.u32 v1, $0xB  }
0xee: {  	v2 =	vand.u32 $0x7FF, v2  }
0xef: {  	(xrf1) =	vunique.msk.u32 $0xffff, v2  }
0xf0: {  	v3 =	vshra.s32 v1, $0x16  }
0xf1: {  	v3 =	vand.u32 $0x7FF, v3  }
0xf2: {  	(xrf1) =	vunique.msk.u32 $0xffff, v3;
	_ =	sdelay $0x5  }
0xf3: {  	v4 =	vld.idx.msk [tilespmem:v2+s18+$0x0], $0xffff;
	_ =	sdelay $0x4  }
0xf4: {  	_, v5, vm0 =	vpop (xrf1)  }
0xf5: {  	v4 =	vadd.s32 v5, v4  }
0xf6: {  	v4 =	vadd.s32 $0xFFFFFFFF, v4  }
0xf7: {  	_, v6, vm1 =	vpop (xrf1);
	_ =	sdelay $0x3  }
.Ltmp12:
0xf8: {  	[tilespmem:v4+s2+$0x0] =	vst.idx.msk $0xffff, v1;
	(pc) =	sbr.rel @p0 .LBB2_27-.Ltmp12, $4  }
0xf9: {  	[tilespmem:v2+s18+$0x0] =	vst.idx.add.s32.msk vm0, v5  }
0xfa: {  	s23 =	sshra.s32 s22, $0x2;
	[tilespmem:v3+s17+$0x0] =	vst.idx.add.s32.msk vm1, v6  }
0xfb: {  	v1 =	vld [tilespmem:s23+$0x1A080]  }
0xfc: {  	s22 =	sadd.s32 $0x40, s22  }
0xfd: {  	_ =	sdelay $0x2  }
0xfe: {  	v2 =	vshrl.u32 v1, $0xB  }
0xff: {  	v2 =	vand.u32 $0x7FF, v2  }
0x100: {  	(xrf1) =	vunique.msk.u32 $0xffff, v2  }
0x101: {  	v3 =	vshra.s32 v1, $0x16  }
0x102: {  	v3 =	vand.u32 $0x7FF, v3  }
0x103: {  	(xrf1) =	vunique.msk.u32 $0xffff, v3;
	_ =	sdelay $0x6  }
0x104: {  	v4 =	vld.idx.msk [tilespmem:v2+s18+$0x0], $0xffff;
	_ =	sdelay $0x3  }
0x105: {  	_, v5, vm0 =	vpop (xrf1)  }
0x106: {  	v4 =	vadd.s32 v5, v4  }
0x107: {  	v4 =	vadd.s32 $0xFFFFFFFF, v4  }
0x108: {  	s21 =	sadd.s32 $0x1, s21;
	_, v6, vm1 =	vpop (xrf1)  }
0x109: {  	p0 =	sne.s32 s21, $0x8  }
.Ltmp13:
0x10a: {  	_ = 	snop;
	(pc) =	sbr.rel @p0 .LBB2_24-.Ltmp13, $4  }
0x10b: {  	_ = 	snop  }
0x10c: {  	[tilespmem:v4+s2+$0x0] =	vst.idx.msk $0xffff, v1  }
0x10d: {  	[tilespmem:v2+s18+$0x0] =	vst.idx.add.s32.msk vm0, v5  }
0x10e: {  	[tilespmem:v3+s17+$0x0] =	vst.idx.add.s32.msk vm1, v6  }
0x10f: {  	s21 =	simm.s32 $0x0  }
0x110: {  	[hbm4b:s10+s12] =	stream.strided.scatter [tilespmem:s21], [sflag:$0x2], $0x18800, s13, s12, $0x38;
	[tilespmem:$0x1C900] =	vst v63  }
0x111: {  	_ =	swait.ge [sflag:s19], $0x18800  }
0x112: {  	[sflag:s19] =	ssyncset.done $0x0  }
0x113: {  	s22 =	simm.s32 $0x0;
	[sflag:s19] =	ssyncadd.s32 $0xFFFE7800  }
0x114: {  	v3 =	vld [tilespmem:s22+$0x1C100];
	_ =	sdelay $0x4  }
0x115: {  	s23 =	simm.s32 $0x10;
	(xrf0) =	vadd.scan.msk.s32 $0xffff, v3  }
0x116: {  	v2 =	vld [tilespmem:s23+$0x1C100];
	_ =	sdelay $0x1  }
0x117: {  	v1 =	vimm.s32 $0x0  }
0x118: {  	s24 =	simm.s32 $0x80;
	s21 =	simm.s32 $0x40;
	v3 =	vsub.s32 v1, v3  }
.LBB2_30:
0x119: {  	p0 =	sne.s32 s24, $0x1FC0  }
.Ltmp14:
0x11a: {  	s25 =	sshra.s32 s24, $0x2;
	s24 =	sadd.s32 $0x40, s24;
	(xrf0) =	vadd.scan.msk.s32 $0xffff, v2;
	v4, _, _ =	vpop (xrf0);
	v5 =	vmov v2;
	(pc) =	sbr.rel @p0 .LBB2_30-.Ltmp14, $4  }
0x11b: {  	v2 =	vld [tilespmem:s25+$0x1C100];
	v3 =	vadd.s32 v4, v3;
	v4 =	vbroadcast v4, $0xF  }
0x11c: {  	[tilespmem:s22+$0x1B900] =	vst v3;
	s22 =	smov.u32 s23;
	s23 =	smov.u32 s25  }
0x11d: {  	v1 =	vadd.s32 v1, v4  }
0x11e: {  	v3 =	vsub.s32 v1, v5  }
0x11f: {  	_ = 	snop  }
0x120: {  	(xrf0) =	vadd.scan.msk.s32 $0xffff, v2;
	_ =	sdelay $0x1  }
0x121: {  	v4, _, _ =	vpop (xrf0)  }
0x122: {  	v5 =	vbroadcast v4, $0xF;
	_ =	sdelay $0x1  }
0x123: {  	v1 =	vadd.s32 v1, v5  }
0x124: {  	v3 =	vadd.s32 v4, v3;
	v1 =	vsub.s32 v1, v2;
	v2, _, _ =	vpop (xrf0)  }
0x125: {  	[tilespmem:s22+$0x1B900] =	vst v3;
	v1 =	vadd.s32 v2, v1  }
0x126: {  	s22 =	simm.s32 $0x0;
	[tilespmem:s23+$0x1B900] =	vst v1  }
.LBB2_32:
0x127: {  	p0 =	sne.s32 s21, $0x1FC0;
	[tilespmem:s22+$0x1C100] =	vst v0;
	s22 =	smov.u32 s21;
	s21 =	sadd.s32 $0x40, s21  }
.Ltmp15:
0x128: {  	(pc) =	sbr.rel @p0 .LBB2_32-.Ltmp15, $2  }
0x129: {  	_ =	sdelay $0x2  }
0x12a: {  	s22 =	sshra.s32 s22, $0x2  }
0x12b: {  	[tilespmem:s22+$0x1C100] =	vst v0;
	s21 =	simm.s32 $0x0  }
0x12c: {  	[tilespmem:s14], [sflag:$0x1] =	stream.strided.gather [hbm4b:s10+s12], $0x1880, s13, s12, $0x38;
	[tilespmem:$0x1C900] =	vst v63  }
.LBB2_34:
0x12d: {  	s22 =	smul.u32 $0x18800, s21;
	_ =	sdelay $0x1  }
0x12e: {  	_ =	swait.ge [sflag:s15], $0x1880;
	s23 =	sadd.s32 s22, s7  }
0x12f: {  	[sflag:s15] =	ssyncset.done $0x0;
	s23 =	sshrl.u32 s23, $0x3  }
0x130: {  	s31 =	simm.s32 $0x0;
	[sflag:s15] =	ssyncadd.s32 $0xFFFFE780;
	s23 =	sadd.s32 s4, s23  }
0x131: {  	[tilespmem:s16], [sflag:$0x1] =	stream.strided.gather [hbm4b:s23+s12], $0x1880, s13, s12, $0x38;
	[tilespmem:$0x1C900] =	vst v63  }
0x132: {  	s23 =	simm.s32 $0x40;
	v1 =	vld [tilespmem:s31+$0x18800]  }
.LBB2_35:
0x133: {  	p0 =	sne.s32 s23, $0x61C0;
	_ =	sdelay $0x3  }
0x134: {  	v2 =	vshra.s32 v1, $0x16  }
0x135: {  	v2 =	vand.u32 $0x7FF, v2  }
0x136: {  	(xrf1) =	vunique.msk.u32 $0xffff, v2;
	_ =	sdelay $0x8  }
0x137: {  	v3 =	vld.idx.msk [tilespmem:v2+s18+$0x0], $0xffff;
	_ =	sdelay $0x4  }
0x138: {  	_, v4, vm0 =	vpop (xrf1)  }
0x139: {  	v3 =	vadd.s32 v4, v3  }
0x13a: {  	v3 =	vadd.s32 $0xFFFFFFFF, v3;
	_ =	sdelay $0x2  }
.Ltmp16:
0x13b: {  	(pc) =	sbr.rel @p0 .LBB2_35-.Ltmp16, $4  }
0x13c: {  	_ = 	snop  }
0x13d: {  	[tilespmem:v3+s2+$0x0] =	vst.idx.msk $0xffff, v1  }
0x13e: {  	s24 =	sshra.s32 s23, $0x2;
	[tilespmem:v2+s18+$0x0] =	vst.idx.add.s32.msk vm0, v4  }
0x13f: {  	s23 =	sadd.s32 $0x40, s23;
	v1 =	vld [tilespmem:s24+$0x18800]  }
0x140: {  	_ =	sdelay $0x3  }
0x141: {  	v2 =	vshra.s32 v1, $0x16  }
0x142: {  	v2 =	vand.u32 $0x7FF, v2  }
0x143: {  	(xrf1) =	vunique.msk.u32 $0xffff, v2;
	_ =	sdelay $0x9  }
0x144: {  	v3 =	vld.idx.msk [tilespmem:v2+s18+$0x0], $0xffff;
	_ =	sdelay $0x3  }
0x145: {  	_, v4, vm0 =	vpop (xrf1)  }
0x146: {  	v3 =	vadd.s32 v4, v3  }
0x147: {  	v3 =	vadd.s32 $0xFFFFFFFF, v3;
	_ =	sdelay $0x4  }
0x148: {  	[tilespmem:v3+s2+$0x0] =	vst.idx.msk $0xffff, v1  }
0x149: {  	p0 =	seq.s32 s21, $0x7;
	s31 =	simm.s32 $0x0;
	[tilespmem:v2+s18+$0x0] =	vst.idx.add.s32.msk vm0, v4  }
0x14a: {  	s22 =	sadd.s32 @!p0 s22, s8;
	s23 =	simm.s32 @!p0 $0x80;
	_ =	swait.ge [sflag:s15], $0x1880  }
0x14b: {  	s24 =	simm.s32 @!p0 $0x400;
	s22 =	sshrl.u32 @!p0 s22, $0x3;
	[sflag:s15] =	ssyncset.done $0x0  }
0x14c: {  	s25 =	simm.s32 @!p0 $0x18800;
	s22 =	sadd.s32 @!p0 s4, s22;
	[sflag:s15] =	ssyncadd.s32 $0xFFFFE780  }
0x14d: {  	[tilespmem:s25], [sflag:$0x1] =	stream.strided.gather @!p0 [hbm4b:s22+s23], $0x1880, s24, s23, $0x38;
	[tilespmem:$0x1C900] =	vst v63  }
0x14e: {  	s22 =	simm.s32 $0x40;
	v1 =	vld [tilespmem:s31+$0x1A080]  }
.LBB2_37:
0x14f: {  	p0 =	sne.s32 s22, $0x61C0;
	_ =	sdelay $0x3  }
0x150: {  	v2 =	vshra.s32 v1, $0x16  }
0x151: {  	v2 =	vand.u32 $0x7FF, v2  }
0x152: {  	(xrf1) =	vunique.msk.u32 $0xffff, v2;
	_ =	sdelay $0x8  }
0x153: {  	v3 =	vld.idx.msk [tilespmem:v2+s18+$0x0], $0xffff;
	_ =	sdelay $0x4  }
0x154: {  	_, v4, vm0 =	vpop (xrf1)  }
0x155: {  	v3 =	vadd.s32 v4, v3  }
0x156: {  	v3 =	vadd.s32 $0xFFFFFFFF, v3;
	_ =	sdelay $0x2  }
.Ltmp17:
0x157: {  	(pc) =	sbr.rel @p0 .LBB2_37-.Ltmp17, $4  }
0x158: {  	_ = 	snop  }
0x159: {  	[tilespmem:v3+s2+$0x0] =	vst.idx.msk $0xffff, v1  }
0x15a: {  	s23 =	sshra.s32 s22, $0x2;
	[tilespmem:v2+s18+$0x0] =	vst.idx.add.s32.msk vm0, v4  }
0x15b: {  	s22 =	sadd.s32 $0x40, s22;
	v1 =	vld [tilespmem:s23+$0x1A080]  }
0x15c: {  	_ =	sdelay $0x3  }
0x15d: {  	v2 =	vshra.s32 v1, $0x16  }
0x15e: {  	v2 =	vand.u32 $0x7FF, v2  }
0x15f: {  	(xrf1) =	vunique.msk.u32 $0xffff, v2;
	_ =	sdelay $0x9  }
0x160: {  	v3 =	vld.idx.msk [tilespmem:v2+s18+$0x0], $0xffff;
	_ =	sdelay $0x3  }
0x161: {  	_, v4, vm0 =	vpop (xrf1)  }
0x162: {  	v3 =	vadd.s32 v4, v3  }
0x163: {  	s21 =	sadd.s32 $0x1, s21;
	v3 =	vadd.s32 $0xFFFFFFFF, v3  }
0x164: {  	p0 =	sne.s32 s21, $0x8  }
.Ltmp18:
0x165: {  	_ = 	snop;
	(pc) =	sbr.rel @p0 .LBB2_34-.Ltmp18, $3  }
0x166: {  	_ =	sdelay $0x1  }
0x167: {  	[tilespmem:v3+s2+$0x0] =	vst.idx.msk $0xffff, v1  }
0x168: {  	[tilespmem:v2+s18+$0x0] =	vst.idx.add.s32.msk vm0, v4  }
0x169: {  	s20 =	sadd.s32 $0x1, s20  }
0x16a: {  	p0 =	sne.s32 s20, s11  }
.Ltmp19:
0x16b: {  	_ = 	snop;
	(pc) =	sbr.rel @p0 .LBB2_1-.Ltmp19, $4  }
0x16c: {  	[hbm4b:s10+s12] =	stream.strided.scatter [tilespmem:s2], [sflag:$0x2], $0x18800, s13, s12, $0x38;
	[tilespmem:$0x1C900] =	vst v63  }
0x16d: {  	_ =	swait.ge [sflag:s19], $0x18800  }
0x16e: {  	[sflag:s19] =	ssyncset.done $0x0  }
0x16f: {  	[sflag:s19] =	ssyncadd.s32 $0xFFFE7800  }
0x170: {  	_ =	sfence.sel $0x180000  }
0x171: {  	[bflag:$0x0] =	sbarrier.arrive $0xFFFF  }
0x172: {  	p0 =	sne.s32 s1, $0x0;
	_ =	strace $0x90000050  }
0x173: {  	s0 =	sadd.s32 @!p0 $0x100000, s0;
	[bflag:$0x2] =	sbarrier.arrive $0xFFFF  }
0x174: {  	[sflag:s0] =	ssyncadd.tile.s32 @!p0 $0x1;
	_ =	shalt  }
.Lfunc_end2:
_tile_overlayer_lowered:
.L_overlay_start_2:
0x175: {  	(tag) =	ssettag $0x2  }
0x176: {  	s0 =	rddreg [dreg:$0x0];
	s2 =	stileid.u32  }
0x177: {  	s1 =	rddreg [dreg:$0x1];
	p0 =	sne.s32 s2, $0x0  }
0x178: {  	s3 =	rddreg [dreg:$0x2];
	[bflag:$0x3] =	sbarrier.arrive $0xFFFF;
	s2 =	simm.s32 @!p0 $0x1C02  }
0x179: {  	[timem:s3], [sflag:s2] =	dma.local @!p0 [hbm:s0], s1  }
0x17a: {  	s0 =	simm.s32 @!p0 $0x2  }
0x17b: {  	_ =	swait.ge @!p0 [sflag:s0], s1  }
0x17c: {  	s1 =	ssub.s32 @!p0 $0x0, s1;
	[sflag:s0] =	ssyncset.done @!p0 $0x0  }
0x17d: {  	[sflag:s0] =	ssyncadd.s32 @!p0 s1  }
0x17e: {  	[bflag:$0x3] =	sbarrier.arrive $0xFFFF  }
0x17f: {  	_ =	shalt  }

// kernel: kernel.19.cloned.1.call-start
scs
__scs_entry_jumppad:
0x0: {  	(pc) =	sbr.rel $0x88, $3  }
0x1: {  	(tag) =	ssettag $0x0;
	lr =	simm.s32 $0x1  }
0x2: {  	[smem:$0x3FA0] =	sst lr;
	_ =	strace $0xD0000000  }
0x3: {  	_ = 	snop  }
0x4: {  	_ = 	snop  }
0x5: {  	_ = 	snop  }
0x6: {  	_ = 	snop  }
0x7: {  	_ = 	snop  }
__scs_overlays_trampoline_lowered:
0x8: {  	[smem:$0x3FAF] =	sst s0  }
0x9: {  	[smem:$0x3FB0] =	sst s1  }
0xa: {  	[smem:$0x3FB1] =	sst s2  }
0xb: {  	[smem:$0x3FB2] =	sst s3  }
0xc: {  	[smem:$0x3FB3] =	sst s4  }
0xd: {  	[smem:$0x3FB4] =	sst s5  }
0xe: {  	[smem:$0x3FB5] =	sst s6  }
0xf: {  	[smem:$0x3FB6] =	sst s7  }
0x10: {  	[smem:$0x3FB7] =	sst s8  }
0x11: {  	[smem:$0x3FB8] =	sst s9;
	s0 =	simm.s32 @!p0 $0x0  }
0x12: {  	s1 =	sld [smem:$0x3F9E];
	s0 =	simm.s32 @p0 $0x1  }
0x13: {  	[smem:$0x3FB9] =	sst s0;
	s0 =	simm.s32 @!p1 $0x0  }
0x14: {  	s2 =	sld [smem:$0x3F9D];
	s0 =	simm.s32 @p1 $0x1  }
0x15: {  	[smem:$0x3FBA] =	sst s0;
	s0 =	simm.s32 @!p2 $0x0  }
0x16: {  	s3 =	sld [smem:$0x3FDB];
	s0 =	simm.s32 @p2 $0x1  }
0x17: {  	s4 =	simm.s32 $0x1BF5;
	[smem:$0x3FBC] =	sst s0  }
0x18: {  	s0 =	sld [smem:$0x3F9F];
	_ =	swait.ge [sflag:s4], $0x0  }
0x19: {  	s7 =	sld [smem:$0x3FA0]  }
0x1a: {  	s8 =	sadd.s32 $0xFFFFE003, lr  }
0x1b: {  	s9 =	sadd.s32 $0xFFFFFEF7, lr;
	s5 =	simm.s32 $0xFFFFFFFF;
	p2 =	slt.u32 s8, $0xFFFFF086  }
0x1c: {  	p1 =	slt.u32 s9, $0xF7A;
	s5 =	simm.s32 @!p2 $0x0  }
0x1d: {  	s5 =	simm.s32 @p1 $0x1;
	p0 =	seq.s32 s7, s2  }
0x1e: {  	s7 =	smul.u32 @!p0 $0xF7A, s2;
	p2 =	seq.s32 @!p0 s5, $0x0  }
0x1f: {  	s9 =	smul.u32 $0xF7A, s1;
	s8 =	simm.s32 @!p0 $0x1BF5;
	p2 =	por !p2, p0  }
0x20: {  	[sflag:s8] =	ssyncset.s32 @!p0 $0xFFFFF086;
	s6 =	sadd.s32 @!p0 s3, s7;
	s7 =	simm.s32 @!p0 $0x108  }
0x21: {  	s3 =	sadd.s32 s3, s9;
	s6 =	sadd.s32 @!p0 $0x88, s6;
	s7 =	simm.s32 @p2 $0x1082  }
0x22: {  	[simem:s7], [sflag:s8] =	dma.local @!p0 [hbm:s6], $0xF7A  }
0x23: {  	s9 =	sor.u32 $0xD0000000, s2;
	s6 =	simm.s32 $0x108;
	_ =	swait.ge @!p0 [sflag:s8], $0x0  }
0x24: {  	s3 =	sadd.s32 $0x88, s3;
	s6 =	simm.s32 @!p1 $0x1082;
	[sflag:s4] =	ssyncset.s32 $0xFFFFF086  }
0x25: {  	[simem:s6], [sflag:s4] =	dma.local [hbm:s3], $0xF7A  }
0x26: {  	[smem:$0x3FA0] =	sst s1;
	(tag) =	ssettag s2;
	_ =	strace s9  }
0x27: {  	s1 =	sld [smem:$0x3FB0]  }
0x28: {  	s2 =	sld [smem:$0x3FB1]  }
0x29: {  	s4 =	sld [smem:$0x3FB3]  }
0x2a: {  	p0 =	seq.s32 s5, $0x0;
	s5 =	sld [smem:$0x3FB4]  }
0x2b: {  	s6 =	sld [smem:$0x3FB5]  }
0x2c: {  	s7 =	sld [smem:$0x3FB6]  }
0x2d: {  	s3 =	simm.s32 $0x108;
	s8 =	sld [smem:$0x3FB7]  }
0x2e: {  	s3 =	simm.s32 @!p0 $0x1082;
	s9 =	sld [smem:$0x3FB8]  }
0x2f: {  	lr =	sadd.s32 s0, s3;
	s0 =	sld [smem:$0x3FAF]  }
0x30: {  	s3 =	sld [smem:$0x3FB2]  }
0x31: {  	[smem:$0x3FBB] =	sst s10  }
0x32: {  	s10 =	sld [smem:$0x3FB9];
	_ =	sdelay $0x3  }
0x33: {  	p0 =	seq.s32 s10, $0x1;
	s10 =	sld [smem:$0x3FBB];
	_ =	sdelay $0x3  }
0x34: {  	[smem:$0x3FBB] =	sst s10  }
0x35: {  	s10 =	sld [smem:$0x3FBA];
	_ =	sdelay $0x3  }
0x36: {  	p1 =	seq.s32 s10, $0x1;
	s10 =	sld [smem:$0x3FBB];
	_ =	sdelay $0x3  }
0x37: {  	[smem:$0x3FBB] =	sst s10  }
0x38: {  	s10 =	sld [smem:$0x3FBC]  }
0x39: {  	_ = 	snop;
	(pc) =	sbr.ind lr, $3  }
0x3a: {  	_ = 	snop  }
0x3b: {  	_ = 	snop  }
0x3c: {  	p2 =	seq.s32 s10, $0x1;
	s10 =	sld [smem:$0x3FBB]  }
0x3d: {  	_ =	shalt  }
0x3e: {  	_ =	shalt  }
0x3f: {  	_ =	shalt  }
0x40: {  	_ =	shalt  }
0x41: {  	_ =	shalt  }
0x42: {  	_ =	shalt  }
0x43: {  	_ =	shalt  }
0x44: {  	_ =	shalt  }
0x45: {  	_ =	shalt  }
0x46: {  	_ =	shalt  }
0x47: {  	_ =	shalt  }
0x48: {  	_ =	shalt  }
0x49: {  	_ =	shalt  }
0x4a: {  	_ =	shalt  }
0x4b: {  	_ =	shalt  }
0x4c: {  	_ =	shalt  }
0x4d: {  	_ =	shalt  }
0x4e: {  	_ =	shalt  }
0x4f: {  	_ =	shalt  }
0x50: {  	_ =	shalt  }
0x51: {  	_ =	shalt  }
0x52: {  	_ =	shalt  }
0x53: {  	_ =	shalt  }
0x54: {  	_ =	shalt  }
0x55: {  	_ =	shalt  }
0x56: {  	_ =	shalt  }
0x57: {  	_ =	shalt  }
0x58: {  	_ =	shalt  }
0x59: {  	_ =	shalt  }
0x5a: {  	_ =	shalt  }
0x5b: {  	_ =	shalt  }
0x5c: {  	_ =	shalt  }
0x5d: {  	_ =	shalt  }
0x5e: {  	_ =	shalt  }
0x5f: {  	_ =	shalt  }
0x60: {  	_ =	shalt  }
0x61: {  	_ =	shalt  }
0x62: {  	_ =	shalt  }
0x63: {  	_ =	shalt  }
0x64: {  	_ =	shalt  }
0x65: {  	_ =	shalt  }
0x66: {  	_ =	shalt  }
0x67: {  	_ =	shalt  }
0x68: {  	_ =	shalt  }
0x69: {  	_ =	shalt  }
0x6a: {  	_ =	shalt  }
0x6b: {  	_ =	shalt  }
0x6c: {  	_ =	shalt  }
0x6d: {  	_ =	shalt  }
0x6e: {  	_ =	shalt  }
0x6f: {  	_ =	shalt  }
0x70: {  	_ =	shalt  }
0x71: {  	_ =	shalt  }
0x72: {  	_ =	shalt  }
0x73: {  	_ =	shalt  }
0x74: {  	_ =	shalt  }
0x75: {  	_ =	shalt  }
0x76: {  	_ =	shalt  }
0x77: {  	_ =	shalt  }
0x78: {  	_ =	shalt  }
0x79: {  	_ =	shalt  }
0x7a: {  	_ =	shalt  }
0x7b: {  	_ =	shalt  }
0x7c: {  	_ =	shalt  }
0x7d: {  	_ =	shalt  }
0x7e: {  	_ =	shalt  }
0x7f: {  	_ =	shalt  }
0x80: {  	_ =	shalt  }
0x81: {  	_ =	shalt  }
0x82: {  	_ =	shalt  }
0x83: {  	_ =	shalt  }
0x84: {  	_ =	shalt  }
0x85: {  	_ =	shalt  }
0x86: {  	_ =	shalt  }
0x87: {  	_ =	shalt  }
.Lfunc_end0:
.L_simem_size_0:
called_computation.1_lowered:
.L_overlay_start_0:
0x88: {  	s2 =	sld [smem:$0x3FD9]  }
0x89: {  	s3 =	sld [smem:$0x3FFE];
	_ =	sdelay $0x1  }
0x8a: {  	s1 =	srdreg.scid  }
0x8b: {  	s0 =	sand.u32 $0x1, s1  }
0x8c: {  	s17 =	sshll.u32 s0, $0xA;
	s2 =	sadd.s32 s3, s2  }
0x8d: {  	s2 =	sadd.s32 s2, s17  }
0x8e: {  	[smem:$0x3FC7] =	sst s2  }
0x8f: {  	_ = 	snop  }
0x90: {  	(tm) =	ssettm $0x1  }
0x91: {  	s18 =	sld [smem:$0x3FFB];
	_ =	sdelay $0x3  }
0x92: {  	_ =	strace s18  }
0x93: {  	s2 =	sld [smem:$0x3FFC];
	_ =	sdelay $0x3  }
0x94: {  	_ =	strace s2  }
0x95: {  	s2 =	sld [smem:$0x3FFD];
	_ =	sdelay $0x3  }
0x96: {  	_ =	strace s2  }
0x97: {  	_ =	strace $0x8FFFFFFF  }
0x98: {  	s19 =	sld [smem:$0x3FDB];
	_ =	sdelay $0x1  }
0x99: {  	s20 =	simm.s32 $_scs_section_size  }
0x9a: {  	s4 =	simm.s32 $_size__tile_overlayer_lowered;
	s5 =	simm.s32 $_tile_overlayer_lowered  }
0x9b: {  	s6 =	simm.s32 $0x1BFF;
	s21 =	sshll.u32 s5, $0x1;
	s3 =	sadd.s32 s20, s19  }
0x9c: {  	s22 =	simm.s32 $0x0;
	s4 =	sshll.u32 s4, $0x1;
	s5 =	sadd.s32 s21, s3  }
0x9d: {  	[timem:s22], [sflag:s6] =	dma.local [hbm:s5], s4  }
0x9e: {  	_ =	swait.ge [sflag:s6], s4  }
0x9f: {  	s4 =	ssub.s32 $0x0, s4;
	[sflag:s6] =	ssyncset.done $0x0  }
0xa0: {  	[sflag:s6] =	ssyncadd.s32 s4;
	_ =	sdelay $0x1  }
0xa1: {  	s23 =	simm.s32 $0x1B8B  }
0xa2: {  	_ =	swait.ge [sflag:s23], $0x1  }
0xa3: {  	[sflag:s23] =	ssyncset.done $0x0  }
0xa4: {  	[sflag:s23] =	ssyncadd.s32 $0xFFFFFFFF  }
0xa5: {  	s4 =	sld [smem:$0x0]  }
0xa6: {  	s5 =	sand.u32 $0xFFFFFFFE, s1  }
0xa7: {  	p0 =	sne.s32 s1, s5  }
0xa8: {  	s5 =	sshll.u32 @p0 s5, $0xE  }
0xa9: {  	s5 =	sadd.s32 @p0 $0x11B8D, s5;
	s6 =	sshll.u32 @p0 s4, $0x11  }
0xaa: {  	s5 =	sor.u32 @p0 s6, s5  }
0xab: {  	[sflag:s5] =	ssyncadd.remote.s32 @p0 $0x1;
	_ =	sdelay $0x1  }
0xac: {  	s5 =	simm.s32 @p0 $0x1B8D  }
0xad: {  	_ =	swait.eq @p0 [sflag:s5], $0x1  }
0xae: {  	[sflag:s5] =	ssyncadd.s32 @p0 $0xFFFFFFFF  }
0xaf: {  	s6 =	sshll.u32 @!p0 s1, $0xE  }
0xb0: {  	s6 =	sor.u32 @!p0 $0x4000, s6;
	s5 =	simm.s32 @!p0 $0x1B8D  }
0xb1: {  	s4 =	sshll.u32 @!p0 s4, $0x11;
	s6 =	sadd.s32 @!p0 $0x11B8D, s6;
	_ =	swait.eq @!p0 [sflag:s5], $0x1  }
0xb2: {  	s4 =	sor.u32 @!p0 s4, s6;
	[sflag:s5] =	ssyncadd.s32 @!p0 $0xFFFFFFFF  }
0xb3: {  	s25 =	simm.s32 $0x1B8E;
	s24 =	sld [smem:$0x3FFE];
	[sflag:s4] =	ssyncadd.remote.s32 @!p0 $0x1  }
0xb4: {  	s26 =	simm.s32 $execute0_lowered;
	[smem:$0x3FD2] =	sst s25  }
0xb5: {  	s5 =	sshll.u32 s26, $0x1;
	_ =	strace $0x80000049;
	[dreg:$0x1] =	wrdreg $0xFFFFFFFF  }
0xb6: {  	s28 =	simm.s32 $_size_execute0_lowered;
	s3 =	sadd.s32 s3, s5;
	[dreg:$0x0] =	wrdreg $0x0  }
0xb7: {  	s5 =	sshll.u32 s28, $0x1;
	[dreg:$0x2] =	wrdreg s3  }
0xb8: {  	[dreg:$0x3] =	wrdreg s5  }
0xb9: {  	[dreg:$0x4] =	wrdreg $0xC0  }
0xba: {  	_ =	task [dreg:s22], $0x5FFFF  }
0xbb: {  	[dreg:$0x1] =	wrdreg $0xFFFFFFFF  }
0xbc: {  	[dreg:$0x0] =	wrdreg $0x60  }
0xbd: {  	[dreg:$0x2] =	wrdreg s24  }
0xbe: {  	[dreg:$0x3] =	wrdreg $0xA  }
0xbf: {  	_ =	task.clear_ibuf [dreg:s22], $0x4FFFF;
	_ =	strace $0x90000049  }
0xc0: {  	s29 =	simm.s32 $0xA;
	_ =	strace $0x8000004B  }
0xc1: {  	_ =	swait.ge [sflag:s29], $0x1  }
0xc2: {  	[sflag:s29] =	ssyncadd.s32 $0xFFFFFFFF  }
0xc3: {  	_ =	strace $0x9000004B  }
0xc4: {  	_ =	sfence  }
0xc5: {  	s30 =	sld [smem:$0x0];
	_ =	sdelay $0x2  }
0xc6: {  	s31 =	sshll.u32 s1, $0xD;
	s1 =	sshrl.u32 s1, $0x2  }
0xc7: {  	s4 =	sand.u32 $0x4000, s31;
	s1 =	sadd.s32 s1, s30  }
0xc8: {  	s0 =	sor.u32 s4, s0;
	s1 =	sshll.u32 s1, $0x11  }
0xc9: {  	s0 =	sor.u32 s1, s0  }
0xca: {  	s0 =	sadd.s32 $0x8F2B, s0  }
0xcb: {  	[sflag:s0] =	ssyncadd.remote.s32 $0x1  }
0xcc: {  	_ =	sfence.sel $0xFFFF  }
0xcd: {  	[dreg:$0x0] =	wrdreg $0xFFFFFFFF;
	(pc) =	sbr.abs _section_cstart, $3  }
0xce: {  	[dreg:$0x1] =	wrdreg $0xFFFFFFFF  }
0xcf: {  	_ =	task.clear_ibuf [dreg:s22], $0x2FFFF;
	_ =	strace $0x9FFFFFFF  }
0xd0: {  	(tm) =	ssettm $0x7FFFFFFF  }
0xd1: {  	_ =	shalt  }
tec
execute0_lowered:
.L_overlay_start_1:
0x0: {  	(tag) =	ssettag $0x1  }
0x1: {  	s0 =	srdreg.scid  }
0x2: {  	s5 =	rddreg [dreg:$0x0];
	s1 =	stileid.u32;
	s2 =	simm.s32 $0x0  }
0x3: {  	s13 =	simm.s32 $0x400;
	s14 =	simm.s32 $0x18800;
	s15 =	simm.s32 $0x1  }
0x4: {  	s16 =	simm.s32 $0x1A080;
	s17 =	simm.s32 $0x1C100;
	s4 =	sand.u32 $0x1, s0  }
0x5: {  	s18 =	simm.s32 $0x1B900;
	s19 =	simm.s32 $0x2;
	s3 =	sshll.u32 s4, $0x4  }
0x6: {  	s20 =	simm.s32 $0x0;
	s0 =	rddreg [dreg:$0x1];
	s3 =	sor.u32 s1, s3  }
0x7: {  	[smem:$0x7FF] =	sst s2;
	s7 =	sshll.u32 s1, $0x7;
	s3 =	sshrl.u32 s3, $0x3  }
0x8: {  	_ =	strace $0x8000004A;
	s8 =	ssub.s32 $0x2, s4;
	s6 =	smul.u32 $0xC4000, s3  }
0x9: {  	s7 =	sand.u32 $0x380, s7;
	s4 =	sadd.s32 $0x1EEA00, s5;
	s9 =	sshrl.u32 s8, $0x1  }
0xa: {  	s11 =	ssub.s32 s8, s9;
	s3 =	sadd.s32 $0x12AA00, s5;
	s10 =	sor.u32 s7, s6  }
0xb: {  	s5 =	sadd.s32 $0x18CA00, s5;
	s11 =	smax.u32 s11, $0x1;
	s12 =	sshrl.u32 s10, $0x3  }
0xc: {  	s7 =	sadd.s32 $0xC400, s10;
	s8 =	sadd.s32 $0x18800, s10;
	s6 =	sadd.s32 s3, s12  }
0xd: {  	v0 =	vimm.s32 $0x0;
	s9 =	sadd.s32 s5, s12;
	s10 =	sadd.s32 s4, s12;
	s12 =	simm.s32 $0x80  }
.LBB2_1:
0xe: {  	s21 =	simm.s32 $0x40;
	s22 =	simm.s32 $0x0  }
.LBB2_2:
0xf: {  	p0 =	sne.s32 s21, $0x1FC0;
	[tilespmem:s22+$0x1C100] =	vst v0;
	s22 =	smov.u32 s21;
	s21 =	sadd.s32 $0x40, s21  }
.Ltmp0:
0x10: {  	(pc) =	sbr.rel @p0 .LBB2_2-.Ltmp0, $2  }
0x11: {  	_ =	sdelay $0x2  }
0x12: {  	s22 =	sshra.s32 s22, $0x2  }
0x13: {  	[tilespmem:s22+$0x1C100] =	vst v0;
	s21 =	simm.s32 $0x0  }
0x14: {  	[tilespmem:s14], [sflag:$0x1] =	stream.strided.gather [hbm4b:s6+s12], $0x1880, s13, s12, $0x38;
	[tilespmem:$0x1C900] =	vst v63  }
.LBB2_4:
0x15: {  	s22 =	smul.u32 $0x18800, s21;
	_ =	sdelay $0x1  }
0x16: {  	_ =	swait.ge [sflag:s15], $0x1880;
	s23 =	sadd.s32 s22, s7  }
0x17: {  	[sflag:s15] =	ssyncset.done $0x0;
	s23 =	sshrl.u32 s23, $0x3  }
0x18: {  	[sflag:s15] =	ssyncadd.s32 $0xFFFFE780;
	s23 =	sadd.s32 s3, s23  }
0x19: {  	[tilespmem:s16], [sflag:$0x1] =	stream.strided.gather [hbm4b:s23+s12], $0x1880, s13, s12, $0x38;
	[tilespmem:$0x1C900] =	vst v63  }
0x1a: {  	s24 =	simm.s32 $0x0;
	s23 =	simm.s32 $0x40  }
.LBB2_5:
0x1b: {  	p0 =	sne.s32 s23, $0x61C0;
	v1 =	vld [tilespmem:s24+$0x18800];
	_ =	sdelay $0x4  }
0x1c: {  	v1 =	vand.u32 $0x7FF, v1  }
0x1d: {  	(xrf1) =	vunique.msk.u32 $0xffff, v1;
	_ =	sdelay $0xd  }
0x1e: {  	_, v2, vm0 =	vpop (xrf1);
	_ =	sdelay $0x1  }
.Ltmp1:
0x1f: {  	(pc) =	sbr.rel @p0 .LBB2_5-.Ltmp1, $2  }
0x20: {  	_ =	sdelay $0x2  }
0x21: {  	s24 =	sshra.s32 s23, $0x2;
	s23 =	sadd.s32 $0x40, s23;
	[tilespmem:v1+s17+$0x0] =	vst.idx.add.s32.msk vm0, v2  }
0x22: {  	v1 =	vld [tilespmem:s24+$0x18800];
	_ =	sdelay $0x4  }
0x23: {  	v1 =	vand.u32 $0x7FF, v1  }
0x24: {  	(xrf1) =	vunique.msk.u32 $0xffff, v1;
	_ =	sdelay $0xd  }
0x25: {  	_, v2, vm0 =	vpop (xrf1);
	_ =	sdelay $0x5  }
0x26: {  	p0 =	seq.s32 s21, $0x7;
	[tilespmem:v1+s17+$0x0] =	vst.idx.add.s32.msk vm0, v2  }
0x27: {  	s22 =	sadd.s32 @!p0 s22, s8;
	s23 =	simm.s32 @!p0 $0x80;
	_ =	swait.ge [sflag:s15], $0x1880  }
0x28: {  	s24 =	simm.s32 @!p0 $0x400;
	s22 =	sshrl.u32 @!p0 s22, $0x3;
	[sflag:s15] =	ssyncset.done $0x0  }
0x29: {  	s25 =	simm.s32 @!p0 $0x18800;
	s22 =	sadd.s32 @!p0 s3, s22;
	[sflag:s15] =	ssyncadd.s32 $0xFFFFE780  }
0x2a: {  	[tilespmem:s25], [sflag:$0x1] =	stream.strided.gather @!p0 [hbm4b:s22+s23], $0x1880, s24, s23, $0x38;
	[tilespmem:$0x1C900] =	vst v63  }
0x2b: {  	s23 =	simm.s32 $0x0;
	s22 =	simm.s32 $0x40  }
.LBB2_7:
0x2c: {  	p0 =	sne.s32 s22, $0x61C0;
	v1 =	vld [tilespmem:s23+$0x1A080];
	_ =	sdelay $0x4  }
0x2d: {  	v1 =	vand.u32 $0x7FF, v1  }
0x2e: {  	(xrf1) =	vunique.msk.u32 $0xffff, v1;
	_ =	sdelay $0xd  }
0x2f: {  	_, v2, vm0 =	vpop (xrf1);
	_ =	sdelay $0x1  }
.Ltmp2:
0x30: {  	(pc) =	sbr.rel @p0 .LBB2_7-.Ltmp2, $2  }
0x31: {  	_ =	sdelay $0x2  }
0x32: {  	s23 =	sshra.s32 s22, $0x2;
	s22 =	sadd.s32 $0x40, s22;
	[tilespmem:v1+s17+$0x0] =	vst.idx.add.s32.msk vm0, v2  }
0x33: {  	v1 =	vld [tilespmem:s23+$0x1A080];
	_ =	sdelay $0x4  }
0x34: {  	v1 =	vand.u32 $0x7FF, v1  }
0x35: {  	(xrf1) =	vunique.msk.u32 $0xffff, v1;
	_ =	sdelay $0xd  }
0x36: {  	s21 =	sadd.s32 $0x1, s21;
	_, v2, vm0 =	vpop (xrf1)  }
0x37: {  	p0 =	sne.s32 s21, $0x8  }
.Ltmp3:
0x38: {  	_ = 	snop;
	(pc) =	sbr.rel @p0 .LBB2_4-.Ltmp3, $2  }
0x39: {  	_ =	sdelay $0x2  }
0x3a: {  	[tilespmem:v1+s17+$0x0] =	vst.idx.add.s32.msk vm0, v2  }
0x3b: {  	s22 =	simm.s32 $0x0  }
0x3c: {  	v3 =	vld [tilespmem:s22+$0x1C100];
	_ =	sdelay $0x4  }
0x3d: {  	s23 =	simm.s32 $0x10;
	(xrf0) =	vadd.scan.msk.s32 $0xffff, v3  }
0x3e: {  	v2 =	vld [tilespmem:s23+$0x1C100];
	_ =	sdelay $0x1  }
0x3f: {  	v1 =	vimm.s32 $0x0  }
0x40: {  	s21 =	simm.s32 $0x40;
	s24 =	simm.s32 $0x80;
	v3 =	vsub.s32 v1, v3  }
.LBB2_10:
0x41: {  	p0 =	sne.s32 s24, $0x1FC0  }
.Ltmp4:
0x42: {  	s25 =	sshra.s32 s24, $0x2;
	s24 =	sadd.s32 $0x40, s24;
	(xrf0) =	vadd.scan.msk.s32 $0xffff, v2;
	v4, _, _ =	vpop (xrf0);
	v5 =	vmov v2;
	(pc) =	sbr.rel @p0 .LBB2_10-.Ltmp4, $4  }
0x43: {  	v2 =	vld [tilespmem:s25+$0x1C100];
	v3 =	vadd.s32 v4, v3;
	v4 =	vbroadcast v4, $0xF  }
0x44: {  	[tilespmem:s22+$0x1B900] =	vst v3;
	s22 =	smov.u32 s23;
	s23 =	smov.u32 s25  }
0x45: {  	v1 =	vadd.s32 v1, v4  }
0x46: {  	v3 =	vsub.s32 v1, v5  }
0x47: {  	_ = 	snop  }
0x48: {  	(xrf0) =	vadd.scan.msk.s32 $0xffff, v2;
	_ =	sdelay $0x1  }
0x49: {  	v4, _, _ =	vpop (xrf0)  }
0x4a: {  	v5 =	vbroadcast v4, $0xF;
	_ =	sdelay $0x1  }
0x4b: {  	v1 =	vadd.s32 v1, v5  }
0x4c: {  	v3 =	vadd.s32 v4, v3;
	v1 =	vsub.s32 v1, v2;
	v2, _, _ =	vpop (xrf0)  }
0x4d: {  	[tilespmem:s22+$0x1B900] =	vst v3;
	v1 =	vadd.s32 v2, v1  }
0x4e: {  	s22 =	simm.s32 $0x0;
	[tilespmem:s23+$0x1B900] =	vst v1  }
.LBB2_12:
0x4f: {  	p0 =	sne.s32 s21, $0x1FC0;
	[tilespmem:s22+$0x1C100] =	vst v0;
	s22 =	smov.u32 s21;
	s21 =	sadd.s32 $0x40, s21  }
.Ltmp5:
0x50: {  	(pc) =	sbr.rel @p0 .LBB2_12-.Ltmp5, $2  }
0x51: {  	_ =	sdelay $0x2  }
0x52: {  	s22 =	sshra.s32 s22, $0x2  }
0x53: {  	[tilespmem:s22+$0x1C100] =	vst v0;
	s21 =	simm.s32 $0x0  }
0x54: {  	[tilespmem:s14], [sflag:$0x1] =	stream.strided.gather [hbm4b:s6+s12], $0x1880, s13, s12, $0x38;
	[tilespmem:$0x1C900] =	vst v63  }
.LBB2_14:
0x55: {  	s22 =	smul.u32 $0x18800, s21;
	_ =	sdelay $0x1  }
0x56: {  	_ =	swait.ge [sflag:s15], $0x1880;
	s23 =	sadd.s32 s22, s7  }
0x57: {  	[sflag:s15] =	ssyncset.done $0x0;
	s23 =	sshrl.u32 s23, $0x3  }
0x58: {  	s31 =	simm.s32 $0x0;
	[sflag:s15] =	ssyncadd.s32 $0xFFFFE780;
	s23 =	sadd.s32 s3, s23  }
0x59: {  	[tilespmem:s16], [sflag:$0x1] =	stream.strided.gather [hbm4b:s23+s12], $0x1880, s13, s12, $0x38;
	[tilespmem:$0x1C900] =	vst v63  }
0x5a: {  	v1 =	vld [tilespmem:s31+$0x18800]  }
0x5b: {  	s23 =	simm.s32 $0x40  }
.LBB2_15:
0x5c: {  	p0 =	sne.s32 s23, $0x61C0;
	_ =	sdelay $0x2  }
0x5d: {  	v2 =	vand.u32 $0x7FF, v1  }
0x5e: {  	(xrf1) =	vunique.msk.u32 $0xffff, v2  }
0x5f: {  	v3 =	vshrl.u32 v1, $0xB  }
0x60: {  	v3 =	vand.u32 $0x7FF, v3  }
0x61: {  	(xrf1) =	vunique.msk.u32 $0xffff, v3;
	_ =	sdelay $0x5  }
0x62: {  	v4 =	vld.idx.msk [tilespmem:v2+s18+$0x0], $0xffff;
	_ =	sdelay $0x4  }
0x63: {  	_, v5, vm0 =	vpop (xrf1)  }
0x64: {  	v4 =	vadd.s32 v5, v4  }
0x65: {  	v4 =	vadd.s32 $0xFFFFFFFF, v4  }
0x66: {  	_, v6, vm1 =	vpop (xrf1);
	_ =	sdelay $0x3  }
.Ltmp6:
0x67: {  	[tilespmem:v4+s2+$0x0] =	vst.idx.msk $0xffff, v1;
	(pc) =	sbr.rel @p0 .LBB2_15-.Ltmp6, $4  }
0x68: {  	[tilespmem:v2+s18+$0x0] =	vst.idx.add.s32.msk vm0, v5  }
0x69: {  	s24 =	sshra.s32 s23, $0x2;
	[tilespmem:v3+s17+$0x0] =	vst.idx.add.s32.msk vm1, v6  }
0x6a: {  	v1 =	vld [tilespmem:s24+$0x18800]  }
0x6b: {  	s23 =	sadd.s32 $0x40, s23  }
0x6c: {  	_ =	sdelay $0x2  }
0x6d: {  	v2 =	vand.u32 $0x7FF, v1  }
0x6e: {  	(xrf1) =	vunique.msk.u32 $0xffff, v2  }
0x6f: {  	v3 =	vshrl.u32 v1, $0xB  }
0x70: {  	v3 =	vand.u32 $0x7FF, v3  }
0x71: {  	(xrf1) =	vunique.msk.u32 $0xffff, v3;
	_ =	sdelay $0x6  }
0x72: {  	v4 =	vld.idx.msk [tilespmem:v2+s18+$0x0], $0xffff;
	_ =	sdelay $0x3  }
0x73: {  	_, v5, vm0 =	vpop (xrf1)  }
0x74: {  	v4 =	vadd.s32 v5, v4  }
0x75: {  	v4 =	vadd.s32 $0xFFFFFFFF, v4  }
0x76: {  	_, v6, vm1 =	vpop (xrf1);
	_ =	sdelay $0x3  }
0x77: {  	[tilespmem:v4+s2+$0x0] =	vst.idx.msk $0xffff, v1  }
0x78: {  	[tilespmem:v2+s18+$0x0] =	vst.idx.add.s32.msk vm0, v5  }
0x79: {  	p0 =	seq.s32 s21, $0x7;
	s31 =	simm.s32 $0x0;
	[tilespmem:v3+s17+$0x0] =	vst.idx.add.s32.msk vm1, v6  }
0x7a: {  	s22 =	sadd.s32 @!p0 s22, s8;
	s23 =	simm.s32 @!p0 $0x80;
	_ =	swait.ge [sflag:s15], $0x1880  }
0x7b: {  	s24 =	simm.s32 @!p0 $0x400;
	s22 =	sshrl.u32 @!p0 s22, $0x3;
	[sflag:s15] =	ssyncset.done $0x0  }
0x7c: {  	s25 =	simm.s32 @!p0 $0x18800;
	s22 =	sadd.s32 @!p0 s3, s22;
	[sflag:s15] =	ssyncadd.s32 $0xFFFFE780  }
0x7d: {  	[tilespmem:s25], [sflag:$0x1] =	stream.strided.gather @!p0 [hbm4b:s22+s23], $0x1880, s24, s23, $0x38;
	[tilespmem:$0x1C900] =	vst v63  }
0x7e: {  	v1 =	vld [tilespmem:s31+$0x1A080]  }
0x7f: {  	s22 =	simm.s32 $0x40  }
.LBB2_17:
0x80: {  	p0 =	sne.s32 s22, $0x61C0;
	_ =	sdelay $0x2  }
0x81: {  	v2 =	vand.u32 $0x7FF, v1  }
0x82: {  	(xrf1) =	vunique.msk.u32 $0xffff, v2  }
0x83: {  	v3 =	vshrl.u32 v1, $0xB  }
0x84: {  	v3 =	vand.u32 $0x7FF, v3  }
0x85: {  	(xrf1) =	vunique.msk.u32 $0xffff, v3;
	_ =	sdelay $0x5  }
0x86: {  	v4 =	vld.idx.msk [tilespmem:v2+s18+$0x0], $0xffff;
	_ =	sdelay $0x4  }
0x87: {  	_, v5, vm0 =	vpop (xrf1)  }
0x88: {  	v4 =	vadd.s32 v5, v4  }
0x89: {  	v4 =	vadd.s32 $0xFFFFFFFF, v4  }
0x8a: {  	_, v6, vm1 =	vpop (xrf1);
	_ =	sdelay $0x3  }
.Ltmp7:
0x8b: {  	[tilespmem:v4+s2+$0x0] =	vst.idx.msk $0xffff, v1;
	(pc) =	sbr.rel @p0 .LBB2_17-.Ltmp7, $4  }
0x8c: {  	[tilespmem:v2+s18+$0x0] =	vst.idx.add.s32.msk vm0, v5  }
0x8d: {  	s23 =	sshra.s32 s22, $0x2;
	[tilespmem:v3+s17+$0x0] =	vst.idx.add.s32.msk vm1, v6  }
0x8e: {  	v1 =	vld [tilespmem:s23+$0x1A080]  }
0x8f: {  	s22 =	sadd.s32 $0x40, s22  }
0x90: {  	_ =	sdelay $0x2  }
0x91: {  	v2 =	vand.u32 $0x7FF, v1  }
0x92: {  	(xrf1) =	vunique.msk.u32 $0xffff, v2  }
0x93: {  	v3 =	vshrl.u32 v1, $0xB  }
0x94: {  	v3 =	vand.u32 $0x7FF, v3  }
0x95: {  	(xrf1) =	vunique.msk.u32 $0xffff, v3;
	_ =	sdelay $0x6  }
0x96: {  	v4 =	vld.idx.msk [tilespmem:v2+s18+$0x0], $0xffff;
	_ =	sdelay $0x3  }
0x97: {  	_, v5, vm0 =	vpop (xrf1)  }
0x98: {  	v4 =	vadd.s32 v5, v4  }
0x99: {  	v4 =	vadd.s32 $0xFFFFFFFF, v4  }
0x9a: {  	s21 =	sadd.s32 $0x1, s21;
	_, v6, vm1 =	vpop (xrf1)  }
0x9b: {  	p0 =	sne.s32 s21, $0x8  }
.Ltmp8:
0x9c: {  	_ = 	snop;
	(pc) =	sbr.rel @p0 .LBB2_14-.Ltmp8, $4  }
0x9d: {  	_ = 	snop  }
0x9e: {  	[tilespmem:v4+s2+$0x0] =	vst.idx.msk $0xffff, v1  }
0x9f: {  	[tilespmem:v2+s18+$0x0] =	vst.idx.add.s32.msk vm0, v5  }
0xa0: {  	[tilespmem:v3+s17+$0x0] =	vst.idx.add.s32.msk vm1, v6  }
0xa1: {  	s21 =	simm.s32 $0x0  }
0xa2: {  	[hbm4b:s9+s12] =	stream.strided.scatter [tilespmem:s21], [sflag:$0x2], $0x18800, s13, s12, $0x38;
	[tilespmem:$0x1C900] =	vst v63  }
0xa3: {  	_ =	swait.ge [sflag:s19], $0x18800  }
0xa4: {  	[sflag:s19] =	ssyncset.done $0x0  }
0xa5: {  	s22 =	simm.s32 $0x0;
	[sflag:s19] =	ssyncadd.s32 $0xFFFE7800  }
0xa6: {  	v3 =	vld [tilespmem:s22+$0x1C100];
	_ =	sdelay $0x4  }
0xa7: {  	s23 =	simm.s32 $0x10;
	(xrf0) =	vadd.scan.msk.s32 $0xffff, v3  }
0xa8: {  	v2 =	vld [tilespmem:s23+$0x1C100];
	_ =	sdelay $0x1  }
0xa9: {  	v1 =	vimm.s32 $0x0  }
0xaa: {  	s24 =	simm.s32 $0x80;
	s21 =	simm.s32 $0x40;
	v3 =	vsub.s32 v1, v3  }
.LBB2_20:
0xab: {  	p0 =	sne.s32 s24, $0x1FC0  }
.Ltmp9:
0xac: {  	s25 =	sshra.s32 s24, $0x2;
	s24 =	sadd.s32 $0x40, s24;
	(xrf0) =	vadd.scan.msk.s32 $0xffff, v2;
	v4, _, _ =	vpop (xrf0);
	v5 =	vmov v2;
	(pc) =	sbr.rel @p0 .LBB2_20-.Ltmp9, $4  }
0xad: {  	v2 =	vld [tilespmem:s25+$0x1C100];
	v3 =	vadd.s32 v4, v3;
	v4 =	vbroadcast v4, $0xF  }
0xae: {  	[tilespmem:s22+$0x1B900] =	vst v3;
	s22 =	smov.u32 s23;
	s23 =	smov.u32 s25  }
0xaf: {  	v1 =	vadd.s32 v1, v4  }
0xb0: {  	v3 =	vsub.s32 v1, v5  }
0xb1: {  	_ = 	snop  }
0xb2: {  	(xrf0) =	vadd.scan.msk.s32 $0xffff, v2;
	_ =	sdelay $0x1  }
0xb3: {  	v4, _, _ =	vpop (xrf0)  }
0xb4: {  	v5 =	vbroadcast v4, $0xF;
	_ =	sdelay $0x1  }
0xb5: {  	v1 =	vadd.s32 v1, v5  }
0xb6: {  	v3 =	vadd.s32 v4, v3;
	v1 =	vsub.s32 v1, v2;
	v2, _, _ =	vpop (xrf0)  }
0xb7: {  	[tilespmem:s22+$0x1B900] =	vst v3;
	v1 =	vadd.s32 v2, v1  }
0xb8: {  	s22 =	simm.s32 $0x0;
	[tilespmem:s23+$0x1B900] =	vst v1  }
.LBB2_22:
0xb9: {  	p0 =	sne.s32 s21, $0x1FC0;
	[tilespmem:s22+$0x1C100] =	vst v0;
	s22 =	smov.u32 s21;
	s21 =	sadd.s32 $0x40, s21  }
.Ltmp10:
0xba: {  	(pc) =	sbr.rel @p0 .LBB2_22-.Ltmp10, $2  }
0xbb: {  	_ =	sdelay $0x2  }
0xbc: {  	s22 =	sshra.s32 s22, $0x2  }
0xbd: {  	[tilespmem:s22+$0x1C100] =	vst v0;
	s21 =	simm.s32 $0x0  }
0xbe: {  	[tilespmem:s14], [sflag:$0x1] =	stream.strided.gather [hbm4b:s9+s12], $0x1880, s13, s12, $0x38;
	[tilespmem:$0x1C900] =	vst v63  }
.LBB2_24:
0xbf: {  	s22 =	smul.u32 $0x18800, s21;
	_ =	sdelay $0x1  }
0xc0: {  	_ =	swait.ge [sflag:s15], $0x1880;
	s23 =	sadd.s32 s22, s7  }
0xc1: {  	[sflag:s15] =	ssyncset.done $0x0;
	s23 =	sshrl.u32 s23, $0x3  }
0xc2: {  	s31 =	simm.s32 $0x0;
	[sflag:s15] =	ssyncadd.s32 $0xFFFFE780;
	s23 =	sadd.s32 s5, s23  }
0xc3: {  	[tilespmem:s16], [sflag:$0x1] =	stream.strided.gather [hbm4b:s23+s12], $0x1880, s13, s12, $0x38;
	[tilespmem:$0x1C900] =	vst v63  }
0xc4: {  	v1 =	vld [tilespmem:s31+$0x18800]  }
0xc5: {  	s23 =	simm.s32 $0x40  }
.LBB2_25:
0xc6: {  	p0 =	sne.s32 s23, $0x61C0;
	_ =	sdelay $0x2  }
0xc7: {  	v2 =	vshrl.u32 v1, $0xB  }
0xc8: {  	v2 =	vand.u32 $0x7FF, v2  }
0xc9: {  	(xrf1) =	vunique.msk.u32 $0xffff, v2  }
0xca: {  	v3 =	vshra.s32 v1, $0x16  }
0xcb: {  	v3 =	vand.u32 $0x7FF, v3  }
0xcc: {  	(xrf1) =	vunique.msk.u32 $0xffff, v3;
	_ =	sdelay $0x5  }
0xcd: {  	v4 =	vld.idx.msk [tilespmem:v2+s18+$0x0], $0xffff;
	_ =	sdelay $0x4  }
0xce: {  	_, v5, vm0 =	vpop (xrf1)  }
0xcf: {  	v4 =	vadd.s32 v5, v4  }
0xd0: {  	v4 =	vadd.s32 $0xFFFFFFFF, v4  }
0xd1: {  	_, v6, vm1 =	vpop (xrf1);
	_ =	sdelay $0x3  }
.Ltmp11:
0xd2: {  	[tilespmem:v4+s2+$0x0] =	vst.idx.msk $0xffff, v1;
	(pc) =	sbr.rel @p0 .LBB2_25-.Ltmp11, $4  }
0xd3: {  	[tilespmem:v2+s18+$0x0] =	vst.idx.add.s32.msk vm0, v5  }
0xd4: {  	s24 =	sshra.s32 s23, $0x2;
	[tilespmem:v3+s17+$0x0] =	vst.idx.add.s32.msk vm1, v6  }
0xd5: {  	v1 =	vld [tilespmem:s24+$0x18800]  }
0xd6: {  	s23 =	sadd.s32 $0x40, s23  }
0xd7: {  	_ =	sdelay $0x2  }
0xd8: {  	v2 =	vshrl.u32 v1, $0xB  }
0xd9: {  	v2 =	vand.u32 $0x7FF, v2  }
0xda: {  	(xrf1) =	vunique.msk.u32 $0xffff, v2  }
0xdb: {  	v3 =	vshra.s32 v1, $0x16  }
0xdc: {  	v3 =	vand.u32 $0x7FF, v3  }
0xdd: {  	(xrf1) =	vunique.msk.u32 $0xffff, v3;
	_ =	sdelay $0x6  }
0xde: {  	v4 =	vld.idx.msk [tilespmem:v2+s18+$0x0], $0xffff;
	_ =	sdelay $0x3  }
0xdf: {  	_, v5, vm0 =	vpop (xrf1)  }
0xe0: {  	v4 =	vadd.s32 v5, v4  }
0xe1: {  	v4 =	vadd.s32 $0xFFFFFFFF, v4  }
0xe2: {  	_, v6, vm1 =	vpop (xrf1);
	_ =	sdelay $0x3  }
0xe3: {  	[tilespmem:v4+s2+$0x0] =	vst.idx.msk $0xffff, v1  }
0xe4: {  	[tilespmem:v2+s18+$0x0] =	vst.idx.add.s32.msk vm0, v5  }
0xe5: {  	p0 =	seq.s32 s21, $0x7;
	s31 =	simm.s32 $0x0;
	[tilespmem:v3+s17+$0x0] =	vst.idx.add.s32.msk vm1, v6  }
0xe6: {  	s22 =	sadd.s32 @!p0 s22, s8;
	s23 =	simm.s32 @!p0 $0x80;
	_ =	swait.ge [sflag:s15], $0x1880  }
0xe7: {  	s24 =	simm.s32 @!p0 $0x400;
	s22 =	sshrl.u32 @!p0 s22, $0x3;
	[sflag:s15] =	ssyncset.done $0x0  }
0xe8: {  	s25 =	simm.s32 @!p0 $0x18800;
	s22 =	sadd.s32 @!p0 s5, s22;
	[sflag:s15] =	ssyncadd.s32 $0xFFFFE780  }
0xe9: {  	[tilespmem:s25], [sflag:$0x1] =	stream.strided.gather @!p0 [hbm4b:s22+s23], $0x1880, s24, s23, $0x38;
	[tilespmem:$0x1C900] =	vst v63  }
0xea: {  	v1 =	vld [tilespmem:s31+$0x1A080]  }
0xeb: {  	s22 =	simm.s32 $0x40  }
.LBB2_27:
0xec: {  	p0 =	sne.s32 s22, $0x61C0;
	_ =	sdelay $0x2  }
0xed: {  	v2 =	vshrl.u32 v1, $0xB  }
0xee: {  	v2 =	vand.u32 $0x7FF, v2  }
0xef: {  	(xrf1) =	vunique.msk.u32 $0xffff, v2  }
0xf0: {  	v3 =	vshra.s32 v1, $0x16  }
0xf1: {  	v3 =	vand.u32 $0x7FF, v3  }
0xf2: {  	(xrf1) =	vunique.msk.u32 $0xffff, v3;
	_ =	sdelay $0x5  }
0xf3: {  	v4 =	vld.idx.msk [tilespmem:v2+s18+$0x0], $0xffff;
	_ =	sdelay $0x4  }
0xf4: {  	_, v5, vm0 =	vpop (xrf1)  }
0xf5: {  	v4 =	vadd.s32 v5, v4  }
0xf6: {  	v4 =	vadd.s32 $0xFFFFFFFF, v4  }
0xf7: {  	_, v6, vm1 =	vpop (xrf1);
	_ =	sdelay $0x3  }
.Ltmp12:
0xf8: {  	[tilespmem:v4+s2+$0x0] =	vst.idx.msk $0xffff, v1;
	(pc) =	sbr.rel @p0 .LBB2_27-.Ltmp12, $4  }
0xf9: {  	[tilespmem:v2+s18+$0x0] =	vst.idx.add.s32.msk vm0, v5  }
0xfa: {  	s23 =	sshra.s32 s22, $0x2;
	[tilespmem:v3+s17+$0x0] =	vst.idx.add.s32.msk vm1, v6  }
0xfb: {  	v1 =	vld [tilespmem:s23+$0x1A080]  }
0xfc: {  	s22 =	sadd.s32 $0x40, s22  }
0xfd: {  	_ =	sdelay $0x2  }
0xfe: {  	v2 =	vshrl.u32 v1, $0xB  }
0xff: {  	v2 =	vand.u32 $0x7FF, v2  }
0x100: {  	(xrf1) =	vunique.msk.u32 $0xffff, v2  }
0x101: {  	v3 =	vshra.s32 v1, $0x16  }
0x102: {  	v3 =	vand.u32 $0x7FF, v3  }
0x103: {  	(xrf1) =	vunique.msk.u32 $0xffff, v3;
	_ =	sdelay $0x6  }
0x104: {  	v4 =	vld.idx.msk [tilespmem:v2+s18+$0x0], $0xffff;
	_ =	sdelay $0x3  }
0x105: {  	_, v5, vm0 =	vpop (xrf1)  }
0x106: {  	v4 =	vadd.s32 v5, v4  }
0x107: {  	v4 =	vadd.s32 $0xFFFFFFFF, v4  }
0x108: {  	s21 =	sadd.s32 $0x1, s21;
	_, v6, vm1 =	vpop (xrf1)  }
0x109: {  	p0 =	sne.s32 s21, $0x8  }
.Ltmp13:
0x10a: {  	_ = 	snop;
	(pc) =	sbr.rel @p0 .LBB2_24-.Ltmp13, $4  }
0x10b: {  	_ = 	snop  }
0x10c: {  	[tilespmem:v4+s2+$0x0] =	vst.idx.msk $0xffff, v1  }
0x10d: {  	[tilespmem:v2+s18+$0x0] =	vst.idx.add.s32.msk vm0, v5  }
0x10e: {  	[tilespmem:v3+s17+$0x0] =	vst.idx.add.s32.msk vm1, v6  }
0x10f: {  	s21 =	simm.s32 $0x0  }
0x110: {  	[hbm4b:s10+s12] =	stream.strided.scatter [tilespmem:s21], [sflag:$0x2], $0x18800, s13, s12, $0x38;
	[tilespmem:$0x1C900] =	vst v63  }
0x111: {  	_ =	swait.ge [sflag:s19], $0x18800  }
0x112: {  	[sflag:s19] =	ssyncset.done $0x0  }
0x113: {  	s22 =	simm.s32 $0x0;
	[sflag:s19] =	ssyncadd.s32 $0xFFFE7800  }
0x114: {  	v3 =	vld [tilespmem:s22+$0x1C100];
	_ =	sdelay $0x4  }
0x115: {  	s23 =	simm.s32 $0x10;
	(xrf0) =	vadd.scan.msk.s32 $0xffff, v3  }
0x116: {  	v2 =	vld [tilespmem:s23+$0x1C100];
	_ =	sdelay $0x1  }
0x117: {  	v1 =	vimm.s32 $0x0  }
0x118: {  	s24 =	simm.s32 $0x80;
	s21 =	simm.s32 $0x40;
	v3 =	vsub.s32 v1, v3  }
.LBB2_30:
0x119: {  	p0 =	sne.s32 s24, $0x1FC0  }
.Ltmp14:
0x11a: {  	s25 =	sshra.s32 s24, $0x2;
	s24 =	sadd.s32 $0x40, s24;
	(xrf0) =	vadd.scan.msk.s32 $0xffff, v2;
	v4, _, _ =	vpop (xrf0);
	v5 =	vmov v2;
	(pc) =	sbr.rel @p0 .LBB2_30-.Ltmp14, $4  }
0x11b: {  	v2 =	vld [tilespmem:s25+$0x1C100];
	v3 =	vadd.s32 v4, v3;
	v4 =	vbroadcast v4, $0xF  }
0x11c: {  	[tilespmem:s22+$0x1B900] =	vst v3;
	s22 =	smov.u32 s23;
	s23 =	smov.u32 s25  }
0x11d: {  	v1 =	vadd.s32 v1, v4  }
0x11e: {  	v3 =	vsub.s32 v1, v5  }
0x11f: {  	_ = 	snop  }
0x120: {  	(xrf0) =	vadd.scan.msk.s32 $0xffff, v2;
	_ =	sdelay $0x1  }
0x121: {  	v4, _, _ =	vpop (xrf0)  }
0x122: {  	v5 =	vbroadcast v4, $0xF;
	_ =	sdelay $0x1  }
0x123: {  	v1 =	vadd.s32 v1, v5  }
0x124: {  	v3 =	vadd.s32 v4, v3;
	v1 =	vsub.s32 v1, v2;
	v2, _, _ =	vpop (xrf0)  }
0x125: {  	[tilespmem:s22+$0x1B900] =	vst v3;
	v1 =	vadd.s32 v2, v1  }
0x126: {  	s22 =	simm.s32 $0x0;
	[tilespmem:s23+$0x1B900] =	vst v1  }
.LBB2_32:
0x127: {  	p0 =	sne.s32 s21, $0x1FC0;
	[tilespmem:s22+$0x1C100] =	vst v0;
	s22 =	smov.u32 s21;
	s21 =	sadd.s32 $0x40, s21  }
.Ltmp15:
0x128: {  	(pc) =	sbr.rel @p0 .LBB2_32-.Ltmp15, $2  }
0x129: {  	_ =	sdelay $0x2  }
0x12a: {  	s22 =	sshra.s32 s22, $0x2  }
0x12b: {  	[tilespmem:s22+$0x1C100] =	vst v0;
	s21 =	simm.s32 $0x0  }
0x12c: {  	[tilespmem:s14], [sflag:$0x1] =	stream.strided.gather [hbm4b:s10+s12], $0x1880, s13, s12, $0x38;
	[tilespmem:$0x1C900] =	vst v63  }
.LBB2_34:
0x12d: {  	s22 =	smul.u32 $0x18800, s21;
	_ =	sdelay $0x1  }
0x12e: {  	_ =	swait.ge [sflag:s15], $0x1880;
	s23 =	sadd.s32 s22, s7  }
0x12f: {  	[sflag:s15] =	ssyncset.done $0x0;
	s23 =	sshrl.u32 s23, $0x3  }
0x130: {  	s31 =	simm.s32 $0x0;
	[sflag:s15] =	ssyncadd.s32 $0xFFFFE780;
	s23 =	sadd.s32 s4, s23  }
0x131: {  	[tilespmem:s16], [sflag:$0x1] =	stream.strided.gather [hbm4b:s23+s12], $0x1880, s13, s12, $0x38;
	[tilespmem:$0x1C900] =	vst v63  }
0x132: {  	s23 =	simm.s32 $0x40;
	v1 =	vld [tilespmem:s31+$0x18800]  }
.LBB2_35:
0x133: {  	p0 =	sne.s32 s23, $0x61C0;
	_ =	sdelay $0x3  }
0x134: {  	v2 =	vshra.s32 v1, $0x16  }
0x135: {  	v2 =	vand.u32 $0x7FF, v2  }
0x136: {  	(xrf1) =	vunique.msk.u32 $0xffff, v2;
	_ =	sdelay $0x8  }
0x137: {  	v3 =	vld.idx.msk [tilespmem:v2+s18+$0x0], $0xffff;
	_ =	sdelay $0x4  }
0x138: {  	_, v4, vm0 =	vpop (xrf1)  }
0x139: {  	v3 =	vadd.s32 v4, v3  }
0x13a: {  	v3 =	vadd.s32 $0xFFFFFFFF, v3;
	_ =	sdelay $0x2  }
.Ltmp16:
0x13b: {  	(pc) =	sbr.rel @p0 .LBB2_35-.Ltmp16, $4  }
0x13c: {  	_ = 	snop  }
0x13d: {  	[tilespmem:v3+s2+$0x0] =	vst.idx.msk $0xffff, v1  }
0x13e: {  	s24 =	sshra.s32 s23, $0x2;
	[tilespmem:v2+s18+$0x0] =	vst.idx.add.s32.msk vm0, v4  }
0x13f: {  	s23 =	sadd.s32 $0x40, s23;
	v1 =	vld [tilespmem:s24+$0x18800]  }
0x140: {  	_ =	sdelay $0x3  }
0x141: {  	v2 =	vshra.s32 v1, $0x16  }
0x142: {  	v2 =	vand.u32 $0x7FF, v2  }
0x143: {  	(xrf1) =	vunique.msk.u32 $0xffff, v2;
	_ =	sdelay $0x9  }
0x144: {  	v3 =	vld.idx.msk [tilespmem:v2+s18+$0x0], $0xffff;
	_ =	sdelay $0x3  }
0x145: {  	_, v4, vm0 =	vpop (xrf1)  }
0x146: {  	v3 =	vadd.s32 v4, v3  }
0x147: {  	v3 =	vadd.s32 $0xFFFFFFFF, v3;
	_ =	sdelay $0x4  }
0x148: {  	[tilespmem:v3+s2+$0x0] =	vst.idx.msk $0xffff, v1  }
0x149: {  	p0 =	seq.s32 s21, $0x7;
	s31 =	simm.s32 $0x0;
	[tilespmem:v2+s18+$0x0] =	vst.idx.add.s32.msk vm0, v4  }
0x14a: {  	s22 =	sadd.s32 @!p0 s22, s8;
	s23 =	simm.s32 @!p0 $0x80;
	_ =	swait.ge [sflag:s15], $0x1880  }
0x14b: {  	s24 =	simm.s32 @!p0 $0x400;
	s22 =	sshrl.u32 @!p0 s22, $0x3;
	[sflag:s15] =	ssyncset.done $0x0  }
0x14c: {  	s25 =	simm.s32 @!p0 $0x18800;
	s22 =	sadd.s32 @!p0 s4, s22;
	[sflag:s15] =	ssyncadd.s32 $0xFFFFE780  }
0x14d: {  	[tilespmem:s25], [sflag:$0x1] =	stream.strided.gather @!p0 [hbm4b:s22+s23], $0x1880, s24, s23, $0x38;
	[tilespmem:$0x1C900] =	vst v63  }
0x14e: {  	s22 =	simm.s32 $0x40;
	v1 =	vld [tilespmem:s31+$0x1A080]  }
.LBB2_37:
0x14f: {  	p0 =	sne.s32 s22, $0x61C0;
	_ =	sdelay $0x3  }
0x150: {  	v2 =	vshra.s32 v1, $0x16  }
0x151: {  	v2 =	vand.u32 $0x7FF, v2  }
0x152: {  	(xrf1) =	vunique.msk.u32 $0xffff, v2;
	_ =	sdelay $0x8  }
0x153: {  	v3 =	vld.idx.msk [tilespmem:v2+s18+$0x0], $0xffff;
	_ =	sdelay $0x4  }
0x154: {  	_, v4, vm0 =	vpop (xrf1)  }
0x155: {  	v3 =	vadd.s32 v4, v3  }
0x156: {  	v3 =	vadd.s32 $0xFFFFFFFF, v3;
	_ =	sdelay $0x2  }
.Ltmp17:
0x157: {  	(pc) =	sbr.rel @p0 .LBB2_37-.Ltmp17, $4  }
0x158: {  	_ = 	snop  }
0x159: {  	[tilespmem:v3+s2+$0x0] =	vst.idx.msk $0xffff, v1  }
0x15a: {  	s23 =	sshra.s32 s22, $0x2;
	[tilespmem:v2+s18+$0x0] =	vst.idx.add.s32.msk vm0, v4  }
0x15b: {  	s22 =	sadd.s32 $0x40, s22;
	v1 =	vld [tilespmem:s23+$0x1A080]  }
0x15c: {  	_ =	sdelay $0x3  }
0x15d: {  	v2 =	vshra.s32 v1, $0x16  }
0x15e: {  	v2 =	vand.u32 $0x7FF, v2  }
0x15f: {  	(xrf1) =	vunique.msk.u32 $0xffff, v2;
	_ =	sdelay $0x9  }
0x160: {  	v3 =	vld.idx.msk [tilespmem:v2+s18+$0x0], $0xffff;
	_ =	sdelay $0x3  }
0x161: {  	_, v4, vm0 =	vpop (xrf1)  }
0x162: {  	v3 =	vadd.s32 v4, v3  }
0x163: {  	s21 =	sadd.s32 $0x1, s21;
	v3 =	vadd.s32 $0xFFFFFFFF, v3  }
0x164: {  	p0 =	sne.s32 s21, $0x8  }
.Ltmp18:
0x165: {  	_ = 	snop;
	(pc) =	sbr.rel @p0 .LBB2_34-.Ltmp18, $3  }
0x166: {  	_ =	sdelay $0x1  }
0x167: {  	[tilespmem:v3+s2+$0x0] =	vst.idx.msk $0xffff, v1  }
0x168: {  	[tilespmem:v2+s18+$0x0] =	vst.idx.add.s32.msk vm0, v4  }
0x169: {  	s20 =	sadd.s32 $0x1, s20  }
0x16a: {  	p0 =	sne.s32 s20, s11  }
.Ltmp19:
0x16b: {  	_ = 	snop;
	(pc) =	sbr.rel @p0 .LBB2_1-.Ltmp19, $4  }
0x16c: {  	[hbm4b:s10+s12] =	stream.strided.scatter [tilespmem:s2], [sflag:$0x2], $0x18800, s13, s12, $0x38;
	[tilespmem:$0x1C900] =	vst v63  }
0x16d: {  	_ =	swait.ge [sflag:s19], $0x18800  }
0x16e: {  	[sflag:s19] =	ssyncset.done $0x0  }
0x16f: {  	[sflag:s19] =	ssyncadd.s32 $0xFFFE7800  }
0x170: {  	_ =	sfence.sel $0x180000  }
0x171: {  	[bflag:$0x0] =	sbarrier.arrive $0xFFFF  }
0x172: {  	p0 =	sne.s32 s1, $0x0;
	_ =	strace $0x9000004A  }
0x173: {  	s0 =	sadd.s32 @!p0 $0x100000, s0;
	[bflag:$0x2] =	sbarrier.arrive $0xFFFF  }
0x174: {  	[sflag:s0] =	ssyncadd.tile.s32 @!p0 $0x1;
	_ =	shalt  }
.Lfunc_end2:
_tile_overlayer_lowered:
.L_overlay_start_2:
0x175: {  	(tag) =	ssettag $0x2  }
0x176: {  	s0 =	rddreg [dreg:$0x0];
	s2 =	stileid.u32  }
0x177: {  	s1 =	rddreg [dreg:$0x1];
	p0 =	sne.s32 s2, $0x0  }
0x178: {  	s3 =	rddreg [dreg:$0x2];
	[bflag:$0x3] =	sbarrier.arrive $0xFFFF;
	s2 =	simm.s32 @!p0 $0x1C02  }
0x179: {  	[timem:s3], [sflag:s2] =	dma.local @!p0 [hbm:s0], s1  }
0x17a: {  	s0 =	simm.s32 @!p0 $0x2  }
0x17b: {  	_ =	swait.ge @!p0 [sflag:s0], s1  }
0x17c: {  	s1 =	ssub.s32 @!p0 $0x0, s1;
	[sflag:s0] =	ssyncset.done @!p0 $0x0  }
0x17d: {  	[sflag:s0] =	ssyncadd.s32 @!p0 s1  }
0x17e: {  	[bflag:$0x3] =	sbarrier.arrive $0xFFFF  }
0x17f: {  	_ =	shalt  }

// kernel: kernel.22.cloned.1.call-start
scs
__scs_entry_jumppad:
0x0: {  	(pc) =	sbr.rel $0x88, $3  }
0x1: {  	(tag) =	ssettag $0x0;
	lr =	simm.s32 $0x1  }
0x2: {  	[smem:$0x3FA0] =	sst lr;
	_ =	strace $0xD0000000  }
0x3: {  	_ = 	snop  }
0x4: {  	_ = 	snop  }
0x5: {  	_ = 	snop  }
0x6: {  	_ = 	snop  }
0x7: {  	_ = 	snop  }
__scs_overlays_trampoline_lowered:
0x8: {  	[smem:$0x3FAF] =	sst s0  }
0x9: {  	[smem:$0x3FB0] =	sst s1  }
0xa: {  	[smem:$0x3FB1] =	sst s2  }
0xb: {  	[smem:$0x3FB2] =	sst s3  }
0xc: {  	[smem:$0x3FB3] =	sst s4  }
0xd: {  	[smem:$0x3FB4] =	sst s5  }
0xe: {  	[smem:$0x3FB5] =	sst s6  }
0xf: {  	[smem:$0x3FB6] =	sst s7  }
0x10: {  	[smem:$0x3FB7] =	sst s8  }
0x11: {  	[smem:$0x3FB8] =	sst s9;
	s0 =	simm.s32 @!p0 $0x0  }
0x12: {  	s1 =	sld [smem:$0x3F9E];
	s0 =	simm.s32 @p0 $0x1  }
0x13: {  	[smem:$0x3FB9] =	sst s0;
	s0 =	simm.s32 @!p1 $0x0  }
0x14: {  	s2 =	sld [smem:$0x3F9D];
	s0 =	simm.s32 @p1 $0x1  }
0x15: {  	[smem:$0x3FBA] =	sst s0;
	s0 =	simm.s32 @!p2 $0x0  }
0x16: {  	s3 =	sld [smem:$0x3FDB];
	s0 =	simm.s32 @p2 $0x1  }
0x17: {  	s4 =	simm.s32 $0x1BF5;
	[smem:$0x3FBC] =	sst s0  }
0x18: {  	s0 =	sld [smem:$0x3F9F];
	_ =	swait.ge [sflag:s4], $0x0  }
0x19: {  	s7 =	sld [smem:$0x3FA0]  }
0x1a: {  	s8 =	sadd.s32 $0xFFFFE003, lr  }
0x1b: {  	s9 =	sadd.s32 $0xFFFFFEF7, lr;
	s5 =	simm.s32 $0xFFFFFFFF;
	p2 =	slt.u32 s8, $0xFFFFF086  }
0x1c: {  	p1 =	slt.u32 s9, $0xF7A;
	s5 =	simm.s32 @!p2 $0x0  }
0x1d: {  	s5 =	simm.s32 @p1 $0x1;
	p0 =	seq.s32 s7, s2  }
0x1e: {  	s7 =	smul.u32 @!p0 $0xF7A, s2;
	p2 =	seq.s32 @!p0 s5, $0x0  }
0x1f: {  	s9 =	smul.u32 $0xF7A, s1;
	s8 =	simm.s32 @!p0 $0x1BF5;
	p2 =	por !p2, p0  }
0x20: {  	[sflag:s8] =	ssyncset.s32 @!p0 $0xFFFFF086;
	s6 =	sadd.s32 @!p0 s3, s7;
	s7 =	simm.s32 @!p0 $0x108  }
0x21: {  	s3 =	sadd.s32 s3, s9;
	s6 =	sadd.s32 @!p0 $0x88, s6;
	s7 =	simm.s32 @p2 $0x1082  }
0x22: {  	[simem:s7], [sflag:s8] =	dma.local @!p0 [hbm:s6], $0xF7A  }
0x23: {  	s9 =	sor.u32 $0xD0000000, s2;
	s6 =	simm.s32 $0x108;
	_ =	swait.ge @!p0 [sflag:s8], $0x0  }
0x24: {  	s3 =	sadd.s32 $0x88, s3;
	s6 =	simm.s32 @!p1 $0x1082;
	[sflag:s4] =	ssyncset.s32 $0xFFFFF086  }
0x25: {  	[simem:s6], [sflag:s4] =	dma.local [hbm:s3], $0xF7A  }
0x26: {  	[smem:$0x3FA0] =	sst s1;
	(tag) =	ssettag s2;
	_ =	strace s9  }
0x27: {  	s1 =	sld [smem:$0x3FB0]  }
0x28: {  	s2 =	sld [smem:$0x3FB1]  }
0x29: {  	s4 =	sld [smem:$0x3FB3]  }
0x2a: {  	p0 =	seq.s32 s5, $0x0;
	s5 =	sld [smem:$0x3FB4]  }
0x2b: {  	s6 =	sld [smem:$0x3FB5]  }
0x2c: {  	s7 =	sld [smem:$0x3FB6]  }
0x2d: {  	s3 =	simm.s32 $0x108;
	s8 =	sld [smem:$0x3FB7]  }
0x2e: {  	s3 =	simm.s32 @!p0 $0x1082;
	s9 =	sld [smem:$0x3FB8]  }
0x2f: {  	lr =	sadd.s32 s0, s3;
	s0 =	sld [smem:$0x3FAF]  }
0x30: {  	s3 =	sld [smem:$0x3FB2]  }
0x31: {  	[smem:$0x3FBB] =	sst s10  }
0x32: {  	s10 =	sld [smem:$0x3FB9];
	_ =	sdelay $0x3  }
0x33: {  	p0 =	seq.s32 s10, $0x1;
	s10 =	sld [smem:$0x3FBB];
	_ =	sdelay $0x3  }
0x34: {  	[smem:$0x3FBB] =	sst s10  }
0x35: {  	s10 =	sld [smem:$0x3FBA];
	_ =	sdelay $0x3  }
0x36: {  	p1 =	seq.s32 s10, $0x1;
	s10 =	sld [smem:$0x3FBB];
	_ =	sdelay $0x3  }
0x37: {  	[smem:$0x3FBB] =	sst s10  }
0x38: {  	s10 =	sld [smem:$0x3FBC]  }
0x39: {  	_ = 	snop;
	(pc) =	sbr.ind lr, $3  }
0x3a: {  	_ = 	snop  }
0x3b: {  	_ = 	snop  }
0x3c: {  	p2 =	seq.s32 s10, $0x1;
	s10 =	sld [smem:$0x3FBB]  }
0x3d: {  	_ =	shalt  }
0x3e: {  	_ =	shalt  }
0x3f: {  	_ =	shalt  }
0x40: {  	_ =	shalt  }
0x41: {  	_ =	shalt  }
0x42: {  	_ =	shalt  }
0x43: {  	_ =	shalt  }
0x44: {  	_ =	shalt  }
0x45: {  	_ =	shalt  }
0x46: {  	_ =	shalt  }
0x47: {  	_ =	shalt  }
0x48: {  	_ =	shalt  }
0x49: {  	_ =	shalt  }
0x4a: {  	_ =	shalt  }
0x4b: {  	_ =	shalt  }
0x4c: {  	_ =	shalt  }
0x4d: {  	_ =	shalt  }
0x4e: {  	_ =	shalt  }
0x4f: {  	_ =	shalt  }
0x50: {  	_ =	shalt  }
0x51: {  	_ =	shalt  }
0x52: {  	_ =	shalt  }
0x53: {  	_ =	shalt  }
0x54: {  	_ =	shalt  }
0x55: {  	_ =	shalt  }
0x56: {  	_ =	shalt  }
0x57: {  	_ =	shalt  }
0x58: {  	_ =	shalt  }
0x59: {  	_ =	shalt  }
0x5a: {  	_ =	shalt  }
0x5b: {  	_ =	shalt  }
0x5c: {  	_ =	shalt  }
0x5d: {  	_ =	shalt  }
0x5e: {  	_ =	shalt  }
0x5f: {  	_ =	shalt  }
0x60: {  	_ =	shalt  }
0x61: {  	_ =	shalt  }
0x62: {  	_ =	shalt  }
0x63: {  	_ =	shalt  }
0x64: {  	_ =	shalt  }
0x65: {  	_ =	shalt  }
0x66: {  	_ =	shalt  }
0x67: {  	_ =	shalt  }
0x68: {  	_ =	shalt  }
0x69: {  	_ =	shalt  }
0x6a: {  	_ =	shalt  }
0x6b: {  	_ =	shalt  }
0x6c: {  	_ =	shalt  }
0x6d: {  	_ =	shalt  }
0x6e: {  	_ =	shalt  }
0x6f: {  	_ =	shalt  }
0x70: {  	_ =	shalt  }
0x71: {  	_ =	shalt  }
0x72: {  	_ =	shalt  }
0x73: {  	_ =	shalt  }
0x74: {  	_ =	shalt  }
0x75: {  	_ =	shalt  }
0x76: {  	_ =	shalt  }
0x77: {  	_ =	shalt  }
0x78: {  	_ =	shalt  }
0x79: {  	_ =	shalt  }
0x7a: {  	_ =	shalt  }
0x7b: {  	_ =	shalt  }
0x7c: {  	_ =	shalt  }
0x7d: {  	_ =	shalt  }
0x7e: {  	_ =	shalt  }
0x7f: {  	_ =	shalt  }
0x80: {  	_ =	shalt  }
0x81: {  	_ =	shalt  }
0x82: {  	_ =	shalt  }
0x83: {  	_ =	shalt  }
0x84: {  	_ =	shalt  }
0x85: {  	_ =	shalt  }
0x86: {  	_ =	shalt  }
0x87: {  	_ =	shalt  }
.Lfunc_end0:
.L_simem_size_0:
called_computation.2_lowered:
.L_overlay_start_0:
0x88: {  	s2 =	sld [smem:$0x3FD9]  }
0x89: {  	s3 =	sld [smem:$0x3FFE];
	_ =	sdelay $0x1  }
0x8a: {  	s1 =	srdreg.scid  }
0x8b: {  	s0 =	sand.u32 $0x1, s1  }
0x8c: {  	s17 =	sshll.u32 s0, $0xA;
	s2 =	sadd.s32 s3, s2  }
0x8d: {  	s2 =	sadd.s32 s2, s17  }
0x8e: {  	[smem:$0x3FC7] =	sst s2  }
0x8f: {  	_ = 	snop  }
0x90: {  	(tm) =	ssettm $0x1  }
0x91: {  	s18 =	sld [smem:$0x3FFB];
	_ =	sdelay $0x3  }
0x92: {  	_ =	strace s18  }
0x93: {  	s2 =	sld [smem:$0x3FFC];
	_ =	sdelay $0x3  }
0x94: {  	_ =	strace s2  }
0x95: {  	s2 =	sld [smem:$0x3FFD];
	_ =	sdelay $0x3  }
0x96: {  	_ =	strace s2  }
0x97: {  	_ =	strace $0x8FFFFFFF  }
0x98: {  	s19 =	sld [smem:$0x3FDB];
	_ =	sdelay $0x1  }
0x99: {  	s20 =	simm.s32 $_scs_section_size  }
0x9a: {  	s4 =	simm.s32 $_size__tile_overlayer_lowered;
	s5 =	simm.s32 $_tile_overlayer_lowered  }
0x9b: {  	s6 =	simm.s32 $0x1BFF;
	s21 =	sshll.u32 s5, $0x1;
	s3 =	sadd.s32 s20, s19  }
0x9c: {  	s22 =	simm.s32 $0x0;
	s4 =	sshll.u32 s4, $0x1;
	s5 =	sadd.s32 s21, s3  }
0x9d: {  	[timem:s22], [sflag:s6] =	dma.local [hbm:s5], s4  }
0x9e: {  	_ =	swait.ge [sflag:s6], s4  }
0x9f: {  	s4 =	ssub.s32 $0x0, s4;
	[sflag:s6] =	ssyncset.done $0x0  }
0xa0: {  	[sflag:s6] =	ssyncadd.s32 s4;
	_ =	sdelay $0x1  }
0xa1: {  	s23 =	simm.s32 $0x1B8B  }
0xa2: {  	_ =	swait.ge [sflag:s23], $0x1  }
0xa3: {  	[sflag:s23] =	ssyncset.done $0x0  }
0xa4: {  	[sflag:s23] =	ssyncadd.s32 $0xFFFFFFFF  }
0xa5: {  	s4 =	sld [smem:$0x0]  }
0xa6: {  	s5 =	sand.u32 $0xFFFFFFFE, s1  }
0xa7: {  	p0 =	sne.s32 s1, s5  }
0xa8: {  	s5 =	sshll.u32 @p0 s5, $0xE  }
0xa9: {  	s5 =	sadd.s32 @p0 $0x11B8D, s5;
	s6 =	sshll.u32 @p0 s4, $0x11  }
0xaa: {  	s5 =	sor.u32 @p0 s6, s5  }
0xab: {  	[sflag:s5] =	ssyncadd.remote.s32 @p0 $0x1;
	_ =	sdelay $0x1  }
0xac: {  	s5 =	simm.s32 @p0 $0x1B8D  }
0xad: {  	_ =	swait.eq @p0 [sflag:s5], $0x1  }
0xae: {  	[sflag:s5] =	ssyncadd.s32 @p0 $0xFFFFFFFF  }
0xaf: {  	s6 =	sshll.u32 @!p0 s1, $0xE  }
0xb0: {  	s6 =	sor.u32 @!p0 $0x4000, s6;
	s5 =	simm.s32 @!p0 $0x1B8D  }
0xb1: {  	s4 =	sshll.u32 @!p0 s4, $0x11;
	s6 =	sadd.s32 @!p0 $0x11B8D, s6;
	_ =	swait.eq @!p0 [sflag:s5], $0x1  }
0xb2: {  	s4 =	sor.u32 @!p0 s4, s6;
	[sflag:s5] =	ssyncadd.s32 @!p0 $0xFFFFFFFF  }
0xb3: {  	s25 =	simm.s32 $0x1B8E;
	s24 =	sld [smem:$0x3FFE];
	[sflag:s4] =	ssyncadd.remote.s32 @!p0 $0x1  }
0xb4: {  	s26 =	simm.s32 $execute0_lowered;
	[smem:$0x3FD2] =	sst s25  }
0xb5: {  	s5 =	sshll.u32 s26, $0x1;
	_ =	strace $0x8000004C;
	[dreg:$0x1] =	wrdreg $0xFFFFFFFF  }
0xb6: {  	s28 =	simm.s32 $_size_execute0_lowered;
	s3 =	sadd.s32 s3, s5;
	[dreg:$0x0] =	wrdreg $0x0  }
0xb7: {  	s5 =	sshll.u32 s28, $0x1;
	[dreg:$0x2] =	wrdreg s3  }
0xb8: {  	[dreg:$0x3] =	wrdreg s5  }
0xb9: {  	[dreg:$0x4] =	wrdreg $0xC0  }
0xba: {  	_ =	task [dreg:s22], $0x5FFFF  }
0xbb: {  	[dreg:$0x1] =	wrdreg $0xFFFFFFFF  }
0xbc: {  	[dreg:$0x0] =	wrdreg $0x60  }
0xbd: {  	[dreg:$0x2] =	wrdreg s24  }
0xbe: {  	[dreg:$0x3] =	wrdreg $0xB  }
0xbf: {  	_ =	task.clear_ibuf [dreg:s22], $0x4FFFF;
	_ =	strace $0x9000004C  }
0xc0: {  	s29 =	simm.s32 $0xB;
	_ =	strace $0x8000004E  }
0xc1: {  	_ =	swait.ge [sflag:s29], $0x1  }
0xc2: {  	[sflag:s29] =	ssyncadd.s32 $0xFFFFFFFF  }
0xc3: {  	_ =	strace $0x9000004E  }
0xc4: {  	_ =	sfence  }
0xc5: {  	s30 =	sld [smem:$0x0];
	_ =	sdelay $0x2  }
0xc6: {  	s31 =	sshll.u32 s1, $0xD;
	s1 =	sshrl.u32 s1, $0x2  }
0xc7: {  	s4 =	sand.u32 $0x4000, s31;
	s1 =	sadd.s32 s1, s30  }
0xc8: {  	s0 =	sor.u32 s4, s0;
	s1 =	sshll.u32 s1, $0x11  }
0xc9: {  	s0 =	sor.u32 s1, s0  }
0xca: {  	s0 =	sadd.s32 $0x8F2B, s0  }
0xcb: {  	[sflag:s0] =	ssyncadd.remote.s32 $0x1  }
0xcc: {  	_ =	sfence.sel $0xFFFF  }
0xcd: {  	[dreg:$0x0] =	wrdreg $0xFFFFFFFF;
	(pc) =	sbr.abs _section_cstart, $3  }
0xce: {  	[dreg:$0x1] =	wrdreg $0xFFFFFFFF  }
0xcf: {  	_ =	task.clear_ibuf [dreg:s22], $0x2FFFF;
	_ =	strace $0x9FFFFFFF  }
0xd0: {  	(tm) =	ssettm $0x7FFFFFFF  }
0xd1: {  	_ =	shalt  }
tec
execute0_lowered:
.L_overlay_start_1:
0x0: {  	(tag) =	ssettag $0x1  }
0x1: {  	s0 =	srdreg.scid  }
0x2: {  	s5 =	rddreg [dreg:$0x0];
	s1 =	stileid.u32;
	s2 =	simm.s32 $0x0  }
0x3: {  	s13 =	simm.s32 $0x400;
	s14 =	simm.s32 $0x18800;
	s15 =	simm.s32 $0x1  }
0x4: {  	s16 =	simm.s32 $0x1A080;
	s17 =	simm.s32 $0x1C100;
	s4 =	sand.u32 $0x1, s0  }
0x5: {  	s18 =	simm.s32 $0x1B900;
	s19 =	simm.s32 $0x2;
	s3 =	sshll.u32 s4, $0x4  }
0x6: {  	s20 =	simm.s32 $0x0;
	s0 =	rddreg [dreg:$0x1];
	s3 =	sor.u32 s1, s3  }
0x7: {  	[smem:$0x7FF] =	sst s2;
	s7 =	sshll.u32 s1, $0x7;
	s3 =	sshrl.u32 s3, $0x3  }
0x8: {  	_ =	strace $0x8000004D;
	s8 =	ssub.s32 $0x2, s4;
	s6 =	smul.u32 $0xC4000, s3  }
0x9: {  	s7 =	sand.u32 $0x380, s7;
	s4 =	sadd.s32 $0x314A00, s5;
	s9 =	sshrl.u32 s8, $0x1  }
0xa: {  	s11 =	ssub.s32 s8, s9;
	s3 =	sadd.s32 $0x250A00, s5;
	s10 =	sor.u32 s7, s6  }
0xb: {  	s5 =	sadd.s32 $0x2B2A00, s5;
	s11 =	smax.u32 s11, $0x1;
	s12 =	sshrl.u32 s10, $0x3  }
0xc: {  	s7 =	sadd.s32 $0xC400, s10;
	s8 =	sadd.s32 $0x18800, s10;
	s6 =	sadd.s32 s3, s12  }
0xd: {  	v0 =	vimm.s32 $0x0;
	s9 =	sadd.s32 s5, s12;
	s10 =	sadd.s32 s4, s12;
	s12 =	simm.s32 $0x80  }
.LBB2_1:
0xe: {  	s21 =	simm.s32 $0x40;
	s22 =	simm.s32 $0x0  }
.LBB2_2:
0xf: {  	p0 =	sne.s32 s21, $0x1FC0;
	[tilespmem:s22+$0x1C100] =	vst v0;
	s22 =	smov.u32 s21;
	s21 =	sadd.s32 $0x40, s21  }
.Ltmp0:
0x10: {  	(pc) =	sbr.rel @p0 .LBB2_2-.Ltmp0, $2  }
0x11: {  	_ =	sdelay $0x2  }
0x12: {  	s22 =	sshra.s32 s22, $0x2  }
0x13: {  	[tilespmem:s22+$0x1C100] =	vst v0;
	s21 =	simm.s32 $0x0  }
0x14: {  	[tilespmem:s14], [sflag:$0x1] =	stream.strided.gather [hbm4b:s6+s12], $0x1880, s13, s12, $0x38;
	[tilespmem:$0x1C900] =	vst v63  }
.LBB2_4:
0x15: {  	s22 =	smul.u32 $0x18800, s21;
	_ =	sdelay $0x1  }
0x16: {  	_ =	swait.ge [sflag:s15], $0x1880;
	s23 =	sadd.s32 s22, s7  }
0x17: {  	[sflag:s15] =	ssyncset.done $0x0;
	s23 =	sshrl.u32 s23, $0x3  }
0x18: {  	[sflag:s15] =	ssyncadd.s32 $0xFFFFE780;
	s23 =	sadd.s32 s3, s23  }
0x19: {  	[tilespmem:s16], [sflag:$0x1] =	stream.strided.gather [hbm4b:s23+s12], $0x1880, s13, s12, $0x38;
	[tilespmem:$0x1C900] =	vst v63  }
0x1a: {  	s24 =	simm.s32 $0x0;
	s23 =	simm.s32 $0x40  }
.LBB2_5:
0x1b: {  	p0 =	sne.s32 s23, $0x61C0;
	v1 =	vld [tilespmem:s24+$0x18800];
	_ =	sdelay $0x4  }
0x1c: {  	v1 =	vand.u32 $0x7FF, v1  }
0x1d: {  	(xrf1) =	vunique.msk.u32 $0xffff, v1;
	_ =	sdelay $0xd  }
0x1e: {  	_, v2, vm0 =	vpop (xrf1);
	_ =	sdelay $0x1  }
.Ltmp1:
0x1f: {  	(pc) =	sbr.rel @p0 .LBB2_5-.Ltmp1, $2  }
0x20: {  	_ =	sdelay $0x2  }
0x21: {  	s24 =	sshra.s32 s23, $0x2;
	s23 =	sadd.s32 $0x40, s23;
	[tilespmem:v1+s17+$0x0] =	vst.idx.add.s32.msk vm0, v2  }
0x22: {  	v1 =	vld [tilespmem:s24+$0x18800];
	_ =	sdelay $0x4  }
0x23: {  	v1 =	vand.u32 $0x7FF, v1  }
0x24: {  	(xrf1) =	vunique.msk.u32 $0xffff, v1;
	_ =	sdelay $0xd  }
0x25: {  	_, v2, vm0 =	vpop (xrf1);
	_ =	sdelay $0x5  }
0x26: {  	p0 =	seq.s32 s21, $0x7;
	[tilespmem:v1+s17+$0x0] =	vst.idx.add.s32.msk vm0, v2  }
0x27: {  	s22 =	sadd.s32 @!p0 s22, s8;
	s23 =	simm.s32 @!p0 $0x80;
	_ =	swait.ge [sflag:s15], $0x1880  }
0x28: {  	s24 =	simm.s32 @!p0 $0x400;
	s22 =	sshrl.u32 @!p0 s22, $0x3;
	[sflag:s15] =	ssyncset.done $0x0  }
0x29: {  	s25 =	simm.s32 @!p0 $0x18800;
	s22 =	sadd.s32 @!p0 s3, s22;
	[sflag:s15] =	ssyncadd.s32 $0xFFFFE780  }
0x2a: {  	[tilespmem:s25], [sflag:$0x1] =	stream.strided.gather @!p0 [hbm4b:s22+s23], $0x1880, s24, s23, $0x38;
	[tilespmem:$0x1C900] =	vst v63  }
0x2b: {  	s23 =	simm.s32 $0x0;
	s22 =	simm.s32 $0x40  }
.LBB2_7:
0x2c: {  	p0 =	sne.s32 s22, $0x61C0;
	v1 =	vld [tilespmem:s23+$0x1A080];
	_ =	sdelay $0x4  }
0x2d: {  	v1 =	vand.u32 $0x7FF, v1  }
0x2e: {  	(xrf1) =	vunique.msk.u32 $0xffff, v1;
	_ =	sdelay $0xd  }
0x2f: {  	_, v2, vm0 =	vpop (xrf1);
	_ =	sdelay $0x1  }
.Ltmp2:
0x30: {  	(pc) =	sbr.rel @p0 .LBB2_7-.Ltmp2, $2  }
0x31: {  	_ =	sdelay $0x2  }
0x32: {  	s23 =	sshra.s32 s22, $0x2;
	s22 =	sadd.s32 $0x40, s22;
	[tilespmem:v1+s17+$0x0] =	vst.idx.add.s32.msk vm0, v2  }
0x33: {  	v1 =	vld [tilespmem:s23+$0x1A080];
	_ =	sdelay $0x4  }
0x34: {  	v1 =	vand.u32 $0x7FF, v1  }
0x35: {  	(xrf1) =	vunique.msk.u32 $0xffff, v1;
	_ =	sdelay $0xd  }
0x36: {  	s21 =	sadd.s32 $0x1, s21;
	_, v2, vm0 =	vpop (xrf1)  }
0x37: {  	p0 =	sne.s32 s21, $0x8  }
.Ltmp3:
0x38: {  	_ = 	snop;
	(pc) =	sbr.rel @p0 .LBB2_4-.Ltmp3, $2  }
0x39: {  	_ =	sdelay $0x2  }
0x3a: {  	[tilespmem:v1+s17+$0x0] =	vst.idx.add.s32.msk vm0, v2  }
0x3b: {  	s22 =	simm.s32 $0x0  }
0x3c: {  	v3 =	vld [tilespmem:s22+$0x1C100];
	_ =	sdelay $0x4  }
0x3d: {  	s23 =	simm.s32 $0x10;
	(xrf0) =	vadd.scan.msk.s32 $0xffff, v3  }
0x3e: {  	v2 =	vld [tilespmem:s23+$0x1C100];
	_ =	sdelay $0x1  }
0x3f: {  	v1 =	vimm.s32 $0x0  }
0x40: {  	s21 =	simm.s32 $0x40;
	s24 =	simm.s32 $0x80;
	v3 =	vsub.s32 v1, v3  }
.LBB2_10:
0x41: {  	p0 =	sne.s32 s24, $0x1FC0  }
.Ltmp4:
0x42: {  	s25 =	sshra.s32 s24, $0x2;
	s24 =	sadd.s32 $0x40, s24;
	(xrf0) =	vadd.scan.msk.s32 $0xffff, v2;
	v4, _, _ =	vpop (xrf0);
	v5 =	vmov v2;
	(pc) =	sbr.rel @p0 .LBB2_10-.Ltmp4, $4  }
0x43: {  	v2 =	vld [tilespmem:s25+$0x1C100];
	v3 =	vadd.s32 v4, v3;
	v4 =	vbroadcast v4, $0xF  }
0x44: {  	[tilespmem:s22+$0x1B900] =	vst v3;
	s22 =	smov.u32 s23;
	s23 =	smov.u32 s25  }
0x45: {  	v1 =	vadd.s32 v1, v4  }
0x46: {  	v3 =	vsub.s32 v1, v5  }
0x47: {  	_ = 	snop  }
0x48: {  	(xrf0) =	vadd.scan.msk.s32 $0xffff, v2;
	_ =	sdelay $0x1  }
0x49: {  	v4, _, _ =	vpop (xrf0)  }
0x4a: {  	v5 =	vbroadcast v4, $0xF;
	_ =	sdelay $0x1  }
0x4b: {  	v1 =	vadd.s32 v1, v5  }
0x4c: {  	v3 =	vadd.s32 v4, v3;
	v1 =	vsub.s32 v1, v2;
	v2, _, _ =	vpop (xrf0)  }
0x4d: {  	[tilespmem:s22+$0x1B900] =	vst v3;
	v1 =	vadd.s32 v2, v1  }
0x4e: {  	s22 =	simm.s32 $0x0;
	[tilespmem:s23+$0x1B900] =	vst v1  }
.LBB2_12:
0x4f: {  	p0 =	sne.s32 s21, $0x1FC0;
	[tilespmem:s22+$0x1C100] =	vst v0;
	s22 =	smov.u32 s21;
	s21 =	sadd.s32 $0x40, s21  }
.Ltmp5:
0x50: {  	(pc) =	sbr.rel @p0 .LBB2_12-.Ltmp5, $2  }
0x51: {  	_ =	sdelay $0x2  }
0x52: {  	s22 =	sshra.s32 s22, $0x2  }
0x53: {  	[tilespmem:s22+$0x1C100] =	vst v0;
	s21 =	simm.s32 $0x0  }
0x54: {  	[tilespmem:s14], [sflag:$0x1] =	stream.strided.gather [hbm4b:s6+s12], $0x1880, s13, s12, $0x38;
	[tilespmem:$0x1C900] =	vst v63  }
.LBB2_14:
0x55: {  	s22 =	smul.u32 $0x18800, s21;
	_ =	sdelay $0x1  }
0x56: {  	_ =	swait.ge [sflag:s15], $0x1880;
	s23 =	sadd.s32 s22, s7  }
0x57: {  	[sflag:s15] =	ssyncset.done $0x0;
	s23 =	sshrl.u32 s23, $0x3  }
0x58: {  	s31 =	simm.s32 $0x0;
	[sflag:s15] =	ssyncadd.s32 $0xFFFFE780;
	s23 =	sadd.s32 s3, s23  }
0x59: {  	[tilespmem:s16], [sflag:$0x1] =	stream.strided.gather [hbm4b:s23+s12], $0x1880, s13, s12, $0x38;
	[tilespmem:$0x1C900] =	vst v63  }
0x5a: {  	v1 =	vld [tilespmem:s31+$0x18800]  }
0x5b: {  	s23 =	simm.s32 $0x40  }
.LBB2_15:
0x5c: {  	p0 =	sne.s32 s23, $0x61C0;
	_ =	sdelay $0x2  }
0x5d: {  	v2 =	vand.u32 $0x7FF, v1  }
0x5e: {  	(xrf1) =	vunique.msk.u32 $0xffff, v2  }
0x5f: {  	v3 =	vshrl.u32 v1, $0xB  }
0x60: {  	v3 =	vand.u32 $0x7FF, v3  }
0x61: {  	(xrf1) =	vunique.msk.u32 $0xffff, v3;
	_ =	sdelay $0x5  }
0x62: {  	v4 =	vld.idx.msk [tilespmem:v2+s18+$0x0], $0xffff;
	_ =	sdelay $0x4  }
0x63: {  	_, v5, vm0 =	vpop (xrf1)  }
0x64: {  	v4 =	vadd.s32 v5, v4  }
0x65: {  	v4 =	vadd.s32 $0xFFFFFFFF, v4  }
0x66: {  	_, v6, vm1 =	vpop (xrf1);
	_ =	sdelay $0x3  }
.Ltmp6:
0x67: {  	[tilespmem:v4+s2+$0x0] =	vst.idx.msk $0xffff, v1;
	(pc) =	sbr.rel @p0 .LBB2_15-.Ltmp6, $4  }
0x68: {  	[tilespmem:v2+s18+$0x0] =	vst.idx.add.s32.msk vm0, v5  }
0x69: {  	s24 =	sshra.s32 s23, $0x2;
	[tilespmem:v3+s17+$0x0] =	vst.idx.add.s32.msk vm1, v6  }
0x6a: {  	v1 =	vld [tilespmem:s24+$0x18800]  }
0x6b: {  	s23 =	sadd.s32 $0x40, s23  }
0x6c: {  	_ =	sdelay $0x2  }
0x6d: {  	v2 =	vand.u32 $0x7FF, v1  }
0x6e: {  	(xrf1) =	vunique.msk.u32 $0xffff, v2  }
0x6f: {  	v3 =	vshrl.u32 v1, $0xB  }
0x70: {  	v3 =	vand.u32 $0x7FF, v3  }
0x71: {  	(xrf1) =	vunique.msk.u32 $0xffff, v3;
	_ =	sdelay $0x6  }
0x72: {  	v4 =	vld.idx.msk [tilespmem:v2+s18+$0x0], $0xffff;
	_ =	sdelay $0x3  }
0x73: {  	_, v5, vm0 =	vpop (xrf1)  }
0x74: {  	v4 =	vadd.s32 v5, v4  }
0x75: {  	v4 =	vadd.s32 $0xFFFFFFFF, v4  }
0x76: {  	_, v6, vm1 =	vpop (xrf1);
	_ =	sdelay $0x3  }
0x77: {  	[tilespmem:v4+s2+$0x0] =	vst.idx.msk $0xffff, v1  }
0x78: {  	[tilespmem:v2+s18+$0x0] =	vst.idx.add.s32.msk vm0, v5  }
0x79: {  	p0 =	seq.s32 s21, $0x7;
	s31 =	simm.s32 $0x0;
	[tilespmem:v3+s17+$0x0] =	vst.idx.add.s32.msk vm1, v6  }
0x7a: {  	s22 =	sadd.s32 @!p0 s22, s8;
	s23 =	simm.s32 @!p0 $0x80;
	_ =	swait.ge [sflag:s15], $0x1880  }
0x7b: {  	s24 =	simm.s32 @!p0 $0x400;
	s22 =	sshrl.u32 @!p0 s22, $0x3;
	[sflag:s15] =	ssyncset.done $0x0  }
0x7c: {  	s25 =	simm.s32 @!p0 $0x18800;
	s22 =	sadd.s32 @!p0 s3, s22;
	[sflag:s15] =	ssyncadd.s32 $0xFFFFE780  }
0x7d: {  	[tilespmem:s25], [sflag:$0x1] =	stream.strided.gather @!p0 [hbm4b:s22+s23], $0x1880, s24, s23, $0x38;
	[tilespmem:$0x1C900] =	vst v63  }
0x7e: {  	v1 =	vld [tilespmem:s31+$0x1A080]  }
0x7f: {  	s22 =	simm.s32 $0x40  }
.LBB2_17:
0x80: {  	p0 =	sne.s32 s22, $0x61C0;
	_ =	sdelay $0x2  }
0x81: {  	v2 =	vand.u32 $0x7FF, v1  }
0x82: {  	(xrf1) =	vunique.msk.u32 $0xffff, v2  }
0x83: {  	v3 =	vshrl.u32 v1, $0xB  }
0x84: {  	v3 =	vand.u32 $0x7FF, v3  }
0x85: {  	(xrf1) =	vunique.msk.u32 $0xffff, v3;
	_ =	sdelay $0x5  }
0x86: {  	v4 =	vld.idx.msk [tilespmem:v2+s18+$0x0], $0xffff;
	_ =	sdelay $0x4  }
0x87: {  	_, v5, vm0 =	vpop (xrf1)  }
0x88: {  	v4 =	vadd.s32 v5, v4  }
0x89: {  	v4 =	vadd.s32 $0xFFFFFFFF, v4  }
0x8a: {  	_, v6, vm1 =	vpop (xrf1);
	_ =	sdelay $0x3  }
.Ltmp7:
0x8b: {  	[tilespmem:v4+s2+$0x0] =	vst.idx.msk $0xffff, v1;
	(pc) =	sbr.rel @p0 .LBB2_17-.Ltmp7, $4  }
0x8c: {  	[tilespmem:v2+s18+$0x0] =	vst.idx.add.s32.msk vm0, v5  }
0x8d: {  	s23 =	sshra.s32 s22, $0x2;
	[tilespmem:v3+s17+$0x0] =	vst.idx.add.s32.msk vm1, v6  }
0x8e: {  	v1 =	vld [tilespmem:s23+$0x1A080]  }
0x8f: {  	s22 =	sadd.s32 $0x40, s22  }
0x90: {  	_ =	sdelay $0x2  }
0x91: {  	v2 =	vand.u32 $0x7FF, v1  }
0x92: {  	(xrf1) =	vunique.msk.u32 $0xffff, v2  }
0x93: {  	v3 =	vshrl.u32 v1, $0xB  }
0x94: {  	v3 =	vand.u32 $0x7FF, v3  }
0x95: {  	(xrf1) =	vunique.msk.u32 $0xffff, v3;
	_ =	sdelay $0x6  }
0x96: {  	v4 =	vld.idx.msk [tilespmem:v2+s18+$0x0], $0xffff;
	_ =	sdelay $0x3  }
0x97: {  	_, v5, vm0 =	vpop (xrf1)  }
0x98: {  	v4 =	vadd.s32 v5, v4  }
0x99: {  	v4 =	vadd.s32 $0xFFFFFFFF, v4  }
0x9a: {  	s21 =	sadd.s32 $0x1, s21;
	_, v6, vm1 =	vpop (xrf1)  }
0x9b: {  	p0 =	sne.s32 s21, $0x8  }
.Ltmp8:
0x9c: {  	_ = 	snop;
	(pc) =	sbr.rel @p0 .LBB2_14-.Ltmp8, $4  }
0x9d: {  	_ = 	snop  }
0x9e: {  	[tilespmem:v4+s2+$0x0] =	vst.idx.msk $0xffff, v1  }
0x9f: {  	[tilespmem:v2+s18+$0x0] =	vst.idx.add.s32.msk vm0, v5  }
0xa0: {  	[tilespmem:v3+s17+$0x0] =	vst.idx.add.s32.msk vm1, v6  }
0xa1: {  	s21 =	simm.s32 $0x0  }
0xa2: {  	[hbm4b:s9+s12] =	stream.strided.scatter [tilespmem:s21], [sflag:$0x2], $0x18800, s13, s12, $0x38;
	[tilespmem:$0x1C900] =	vst v63  }
0xa3: {  	_ =	swait.ge [sflag:s19], $0x18800  }
0xa4: {  	[sflag:s19] =	ssyncset.done $0x0  }
0xa5: {  	s22 =	simm.s32 $0x0;
	[sflag:s19] =	ssyncadd.s32 $0xFFFE7800  }
0xa6: {  	v3 =	vld [tilespmem:s22+$0x1C100];
	_ =	sdelay $0x4  }
0xa7: {  	s23 =	simm.s32 $0x10;
	(xrf0) =	vadd.scan.msk.s32 $0xffff, v3  }
0xa8: {  	v2 =	vld [tilespmem:s23+$0x1C100];
	_ =	sdelay $0x1  }
0xa9: {  	v1 =	vimm.s32 $0x0  }
0xaa: {  	s24 =	simm.s32 $0x80;
	s21 =	simm.s32 $0x40;
	v3 =	vsub.s32 v1, v3  }
.LBB2_20:
0xab: {  	p0 =	sne.s32 s24, $0x1FC0  }
.Ltmp9:
0xac: {  	s25 =	sshra.s32 s24, $0x2;
	s24 =	sadd.s32 $0x40, s24;
	(xrf0) =	vadd.scan.msk.s32 $0xffff, v2;
	v4, _, _ =	vpop (xrf0);
	v5 =	vmov v2;
	(pc) =	sbr.rel @p0 .LBB2_20-.Ltmp9, $4  }
0xad: {  	v2 =	vld [tilespmem:s25+$0x1C100];
	v3 =	vadd.s32 v4, v3;
	v4 =	vbroadcast v4, $0xF  }
0xae: {  	[tilespmem:s22+$0x1B900] =	vst v3;
	s22 =	smov.u32 s23;
	s23 =	smov.u32 s25  }
0xaf: {  	v1 =	vadd.s32 v1, v4  }
0xb0: {  	v3 =	vsub.s32 v1, v5  }
0xb1: {  	_ = 	snop  }
0xb2: {  	(xrf0) =	vadd.scan.msk.s32 $0xffff, v2;
	_ =	sdelay $0x1  }
0xb3: {  	v4, _, _ =	vpop (xrf0)  }
0xb4: {  	v5 =	vbroadcast v4, $0xF;
	_ =	sdelay $0x1  }
0xb5: {  	v1 =	vadd.s32 v1, v5  }
0xb6: {  	v3 =	vadd.s32 v4, v3;
	v1 =	vsub.s32 v1, v2;
	v2, _, _ =	vpop (xrf0)  }
0xb7: {  	[tilespmem:s22+$0x1B900] =	vst v3;
	v1 =	vadd.s32 v2, v1  }
0xb8: {  	s22 =	simm.s32 $0x0;
	[tilespmem:s23+$0x1B900] =	vst v1  }
.LBB2_22:
0xb9: {  	p0 =	sne.s32 s21, $0x1FC0;
	[tilespmem:s22+$0x1C100] =	vst v0;
	s22 =	smov.u32 s21;
	s21 =	sadd.s32 $0x40, s21  }
.Ltmp10:
0xba: {  	(pc) =	sbr.rel @p0 .LBB2_22-.Ltmp10, $2  }
0xbb: {  	_ =	sdelay $0x2  }
0xbc: {  	s22 =	sshra.s32 s22, $0x2  }
0xbd: {  	[tilespmem:s22+$0x1C100] =	vst v0;
	s21 =	simm.s32 $0x0  }
0xbe: {  	[tilespmem:s14], [sflag:$0x1] =	stream.strided.gather [hbm4b:s9+s12], $0x1880, s13, s12, $0x38;
	[tilespmem:$0x1C900] =	vst v63  }
.LBB2_24:
0xbf: {  	s22 =	smul.u32 $0x18800, s21;
	_ =	sdelay $0x1  }
0xc0: {  	_ =	swait.ge [sflag:s15], $0x1880;
	s23 =	sadd.s32 s22, s7  }
0xc1: {  	[sflag:s15] =	ssyncset.done $0x0;
	s23 =	sshrl.u32 s23, $0x3  }
0xc2: {  	s31 =	simm.s32 $0x0;
	[sflag:s15] =	ssyncadd.s32 $0xFFFFE780;
	s23 =	sadd.s32 s5, s23  }
0xc3: {  	[tilespmem:s16], [sflag:$0x1] =	stream.strided.gather [hbm4b:s23+s12], $0x1880, s13, s12, $0x38;
	[tilespmem:$0x1C900] =	vst v63  }
0xc4: {  	v1 =	vld [tilespmem:s31+$0x18800]  }
0xc5: {  	s23 =	simm.s32 $0x40  }
.LBB2_25:
0xc6: {  	p0 =	sne.s32 s23, $0x61C0;
	_ =	sdelay $0x2  }
0xc7: {  	v2 =	vshrl.u32 v1, $0xB  }
0xc8: {  	v2 =	vand.u32 $0x7FF, v2  }
0xc9: {  	(xrf1) =	vunique.msk.u32 $0xffff, v2  }
0xca: {  	v3 =	vshra.s32 v1, $0x16  }
0xcb: {  	v3 =	vand.u32 $0x7FF, v3  }
0xcc: {  	(xrf1) =	vunique.msk.u32 $0xffff, v3;
	_ =	sdelay $0x5  }
0xcd: {  	v4 =	vld.idx.msk [tilespmem:v2+s18+$0x0], $0xffff;
	_ =	sdelay $0x4  }
0xce: {  	_, v5, vm0 =	vpop (xrf1)  }
0xcf: {  	v4 =	vadd.s32 v5, v4  }
0xd0: {  	v4 =	vadd.s32 $0xFFFFFFFF, v4  }
0xd1: {  	_, v6, vm1 =	vpop (xrf1);
	_ =	sdelay $0x3  }
.Ltmp11:
0xd2: {  	[tilespmem:v4+s2+$0x0] =	vst.idx.msk $0xffff, v1;
	(pc) =	sbr.rel @p0 .LBB2_25-.Ltmp11, $4  }
0xd3: {  	[tilespmem:v2+s18+$0x0] =	vst.idx.add.s32.msk vm0, v5  }
0xd4: {  	s24 =	sshra.s32 s23, $0x2;
	[tilespmem:v3+s17+$0x0] =	vst.idx.add.s32.msk vm1, v6  }
0xd5: {  	v1 =	vld [tilespmem:s24+$0x18800]  }
0xd6: {  	s23 =	sadd.s32 $0x40, s23  }
0xd7: {  	_ =	sdelay $0x2  }
0xd8: {  	v2 =	vshrl.u32 v1, $0xB  }
0xd9: {  	v2 =	vand.u32 $0x7FF, v2  }
0xda: {  	(xrf1) =	vunique.msk.u32 $0xffff, v2  }
0xdb: {  	v3 =	vshra.s32 v1, $0x16  }
0xdc: {  	v3 =	vand.u32 $0x7FF, v3  }
0xdd: {  	(xrf1) =	vunique.msk.u32 $0xffff, v3;
	_ =	sdelay $0x6  }
0xde: {  	v4 =	vld.idx.msk [tilespmem:v2+s18+$0x0], $0xffff;
	_ =	sdelay $0x3  }
0xdf: {  	_, v5, vm0 =	vpop (xrf1)  }
0xe0: {  	v4 =	vadd.s32 v5, v4  }
0xe1: {  	v4 =	vadd.s32 $0xFFFFFFFF, v4  }
0xe2: {  	_, v6, vm1 =	vpop (xrf1);
	_ =	sdelay $0x3  }
0xe3: {  	[tilespmem:v4+s2+$0x0] =	vst.idx.msk $0xffff, v1  }
0xe4: {  	[tilespmem:v2+s18+$0x0] =	vst.idx.add.s32.msk vm0, v5  }
0xe5: {  	p0 =	seq.s32 s21, $0x7;
	s31 =	simm.s32 $0x0;
	[tilespmem:v3+s17+$0x0] =	vst.idx.add.s32.msk vm1, v6  }
0xe6: {  	s22 =	sadd.s32 @!p0 s22, s8;
	s23 =	simm.s32 @!p0 $0x80;
	_ =	swait.ge [sflag:s15], $0x1880  }
0xe7: {  	s24 =	simm.s32 @!p0 $0x400;
	s22 =	sshrl.u32 @!p0 s22, $0x3;
	[sflag:s15] =	ssyncset.done $0x0  }
0xe8: {  	s25 =	simm.s32 @!p0 $0x18800;
	s22 =	sadd.s32 @!p0 s5, s22;
	[sflag:s15] =	ssyncadd.s32 $0xFFFFE780  }
0xe9: {  	[tilespmem:s25], [sflag:$0x1] =	stream.strided.gather @!p0 [hbm4b:s22+s23], $0x1880, s24, s23, $0x38;
	[tilespmem:$0x1C900] =	vst v63  }
0xea: {  	v1 =	vld [tilespmem:s31+$0x1A080]  }
0xeb: {  	s22 =	simm.s32 $0x40  }
.LBB2_27:
0xec: {  	p0 =	sne.s32 s22, $0x61C0;
	_ =	sdelay $0x2  }
0xed: {  	v2 =	vshrl.u32 v1, $0xB  }
0xee: {  	v2 =	vand.u32 $0x7FF, v2  }
0xef: {  	(xrf1) =	vunique.msk.u32 $0xffff, v2  }
0xf0: {  	v3 =	vshra.s32 v1, $0x16  }
0xf1: {  	v3 =	vand.u32 $0x7FF, v3  }
0xf2: {  	(xrf1) =	vunique.msk.u32 $0xffff, v3;
	_ =	sdelay $0x5  }
0xf3: {  	v4 =	vld.idx.msk [tilespmem:v2+s18+$0x0], $0xffff;
	_ =	sdelay $0x4  }
0xf4: {  	_, v5, vm0 =	vpop (xrf1)  }
0xf5: {  	v4 =	vadd.s32 v5, v4  }
0xf6: {  	v4 =	vadd.s32 $0xFFFFFFFF, v4  }
0xf7: {  	_, v6, vm1 =	vpop (xrf1);
	_ =	sdelay $0x3  }
.Ltmp12:
0xf8: {  	[tilespmem:v4+s2+$0x0] =	vst.idx.msk $0xffff, v1;
	(pc) =	sbr.rel @p0 .LBB2_27-.Ltmp12, $4  }
0xf9: {  	[tilespmem:v2+s18+$0x0] =	vst.idx.add.s32.msk vm0, v5  }
0xfa: {  	s23 =	sshra.s32 s22, $0x2;
	[tilespmem:v3+s17+$0x0] =	vst.idx.add.s32.msk vm1, v6  }
0xfb: {  	v1 =	vld [tilespmem:s23+$0x1A080]  }
0xfc: {  	s22 =	sadd.s32 $0x40, s22  }
0xfd: {  	_ =	sdelay $0x2  }
0xfe: {  	v2 =	vshrl.u32 v1, $0xB  }
0xff: {  	v2 =	vand.u32 $0x7FF, v2  }
0x100: {  	(xrf1) =	vunique.msk.u32 $0xffff, v2  }
0x101: {  	v3 =	vshra.s32 v1, $0x16  }
0x102: {  	v3 =	vand.u32 $0x7FF, v3  }
0x103: {  	(xrf1) =	vunique.msk.u32 $0xffff, v3;
	_ =	sdelay $0x6  }
0x104: {  	v4 =	vld.idx.msk [tilespmem:v2+s18+$0x0], $0xffff;
	_ =	sdelay $0x3  }
0x105: {  	_, v5, vm0 =	vpop (xrf1)  }
0x106: {  	v4 =	vadd.s32 v5, v4  }
0x107: {  	v4 =	vadd.s32 $0xFFFFFFFF, v4  }
0x108: {  	s21 =	sadd.s32 $0x1, s21;
	_, v6, vm1 =	vpop (xrf1)  }
0x109: {  	p0 =	sne.s32 s21, $0x8  }
.Ltmp13:
0x10a: {  	_ = 	snop;
	(pc) =	sbr.rel @p0 .LBB2_24-.Ltmp13, $4  }
0x10b: {  	_ = 	snop  }
0x10c: {  	[tilespmem:v4+s2+$0x0] =	vst.idx.msk $0xffff, v1  }
0x10d: {  	[tilespmem:v2+s18+$0x0] =	vst.idx.add.s32.msk vm0, v5  }
0x10e: {  	[tilespmem:v3+s17+$0x0] =	vst.idx.add.s32.msk vm1, v6  }
0x10f: {  	s21 =	simm.s32 $0x0  }
0x110: {  	[hbm4b:s10+s12] =	stream.strided.scatter [tilespmem:s21], [sflag:$0x2], $0x18800, s13, s12, $0x38;
	[tilespmem:$0x1C900] =	vst v63  }
0x111: {  	_ =	swait.ge [sflag:s19], $0x18800  }
0x112: {  	[sflag:s19] =	ssyncset.done $0x0  }
0x113: {  	s22 =	simm.s32 $0x0;
	[sflag:s19] =	ssyncadd.s32 $0xFFFE7800  }
0x114: {  	v3 =	vld [tilespmem:s22+$0x1C100];
	_ =	sdelay $0x4  }
0x115: {  	s23 =	simm.s32 $0x10;
	(xrf0) =	vadd.scan.msk.s32 $0xffff, v3  }
0x116: {  	v2 =	vld [tilespmem:s23+$0x1C100];
	_ =	sdelay $0x1  }
0x117: {  	v1 =	vimm.s32 $0x0  }
0x118: {  	s24 =	simm.s32 $0x80;
	s21 =	simm.s32 $0x40;
	v3 =	vsub.s32 v1, v3  }
.LBB2_30:
0x119: {  	p0 =	sne.s32 s24, $0x1FC0  }
.Ltmp14:
0x11a: {  	s25 =	sshra.s32 s24, $0x2;
	s24 =	sadd.s32 $0x40, s24;
	(xrf0) =	vadd.scan.msk.s32 $0xffff, v2;
	v4, _, _ =	vpop (xrf0);
	v5 =	vmov v2;
	(pc) =	sbr.rel @p0 .LBB2_30-.Ltmp14, $4  }
0x11b: {  	v2 =	vld [tilespmem:s25+$0x1C100];
	v3 =	vadd.s32 v4, v3;
	v4 =	vbroadcast v4, $0xF  }
0x11c: {  	[tilespmem:s22+$0x1B900] =	vst v3;
	s22 =	smov.u32 s23;
	s23 =	smov.u32 s25  }
0x11d: {  	v1 =	vadd.s32 v1, v4  }
0x11e: {  	v3 =	vsub.s32 v1, v5  }
0x11f: {  	_ = 	snop  }
0x120: {  	(xrf0) =	vadd.scan.msk.s32 $0xffff, v2;
	_ =	sdelay $0x1  }
0x121: {  	v4, _, _ =	vpop (xrf0)  }
0x122: {  	v5 =	vbroadcast v4, $0xF;
	_ =	sdelay $0x1  }
0x123: {  	v1 =	vadd.s32 v1, v5  }
0x124: {  	v3 =	vadd.s32 v4, v3;
	v1 =	vsub.s32 v1, v2;
	v2, _, _ =	vpop (xrf0)  }
0x125: {  	[tilespmem:s22+$0x1B900] =	vst v3;
	v1 =	vadd.s32 v2, v1  }
0x126: {  	s22 =	simm.s32 $0x0;
	[tilespmem:s23+$0x1B900] =	vst v1  }
.LBB2_32:
0x127: {  	p0 =	sne.s32 s21, $0x1FC0;
	[tilespmem:s22+$0x1C100] =	vst v0;
	s22 =	smov.u32 s21;
	s21 =	sadd.s32 $0x40, s21  }
.Ltmp15:
0x128: {  	(pc) =	sbr.rel @p0 .LBB2_32-.Ltmp15, $2  }
0x129: {  	_ =	sdelay $0x2  }
0x12a: {  	s22 =	sshra.s32 s22, $0x2  }
0x12b: {  	[tilespmem:s22+$0x1C100] =	vst v0;
	s21 =	simm.s32 $0x0  }
0x12c: {  	[tilespmem:s14], [sflag:$0x1] =	stream.strided.gather [hbm4b:s10+s12], $0x1880, s13, s12, $0x38;
	[tilespmem:$0x1C900] =	vst v63  }
.LBB2_34:
0x12d: {  	s22 =	smul.u32 $0x18800, s21;
	_ =	sdelay $0x1  }
0x12e: {  	_ =	swait.ge [sflag:s15], $0x1880;
	s23 =	sadd.s32 s22, s7  }
0x12f: {  	[sflag:s15] =	ssyncset.done $0x0;
	s23 =	sshrl.u32 s23, $0x3  }
0x130: {  	s31 =	simm.s32 $0x0;
	[sflag:s15] =	ssyncadd.s32 $0xFFFFE780;
	s23 =	sadd.s32 s4, s23  }
0x131: {  	[tilespmem:s16], [sflag:$0x1] =	stream.strided.gather [hbm4b:s23+s12], $0x1880, s13, s12, $0x38;
	[tilespmem:$0x1C900] =	vst v63  }
0x132: {  	s23 =	simm.s32 $0x40;
	v1 =	vld [tilespmem:s31+$0x18800]  }
.LBB2_35:
0x133: {  	p0 =	sne.s32 s23, $0x61C0;
	_ =	sdelay $0x3  }
0x134: {  	v2 =	vshra.s32 v1, $0x16  }
0x135: {  	v2 =	vand.u32 $0x7FF, v2  }
0x136: {  	(xrf1) =	vunique.msk.u32 $0xffff, v2;
	_ =	sdelay $0x8  }
0x137: {  	v3 =	vld.idx.msk [tilespmem:v2+s18+$0x0], $0xffff;
	_ =	sdelay $0x4  }
0x138: {  	_, v4, vm0 =	vpop (xrf1)  }
0x139: {  	v3 =	vadd.s32 v4, v3  }
0x13a: {  	v3 =	vadd.s32 $0xFFFFFFFF, v3;
	_ =	sdelay $0x2  }
.Ltmp16:
0x13b: {  	(pc) =	sbr.rel @p0 .LBB2_35-.Ltmp16, $4  }
0x13c: {  	_ = 	snop  }
0x13d: {  	[tilespmem:v3+s2+$0x0] =	vst.idx.msk $0xffff, v1  }
0x13e: {  	s24 =	sshra.s32 s23, $0x2;
	[tilespmem:v2+s18+$0x0] =	vst.idx.add.s32.msk vm0, v4  }
0x13f: {  	s23 =	sadd.s32 $0x40, s23;
	v1 =	vld [tilespmem:s24+$0x18800]  }
0x140: {  	_ =	sdelay $0x3  }
0x141: {  	v2 =	vshra.s32 v1, $0x16  }
0x142: {  	v2 =	vand.u32 $0x7FF, v2  }
0x143: {  	(xrf1) =	vunique.msk.u32 $0xffff, v2;
	_ =	sdelay $0x9  }
0x144: {  	v3 =	vld.idx.msk [tilespmem:v2+s18+$0x0], $0xffff;
	_ =	sdelay $0x3  }
0x145: {  	_, v4, vm0 =	vpop (xrf1)  }
0x146: {  	v3 =	vadd.s32 v4, v3  }
0x147: {  	v3 =	vadd.s32 $0xFFFFFFFF, v3;
	_ =	sdelay $0x4  }
0x148: {  	[tilespmem:v3+s2+$0x0] =	vst.idx.msk $0xffff, v1  }
0x149: {  	p0 =	seq.s32 s21, $0x7;
	s31 =	simm.s32 $0x0;
	[tilespmem:v2+s18+$0x0] =	vst.idx.add.s32.msk vm0, v4  }
0x14a: {  	s22 =	sadd.s32 @!p0 s22, s8;
	s23 =	simm.s32 @!p0 $0x80;
	_ =	swait.ge [sflag:s15], $0x1880  }
0x14b: {  	s24 =	simm.s32 @!p0 $0x400;
	s22 =	sshrl.u32 @!p0 s22, $0x3;
	[sflag:s15] =	ssyncset.done $0x0  }
0x14c: {  	s25 =	simm.s32 @!p0 $0x18800;
	s22 =	sadd.s32 @!p0 s4, s22;
	[sflag:s15] =	ssyncadd.s32 $0xFFFFE780  }
0x14d: {  	[tilespmem:s25], [sflag:$0x1] =	stream.strided.gather @!p0 [hbm4b:s22+s23], $0x1880, s24, s23, $0x38;
	[tilespmem:$0x1C900] =	vst v63  }
0x14e: {  	s22 =	simm.s32 $0x40;
	v1 =	vld [tilespmem:s31+$0x1A080]  }
.LBB2_37:
0x14f: {  	p0 =	sne.s32 s22, $0x61C0;
	_ =	sdelay $0x3  }
0x150: {  	v2 =	vshra.s32 v1, $0x16  }
0x151: {  	v2 =	vand.u32 $0x7FF, v2  }
0x152: {  	(xrf1) =	vunique.msk.u32 $0xffff, v2;
	_ =	sdelay $0x8  }
0x153: {  	v3 =	vld.idx.msk [tilespmem:v2+s18+$0x0], $0xffff;
	_ =	sdelay $0x4  }
0x154: {  	_, v4, vm0 =	vpop (xrf1)  }
0x155: {  	v3 =	vadd.s32 v4, v3  }
0x156: {  	v3 =	vadd.s32 $0xFFFFFFFF, v3;
	_ =	sdelay $0x2  }
.Ltmp17:
0x157: {  	(pc) =	sbr.rel @p0 .LBB2_37-.Ltmp17, $4  }
0x158: {  	_ = 	snop  }
0x159: {  	[tilespmem:v3+s2+$0x0] =	vst.idx.msk $0xffff, v1  }
0x15a: {  	s23 =	sshra.s32 s22, $0x2;
	[tilespmem:v2+s18+$0x0] =	vst.idx.add.s32.msk vm0, v4  }
0x15b: {  	s22 =	sadd.s32 $0x40, s22;
	v1 =	vld [tilespmem:s23+$0x1A080]  }
0x15c: {  	_ =	sdelay $0x3  }
0x15d: {  	v2 =	vshra.s32 v1, $0x16  }
0x15e: {  	v2 =	vand.u32 $0x7FF, v2  }
0x15f: {  	(xrf1) =	vunique.msk.u32 $0xffff, v2;
	_ =	sdelay $0x9  }
0x160: {  	v3 =	vld.idx.msk [tilespmem:v2+s18+$0x0], $0xffff;
	_ =	sdelay $0x3  }
0x161: {  	_, v4, vm0 =	vpop (xrf1)  }
0x162: {  	v3 =	vadd.s32 v4, v3  }
0x163: {  	s21 =	sadd.s32 $0x1, s21;
	v3 =	vadd.s32 $0xFFFFFFFF, v3  }
0x164: {  	p0 =	sne.s32 s21, $0x8  }
.Ltmp18:
0x165: {  	_ = 	snop;
	(pc) =	sbr.rel @p0 .LBB2_34-.Ltmp18, $3  }
0x166: {  	_ =	sdelay $0x1  }
0x167: {  	[tilespmem:v3+s2+$0x0] =	vst.idx.msk $0xffff, v1  }
0x168: {  	[tilespmem:v2+s18+$0x0] =	vst.idx.add.s32.msk vm0, v4  }
0x169: {  	s20 =	sadd.s32 $0x1, s20  }
0x16a: {  	p0 =	sne.s32 s20, s11  }
.Ltmp19:
0x16b: {  	_ = 	snop;
	(pc) =	sbr.rel @p0 .LBB2_1-.Ltmp19, $4  }
0x16c: {  	[hbm4b:s10+s12] =	stream.strided.scatter [tilespmem:s2], [sflag:$0x2], $0x18800, s13, s12, $0x38;
	[tilespmem:$0x1C900] =	vst v63  }
0x16d: {  	_ =	swait.ge [sflag:s19], $0x18800  }
0x16e: {  	[sflag:s19] =	ssyncset.done $0x0  }
0x16f: {  	[sflag:s19] =	ssyncadd.s32 $0xFFFE7800  }
0x170: {  	_ =	sfence.sel $0x180000  }
0x171: {  	[bflag:$0x0] =	sbarrier.arrive $0xFFFF  }
0x172: {  	p0 =	sne.s32 s1, $0x0;
	_ =	strace $0x9000004D  }
0x173: {  	s0 =	sadd.s32 @!p0 $0x100000, s0;
	[bflag:$0x2] =	sbarrier.arrive $0xFFFF  }
0x174: {  	[sflag:s0] =	ssyncadd.tile.s32 @!p0 $0x1;
	_ =	shalt  }
.Lfunc_end2:
_tile_overlayer_lowered:
.L_overlay_start_2:
0x175: {  	(tag) =	ssettag $0x2  }
0x176: {  	s0 =	rddreg [dreg:$0x0];
	s2 =	stileid.u32  }
0x177: {  	s1 =	rddreg [dreg:$0x1];
	p0 =	sne.s32 s2, $0x0  }
0x178: {  	s3 =	rddreg [dreg:$0x2];
	[bflag:$0x3] =	sbarrier.arrive $0xFFFF;
	s2 =	simm.s32 @!p0 $0x1C02  }
0x179: {  	[timem:s3], [sflag:s2] =	dma.local @!p0 [hbm:s0], s1  }
0x17a: {  	s0 =	simm.s32 @!p0 $0x2  }
0x17b: {  	_ =	swait.ge @!p0 [sflag:s0], s1  }
0x17c: {  	s1 =	ssub.s32 @!p0 $0x0, s1;
	[sflag:s0] =	ssyncset.done @!p0 $0x0  }
0x17d: {  	[sflag:s0] =	ssyncadd.s32 @!p0 s1  }
0x17e: {  	[bflag:$0x3] =	sbarrier.arrive $0xFFFF  }
0x17f: {  	_ =	shalt  }

// kernel: kernel.25.cloned.1.call-start
scs
__scs_entry_jumppad:
0x0: {  	(pc) =	sbr.rel $0x88, $3  }
0x1: {  	(tag) =	ssettag $0x0;
	lr =	simm.s32 $0x1  }
0x2: {  	[smem:$0x3FA0] =	sst lr;
	_ =	strace $0xD0000000  }
0x3: {  	_ = 	snop  }
0x4: {  	_ = 	snop  }
0x5: {  	_ = 	snop  }
0x6: {  	_ = 	snop  }
0x7: {  	_ = 	snop  }
__scs_overlays_trampoline_lowered:
0x8: {  	[smem:$0x3FAF] =	sst s0  }
0x9: {  	[smem:$0x3FB0] =	sst s1  }
0xa: {  	[smem:$0x3FB1] =	sst s2  }
0xb: {  	[smem:$0x3FB2] =	sst s3  }
0xc: {  	[smem:$0x3FB3] =	sst s4  }
0xd: {  	[smem:$0x3FB4] =	sst s5  }
0xe: {  	[smem:$0x3FB5] =	sst s6  }
0xf: {  	[smem:$0x3FB6] =	sst s7  }
0x10: {  	[smem:$0x3FB7] =	sst s8  }
0x11: {  	[smem:$0x3FB8] =	sst s9;
	s0 =	simm.s32 @!p0 $0x0  }
0x12: {  	s1 =	sld [smem:$0x3F9E];
	s0 =	simm.s32 @p0 $0x1  }
0x13: {  	[smem:$0x3FB9] =	sst s0;
	s0 =	simm.s32 @!p1 $0x0  }
0x14: {  	s2 =	sld [smem:$0x3F9D];
	s0 =	simm.s32 @p1 $0x1  }
0x15: {  	[smem:$0x3FBA] =	sst s0;
	s0 =	simm.s32 @!p2 $0x0  }
0x16: {  	s3 =	sld [smem:$0x3FDB];
	s0 =	simm.s32 @p2 $0x1  }
0x17: {  	s4 =	simm.s32 $0x1BF5;
	[smem:$0x3FBC] =	sst s0  }
0x18: {  	s0 =	sld [smem:$0x3F9F];
	_ =	swait.ge [sflag:s4], $0x0  }
0x19: {  	s7 =	sld [smem:$0x3FA0]  }
0x1a: {  	s8 =	sadd.s32 $0xFFFFE003, lr  }
0x1b: {  	s9 =	sadd.s32 $0xFFFFFEF7, lr;
	s5 =	simm.s32 $0xFFFFFFFF;
	p2 =	slt.u32 s8, $0xFFFFF086  }
0x1c: {  	p1 =	slt.u32 s9, $0xF7A;
	s5 =	simm.s32 @!p2 $0x0  }
0x1d: {  	s5 =	simm.s32 @p1 $0x1;
	p0 =	seq.s32 s7, s2  }
0x1e: {  	s7 =	smul.u32 @!p0 $0xF7A, s2;
	p2 =	seq.s32 @!p0 s5, $0x0  }
0x1f: {  	s9 =	smul.u32 $0xF7A, s1;
	s8 =	simm.s32 @!p0 $0x1BF5;
	p2 =	por !p2, p0  }
0x20: {  	[sflag:s8] =	ssyncset.s32 @!p0 $0xFFFFF086;
	s6 =	sadd.s32 @!p0 s3, s7;
	s7 =	simm.s32 @!p0 $0x108  }
0x21: {  	s3 =	sadd.s32 s3, s9;
	s6 =	sadd.s32 @!p0 $0x88, s6;
	s7 =	simm.s32 @p2 $0x1082  }
0x22: {  	[simem:s7], [sflag:s8] =	dma.local @!p0 [hbm:s6], $0xF7A  }
0x23: {  	s9 =	sor.u32 $0xD0000000, s2;
	s6 =	simm.s32 $0x108;
	_ =	swait.ge @!p0 [sflag:s8], $0x0  }
0x24: {  	s3 =	sadd.s32 $0x88, s3;
	s6 =	simm.s32 @!p1 $0x1082;
	[sflag:s4] =	ssyncset.s32 $0xFFFFF086  }
0x25: {  	[simem:s6], [sflag:s4] =	dma.local [hbm:s3], $0xF7A  }
0x26: {  	[smem:$0x3FA0] =	sst s1;
	(tag) =	ssettag s2;
	_ =	strace s9  }
0x27: {  	s1 =	sld [smem:$0x3FB0]  }
0x28: {  	s2 =	sld [smem:$0x3FB1]  }
0x29: {  	s4 =	sld [smem:$0x3FB3]  }
0x2a: {  	p0 =	seq.s32 s5, $0x0;
	s5 =	sld [smem:$0x3FB4]  }
0x2b: {  	s6 =	sld [smem:$0x3FB5]  }
0x2c: {  	s7 =	sld [smem:$0x3FB6]  }
0x2d: {  	s3 =	simm.s32 $0x108;
	s8 =	sld [smem:$0x3FB7]  }
0x2e: {  	s3 =	simm.s32 @!p0 $0x1082;
	s9 =	sld [smem:$0x3FB8]  }
0x2f: {  	lr =	sadd.s32 s0, s3;
	s0 =	sld [smem:$0x3FAF]  }
0x30: {  	s3 =	sld [smem:$0x3FB2]  }
0x31: {  	[smem:$0x3FBB] =	sst s10  }
0x32: {  	s10 =	sld [smem:$0x3FB9];
	_ =	sdelay $0x3  }
0x33: {  	p0 =	seq.s32 s10, $0x1;
	s10 =	sld [smem:$0x3FBB];
	_ =	sdelay $0x3  }
0x34: {  	[smem:$0x3FBB] =	sst s10  }
0x35: {  	s10 =	sld [smem:$0x3FBA];
	_ =	sdelay $0x3  }
0x36: {  	p1 =	seq.s32 s10, $0x1;
	s10 =	sld [smem:$0x3FBB];
	_ =	sdelay $0x3  }
0x37: {  	[smem:$0x3FBB] =	sst s10  }
0x38: {  	s10 =	sld [smem:$0x3FBC]  }
0x39: {  	_ = 	snop;
	(pc) =	sbr.ind lr, $3  }
0x3a: {  	_ = 	snop  }
0x3b: {  	_ = 	snop  }
0x3c: {  	p2 =	seq.s32 s10, $0x1;
	s10 =	sld [smem:$0x3FBB]  }
0x3d: {  	_ =	shalt  }
0x3e: {  	_ =	shalt  }
0x3f: {  	_ =	shalt  }
0x40: {  	_ =	shalt  }
0x41: {  	_ =	shalt  }
0x42: {  	_ =	shalt  }
0x43: {  	_ =	shalt  }
0x44: {  	_ =	shalt  }
0x45: {  	_ =	shalt  }
0x46: {  	_ =	shalt  }
0x47: {  	_ =	shalt  }
0x48: {  	_ =	shalt  }
0x49: {  	_ =	shalt  }
0x4a: {  	_ =	shalt  }
0x4b: {  	_ =	shalt  }
0x4c: {  	_ =	shalt  }
0x4d: {  	_ =	shalt  }
0x4e: {  	_ =	shalt  }
0x4f: {  	_ =	shalt  }
0x50: {  	_ =	shalt  }
0x51: {  	_ =	shalt  }
0x52: {  	_ =	shalt  }
0x53: {  	_ =	shalt  }
0x54: {  	_ =	shalt  }
0x55: {  	_ =	shalt  }
0x56: {  	_ =	shalt  }
0x57: {  	_ =	shalt  }
0x58: {  	_ =	shalt  }
0x59: {  	_ =	shalt  }
0x5a: {  	_ =	shalt  }
0x5b: {  	_ =	shalt  }
0x5c: {  	_ =	shalt  }
0x5d: {  	_ =	shalt  }
0x5e: {  	_ =	shalt  }
0x5f: {  	_ =	shalt  }
0x60: {  	_ =	shalt  }
0x61: {  	_ =	shalt  }
0x62: {  	_ =	shalt  }
0x63: {  	_ =	shalt  }
0x64: {  	_ =	shalt  }
0x65: {  	_ =	shalt  }
0x66: {  	_ =	shalt  }
0x67: {  	_ =	shalt  }
0x68: {  	_ =	shalt  }
0x69: {  	_ =	shalt  }
0x6a: {  	_ =	shalt  }
0x6b: {  	_ =	shalt  }
0x6c: {  	_ =	shalt  }
0x6d: {  	_ =	shalt  }
0x6e: {  	_ =	shalt  }
0x6f: {  	_ =	shalt  }
0x70: {  	_ =	shalt  }
0x71: {  	_ =	shalt  }
0x72: {  	_ =	shalt  }
0x73: {  	_ =	shalt  }
0x74: {  	_ =	shalt  }
0x75: {  	_ =	shalt  }
0x76: {  	_ =	shalt  }
0x77: {  	_ =	shalt  }
0x78: {  	_ =	shalt  }
0x79: {  	_ =	shalt  }
0x7a: {  	_ =	shalt  }
0x7b: {  	_ =	shalt  }
0x7c: {  	_ =	shalt  }
0x7d: {  	_ =	shalt  }
0x7e: {  	_ =	shalt  }
0x7f: {  	_ =	shalt  }
0x80: {  	_ =	shalt  }
0x81: {  	_ =	shalt  }
0x82: {  	_ =	shalt  }
0x83: {  	_ =	shalt  }
0x84: {  	_ =	shalt  }
0x85: {  	_ =	shalt  }
0x86: {  	_ =	shalt  }
0x87: {  	_ =	shalt  }
.Lfunc_end0:
.L_simem_size_0:
called_computation.3_lowered:
.L_overlay_start_0:
0x88: {  	s2 =	sld [smem:$0x3FD9]  }
0x89: {  	s3 =	sld [smem:$0x3FFE];
	_ =	sdelay $0x1  }
0x8a: {  	s1 =	srdreg.scid  }
0x8b: {  	s0 =	sand.u32 $0x1, s1  }
0x8c: {  	s16 =	sshll.u32 s0, $0xA;
	s2 =	sadd.s32 s3, s2  }
0x8d: {  	s2 =	sadd.s32 s2, s16  }
0x8e: {  	[smem:$0x3FC7] =	sst s2  }
0x8f: {  	_ = 	snop  }
0x90: {  	(tm) =	ssettm $0x1  }
0x91: {  	s17 =	sld [smem:$0x3FFB];
	_ =	sdelay $0x3  }
0x92: {  	_ =	strace s17  }
0x93: {  	s2 =	sld [smem:$0x3FFC];
	_ =	sdelay $0x3  }
0x94: {  	_ =	strace s2  }
0x95: {  	s2 =	sld [smem:$0x3FFD];
	_ =	sdelay $0x3  }
0x96: {  	_ =	strace s2  }
0x97: {  	_ =	strace $0x8FFFFFFF  }
0x98: {  	s18 =	sld [smem:$0x3FDB];
	_ =	sdelay $0x1  }
0x99: {  	s19 =	simm.s32 $_scs_section_size  }
0x9a: {  	s4 =	simm.s32 $_size__tile_overlayer_lowered;
	s5 =	simm.s32 $_tile_overlayer_lowered  }
0x9b: {  	s22 =	simm.s32 $0x1BFF;
	s21 =	sshll.u32 s5, $0x1;
	s2 =	sadd.s32 s19, s18  }
0x9c: {  	s6 =	simm.s32 $0x0;
	s20 =	sshll.u32 s4, $0x1;
	s4 =	sadd.s32 s21, s2  }
0x9d: {  	[timem:s6], [sflag:s22] =	dma.local [hbm:s4], s20  }
0x9e: {  	_ =	swait.ge [sflag:s22], s20  }
0x9f: {  	s3 =	ssub.s32 $0x0, s20;
	[sflag:s22] =	ssyncset.done $0x0  }
0xa0: {  	[sflag:s22] =	ssyncadd.s32 s3;
	_ =	sdelay $0x1  }
0xa1: {  	s23 =	simm.s32 $0x1B8B  }
0xa2: {  	_ =	swait.ge [sflag:s23], $0x1  }
0xa3: {  	[sflag:s23] =	ssyncset.done $0x0  }
0xa4: {  	s25 =	simm.s32 $0x1B8E;
	s24 =	sld [smem:$0x3FFE];
	[sflag:s23] =	ssyncadd.s32 $0xFFFFFFFF  }
0xa5: {  	s26 =	simm.s32 $execute0_lowered;
	[smem:$0x3FD2] =	sst s25  }
0xa6: {  	s4 =	sshll.u32 s26, $0x1;
	_ =	strace $0x80000046;
	[dreg:$0x1] =	wrdreg $0xFFFFFFFF  }
0xa7: {  	s28 =	simm.s32 $_size_execute0_lowered;
	s2 =	sadd.s32 s2, s4;
	[dreg:$0x0] =	wrdreg $0x0  }
0xa8: {  	s4 =	sshll.u32 s28, $0x1;
	[dreg:$0x2] =	wrdreg s2  }
0xa9: {  	[dreg:$0x3] =	wrdreg s4  }
0xaa: {  	[dreg:$0x4] =	wrdreg $0xC0  }
0xab: {  	_ =	task [dreg:s6], $0x5FFFF  }
0xac: {  	[dreg:$0x1] =	wrdreg $0xFFFFFFFF  }
0xad: {  	[dreg:$0x0] =	wrdreg $0x60  }
0xae: {  	[dreg:$0x2] =	wrdreg s24  }
0xaf: {  	[dreg:$0x3] =	wrdreg $0xC  }
0xb0: {  	_ =	task.clear_ibuf [dreg:s6], $0x4FFFF;
	_ =	strace $0x90000046  }
0xb1: {  	s29 =	simm.s32 $0xC;
	_ =	strace $0x80000048  }
0xb2: {  	_ =	swait.ge [sflag:s29], $0x1  }
0xb3: {  	[sflag:s29] =	ssyncadd.s32 $0xFFFFFFFF  }
0xb4: {  	_ =	strace $0x90000048  }
0xb5: {  	_ =	sfence  }
0xb6: {  	s30 =	sld [smem:$0x0];
	_ =	sdelay $0x2  }
0xb7: {  	s31 =	sshll.u32 s1, $0xD;
	s1 =	sshrl.u32 s1, $0x2  }
0xb8: {  	s3 =	sand.u32 $0x4000, s31;
	s1 =	sadd.s32 s1, s30  }
0xb9: {  	s0 =	sor.u32 s3, s0;
	s1 =	sshll.u32 s1, $0x11  }
0xba: {  	s0 =	sor.u32 s1, s0  }
0xbb: {  	s0 =	sadd.s32 $0x8F2B, s0  }
0xbc: {  	[sflag:s0] =	ssyncadd.remote.s32 $0x1  }
0xbd: {  	_ =	sfence.sel $0xFFFF  }
0xbe: {  	[dreg:$0x0] =	wrdreg $0xFFFFFFFF;
	(pc) =	sbr.abs _section_cstart, $3  }
0xbf: {  	[dreg:$0x1] =	wrdreg $0xFFFFFFFF  }
0xc0: {  	_ =	task.clear_ibuf [dreg:s6], $0x2FFFF;
	_ =	strace $0x9FFFFFFF  }
0xc1: {  	(tm) =	ssettm $0x7FFFFFFF  }
tec
execute0_lowered:
.L_overlay_start_1:
0x0: {  	(tag) =	ssettag $0x1  }
0x1: {  	s0 =	srdreg.scid  }
0x2: {  	s5 =	rddreg [dreg:$0x0];
	s1 =	stileid.u32;
	s2 =	simm.s32 $0x0  }
0x3: {  	s13 =	simm.s32 $0x400;
	s14 =	simm.s32 $0x18800;
	s15 =	simm.s32 $0x1  }
0x4: {  	s16 =	simm.s32 $0x1A080;
	s17 =	simm.s32 $0x1C100;
	s4 =	sand.u32 $0x1, s0  }
0x5: {  	s18 =	simm.s32 $0x1B900;
	s19 =	simm.s32 $0x2;
	s3 =	sshll.u32 s4, $0x4  }
0x6: {  	s20 =	simm.s32 $0x0;
	s0 =	rddreg [dreg:$0x1];
	s3 =	sor.u32 s1, s3  }
0x7: {  	[smem:$0x7FF] =	sst s2;
	s7 =	sshll.u32 s1, $0x7;
	s3 =	sshrl.u32 s3, $0x3  }
0x8: {  	_ =	strace $0x80000047;
	s8 =	ssub.s32 $0x2, s4;
	s6 =	smul.u32 $0xC4000, s3  }
0x9: {  	s7 =	sand.u32 $0x380, s7;
	s4 =	sadd.s32 $0xC8A00, s5;
	s9 =	sshrl.u32 s8, $0x1  }
0xa: {  	s11 =	ssub.s32 s8, s9;
	s3 =	sadd.s32 $0x4A00, s5;
	s10 =	sor.u32 s7, s6  }
0xb: {  	s5 =	sadd.s32 $0x66A00, s5;
	s11 =	smax.u32 s11, $0x1;
	s12 =	sshrl.u32 s10, $0x3  }
0xc: {  	s7 =	sadd.s32 $0xC400, s10;
	s8 =	sadd.s32 $0x18800, s10;
	s6 =	sadd.s32 s3, s12  }
0xd: {  	v0 =	vimm.s32 $0x0;
	s9 =	sadd.s32 s5, s12;
	s10 =	sadd.s32 s4, s12;
	s12 =	simm.s32 $0x80  }
.LBB2_1:
0xe: {  	s21 =	simm.s32 $0x40;
	s22 =	simm.s32 $0x0  }
.LBB2_2:
0xf: {  	p0 =	sne.s32 s21, $0x1FC0;
	[tilespmem:s22+$0x1C100] =	vst v0;
	s22 =	smov.u32 s21;
	s21 =	sadd.s32 $0x40, s21  }
.Ltmp0:
0x10: {  	(pc) =	sbr.rel @p0 .LBB2_2-.Ltmp0, $2  }
0x11: {  	_ =	sdelay $0x2  }
0x12: {  	s22 =	sshra.s32 s22, $0x2  }
0x13: {  	[tilespmem:s22+$0x1C100] =	vst v0;
	s21 =	simm.s32 $0x0  }
0x14: {  	[tilespmem:s14], [sflag:$0x1] =	stream.strided.gather [hbm4b:s6+s12], $0x1880, s13, s12, $0x38;
	[tilespmem:$0x1C900] =	vst v63  }
.LBB2_4:
0x15: {  	s22 =	smul.u32 $0x18800, s21;
	_ =	sdelay $0x1  }
0x16: {  	_ =	swait.ge [sflag:s15], $0x1880;
	s23 =	sadd.s32 s22, s7  }
0x17: {  	[sflag:s15] =	ssyncset.done $0x0;
	s23 =	sshrl.u32 s23, $0x3  }
0x18: {  	[sflag:s15] =	ssyncadd.s32 $0xFFFFE780;
	s23 =	sadd.s32 s3, s23  }
0x19: {  	[tilespmem:s16], [sflag:$0x1] =	stream.strided.gather [hbm4b:s23+s12], $0x1880, s13, s12, $0x38;
	[tilespmem:$0x1C900] =	vst v63  }
0x1a: {  	s24 =	simm.s32 $0x0;
	s23 =	simm.s32 $0x40  }
.LBB2_5:
0x1b: {  	p0 =	sne.s32 s23, $0x61C0;
	v1 =	vld [tilespmem:s24+$0x18800];
	_ =	sdelay $0x4  }
0x1c: {  	v1 =	vand.u32 $0x7FF, v1  }
0x1d: {  	(xrf1) =	vunique.msk.u32 $0xffff, v1;
	_ =	sdelay $0xd  }
0x1e: {  	_, v2, vm0 =	vpop (xrf1);
	_ =	sdelay $0x1  }
.Ltmp1:
0x1f: {  	(pc) =	sbr.rel @p0 .LBB2_5-.Ltmp1, $2  }
0x20: {  	_ =	sdelay $0x2  }
0x21: {  	s24 =	sshra.s32 s23, $0x2;
	s23 =	sadd.s32 $0x40, s23;
	[tilespmem:v1+s17+$0x0] =	vst.idx.add.s32.msk vm0, v2  }
0x22: {  	v1 =	vld [tilespmem:s24+$0x18800];
	_ =	sdelay $0x4  }
0x23: {  	v1 =	vand.u32 $0x7FF, v1  }
0x24: {  	(xrf1) =	vunique.msk.u32 $0xffff, v1;
	_ =	sdelay $0xd  }
0x25: {  	_, v2, vm0 =	vpop (xrf1);
	_ =	sdelay $0x5  }
0x26: {  	p0 =	seq.s32 s21, $0x7;
	[tilespmem:v1+s17+$0x0] =	vst.idx.add.s32.msk vm0, v2  }
0x27: {  	s22 =	sadd.s32 @!p0 s22, s8;
	s23 =	simm.s32 @!p0 $0x80;
	_ =	swait.ge [sflag:s15], $0x1880  }
0x28: {  	s24 =	simm.s32 @!p0 $0x400;
	s22 =	sshrl.u32 @!p0 s22, $0x3;
	[sflag:s15] =	ssyncset.done $0x0  }
0x29: {  	s25 =	simm.s32 @!p0 $0x18800;
	s22 =	sadd.s32 @!p0 s3, s22;
	[sflag:s15] =	ssyncadd.s32 $0xFFFFE780  }
0x2a: {  	[tilespmem:s25], [sflag:$0x1] =	stream.strided.gather @!p0 [hbm4b:s22+s23], $0x1880, s24, s23, $0x38;
	[tilespmem:$0x1C900] =	vst v63  }
0x2b: {  	s23 =	simm.s32 $0x0;
	s22 =	simm.s32 $0x40  }
.LBB2_7:
0x2c: {  	p0 =	sne.s32 s22, $0x61C0;
	v1 =	vld [tilespmem:s23+$0x1A080];
	_ =	sdelay $0x4  }
0x2d: {  	v1 =	vand.u32 $0x7FF, v1  }
0x2e: {  	(xrf1) =	vunique.msk.u32 $0xffff, v1;
	_ =	sdelay $0xd  }
0x2f: {  	_, v2, vm0 =	vpop (xrf1);
	_ =	sdelay $0x1  }
.Ltmp2:
0x30: {  	(pc) =	sbr.rel @p0 .LBB2_7-.Ltmp2, $2  }
0x31: {  	_ =	sdelay $0x2  }
0x32: {  	s23 =	sshra.s32 s22, $0x2;
	s22 =	sadd.s32 $0x40, s22;
	[tilespmem:v1+s17+$0x0] =	vst.idx.add.s32.msk vm0, v2  }
0x33: {  	v1 =	vld [tilespmem:s23+$0x1A080];
	_ =	sdelay $0x4  }
0x34: {  	v1 =	vand.u32 $0x7FF, v1  }
0x35: {  	(xrf1) =	vunique.msk.u32 $0xffff, v1;
	_ =	sdelay $0xd  }
0x36: {  	s21 =	sadd.s32 $0x1, s21;
	_, v2, vm0 =	vpop (xrf1)  }
0x37: {  	p0 =	sne.s32 s21, $0x8  }
.Ltmp3:
0x38: {  	_ = 	snop;
	(pc) =	sbr.rel @p0 .LBB2_4-.Ltmp3, $2  }
0x39: {  	_ =	sdelay $0x2  }
0x3a: {  	[tilespmem:v1+s17+$0x0] =	vst.idx.add.s32.msk vm0, v2  }
0x3b: {  	s22 =	simm.s32 $0x0  }
0x3c: {  	v3 =	vld [tilespmem:s22+$0x1C100];
	_ =	sdelay $0x4  }
0x3d: {  	s23 =	simm.s32 $0x10;
	(xrf0) =	vadd.scan.msk.s32 $0xffff, v3  }
0x3e: {  	v2 =	vld [tilespmem:s23+$0x1C100];
	_ =	sdelay $0x1  }
0x3f: {  	v1 =	vimm.s32 $0x0  }
0x40: {  	s21 =	simm.s32 $0x40;
	s24 =	simm.s32 $0x80;
	v3 =	vsub.s32 v1, v3  }
.LBB2_10:
0x41: {  	p0 =	sne.s32 s24, $0x1FC0  }
.Ltmp4:
0x42: {  	s25 =	sshra.s32 s24, $0x2;
	s24 =	sadd.s32 $0x40, s24;
	(xrf0) =	vadd.scan.msk.s32 $0xffff, v2;
	v4, _, _ =	vpop (xrf0);
	v5 =	vmov v2;
	(pc) =	sbr.rel @p0 .LBB2_10-.Ltmp4, $4  }
0x43: {  	v2 =	vld [tilespmem:s25+$0x1C100];
	v3 =	vadd.s32 v4, v3;
	v4 =	vbroadcast v4, $0xF  }
0x44: {  	[tilespmem:s22+$0x1B900] =	vst v3;
	s22 =	smov.u32 s23;
	s23 =	smov.u32 s25  }
0x45: {  	v1 =	vadd.s32 v1, v4  }
0x46: {  	v3 =	vsub.s32 v1, v5  }
0x47: {  	_ = 	snop  }
0x48: {  	(xrf0) =	vadd.scan.msk.s32 $0xffff, v2;
	_ =	sdelay $0x1  }
0x49: {  	v4, _, _ =	vpop (xrf0)  }
0x4a: {  	v5 =	vbroadcast v4, $0xF;
	_ =	sdelay $0x1  }
0x4b: {  	v1 =	vadd.s32 v1, v5  }
0x4c: {  	v3 =	vadd.s32 v4, v3;
	v1 =	vsub.s32 v1, v2;
	v2, _, _ =	vpop (xrf0)  }
0x4d: {  	[tilespmem:s22+$0x1B900] =	vst v3;
	v1 =	vadd.s32 v2, v1  }
0x4e: {  	s22 =	simm.s32 $0x0;
	[tilespmem:s23+$0x1B900] =	vst v1  }
.LBB2_12:
0x4f: {  	p0 =	sne.s32 s21, $0x1FC0;
	[tilespmem:s22+$0x1C100] =	vst v0;
	s22 =	smov.u32 s21;
	s21 =	sadd.s32 $0x40, s21  }
.Ltmp5:
0x50: {  	(pc) =	sbr.rel @p0 .LBB2_12-.Ltmp5, $2  }
0x51: {  	_ =	sdelay $0x2  }
0x52: {  	s22 =	sshra.s32 s22, $0x2  }
0x53: {  	[tilespmem:s22+$0x1C100] =	vst v0;
	s21 =	simm.s32 $0x0  }
0x54: {  	[tilespmem:s14], [sflag:$0x1] =	stream.strided.gather [hbm4b:s6+s12], $0x1880, s13, s12, $0x38;
	[tilespmem:$0x1C900] =	vst v63  }
.LBB2_14:
0x55: {  	s22 =	smul.u32 $0x18800, s21;
	_ =	sdelay $0x1  }
0x56: {  	_ =	swait.ge [sflag:s15], $0x1880;
	s23 =	sadd.s32 s22, s7  }
0x57: {  	[sflag:s15] =	ssyncset.done $0x0;
	s23 =	sshrl.u32 s23, $0x3  }
0x58: {  	s31 =	simm.s32 $0x0;
	[sflag:s15] =	ssyncadd.s32 $0xFFFFE780;
	s23 =	sadd.s32 s3, s23  }
0x59: {  	[tilespmem:s16], [sflag:$0x1] =	stream.strided.gather [hbm4b:s23+s12], $0x1880, s13, s12, $0x38;
	[tilespmem:$0x1C900] =	vst v63  }
0x5a: {  	v1 =	vld [tilespmem:s31+$0x18800]  }
0x5b: {  	s23 =	simm.s32 $0x40  }
.LBB2_15:
0x5c: {  	p0 =	sne.s32 s23, $0x61C0;
	_ =	sdelay $0x2  }
0x5d: {  	v2 =	vand.u32 $0x7FF, v1  }
0x5e: {  	(xrf1) =	vunique.msk.u32 $0xffff, v2  }
0x5f: {  	v3 =	vshrl.u32 v1, $0xB  }
0x60: {  	v3 =	vand.u32 $0x7FF, v3  }
0x61: {  	(xrf1) =	vunique.msk.u32 $0xffff, v3;
	_ =	sdelay $0x5  }
0x62: {  	v4 =	vld.idx.msk [tilespmem:v2+s18+$0x0], $0xffff;
	_ =	sdelay $0x4  }
0x63: {  	_, v5, vm0 =	vpop (xrf1)  }
0x64: {  	v4 =	vadd.s32 v5, v4  }
0x65: {  	v4 =	vadd.s32 $0xFFFFFFFF, v4  }
0x66: {  	_, v6, vm1 =	vpop (xrf1);
	_ =	sdelay $0x3  }
.Ltmp6:
0x67: {  	[tilespmem:v4+s2+$0x0] =	vst.idx.msk $0xffff, v1;
	(pc) =	sbr.rel @p0 .LBB2_15-.Ltmp6, $4  }
0x68: {  	[tilespmem:v2+s18+$0x0] =	vst.idx.add.s32.msk vm0, v5  }
0x69: {  	s24 =	sshra.s32 s23, $0x2;
	[tilespmem:v3+s17+$0x0] =	vst.idx.add.s32.msk vm1, v6  }
0x6a: {  	v1 =	vld [tilespmem:s24+$0x18800]  }
0x6b: {  	s23 =	sadd.s32 $0x40, s23  }
0x6c: {  	_ =	sdelay $0x2  }
0x6d: {  	v2 =	vand.u32 $0x7FF, v1  }
0x6e: {  	(xrf1) =	vunique.msk.u32 $0xffff, v2  }
0x6f: {  	v3 =	vshrl.u32 v1, $0xB  }
0x70: {  	v3 =	vand.u32 $0x7FF, v3  }
0x71: {  	(xrf1) =	vunique.msk.u32 $0xffff, v3;
	_ =	sdelay $0x6  }
0x72: {  	v4 =	vld.idx.msk [tilespmem:v2+s18+$0x0], $0xffff;
	_ =	sdelay $0x3  }
0x73: {  	_, v5, vm0 =	vpop (xrf1)  }
0x74: {  	v4 =	vadd.s32 v5, v4  }
0x75: {  	v4 =	vadd.s32 $0xFFFFFFFF, v4  }
0x76: {  	_, v6, vm1 =	vpop (xrf1);
	_ =	sdelay $0x3  }
0x77: {  	[tilespmem:v4+s2+$0x0] =	vst.idx.msk $0xffff, v1  }
0x78: {  	[tilespmem:v2+s18+$0x0] =	vst.idx.add.s32.msk vm0, v5  }
0x79: {  	p0 =	seq.s32 s21, $0x7;
	s31 =	simm.s32 $0x0;
	[tilespmem:v3+s17+$0x0] =	vst.idx.add.s32.msk vm1, v6  }
0x7a: {  	s22 =	sadd.s32 @!p0 s22, s8;
	s23 =	simm.s32 @!p0 $0x80;
	_ =	swait.ge [sflag:s15], $0x1880  }
0x7b: {  	s24 =	simm.s32 @!p0 $0x400;
	s22 =	sshrl.u32 @!p0 s22, $0x3;
	[sflag:s15] =	ssyncset.done $0x0  }
0x7c: {  	s25 =	simm.s32 @!p0 $0x18800;
	s22 =	sadd.s32 @!p0 s3, s22;
	[sflag:s15] =	ssyncadd.s32 $0xFFFFE780  }
0x7d: {  	[tilespmem:s25], [sflag:$0x1] =	stream.strided.gather @!p0 [hbm4b:s22+s23], $0x1880, s24, s23, $0x38;
	[tilespmem:$0x1C900] =	vst v63  }
0x7e: {  	v1 =	vld [tilespmem:s31+$0x1A080]  }
0x7f: {  	s22 =	simm.s32 $0x40  }
.LBB2_17:
0x80: {  	p0 =	sne.s32 s22, $0x61C0;
	_ =	sdelay $0x2  }
0x81: {  	v2 =	vand.u32 $0x7FF, v1  }
0x82: {  	(xrf1) =	vunique.msk.u32 $0xffff, v2  }
0x83: {  	v3 =	vshrl.u32 v1, $0xB  }
0x84: {  	v3 =	vand.u32 $0x7FF, v3  }
0x85: {  	(xrf1) =	vunique.msk.u32 $0xffff, v3;
	_ =	sdelay $0x5  }
0x86: {  	v4 =	vld.idx.msk [tilespmem:v2+s18+$0x0], $0xffff;
	_ =	sdelay $0x4  }
0x87: {  	_, v5, vm0 =	vpop (xrf1)  }
0x88: {  	v4 =	vadd.s32 v5, v4  }
0x89: {  	v4 =	vadd.s32 $0xFFFFFFFF, v4  }
0x8a: {  	_, v6, vm1 =	vpop (xrf1);
	_ =	sdelay $0x3  }
.Ltmp7:
0x8b: {  	[tilespmem:v4+s2+$0x0] =	vst.idx.msk $0xffff, v1;
	(pc) =	sbr.rel @p0 .LBB2_17-.Ltmp7, $4  }
0x8c: {  	[tilespmem:v2+s18+$0x0] =	vst.idx.add.s32.msk vm0, v5  }
0x8d: {  	s23 =	sshra.s32 s22, $0x2;
	[tilespmem:v3+s17+$0x0] =	vst.idx.add.s32.msk vm1, v6  }
0x8e: {  	v1 =	vld [tilespmem:s23+$0x1A080]  }
0x8f: {  	s22 =	sadd.s32 $0x40, s22  }
0x90: {  	_ =	sdelay $0x2  }
0x91: {  	v2 =	vand.u32 $0x7FF, v1  }
0x92: {  	(xrf1) =	vunique.msk.u32 $0xffff, v2  }
0x93: {  	v3 =	vshrl.u32 v1, $0xB  }
0x94: {  	v3 =	vand.u32 $0x7FF, v3  }
0x95: {  	(xrf1) =	vunique.msk.u32 $0xffff, v3;
	_ =	sdelay $0x6  }
0x96: {  	v4 =	vld.idx.msk [tilespmem:v2+s18+$0x0], $0xffff;
	_ =	sdelay $0x3  }
0x97: {  	_, v5, vm0 =	vpop (xrf1)  }
0x98: {  	v4 =	vadd.s32 v5, v4  }
0x99: {  	v4 =	vadd.s32 $0xFFFFFFFF, v4  }
0x9a: {  	s21 =	sadd.s32 $0x1, s21;
	_, v6, vm1 =	vpop (xrf1)  }
0x9b: {  	p0 =	sne.s32 s21, $0x8  }
.Ltmp8:
0x9c: {  	_ = 	snop;
	(pc) =	sbr.rel @p0 .LBB2_14-.Ltmp8, $4  }
0x9d: {  	_ = 	snop  }
0x9e: {  	[tilespmem:v4+s2+$0x0] =	vst.idx.msk $0xffff, v1  }
0x9f: {  	[tilespmem:v2+s18+$0x0] =	vst.idx.add.s32.msk vm0, v5  }
0xa0: {  	[tilespmem:v3+s17+$0x0] =	vst.idx.add.s32.msk vm1, v6  }
0xa1: {  	s21 =	simm.s32 $0x0  }
0xa2: {  	[hbm4b:s9+s12] =	stream.strided.scatter [tilespmem:s21], [sflag:$0x2], $0x18800, s13, s12, $0x38;
	[tilespmem:$0x1C900] =	vst v63  }
0xa3: {  	_ =	swait.ge [sflag:s19], $0x18800  }
0xa4: {  	[sflag:s19] =	ssyncset.done $0x0  }
0xa5: {  	s22 =	simm.s32 $0x0;
	[sflag:s19] =	ssyncadd.s32 $0xFFFE7800  }
0xa6: {  	v3 =	vld [tilespmem:s22+$0x1C100];
	_ =	sdelay $0x4  }
0xa7: {  	s23 =	simm.s32 $0x10;
	(xrf0) =	vadd.scan.msk.s32 $0xffff, v3  }
0xa8: {  	v2 =	vld [tilespmem:s23+$0x1C100];
	_ =	sdelay $0x1  }
0xa9: {  	v1 =	vimm.s32 $0x0  }
0xaa: {  	s24 =	simm.s32 $0x80;
	s21 =	simm.s32 $0x40;
	v3 =	vsub.s32 v1, v3  }
.LBB2_20:
0xab: {  	p0 =	sne.s32 s24, $0x1FC0  }
.Ltmp9:
0xac: {  	s25 =	sshra.s32 s24, $0x2;
	s24 =	sadd.s32 $0x40, s24;
	(xrf0) =	vadd.scan.msk.s32 $0xffff, v2;
	v4, _, _ =	vpop (xrf0);
	v5 =	vmov v2;
	(pc) =	sbr.rel @p0 .LBB2_20-.Ltmp9, $4  }
0xad: {  	v2 =	vld [tilespmem:s25+$0x1C100];
	v3 =	vadd.s32 v4, v3;
	v4 =	vbroadcast v4, $0xF  }
0xae: {  	[tilespmem:s22+$0x1B900] =	vst v3;
	s22 =	smov.u32 s23;
	s23 =	smov.u32 s25  }
0xaf: {  	v1 =	vadd.s32 v1, v4  }
0xb0: {  	v3 =	vsub.s32 v1, v5  }
0xb1: {  	_ = 	snop  }
0xb2: {  	(xrf0) =	vadd.scan.msk.s32 $0xffff, v2;
	_ =	sdelay $0x1  }
0xb3: {  	v4, _, _ =	vpop (xrf0)  }
0xb4: {  	v5 =	vbroadcast v4, $0xF;
	_ =	sdelay $0x1  }
0xb5: {  	v1 =	vadd.s32 v1, v5  }
0xb6: {  	v3 =	vadd.s32 v4, v3;
	v1 =	vsub.s32 v1, v2;
	v2, _, _ =	vpop (xrf0)  }
0xb7: {  	[tilespmem:s22+$0x1B900] =	vst v3;
	v1 =	vadd.s32 v2, v1  }
0xb8: {  	s22 =	simm.s32 $0x0;
	[tilespmem:s23+$0x1B900] =	vst v1  }
.LBB2_22:
0xb9: {  	p0 =	sne.s32 s21, $0x1FC0;
	[tilespmem:s22+$0x1C100] =	vst v0;
	s22 =	smov.u32 s21;
	s21 =	sadd.s32 $0x40, s21  }
.Ltmp10:
0xba: {  	(pc) =	sbr.rel @p0 .LBB2_22-.Ltmp10, $2  }
0xbb: {  	_ =	sdelay $0x2  }
0xbc: {  	s22 =	sshra.s32 s22, $0x2  }
0xbd: {  	[tilespmem:s22+$0x1C100] =	vst v0;
	s21 =	simm.s32 $0x0  }
0xbe: {  	[tilespmem:s14], [sflag:$0x1] =	stream.strided.gather [hbm4b:s9+s12], $0x1880, s13, s12, $0x38;
	[tilespmem:$0x1C900] =	vst v63  }
.LBB2_24:
0xbf: {  	s22 =	smul.u32 $0x18800, s21;
	_ =	sdelay $0x1  }
0xc0: {  	_ =	swait.ge [sflag:s15], $0x1880;
	s23 =	sadd.s32 s22, s7  }
0xc1: {  	[sflag:s15] =	ssyncset.done $0x0;
	s23 =	sshrl.u32 s23, $0x3  }
0xc2: {  	s31 =	simm.s32 $0x0;
	[sflag:s15] =	ssyncadd.s32 $0xFFFFE780;
	s23 =	sadd.s32 s5, s23  }
0xc3: {  	[tilespmem:s16], [sflag:$0x1] =	stream.strided.gather [hbm4b:s23+s12], $0x1880, s13, s12, $0x38;
	[tilespmem:$0x1C900] =	vst v63  }
0xc4: {  	v1 =	vld [tilespmem:s31+$0x18800]  }
0xc5: {  	s23 =	simm.s32 $0x40  }
.LBB2_25:
0xc6: {  	p0 =	sne.s32 s23, $0x61C0;
	_ =	sdelay $0x2  }
0xc7: {  	v2 =	vshrl.u32 v1, $0xB  }
0xc8: {  	v2 =	vand.u32 $0x7FF, v2  }
0xc9: {  	(xrf1) =	vunique.msk.u32 $0xffff, v2  }
0xca: {  	v3 =	vshra.s32 v1, $0x16  }
0xcb: {  	v3 =	vand.u32 $0x7FF, v3  }
0xcc: {  	(xrf1) =	vunique.msk.u32 $0xffff, v3;
	_ =	sdelay $0x5  }
0xcd: {  	v4 =	vld.idx.msk [tilespmem:v2+s18+$0x0], $0xffff;
	_ =	sdelay $0x4  }
0xce: {  	_, v5, vm0 =	vpop (xrf1)  }
0xcf: {  	v4 =	vadd.s32 v5, v4  }
0xd0: {  	v4 =	vadd.s32 $0xFFFFFFFF, v4  }
0xd1: {  	_, v6, vm1 =	vpop (xrf1);
	_ =	sdelay $0x3  }
.Ltmp11:
0xd2: {  	[tilespmem:v4+s2+$0x0] =	vst.idx.msk $0xffff, v1;
	(pc) =	sbr.rel @p0 .LBB2_25-.Ltmp11, $4  }
0xd3: {  	[tilespmem:v2+s18+$0x0] =	vst.idx.add.s32.msk vm0, v5  }
0xd4: {  	s24 =	sshra.s32 s23, $0x2;
	[tilespmem:v3+s17+$0x0] =	vst.idx.add.s32.msk vm1, v6  }
0xd5: {  	v1 =	vld [tilespmem:s24+$0x18800]  }
0xd6: {  	s23 =	sadd.s32 $0x40, s23  }
0xd7: {  	_ =	sdelay $0x2  }
0xd8: {  	v2 =	vshrl.u32 v1, $0xB  }
0xd9: {  	v2 =	vand.u32 $0x7FF, v2  }
0xda: {  	(xrf1) =	vunique.msk.u32 $0xffff, v2  }
0xdb: {  	v3 =	vshra.s32 v1, $0x16  }
0xdc: {  	v3 =	vand.u32 $0x7FF, v3  }
0xdd: {  	(xrf1) =	vunique.msk.u32 $0xffff, v3;
	_ =	sdelay $0x6  }
0xde: {  	v4 =	vld.idx.msk [tilespmem:v2+s18+$0x0], $0xffff;
	_ =	sdelay $0x3  }
0xdf: {  	_, v5, vm0 =	vpop (xrf1)  }
0xe0: {  	v4 =	vadd.s32 v5, v4  }
0xe1: {  	v4 =	vadd.s32 $0xFFFFFFFF, v4  }
0xe2: {  	_, v6, vm1 =	vpop (xrf1);
	_ =	sdelay $0x3  }
0xe3: {  	[tilespmem:v4+s2+$0x0] =	vst.idx.msk $0xffff, v1  }
0xe4: {  	[tilespmem:v2+s18+$0x0] =	vst.idx.add.s32.msk vm0, v5  }
0xe5: {  	p0 =	seq.s32 s21, $0x7;
	s31 =	simm.s32 $0x0;
	[tilespmem:v3+s17+$0x0] =	vst.idx.add.s32.msk vm1, v6  }
0xe6: {  	s22 =	sadd.s32 @!p0 s22, s8;
	s23 =	simm.s32 @!p0 $0x80;
	_ =	swait.ge [sflag:s15], $0x1880  }
0xe7: {  	s24 =	simm.s32 @!p0 $0x400;
	s22 =	sshrl.u32 @!p0 s22, $0x3;
	[sflag:s15] =	ssyncset.done $0x0  }
0xe8: {  	s25 =	simm.s32 @!p0 $0x18800;
	s22 =	sadd.s32 @!p0 s5, s22;
	[sflag:s15] =	ssyncadd.s32 $0xFFFFE780  }
0xe9: {  	[tilespmem:s25], [sflag:$0x1] =	stream.strided.gather @!p0 [hbm4b:s22+s23], $0x1880, s24, s23, $0x38;
	[tilespmem:$0x1C900] =	vst v63  }
0xea: {  	v1 =	vld [tilespmem:s31+$0x1A080]  }
0xeb: {  	s22 =	simm.s32 $0x40  }
.LBB2_27:
0xec: {  	p0 =	sne.s32 s22, $0x61C0;
	_ =	sdelay $0x2  }
0xed: {  	v2 =	vshrl.u32 v1, $0xB  }
0xee: {  	v2 =	vand.u32 $0x7FF, v2  }
0xef: {  	(xrf1) =	vunique.msk.u32 $0xffff, v2  }
0xf0: {  	v3 =	vshra.s32 v1, $0x16  }
0xf1: {  	v3 =	vand.u32 $0x7FF, v3  }
0xf2: {  	(xrf1) =	vunique.msk.u32 $0xffff, v3;
	_ =	sdelay $0x5  }
0xf3: {  	v4 =	vld.idx.msk [tilespmem:v2+s18+$0x0], $0xffff;
	_ =	sdelay $0x4  }
0xf4: {  	_, v5, vm0 =	vpop (xrf1)  }
0xf5: {  	v4 =	vadd.s32 v5, v4  }
0xf6: {  	v4 =	vadd.s32 $0xFFFFFFFF, v4  }
0xf7: {  	_, v6, vm1 =	vpop (xrf1);
	_ =	sdelay $0x3  }
.Ltmp12:
0xf8: {  	[tilespmem:v4+s2+$0x0] =	vst.idx.msk $0xffff, v1;
	(pc) =	sbr.rel @p0 .LBB2_27-.Ltmp12, $4  }
0xf9: {  	[tilespmem:v2+s18+$0x0] =	vst.idx.add.s32.msk vm0, v5  }
0xfa: {  	s23 =	sshra.s32 s22, $0x2;
	[tilespmem:v3+s17+$0x0] =	vst.idx.add.s32.msk vm1, v6  }
0xfb: {  	v1 =	vld [tilespmem:s23+$0x1A080]  }
0xfc: {  	s22 =	sadd.s32 $0x40, s22  }
0xfd: {  	_ =	sdelay $0x2  }
0xfe: {  	v2 =	vshrl.u32 v1, $0xB  }
0xff: {  	v2 =	vand.u32 $0x7FF, v2  }
0x100: {  	(xrf1) =	vunique.msk.u32 $0xffff, v2  }
0x101: {  	v3 =	vshra.s32 v1, $0x16  }
0x102: {  	v3 =	vand.u32 $0x7FF, v3  }
0x103: {  	(xrf1) =	vunique.msk.u32 $0xffff, v3;
	_ =	sdelay $0x6  }
0x104: {  	v4 =	vld.idx.msk [tilespmem:v2+s18+$0x0], $0xffff;
	_ =	sdelay $0x3  }
0x105: {  	_, v5, vm0 =	vpop (xrf1)  }
0x106: {  	v4 =	vadd.s32 v5, v4  }
0x107: {  	v4 =	vadd.s32 $0xFFFFFFFF, v4  }
0x108: {  	s21 =	sadd.s32 $0x1, s21;
	_, v6, vm1 =	vpop (xrf1)  }
0x109: {  	p0 =	sne.s32 s21, $0x8  }
.Ltmp13:
0x10a: {  	_ = 	snop;
	(pc) =	sbr.rel @p0 .LBB2_24-.Ltmp13, $4  }
0x10b: {  	_ = 	snop  }
0x10c: {  	[tilespmem:v4+s2+$0x0] =	vst.idx.msk $0xffff, v1  }
0x10d: {  	[tilespmem:v2+s18+$0x0] =	vst.idx.add.s32.msk vm0, v5  }
0x10e: {  	[tilespmem:v3+s17+$0x0] =	vst.idx.add.s32.msk vm1, v6  }
0x10f: {  	s21 =	simm.s32 $0x0  }
0x110: {  	[hbm4b:s10+s12] =	stream.strided.scatter [tilespmem:s21], [sflag:$0x2], $0x18800, s13, s12, $0x38;
	[tilespmem:$0x1C900] =	vst v63  }
0x111: {  	_ =	swait.ge [sflag:s19], $0x18800  }
0x112: {  	[sflag:s19] =	ssyncset.done $0x0  }
0x113: {  	s22 =	simm.s32 $0x0;
	[sflag:s19] =	ssyncadd.s32 $0xFFFE7800  }
0x114: {  	v3 =	vld [tilespmem:s22+$0x1C100];
	_ =	sdelay $0x4  }
0x115: {  	s23 =	simm.s32 $0x10;
	(xrf0) =	vadd.scan.msk.s32 $0xffff, v3  }
0x116: {  	v2 =	vld [tilespmem:s23+$0x1C100];
	_ =	sdelay $0x1  }
0x117: {  	v1 =	vimm.s32 $0x0  }
0x118: {  	s24 =	simm.s32 $0x80;
	s21 =	simm.s32 $0x40;
	v3 =	vsub.s32 v1, v3  }
.LBB2_30:
0x119: {  	p0 =	sne.s32 s24, $0x1FC0  }
.Ltmp14:
0x11a: {  	s25 =	sshra.s32 s24, $0x2;
	s24 =	sadd.s32 $0x40, s24;
	(xrf0) =	vadd.scan.msk.s32 $0xffff, v2;
	v4, _, _ =	vpop (xrf0);
	v5 =	vmov v2;
	(pc) =	sbr.rel @p0 .LBB2_30-.Ltmp14, $4  }
0x11b: {  	v2 =	vld [tilespmem:s25+$0x1C100];
	v3 =	vadd.s32 v4, v3;
	v4 =	vbroadcast v4, $0xF  }
0x11c: {  	[tilespmem:s22+$0x1B900] =	vst v3;
	s22 =	smov.u32 s23;
	s23 =	smov.u32 s25  }
0x11d: {  	v1 =	vadd.s32 v1, v4  }
0x11e: {  	v3 =	vsub.s32 v1, v5  }
0x11f: {  	_ = 	snop  }
0x120: {  	(xrf0) =	vadd.scan.msk.s32 $0xffff, v2;
	_ =	sdelay $0x1  }
0x121: {  	v4, _, _ =	vpop (xrf0)  }
0x122: {  	v5 =	vbroadcast v4, $0xF;
	_ =	sdelay $0x1  }
0x123: {  	v1 =	vadd.s32 v1, v5  }
0x124: {  	v3 =	vadd.s32 v4, v3;
	v1 =	vsub.s32 v1, v2;
	v2, _, _ =	vpop (xrf0)  }
0x125: {  	[tilespmem:s22+$0x1B900] =	vst v3;
	v1 =	vadd.s32 v2, v1  }
0x126: {  	s22 =	simm.s32 $0x0;
	[tilespmem:s23+$0x1B900] =	vst v1  }
.LBB2_32:
0x127: {  	p0 =	sne.s32 s21, $0x1FC0;
	[tilespmem:s22+$0x1C100] =	vst v0;
	s22 =	smov.u32 s21;
	s21 =	sadd.s32 $0x40, s21  }
.Ltmp15:
0x128: {  	(pc) =	sbr.rel @p0 .LBB2_32-.Ltmp15, $2  }
0x129: {  	_ =	sdelay $0x2  }
0x12a: {  	s22 =	sshra.s32 s22, $0x2  }
0x12b: {  	[tilespmem:s22+$0x1C100] =	vst v0;
	s21 =	simm.s32 $0x0  }
0x12c: {  	[tilespmem:s14], [sflag:$0x1] =	stream.strided.gather [hbm4b:s10+s12], $0x1880, s13, s12, $0x38;
	[tilespmem:$0x1C900] =	vst v63  }
.LBB2_34:
0x12d: {  	s22 =	smul.u32 $0x18800, s21;
	_ =	sdelay $0x1  }
0x12e: {  	_ =	swait.ge [sflag:s15], $0x1880;
	s23 =	sadd.s32 s22, s7  }
0x12f: {  	[sflag:s15] =	ssyncset.done $0x0;
	s23 =	sshrl.u32 s23, $0x3  }
0x130: {  	s31 =	simm.s32 $0x0;
	[sflag:s15] =	ssyncadd.s32 $0xFFFFE780;
	s23 =	sadd.s32 s4, s23  }
0x131: {  	[tilespmem:s16], [sflag:$0x1] =	stream.strided.gather [hbm4b:s23+s12], $0x1880, s13, s12, $0x38;
	[tilespmem:$0x1C900] =	vst v63  }
0x132: {  	s23 =	simm.s32 $0x40;
	v1 =	vld [tilespmem:s31+$0x18800]  }
.LBB2_35:
0x133: {  	p0 =	sne.s32 s23, $0x61C0;
	_ =	sdelay $0x3  }
0x134: {  	v2 =	vshra.s32 v1, $0x16  }
0x135: {  	v2 =	vand.u32 $0x7FF, v2  }
0x136: {  	(xrf1) =	vunique.msk.u32 $0xffff, v2;
	_ =	sdelay $0x8  }
0x137: {  	v3 =	vld.idx.msk [tilespmem:v2+s18+$0x0], $0xffff;
	_ =	sdelay $0x4  }
0x138: {  	_, v4, vm0 =	vpop (xrf1)  }
0x139: {  	v3 =	vadd.s32 v4, v3  }
0x13a: {  	v3 =	vadd.s32 $0xFFFFFFFF, v3;
	_ =	sdelay $0x2  }
.Ltmp16:
0x13b: {  	(pc) =	sbr.rel @p0 .LBB2_35-.Ltmp16, $4  }
0x13c: {  	_ = 	snop  }
0x13d: {  	[tilespmem:v3+s2+$0x0] =	vst.idx.msk $0xffff, v1  }
0x13e: {  	s24 =	sshra.s32 s23, $0x2;
	[tilespmem:v2+s18+$0x0] =	vst.idx.add.s32.msk vm0, v4  }
0x13f: {  	s23 =	sadd.s32 $0x40, s23;
	v1 =	vld [tilespmem:s24+$0x18800]  }
0x140: {  	_ =	sdelay $0x3  }
0x141: {  	v2 =	vshra.s32 v1, $0x16  }
0x142: {  	v2 =	vand.u32 $0x7FF, v2  }
0x143: {  	(xrf1) =	vunique.msk.u32 $0xffff, v2;
	_ =	sdelay $0x9  }
0x144: {  	v3 =	vld.idx.msk [tilespmem:v2+s18+$0x0], $0xffff;
	_ =	sdelay $0x3  }
0x145: {  	_, v4, vm0 =	vpop (xrf1)  }
0x146: {  	v3 =	vadd.s32 v4, v3  }
0x147: {  	v3 =	vadd.s32 $0xFFFFFFFF, v3;
	_ =	sdelay $0x4  }
0x148: {  	[tilespmem:v3+s2+$0x0] =	vst.idx.msk $0xffff, v1  }
0x149: {  	p0 =	seq.s32 s21, $0x7;
	s31 =	simm.s32 $0x0;
	[tilespmem:v2+s18+$0x0] =	vst.idx.add.s32.msk vm0, v4  }
0x14a: {  	s22 =	sadd.s32 @!p0 s22, s8;
	s23 =	simm.s32 @!p0 $0x80;
	_ =	swait.ge [sflag:s15], $0x1880  }
0x14b: {  	s24 =	simm.s32 @!p0 $0x400;
	s22 =	sshrl.u32 @!p0 s22, $0x3;
	[sflag:s15] =	ssyncset.done $0x0  }
0x14c: {  	s25 =	simm.s32 @!p0 $0x18800;
	s22 =	sadd.s32 @!p0 s4, s22;
	[sflag:s15] =	ssyncadd.s32 $0xFFFFE780  }
0x14d: {  	[tilespmem:s25], [sflag:$0x1] =	stream.strided.gather @!p0 [hbm4b:s22+s23], $0x1880, s24, s23, $0x38;
	[tilespmem:$0x1C900] =	vst v63  }
0x14e: {  	s22 =	simm.s32 $0x40;
	v1 =	vld [tilespmem:s31+$0x1A080]  }
.LBB2_37:
0x14f: {  	p0 =	sne.s32 s22, $0x61C0;
	_ =	sdelay $0x3  }
0x150: {  	v2 =	vshra.s32 v1, $0x16  }
0x151: {  	v2 =	vand.u32 $0x7FF, v2  }
0x152: {  	(xrf1) =	vunique.msk.u32 $0xffff, v2;
	_ =	sdelay $0x8  }
0x153: {  	v3 =	vld.idx.msk [tilespmem:v2+s18+$0x0], $0xffff;
	_ =	sdelay $0x4  }
0x154: {  	_, v4, vm0 =	vpop (xrf1)  }
0x155: {  	v3 =	vadd.s32 v4, v3  }
0x156: {  	v3 =	vadd.s32 $0xFFFFFFFF, v3;
	_ =	sdelay $0x2  }
.Ltmp17:
0x157: {  	(pc) =	sbr.rel @p0 .LBB2_37-.Ltmp17, $4  }
0x158: {  	_ = 	snop  }
0x159: {  	[tilespmem:v3+s2+$0x0] =	vst.idx.msk $0xffff, v1  }
0x15a: {  	s23 =	sshra.s32 s22, $0x2;
	[tilespmem:v2+s18+$0x0] =	vst.idx.add.s32.msk vm0, v4  }
0x15b: {  	s22 =	sadd.s32 $0x40, s22;
	v1 =	vld [tilespmem:s23+$0x1A080]  }
0x15c: {  	_ =	sdelay $0x3  }
0x15d: {  	v2 =	vshra.s32 v1, $0x16  }
0x15e: {  	v2 =	vand.u32 $0x7FF, v2  }
0x15f: {  	(xrf1) =	vunique.msk.u32 $0xffff, v2;
	_ =	sdelay $0x9  }
0x160: {  	v3 =	vld.idx.msk [tilespmem:v2+s18+$0x0], $0xffff;
	_ =	sdelay $0x3  }
0x161: {  	_, v4, vm0 =	vpop (xrf1)  }
0x162: {  	v3 =	vadd.s32 v4, v3  }
0x163: {  	s21 =	sadd.s32 $0x1, s21;
	v3 =	vadd.s32 $0xFFFFFFFF, v3  }
0x164: {  	p0 =	sne.s32 s21, $0x8  }
.Ltmp18:
0x165: {  	_ = 	snop;
	(pc) =	sbr.rel @p0 .LBB2_34-.Ltmp18, $3  }
0x166: {  	_ =	sdelay $0x1  }
0x167: {  	[tilespmem:v3+s2+$0x0] =	vst.idx.msk $0xffff, v1  }
0x168: {  	[tilespmem:v2+s18+$0x0] =	vst.idx.add.s32.msk vm0, v4  }
0x169: {  	s20 =	sadd.s32 $0x1, s20  }
0x16a: {  	p0 =	sne.s32 s20, s11  }
.Ltmp19:
0x16b: {  	_ = 	snop;
	(pc) =	sbr.rel @p0 .LBB2_1-.Ltmp19, $4  }
0x16c: {  	[hbm4b:s10+s12] =	stream.strided.scatter [tilespmem:s2], [sflag:$0x2], $0x18800, s13, s12, $0x38;
	[tilespmem:$0x1C900] =	vst v63  }
0x16d: {  	_ =	swait.ge [sflag:s19], $0x18800  }
0x16e: {  	[sflag:s19] =	ssyncset.done $0x0  }
0x16f: {  	[sflag:s19] =	ssyncadd.s32 $0xFFFE7800  }
0x170: {  	_ =	sfence.sel $0x180000  }
0x171: {  	[bflag:$0x0] =	sbarrier.arrive $0xFFFF  }
0x172: {  	p0 =	sne.s32 s1, $0x0;
	_ =	strace $0x90000047  }
0x173: {  	s0 =	sadd.s32 @!p0 $0x100000, s0;
	[bflag:$0x2] =	sbarrier.arrive $0xFFFF  }
0x174: {  	[sflag:s0] =	ssyncadd.tile.s32 @!p0 $0x1;
	_ =	shalt  }
.Lfunc_end2:
_tile_overlayer_lowered:
.L_overlay_start_2:
0x175: {  	(tag) =	ssettag $0x2  }
0x176: {  	s0 =	rddreg [dreg:$0x0];
	s2 =	stileid.u32  }
0x177: {  	s1 =	rddreg [dreg:$0x1];
	p0 =	sne.s32 s2, $0x0  }
0x178: {  	s3 =	rddreg [dreg:$0x2];
	[bflag:$0x3] =	sbarrier.arrive $0xFFFF;
	s2 =	simm.s32 @!p0 $0x1C02  }
0x179: {  	[timem:s3], [sflag:s2] =	dma.local @!p0 [hbm:s0], s1  }
0x17a: {  	s0 =	simm.s32 @!p0 $0x2  }
0x17b: {  	_ =	swait.ge @!p0 [sflag:s0], s1  }
0x17c: {  	s1 =	ssub.s32 @!p0 $0x0, s1;
	[sflag:s0] =	ssyncset.done @!p0 $0x0  }
0x17d: {  	[sflag:s0] =	ssyncadd.s32 @!p0 s1  }
0x17e: {  	[bflag:$0x3] =	sbarrier.arrive $0xFFFF  }
0x17f: {  	_ =	shalt  }

</sc_bundles>
